<compile_context>
chip_gen: v7x
topology: tpu7x:2x2x1
jax: 0.10.2.dev20260603
libtpu: 0.0.44.dev20260713+nightly
codegen_flags: <defaults>
</compile_context>

<pallas_src>
import functools

import jax
import jax.numpy as jnp
from jax import lax
from jax.experimental import pallas as pl
from jax.experimental.pallas import tpu as pltpu
from jax.experimental.pallas import tpu_sc as plsc

C = 128
K = 15
H = 32
G = 8
CPG = 16
SIGMA = 0.6
NC = 2
NS = 16
NW = NC * NS
CHUNK = 4
NSLOT = 2



def _mlp_body(f_ref, w1_ref, b1_ref, w2_ref, o_ref):
    x = jnp.dot(f_ref[...], w1_ref[...], preferred_element_type=jnp.float32)
    x = x + b1_ref[...]
    x = jnp.where(x > 0, x, 0.1 * x)
    y = jnp.dot(x, w2_ref[...], preferred_element_type=jnp.float32)
    o_ref[...] = 1.0 / (1.0 + jnp.exp(-y))


def _run_mlp(s_feats, W1, b1, W2):
    m = s_feats.shape[0]
    bm = next(b for b in (1024, 512, 256, 128, 8) if m % b == 0)
    grid = (m // bm,)
    return pl.pallas_call(
        _mlp_body,
        grid=grid,
        in_specs=[
            pl.BlockSpec((bm, C), lambda i: (i, 0)),
            pl.BlockSpec((C, C), lambda i: (0, 0)),
            pl.BlockSpec((1, C), lambda i: (0, 0)),
            pl.BlockSpec((C, K * CPG), lambda i: (0, 0)),
        ],
        out_specs=pl.BlockSpec((bm, K * CPG), lambda i: (i, 0)),
        out_shape=jax.ShapeDtypeStruct((m, K * CPG), jnp.float32),
    )(s_feats, W1, b1.reshape(1, C), W2)



def _sqrt_approx(x):
    ix = plsc.bitcast(x, jnp.int32)
    y = plsc.bitcast(lax.shift_right_logical(ix, 1) + 0x1FBD1DF6, jnp.float32)
    y = 0.5 * (y + x / y)
    y = 0.5 * (y + x / y)
    y = 0.5 * (y + x / y)
    return y


def _make_sc_kernel(n_pts, m_pad):
    rows_per_tile = m_pad // NW
    n_chunks = rows_per_tile // CHUNK
    n_outer = n_chunks // NSLOT
    modw = CHUNK * K * CPG
    mesh = plsc.VectorSubcoreMesh(core_axis_name="c", subcore_axis_name="s")

    @functools.partial(
        pl.kernel,
        mesh=mesh,
        out_type=jax.ShapeDtypeStruct((m_pad * C,), jnp.float32),
        compiler_params=pltpu.CompilerParams(needs_layout_passes=False),
        scratch_types=[
            pltpu.VMEM((n_pts,), jnp.float32),
            pltpu.VMEM((n_pts,), jnp.float32),
            pltpu.VMEM((n_pts,), jnp.float32),
            pltpu.VMEM_SHARED((n_pts,), jnp.float32),
            pltpu.VMEM_SHARED((n_pts,), jnp.float32),
            pltpu.VMEM_SHARED((n_pts,), jnp.float32),
            pltpu.VMEM((48,), jnp.float32),
            pltpu.VMEM((K * C,), jnp.float32),
            pltpu.VMEM((rows_per_tile * 4,), jnp.float32),
            pltpu.VMEM((rows_per_tile * H,), jnp.int32),
            pltpu.VMEM((2 * CHUNK * H, C), jnp.float32),
            pltpu.VMEM((modw,), jnp.float32),
            pltpu.VMEM((2 * CHUNK * C,), jnp.float32),
            pltpu.VMEM((CHUNK * H,), jnp.int32),
            pltpu.VMEM((CHUNK * H,), jnp.float32),
            pltpu.SemaphoreType.DMA,
            pltpu.SemaphoreType.DMA,
            pltpu.SemaphoreType.DMA,
        ],
    )
    def sc_kernel(feats_hbm, inds_hbm, q_hbm, mod_hbm, xs_hbm, ys_hbm,
                  zs_hbm, kp_hbm, wp_hbm, out_hbm,
                  xs_v, ys_v, zs_v, sh_x, sh_y, sh_z, kp_v, wp_v, q_all,
                  idx_all, rows_v, mod_r, out_v, bk_scr, w_scr,
                  gsem, msem, osem):
        sid = lax.axis_index("s")
        wid = sid * NC + lax.axis_index("c")
        base = wid * rows_per_tile

        @pl.when(sid == 0)
        def _stage():
            pltpu.sync_copy(xs_hbm, sh_x)
            pltpu.sync_copy(ys_hbm, sh_y)
            pltpu.sync_copy(zs_hbm, sh_z)
        plsc.subcore_barrier()
        pltpu.sync_copy(sh_x, xs_v)
        pltpu.sync_copy(sh_y, ys_v)
        pltpu.sync_copy(sh_z, zs_v)
        pltpu.sync_copy(kp_hbm, kp_v)
        pltpu.sync_copy(wp_hbm, wp_v)
        pltpu.sync_copy(q_hbm.at[pl.ds(base * 4, rows_per_tile * 4)], q_all)
        pltpu.sync_copy(inds_hbm.at[pl.ds(base * H, rows_per_tile * H)],
                        idx_all)

        kpxv = kp_v[pl.ds(0, 16)]
        kpyv = kp_v[pl.ds(16, 16)]
        kpzv = kp_v[pl.ds(32, 16)]
        kpx = [kpxv[k] for k in range(K)]
        kpy = [kpyv[k] for k in range(K)]
        kpz = [kpzv[k] for k in range(K)]

        lane = lax.iota(jnp.int32, 16)

        def geom_row(ci, r):
            ib = ci * CHUNK * H + r * H
            iv0 = idx_all[pl.ds(ib, 16)]
            iv1 = idx_all[pl.ds(ib + 16, 16)]
            qb = ci * CHUNK * 4 + r * 4
            qx = plsc.load_gather(q_all, [jnp.full((16,), qb, jnp.int32)])
            qy = plsc.load_gather(q_all, [jnp.full((16,), qb + 1, jnp.int32)])
            qz = plsc.load_gather(q_all, [jnp.full((16,), qb + 2, jnp.int32)])
            nx0 = plsc.load_gather(xs_v, [iv0]) - qx
            ny0 = plsc.load_gather(ys_v, [iv0]) - qy
            nz0 = plsc.load_gather(zs_v, [iv0]) - qz
            nx1 = plsc.load_gather(xs_v, [iv1]) - qx
            ny1 = plsc.load_gather(ys_v, [iv1]) - qy
            nz1 = plsc.load_gather(zs_v, [iv1]) - qz
            bd0 = jnp.full((16,), 1e30, jnp.float32)
            bd1 = jnp.full((16,), 1e30, jnp.float32)
            bk0 = jnp.zeros((16,), jnp.int32)
            bk1 = jnp.zeros((16,), jnp.int32)
            for k in range(K):
                dx0 = nx0 - kpx[k]
                dy0 = ny0 - kpy[k]
                dz0 = nz0 - kpz[k]
                d0 = dx0 * dx0 + dy0 * dy0 + dz0 * dz0
                m0 = d0 < bd0
                bd0 = jnp.where(m0, d0, bd0)
                bk0 = jnp.where(m0, k, bk0)
                dx1 = nx1 - kpx[k]
                dy1 = ny1 - kpy[k]
                dz1 = nz1 - kpz[k]
                d1 = dx1 * dx1 + dy1 * dy1 + dz1 * dz1
                m1 = d1 < bd1
                bd1 = jnp.where(m1, d1, bd1)
                bk1 = jnp.where(m1, k, bk1)
            w0 = jnp.maximum(1.0 - _sqrt_approx(bd0) * (1.0 / SIGMA), 0.0)
            w1 = jnp.maximum(1.0 - _sqrt_approx(bd1) * (1.0 / SIGMA), 0.0)
            plsc.store_scatter(bk_scr, [lane + r * H], bk0)
            plsc.store_scatter(bk_scr, [lane + (r * H + 16)], bk1)
            plsc.store_scatter(w_scr, [lane + r * H], w0)
            plsc.store_scatter(w_scr, [lane + (r * H + 16)], w1)

        lanes_i = [lane + i * 16 for i in range(G)]
        slanes_i = [lane * G + i for i in range(G)]

        def aggr_row(r, obase, rbase):
            bk0 = bk_scr[pl.ds(r * H, 16)]
            bk1 = bk_scr[pl.ds(r * H + 16, 16)]
            w0 = w_scr[pl.ds(r * H, 16)]
            w1 = w_scr[pl.ds(r * H + 16, 16)]
            acc = [jnp.zeros((16,), jnp.float32) for _ in range(G)]
            for h in range(H):
                if h < 16:
                    kh, wh = bk0[h], w0[h]
                else:
                    kh, wh = bk1[h - 16], w1[h - 16]
                mvec = mod_r[pl.ds(r * K * CPG + kh * CPG, CPG)]
                wm = wh * mvec
                wbase = kh * C
                rrow = rbase + r * H + h
                for i in range(G):
                    fvec = rows_v[rrow, pl.ds(i * 16, 16)]
                    acc[i] = acc[i] \
                        + fvec * (wp_v[pl.ds(wbase + i * 16, 16)] * wm)
            for i in range(G):
                plsc.store_scatter(out_v, [slanes_i[i] + (obase + r * C)],
                                   acc[i])

        def gather_descr(ci):
            return pltpu.make_async_copy(
                feats_hbm.at[idx_all.at[pl.ds(ci * CHUNK * H, CHUNK * H)]],
                rows_v.at[pl.ds(pl.multiple_of((ci % 2) * CHUNK * H,
                                               CHUNK * H), CHUNK * H), :],
                gsem)

        gather_descr(0).start()

        def chunk_body(ci, _):
            @pl.when(ci + 1 < n_chunks)
            def _prefetch():
                gather_descr(ci + 1).start()
            mhandle = pltpu.async_copy(
                mod_hbm.at[pl.ds((base + ci * CHUNK) * K * CPG, modw)],
                mod_r, msem)

            def geom_body(r, _):
                geom_row(ci, r)
                return _
            lax.fori_loop(0, CHUNK, geom_body, None)

            @pl.when(ci >= 2)
            def _drain_o():
                pltpu.make_async_copy(
                    out_v.at[pl.ds(0, CHUNK * C)],
                    out_hbm.at[pl.ds(0, CHUNK * C)], osem).wait()

            mhandle.wait()
            gather_descr(ci).wait()

            obase = (ci % 2) * CHUNK * C
            rbase = (ci % 2) * CHUNK * H

            def aggr_body(r, _):
                aggr_row(r, obase, rbase)
                return _
            lax.fori_loop(0, CHUNK, aggr_body, None)

            pltpu.async_copy(
                out_v.at[pl.ds(obase, CHUNK * C)],
                out_hbm.at[pl.ds((base + ci * CHUNK) * C, CHUNK * C)], osem)
            return _

        lax.fori_loop(0, n_chunks, chunk_body, None)

        pltpu.make_async_copy(out_v.at[pl.ds(0, CHUNK * C)],
                              out_hbm.at[pl.ds(0, CHUNK * C)], osem).wait()
        pltpu.make_async_copy(out_v.at[pl.ds(0, CHUNK * C)],
                              out_hbm.at[pl.ds(0, CHUNK * C)], osem).wait()

    return sc_kernel


def kernel(q_pts, s_pts, s_feats, neighb_inds, kernel_points, weights,
           W1, b1, W2):
    m, n = q_pts.shape[0], s_pts.shape[0]
    m_pad = ((m + NW * CHUNK - 1) // (NW * CHUNK)) * (NW * CHUNK)

    pad = m_pad - m
    s_feats_pad = jnp.pad(s_feats, ((0, pad), (0, 0)))
    mod = _run_mlp(s_feats_pad, W1, b1, W2)

    feats_p = s_feats.reshape(n, CPG, G).transpose(0, 2, 1).reshape(n, C)
    wp = weights.reshape(K, CPG, G).transpose(0, 2, 1).reshape(K * C)

    xs, ys, zs = s_pts[:, 0], s_pts[:, 1], s_pts[:, 2]
    kp = jnp.zeros((48,), jnp.float32)
    kp = kp.at[0:K].set(kernel_points[:, 0])
    kp = kp.at[16:16 + K].set(kernel_points[:, 1])
    kp = kp.at[32:32 + K].set(kernel_points[:, 2])

    inds_f = jnp.pad(neighb_inds.astype(jnp.int32), ((0, pad), (0, 0))
                     ).reshape(m_pad * H)
    q_f = jnp.pad(q_pts, ((0, pad), (0, 1))).reshape(m_pad * 4)
    mod_f = mod.reshape(m_pad * K * CPG)

    sc = _make_sc_kernel(n, m_pad)
    out_p = sc(feats_p, inds_f, q_f, mod_f, xs, ys, zs, kp, wp)

    return out_p.reshape(m_pad, C)[:m]

# --- scband reference (transcript-rebuilt; emitter-appended) ---
"""Pipeline reference for scband-kpnext-block-16157666968110 (READ-ONLY COPY).

The authoritative reference and input builder live on the scoring server;
editing this copy changes nothing except your own understanding.
"""

import jax, jax.numpy as jnp
import numpy as np

CHANNELS = 128
K = 15
RADIUS = 1.0
SIGMA = 0.6
GROUPS = 8
CH_PER_GRP = CHANNELS // GROUPS
INF = 1000000.0
M = 10000
N = 10000
H = 32


def setup_inputs(seed: int = 0):
    key = jax.random.key(seed)
    ks = jax.random.split(key, 9)
    q_pts = jax.random.normal(ks[0], (M, 3), dtype=jnp.float32)
    s_pts = jax.random.normal(ks[1], (N, 3), dtype=jnp.float32)
    s_feats = jax.random.normal(ks[2], (N, CHANNELS), dtype=jnp.float32)
    neighb_inds = jax.random.randint(ks[3], (M, H), 0, N)
    kp = jax.random.normal(ks[4], (K, 3), dtype=jnp.float32)
    kp = kp / (jnp.linalg.norm(kp, axis=1, keepdims=True) + 1e-9)
    rr = jax.random.uniform(ks[5], (K, 1), minval=0.3, maxval=1.0)
    kernel_points = kp * rr * RADIUS
    kernel_points = kernel_points.at[0].set(0.0)
    b = 1.0 / np.sqrt(CHANNELS)
    weights = jax.random.uniform(ks[6], (K, CHANNELS), minval=-b, maxval=b, dtype=jnp.float32)
    W1 = jax.random.uniform(ks[7], (CHANNELS, CHANNELS), minval=-b, maxval=b, dtype=jnp.float32)
    b1 = jnp.zeros((CHANNELS,), dtype=jnp.float32)
    W2 = jax.random.uniform(ks[8], (CHANNELS, K * CH_PER_GRP), minval=-b, maxval=b, dtype=jnp.float32)
    return {"q_pts": q_pts, "s_pts": s_pts, "s_feats": s_feats, "neighb_inds": neighb_inds,
            "kernel_points": kernel_points, "weights": weights, "W1": W1, "b1": b1, "W2": W2}


def _forward(q_pts, s_pts, s_feats, neighb_inds, kernel_points, weights, W1, b1, W2):
    Mq = q_pts.shape[0]
    C = s_feats.shape[1]
    # pad support feats with a zero row for out-of-range/shadow neighbors
    padded_s_feats = jnp.concatenate([s_feats, jnp.zeros((1, C), s_feats.dtype)], axis=0)
    neighbor_feats = jnp.take(padded_s_feats, neighb_inds, axis=0)  # [M, H, C]
    # q_pts.shape[0] == s_pts.shape[0] -> pooled_feats = s_feats
    pooled_feats = s_feats
    # alpha_mlp: Linear(C,C) + LeakyReLU(0.1) + Linear(C, K*ch_per_grp, bias=False)
    h = jax.nn.leaky_relu(pooled_feats @ W1 + b1, negative_slope=0.1)
    modulations = h @ W2
    modulations = jax.nn.sigmoid(modulations)  # attention_act = sigmoid
    modulations = modulations.reshape(Mq, K, CH_PER_GRP, 1)
    conv_weights = weights.reshape(1, K, CH_PER_GRP, GROUPS) * modulations
    conv_weights = conv_weights.reshape(Mq, K, C)
    # geometric influence (torch.no_grad in original)
    s_pts_pad = jnp.concatenate([s_pts, jnp.zeros((1, 3), s_pts.dtype) + INF], axis=0)
    neighbors = jnp.take(s_pts_pad, neighb_inds, axis=0) - q_pts[:, None, :]  # [M, H, 3]
    differences = neighbors[:, :, None, :] - kernel_points[None, None, :, :]  # [M, H, K, 3]
    sq_distances = jnp.sum(differences ** 2, axis=3)  # [M, H, K]
    nn_sq_dists = jnp.min(sq_distances, axis=2)  # [M, H]
    neighbors_1nn = jnp.argmin(sq_distances, axis=2)  # [M, H]
    influence_weights = jnp.clip(1.0 - jnp.sqrt(nn_sq_dists) / SIGMA, 0.0, None)
    influence_weights = jax.lax.stop_gradient(influence_weights)
    neighbors_1nn = jax.lax.stop_gradient(neighbors_1nn)
    # gather kernel weights per neighbor by nearest kernel point
    neighbors_weights = jnp.take_along_axis(conv_weights, neighbors_1nn[:, :, None], axis=1)  # [M, H, C]
    neighbors_weights = neighbors_weights * influence_weights[:, :, None]
    merged = neighbor_feats * neighbors_weights  # merge_op = mul
    output_feats = jnp.sum(merged, axis=1)  # aggr_op = sum
    return output_feats


def reference(q_pts, s_pts, s_feats, neighb_inds, kernel_points, weights, W1, b1, W2):
    return _forward(q_pts, s_pts, s_feats, neighb_inds, kernel_points, weights, W1, b1, W2)

if __name__ == "__main__":
    import jax
    _d = setup_inputs()
    print(jax.jit(kernel)(*tuple(_d.values())))

</pallas_src>

<mosaic_0001>
#map = affine_map<(d0, d1) -> (0, 0)>
#map1 = affine_map<(d0, d1) -> (0)>
module attributes {stable_mosaic.version = 14 : i64} {
  func.func @sc_kernel(%arg0: i32, %arg1: i32, %arg2: memref<10000x128xf32, #tpu.memory_space<hbm>>, %arg3: memref<323584xi32, #tpu.memory_space<hbm>>, %arg4: memref<40448xf32, #tpu.memory_space<hbm>>, %arg5: memref<2426880xf32, #tpu.memory_space<hbm>>, %arg6: memref<10000xf32, #tpu.memory_space<hbm>>, %arg7: memref<10000xf32, #tpu.memory_space<hbm>>, %arg8: memref<10000xf32, #tpu.memory_space<hbm>>, %arg9: memref<48xf32, #tpu.memory_space<hbm>>, %arg10: memref<1920xf32, #tpu.memory_space<hbm>>, %arg11: memref<1294336xf32, #tpu.memory_space<hbm>>, %arg12: memref<10000xf32, #tpu.memory_space<vmem>>, %arg13: memref<10000xf32, #tpu.memory_space<vmem>>, %arg14: memref<10000xf32, #tpu.memory_space<vmem>>, %arg15: memref<10000xf32, #tpu.memory_space<vmem_shared>>, %arg16: memref<10000xf32, #tpu.memory_space<vmem_shared>>, %arg17: memref<10000xf32, #tpu.memory_space<vmem_shared>>, %arg18: memref<48xf32, #tpu.memory_space<vmem>>, %arg19: memref<1920xf32, #tpu.memory_space<vmem>>, %arg20: memref<1264xf32, #tpu.memory_space<vmem>>, %arg21: memref<10112xi32, #tpu.memory_space<vmem>>, %arg22: memref<256x128xf32, #tpu.memory_space<vmem>>, %arg23: memref<960xf32, #tpu.memory_space<vmem>>, %arg24: memref<1024xf32, #tpu.memory_space<vmem>>, %arg25: memref<128xi32, #tpu.memory_space<vmem>>, %arg26: memref<128xf32, #tpu.memory_space<vmem>>, %arg27: memref<!tpu.dma_semaphore, #tpu.memory_space<semaphore_mem>>, %arg28: memref<!tpu.dma_semaphore, #tpu.memory_space<semaphore_mem>>, %arg29: memref<!tpu.dma_semaphore, #tpu.memory_space<semaphore_mem>>) attributes {dimension_semantics = [#tpu.dimension_semantics<core_parallel>, #tpu.dimension_semantics<subcore_parallel>], iteration_bounds = array<i64: 2, 16>, scalar_prefetch = 0 : i64, scratch_operands = 18 : i64, tpu.core_type = #tpu.core_type<sc_vector_subcore>, window_params = [{transform_indices = #map}, {transform_indices = #map1}, {transform_indices = #map1}, {transform_indices = #map1}, {transform_indices = #map1}, {transform_indices = #map1}, {transform_indices = #map1}, {transform_indices = #map1}, {transform_indices = #map1}, {transform_indices = #map1}]} {
    %mul3A = arith.constant 2 : i32
    %mul3A_0 = arith.muli %arg1, %mul3A : i32
    %add3A = arith.addi %mul3A_0, %arg0 : i32
    %mul3A_1 = arith.constant 316 : i32
    %mul3A_2 = arith.muli %add3A, %mul3A_1 : i32
    %eq3A = arith.constant 0 : i32
    %eq3A_3 = arith.cmpi eq, %arg1, %eq3A : i32
    %convert_element_type3A = arith.extui %eq3A_3 : i1 to i32
    %cond3A = arith.constant 0 : i32
    %cond3A_4 = arith.cmpi ne, %convert_element_type3A, %cond3A : i32
    scf.if %cond3A_4 {
      "tpu.region"() ({
        %run_scoped3A = tpu.sem_alloc : memref<!tpu.dma_semaphore, #tpu.memory_space<semaphore_mem>>
        tpu.enqueue_dma source(%arg6 : memref<10000xf32, #tpu.memory_space<hbm>>) target(%arg15 : memref<10000xf32, #tpu.memory_space<vmem_shared>>) target_semaphore(%run_scoped3A : memref<!tpu.dma_semaphore, #tpu.memory_space<semaphore_mem>>)
        tpu.wait_dma2 semaphore(%run_scoped3A : memref<!tpu.dma_semaphore, #tpu.memory_space<semaphore_mem>>) src(%arg6 : memref<10000xf32, #tpu.memory_space<hbm>>) dst(%arg15 : memref<10000xf32, #tpu.memory_space<vmem_shared>>)
        tpu.yield
      }) : () -> ()
      "tpu.region"() ({
        %run_scoped3A = tpu.sem_alloc : memref<!tpu.dma_semaphore, #tpu.memory_space<semaphore_mem>>
        tpu.enqueue_dma source(%arg7 : memref<10000xf32, #tpu.memory_space<hbm>>) target(%arg16 : memref<10000xf32, #tpu.memory_space<vmem_shared>>) target_semaphore(%run_scoped3A : memref<!tpu.dma_semaphore, #tpu.memory_space<semaphore_mem>>)
        tpu.wait_dma2 semaphore(%run_scoped3A : memref<!tpu.dma_semaphore, #tpu.memory_space<semaphore_mem>>) src(%arg7 : memref<10000xf32, #tpu.memory_space<hbm>>) dst(%arg16 : memref<10000xf32, #tpu.memory_space<vmem_shared>>)
        tpu.yield
      }) : () -> ()
      "tpu.region"() ({
        %run_scoped3A = tpu.sem_alloc : memref<!tpu.dma_semaphore, #tpu.memory_space<semaphore_mem>>
        tpu.enqueue_dma source(%arg8 : memref<10000xf32, #tpu.memory_space<hbm>>) target(%arg17 : memref<10000xf32, #tpu.memory_space<vmem_shared>>) target_semaphore(%run_scoped3A : memref<!tpu.dma_semaphore, #tpu.memory_space<semaphore_mem>>)
        tpu.wait_dma2 semaphore(%run_scoped3A : memref<!tpu.dma_semaphore, #tpu.memory_space<semaphore_mem>>) src(%arg8 : memref<10000xf32, #tpu.memory_space<hbm>>) dst(%arg17 : memref<10000xf32, #tpu.memory_space<vmem_shared>>)
        tpu.yield
      }) : () -> ()
    } else {
    }
    %barrier3A = arith.constant 0 : index
    tpu.barrier barrier_id(%barrier3A)
    "tpu.region"() ({
      %run_scoped3A = tpu.sem_alloc : memref<!tpu.dma_semaphore, #tpu.memory_space<semaphore_mem>>
      tpu.enqueue_dma source(%arg15 : memref<10000xf32, #tpu.memory_space<vmem_shared>>) target(%arg12 : memref<10000xf32, #tpu.memory_space<vmem>>) target_semaphore(%run_scoped3A : memref<!tpu.dma_semaphore, #tpu.memory_space<semaphore_mem>>)
      tpu.wait_dma2 semaphore(%run_scoped3A : memref<!tpu.dma_semaphore, #tpu.memory_space<semaphore_mem>>) src(%arg15 : memref<10000xf32, #tpu.memory_space<vmem_shared>>) dst(%arg12 : memref<10000xf32, #tpu.memory_space<vmem>>)
      tpu.yield
    }) : () -> ()
    "tpu.region"() ({
      %run_scoped3A = tpu.sem_alloc : memref<!tpu.dma_semaphore, #tpu.memory_space<semaphore_mem>>
      tpu.enqueue_dma source(%arg16 : memref<10000xf32, #tpu.memory_space<vmem_shared>>) target(%arg13 : memref<10000xf32, #tpu.memory_space<vmem>>) target_semaphore(%run_scoped3A : memref<!tpu.dma_semaphore, #tpu.memory_space<semaphore_mem>>)
      tpu.wait_dma2 semaphore(%run_scoped3A : memref<!tpu.dma_semaphore, #tpu.memory_space<semaphore_mem>>) src(%arg16 : memref<10000xf32, #tpu.memory_space<vmem_shared>>) dst(%arg13 : memref<10000xf32, #tpu.memory_space<vmem>>)
      tpu.yield
    }) : () -> ()
    "tpu.region"() ({
      %run_scoped3A = tpu.sem_alloc : memref<!tpu.dma_semaphore, #tpu.memory_space<semaphore_mem>>
      tpu.enqueue_dma source(%arg17 : memref<10000xf32, #tpu.memory_space<vmem_shared>>) target(%arg14 : memref<10000xf32, #tpu.memory_space<vmem>>) target_semaphore(%run_scoped3A : memref<!tpu.dma_semaphore, #tpu.memory_space<semaphore_mem>>)
      tpu.wait_dma2 semaphore(%run_scoped3A : memref<!tpu.dma_semaphore, #tpu.memory_space<semaphore_mem>>) src(%arg17 : memref<10000xf32, #tpu.memory_space<vmem_shared>>) dst(%arg14 : memref<10000xf32, #tpu.memory_space<vmem>>)
      tpu.yield
    }) : () -> ()
    "tpu.region"() ({
      %run_scoped3A = tpu.sem_alloc : memref<!tpu.dma_semaphore, #tpu.memory_space<semaphore_mem>>
      tpu.enqueue_dma source(%arg9 : memref<48xf32, #tpu.memory_space<hbm>>) target(%arg18 : memref<48xf32, #tpu.memory_space<vmem>>) target_semaphore(%run_scoped3A : memref<!tpu.dma_semaphore, #tpu.memory_space<semaphore_mem>>)
      tpu.wait_dma2 semaphore(%run_scoped3A : memref<!tpu.dma_semaphore, #tpu.memory_space<semaphore_mem>>) src(%arg9 : memref<48xf32, #tpu.memory_space<hbm>>) dst(%arg18 : memref<48xf32, #tpu.memory_space<vmem>>)
      tpu.yield
    }) : () -> ()
    "tpu.region"() ({
      %run_scoped3A = tpu.sem_alloc : memref<!tpu.dma_semaphore, #tpu.memory_space<semaphore_mem>>
      tpu.enqueue_dma source(%arg10 : memref<1920xf32, #tpu.memory_space<hbm>>) target(%arg19 : memref<1920xf32, #tpu.memory_space<vmem>>) target_semaphore(%run_scoped3A : memref<!tpu.dma_semaphore, #tpu.memory_space<semaphore_mem>>)
      tpu.wait_dma2 semaphore(%run_scoped3A : memref<!tpu.dma_semaphore, #tpu.memory_space<semaphore_mem>>) src(%arg10 : memref<1920xf32, #tpu.memory_space<hbm>>) dst(%arg19 : memref<1920xf32, #tpu.memory_space<vmem>>)
      tpu.yield
    }) : () -> ()
    %mul3A_5 = arith.constant 4 : i32
    %mul3A_6 = arith.muli %mul3A_2, %mul3A_5 : i32
    "tpu.region"() ({
      %run_scoped3A = tpu.sem_alloc : memref<!tpu.dma_semaphore, #tpu.memory_space<semaphore_mem>>
      %dma_start3A_200 = tpu.memref_slice %arg4[%mul3A_6] : memref<40448xf32, #tpu.memory_space<hbm>> -> memref<1264xf32, #tpu.memory_space<hbm>>
      %dma_start3A_201 = tpu.memref_slice %arg4[%mul3A_6] : memref<40448xf32, #tpu.memory_space<hbm>> -> memref<1264xf32, #tpu.memory_space<hbm>>
      tpu.enqueue_dma source(%dma_start3A_201 : memref<1264xf32, #tpu.memory_space<hbm>>) target(%arg20 : memref<1264xf32, #tpu.memory_space<vmem>>) target_semaphore(%run_scoped3A : memref<!tpu.dma_semaphore, #tpu.memory_space<semaphore_mem>>)
      %dma_wait3A_202 = tpu.memref_slice %arg4[%mul3A_6] : memref<40448xf32, #tpu.memory_space<hbm>> -> memref<1264xf32, #tpu.memory_space<hbm>>
      %dma_wait3A_203 = tpu.memref_slice %arg4[%mul3A_6] : memref<40448xf32, #tpu.memory_space<hbm>> -> memref<1264xf32, #tpu.memory_space<hbm>>
      tpu.wait_dma2 semaphore(%run_scoped3A : memref<!tpu.dma_semaphore, #tpu.memory_space<semaphore_mem>>) src(%dma_wait3A_203 : memref<1264xf32, #tpu.memory_space<hbm>>) dst(%arg20 : memref<1264xf32, #tpu.memory_space<vmem>>)
      tpu.yield
    }) : () -> ()
    %mul3A_7 = arith.constant 32 : i32
    %mul3A_8 = arith.muli %mul3A_2, %mul3A_7 : i32
    "tpu.region"() ({
      %run_scoped3A = tpu.sem_alloc : memref<!tpu.dma_semaphore, #tpu.memory_space<semaphore_mem>>
      %dma_start3A_200 = tpu.memref_slice %arg3[%mul3A_8] : memref<323584xi32, #tpu.memory_space<hbm>> -> memref<10112xi32, #tpu.memory_space<hbm>>
      %dma_start3A_201 = tpu.memref_slice %arg3[%mul3A_8] : memref<323584xi32, #tpu.memory_space<hbm>> -> memref<10112xi32, #tpu.memory_space<hbm>>
      tpu.enqueue_dma source(%dma_start3A_201 : memref<10112xi32, #tpu.memory_space<hbm>>) target(%arg21 : memref<10112xi32, #tpu.memory_space<vmem>>) target_semaphore(%run_scoped3A : memref<!tpu.dma_semaphore, #tpu.memory_space<semaphore_mem>>)
      %dma_wait3A_202 = tpu.memref_slice %arg3[%mul3A_8] : memref<323584xi32, #tpu.memory_space<hbm>> -> memref<10112xi32, #tpu.memory_space<hbm>>
      %dma_wait3A_203 = tpu.memref_slice %arg3[%mul3A_8] : memref<323584xi32, #tpu.memory_space<hbm>> -> memref<10112xi32, #tpu.memory_space<hbm>>
      tpu.wait_dma2 semaphore(%run_scoped3A : memref<!tpu.dma_semaphore, #tpu.memory_space<semaphore_mem>>) src(%dma_wait3A_203 : memref<10112xi32, #tpu.memory_space<hbm>>) dst(%arg21 : memref<10112xi32, #tpu.memory_space<vmem>>)
      tpu.yield
    }) : () -> ()
    %get3A = arith.constant 0 : index
    %get3A_9 = tpu.vector_load %arg18[%get3A] {strides = array<i32>} : memref<48xf32, #tpu.memory_space<vmem>>, vector<16xf32>,
    %get3A_10 = arith.constant 16 : index
    %get3A_11 = tpu.vector_load %arg18[%get3A_10] {strides = array<i32>} : memref<48xf32, #tpu.memory_space<vmem>>, vector<16xf32>,
    %get3A_12 = arith.constant 32 : index
    %get3A_13 = tpu.vector_load %arg18[%get3A_12] {strides = array<i32>} : memref<48xf32, #tpu.memory_space<vmem>>, vector<16xf32>,
    %slice3A = vector.extract_strided_slice %get3A_9 {offsets = [0], sizes = [1], strides = [1]} : vector<16xf32> to vector<1xf32>
    %squeeze3A = vector.extract %slice3A[0] : f32 from vector<1xf32>
    %slice3A_14 = vector.extract_strided_slice %get3A_9 {offsets = [1], sizes = [1], strides = [1]} : vector<16xf32> to vector<1xf32>
    %squeeze3A_15 = vector.extract %slice3A_14[0] : f32 from vector<1xf32>
    %slice3A_16 = vector.extract_strided_slice %get3A_9 {offsets = [2], sizes = [1], strides = [1]} : vector<16xf32> to vector<1xf32>
    %squeeze3A_17 = vector.extract %slice3A_16[0] : f32 from vector<1xf32>
    %slice3A_18 = vector.extract_strided_slice %get3A_9 {offsets = [3], sizes = [1], strides = [1]} : vector<16xf32> to vector<1xf32>
    %squeeze3A_19 = vector.extract %slice3A_18[0] : f32 from vector<1xf32>
    %slice3A_20 = vector.extract_strided_slice %get3A_9 {offsets = [4], sizes = [1], strides = [1]} : vector<16xf32> to vector<1xf32>
    %squeeze3A_21 = vector.extract %slice3A_20[0] : f32 from vector<1xf32>
    %slice3A_22 = vector.extract_strided_slice %get3A_9 {offsets = [5], sizes = [1], strides = [1]} : vector<16xf32> to vector<1xf32>
    %squeeze3A_23 = vector.extract %slice3A_22[0] : f32 from vector<1xf32>
    %slice3A_24 = vector.extract_strided_slice %get3A_9 {offsets = [6], sizes = [1], strides = [1]} : vector<16xf32> to vector<1xf32>
    %squeeze3A_25 = vector.extract %slice3A_24[0] : f32 from vector<1xf32>
    %slice3A_26 = vector.extract_strided_slice %get3A_9 {offsets = [7], sizes = [1], strides = [1]} : vector<16xf32> to vector<1xf32>
    %squeeze3A_27 = vector.extract %slice3A_26[0] : f32 from vector<1xf32>
    %slice3A_28 = vector.extract_strided_slice %get3A_9 {offsets = [8], sizes = [1], strides = [1]} : vector<16xf32> to vector<1xf32>
    %squeeze3A_29 = vector.extract %slice3A_28[0] : f32 from vector<1xf32>
    %slice3A_30 = vector.extract_strided_slice %get3A_9 {offsets = [9], sizes = [1], strides = [1]} : vector<16xf32> to vector<1xf32>
    %squeeze3A_31 = vector.extract %slice3A_30[0] : f32 from vector<1xf32>
    %slice3A_32 = vector.extract_strided_slice %get3A_9 {offsets = [10], sizes = [1], strides = [1]} : vector<16xf32> to vector<1xf32>
    %squeeze3A_33 = vector.extract %slice3A_32[0] : f32 from vector<1xf32>
    %slice3A_34 = vector.extract_strided_slice %get3A_9 {offsets = [11], sizes = [1], strides = [1]} : vector<16xf32> to vector<1xf32>
    %squeeze3A_35 = vector.extract %slice3A_34[0] : f32 from vector<1xf32>
    %slice3A_36 = vector.extract_strided_slice %get3A_9 {offsets = [12], sizes = [1], strides = [1]} : vector<16xf32> to vector<1xf32>
    %squeeze3A_37 = vector.extract %slice3A_36[0] : f32 from vector<1xf32>
    %slice3A_38 = vector.extract_strided_slice %get3A_9 {offsets = [13], sizes = [1], strides = [1]} : vector<16xf32> to vector<1xf32>
    %squeeze3A_39 = vector.extract %slice3A_38[0] : f32 from vector<1xf32>
    %slice3A_40 = vector.extract_strided_slice %get3A_9 {offsets = [14], sizes = [1], strides = [1]} : vector<16xf32> to vector<1xf32>
    %squeeze3A_41 = vector.extract %slice3A_40[0] : f32 from vector<1xf32>
    %slice3A_42 = vector.extract_strided_slice %get3A_11 {offsets = [0], sizes = [1], strides = [1]} : vector<16xf32> to vector<1xf32>
    %squeeze3A_43 = vector.extract %slice3A_42[0] : f32 from vector<1xf32>
    %slice3A_44 = vector.extract_strided_slice %get3A_11 {offsets = [1], sizes = [1], strides = [1]} : vector<16xf32> to vector<1xf32>
    %squeeze3A_45 = vector.extract %slice3A_44[0] : f32 from vector<1xf32>
    %slice3A_46 = vector.extract_strided_slice %get3A_11 {offsets = [2], sizes = [1], strides = [1]} : vector<16xf32> to vector<1xf32>
    %squeeze3A_47 = vector.extract %slice3A_46[0] : f32 from vector<1xf32>
    %slice3A_48 = vector.extract_strided_slice %get3A_11 {offsets = [3], sizes = [1], strides = [1]} : vector<16xf32> to vector<1xf32>
    %squeeze3A_49 = vector.extract %slice3A_48[0] : f32 from vector<1xf32>
    %slice3A_50 = vector.extract_strided_slice %get3A_11 {offsets = [4], sizes = [1], strides = [1]} : vector<16xf32> to vector<1xf32>
    %squeeze3A_51 = vector.extract %slice3A_50[0] : f32 from vector<1xf32>
    %slice3A_52 = vector.extract_strided_slice %get3A_11 {offsets = [5], sizes = [1], strides = [1]} : vector<16xf32> to vector<1xf32>
    %squeeze3A_53 = vector.extract %slice3A_52[0] : f32 from vector<1xf32>
    %slice3A_54 = vector.extract_strided_slice %get3A_11 {offsets = [6], sizes = [1], strides = [1]} : vector<16xf32> to vector<1xf32>
    %squeeze3A_55 = vector.extract %slice3A_54[0] : f32 from vector<1xf32>
    %slice3A_56 = vector.extract_strided_slice %get3A_11 {offsets = [7], sizes = [1], strides = [1]} : vector<16xf32> to vector<1xf32>
    %squeeze3A_57 = vector.extract %slice3A_56[0] : f32 from vector<1xf32>
    %slice3A_58 = vector.extract_strided_slice %get3A_11 {offsets = [8], sizes = [1], strides = [1]} : vector<16xf32> to vector<1xf32>
    %squeeze3A_59 = vector.extract %slice3A_58[0] : f32 from vector<1xf32>
    %slice3A_60 = vector.extract_strided_slice %get3A_11 {offsets = [9], sizes = [1], strides = [1]} : vector<16xf32> to vector<1xf32>
    %squeeze3A_61 = vector.extract %slice3A_60[0] : f32 from vector<1xf32>
    %slice3A_62 = vector.extract_strided_slice %get3A_11 {offsets = [10], sizes = [1], strides = [1]} : vector<16xf32> to vector<1xf32>
    %squeeze3A_63 = vector.extract %slice3A_62[0] : f32 from vector<1xf32>
    %slice3A_64 = vector.extract_strided_slice %get3A_11 {offsets = [11], sizes = [1], strides = [1]} : vector<16xf32> to vector<1xf32>
    %squeeze3A_65 = vector.extract %slice3A_64[0] : f32 from vector<1xf32>
    %slice3A_66 = vector.extract_strided_slice %get3A_11 {offsets = [12], sizes = [1], strides = [1]} : vector<16xf32> to vector<1xf32>
    %squeeze3A_67 = vector.extract %slice3A_66[0] : f32 from vector<1xf32>
    %slice3A_68 = vector.extract_strided_slice %get3A_11 {offsets = [13], sizes = [1], strides = [1]} : vector<16xf32> to vector<1xf32>
    %squeeze3A_69 = vector.extract %slice3A_68[0] : f32 from vector<1xf32>
    %slice3A_70 = vector.extract_strided_slice %get3A_11 {offsets = [14], sizes = [1], strides = [1]} : vector<16xf32> to vector<1xf32>
    %squeeze3A_71 = vector.extract %slice3A_70[0] : f32 from vector<1xf32>
    %slice3A_72 = vector.extract_strided_slice %get3A_13 {offsets = [0], sizes = [1], strides = [1]} : vector<16xf32> to vector<1xf32>
    %squeeze3A_73 = vector.extract %slice3A_72[0] : f32 from vector<1xf32>
    %slice3A_74 = vector.extract_strided_slice %get3A_13 {offsets = [1], sizes = [1], strides = [1]} : vector<16xf32> to vector<1xf32>
    %squeeze3A_75 = vector.extract %slice3A_74[0] : f32 from vector<1xf32>
    %slice3A_76 = vector.extract_strided_slice %get3A_13 {offsets = [2], sizes = [1], strides = [1]} : vector<16xf32> to vector<1xf32>
    %squeeze3A_77 = vector.extract %slice3A_76[0] : f32 from vector<1xf32>
    %slice3A_78 = vector.extract_strided_slice %get3A_13 {offsets = [3], sizes = [1], strides = [1]} : vector<16xf32> to vector<1xf32>
    %squeeze3A_79 = vector.extract %slice3A_78[0] : f32 from vector<1xf32>
    %slice3A_80 = vector.extract_strided_slice %get3A_13 {offsets = [4], sizes = [1], strides = [1]} : vector<16xf32> to vector<1xf32>
    %squeeze3A_81 = vector.extract %slice3A_80[0] : f32 from vector<1xf32>
    %slice3A_82 = vector.extract_strided_slice %get3A_13 {offsets = [5], sizes = [1], strides = [1]} : vector<16xf32> to vector<1xf32>
    %squeeze3A_83 = vector.extract %slice3A_82[0] : f32 from vector<1xf32>
    %slice3A_84 = vector.extract_strided_slice %get3A_13 {offsets = [6], sizes = [1], strides = [1]} : vector<16xf32> to vector<1xf32>
    %squeeze3A_85 = vector.extract %slice3A_84[0] : f32 from vector<1xf32>
    %slice3A_86 = vector.extract_strided_slice %get3A_13 {offsets = [7], sizes = [1], strides = [1]} : vector<16xf32> to vector<1xf32>
    %squeeze3A_87 = vector.extract %slice3A_86[0] : f32 from vector<1xf32>
    %slice3A_88 = vector.extract_strided_slice %get3A_13 {offsets = [8], sizes = [1], strides = [1]} : vector<16xf32> to vector<1xf32>
    %squeeze3A_89 = vector.extract %slice3A_88[0] : f32 from vector<1xf32>
    %slice3A_90 = vector.extract_strided_slice %get3A_13 {offsets = [9], sizes = [1], strides = [1]} : vector<16xf32> to vector<1xf32>
    %squeeze3A_91 = vector.extract %slice3A_90[0] : f32 from vector<1xf32>
    %slice3A_92 = vector.extract_strided_slice %get3A_13 {offsets = [10], sizes = [1], strides = [1]} : vector<16xf32> to vector<1xf32>
    %squeeze3A_93 = vector.extract %slice3A_92[0] : f32 from vector<1xf32>
    %slice3A_94 = vector.extract_strided_slice %get3A_13 {offsets = [11], sizes = [1], strides = [1]} : vector<16xf32> to vector<1xf32>
    %squeeze3A_95 = vector.extract %slice3A_94[0] : f32 from vector<1xf32>
    %slice3A_96 = vector.extract_strided_slice %get3A_13 {offsets = [12], sizes = [1], strides = [1]} : vector<16xf32> to vector<1xf32>
    %squeeze3A_97 = vector.extract %slice3A_96[0] : f32 from vector<1xf32>
    %slice3A_98 = vector.extract_strided_slice %get3A_13 {offsets = [13], sizes = [1], strides = [1]} : vector<16xf32> to vector<1xf32>
    %squeeze3A_99 = vector.extract %slice3A_98[0] : f32 from vector<1xf32>
    %slice3A_100 = vector.extract_strided_slice %get3A_13 {offsets = [14], sizes = [1], strides = [1]} : vector<16xf32> to vector<1xf32>
    %squeeze3A_101 = vector.extract %slice3A_100[0] : f32 from vector<1xf32>
    %iota3A = tpu.iota {dimensions = array<i32: 0>} : vector<16xi32>
    %add3A_102 = arith.constant 0 : i32
    %add3A_103 = vector.broadcast %add3A_102 : i32 to vector<16xi32>
    %add3A_104 = arith.addi %iota3A, %add3A_103 : vector<16xi32>
    %add3A_105 = arith.constant 16 : i32
    %add3A_106 = vector.broadcast %add3A_105 : i32 to vector<16xi32>
    %add3A_107 = arith.addi %iota3A, %add3A_106 : vector<16xi32>
    %add3A_108 = arith.constant 32 : i32
    %add3A_109 = vector.broadcast %add3A_108 : i32 to vector<16xi32>
    %add3A_110 = arith.addi %iota3A, %add3A_109 : vector<16xi32>
    %add3A_111 = arith.constant 48 : i32
    %add3A_112 = vector.broadcast %add3A_111 : i32 to vector<16xi32>
    %add3A_113 = arith.addi %iota3A, %add3A_112 : vector<16xi32>
    %add3A_114 = arith.constant 64 : i32
    %add3A_115 = vector.broadcast %add3A_114 : i32 to vector<16xi32>
    %add3A_116 = arith.addi %iota3A, %add3A_115 : vector<16xi32>
    %add3A_117 = arith.constant 80 : i32
    %add3A_118 = vector.broadcast %add3A_117 : i32 to vector<16xi32>
    %add3A_119 = arith.addi %iota3A, %add3A_118 : vector<16xi32>
    %add3A_120 = arith.constant 96 : i32
    %add3A_121 = vector.broadcast %add3A_120 : i32 to vector<16xi32>
    %add3A_122 = arith.addi %iota3A, %add3A_121 : vector<16xi32>
    %add3A_123 = arith.constant 112 : i32
    %add3A_124 = vector.broadcast %add3A_123 : i32 to vector<16xi32>
    %add3A_125 = arith.addi %iota3A, %add3A_124 : vector<16xi32>
    %mul3A_126 = arith.constant 8 : i32
    %mul3A_127 = vector.broadcast %mul3A_126 : i32 to vector<16xi32>
    %mul3A_128 = arith.muli %iota3A, %mul3A_127 : vector<16xi32>
    %add3A_129 = arith.constant 0 : i32
    %add3A_130 = vector.broadcast %add3A_129 : i32 to vector<16xi32>
    %add3A_131 = arith.addi %mul3A_128, %add3A_130 : vector<16xi32>
    %mul3A_132 = arith.constant 8 : i32
    %mul3A_133 = vector.broadcast %mul3A_132 : i32 to vector<16xi32>
    %mul3A_134 = arith.muli %iota3A, %mul3A_133 : vector<16xi32>
    %add3A_135 = arith.constant 1 : i32
    %add3A_136 = vector.broadcast %add3A_135 : i32 to vector<16xi32>
    %add3A_137 = arith.addi %mul3A_134, %add3A_136 : vector<16xi32>
    %mul3A_138 = arith.constant 8 : i32
    %mul3A_139 = vector.broadcast %mul3A_138 : i32 to vector<16xi32>
    %mul3A_140 = arith.muli %iota3A, %mul3A_139 : vector<16xi32>
    %add3A_141 = arith.constant 2 : i32
    %add3A_142 = vector.broadcast %add3A_141 : i32 to vector<16xi32>
    %add3A_143 = arith.addi %mul3A_140, %add3A_142 : vector<16xi32>
    %mul3A_144 = arith.constant 8 : i32
    %mul3A_145 = vector.broadcast %mul3A_144 : i32 to vector<16xi32>
    %mul3A_146 = arith.muli %iota3A, %mul3A_145 : vector<16xi32>
    %add3A_147 = arith.constant 3 : i32
    %add3A_148 = vector.broadcast %add3A_147 : i32 to vector<16xi32>
    %add3A_149 = arith.addi %mul3A_146, %add3A_148 : vector<16xi32>
    %mul3A_150 = arith.constant 8 : i32
    %mul3A_151 = vector.broadcast %mul3A_150 : i32 to vector<16xi32>
    %mul3A_152 = arith.muli %iota3A, %mul3A_151 : vector<16xi32>
    %add3A_153 = arith.constant 4 : i32
    %add3A_154 = vector.broadcast %add3A_153 : i32 to vector<16xi32>
    %add3A_155 = arith.addi %mul3A_152, %add3A_154 : vector<16xi32>
    %mul3A_156 = arith.constant 8 : i32
    %mul3A_157 = vector.broadcast %mul3A_156 : i32 to vector<16xi32>
    %mul3A_158 = arith.muli %iota3A, %mul3A_157 : vector<16xi32>
    %add3A_159 = arith.constant 5 : i32
    %add3A_160 = vector.broadcast %add3A_159 : i32 to vector<16xi32>
    %add3A_161 = arith.addi %mul3A_158, %add3A_160 : vector<16xi32>
    %mul3A_162 = arith.constant 8 : i32
    %mul3A_163 = vector.broadcast %mul3A_162 : i32 to vector<16xi32>
    %mul3A_164 = arith.muli %iota3A, %mul3A_163 : vector<16xi32>
    %add3A_165 = arith.constant 6 : i32
    %add3A_166 = vector.broadcast %add3A_165 : i32 to vector<16xi32>
    %add3A_167 = arith.addi %mul3A_164, %add3A_166 : vector<16xi32>
    %mul3A_168 = arith.constant 8 : i32
    %mul3A_169 = vector.broadcast %mul3A_168 : i32 to vector<16xi32>
    %mul3A_170 = arith.muli %iota3A, %mul3A_169 : vector<16xi32>
    %add3A_171 = arith.constant 7 : i32
    %add3A_172 = vector.broadcast %add3A_171 : i32 to vector<16xi32>
    %add3A_173 = arith.addi %mul3A_170, %add3A_172 : vector<16xi32>
    %multiple_of3A = arith.constant 0 : i32
    %multiple_of3A_174 = tpu.assume_multiple %multiple_of3A, 128 : i32
    %dma_start3A = arith.constant 0 : i32
    %dma_start3A_175 = tpu.memref_slice %arg22[%multiple_of3A_174, %dma_start3A] : memref<256x128xf32, #tpu.memory_space<vmem>> -> memref<128x128xf32, #tpu.memory_space<vmem>>
    %dma_start3A_176 = arith.constant 0 : i32
    %dma_start3A_177 = tpu.memref_slice %arg21[%dma_start3A_176] : memref<10112xi32, #tpu.memory_space<vmem>> -> memref<128xi32, #tpu.memory_space<vmem>>
    %dma_start3A_178 = arith.constant 0 : i32
    %dma_start3A_179 = arith.constant 0 : i32
    %dma_start3A_180 = tpu.memref_slice %arg2[%dma_start3A_178, %dma_start3A_179] : memref<10000x128xf32, #tpu.memory_space<hbm>> -> memref<10000x128xf32, #tpu.memory_space<hbm>>
    tpu.enqueue_indirect_dma source(%dma_start3A_180 : memref<10000x128xf32, #tpu.memory_space<hbm>>) target(%dma_start3A_175 : memref<128x128xf32, #tpu.memory_space<vmem>>) offsets(%dma_start3A_177 : memref<128xi32, #tpu.memory_space<vmem>>) semaphore(%arg27 : memref<!tpu.dma_semaphore, #tpu.memory_space<semaphore_mem>>)
    %scan3A = arith.constant 0 : i32
    %scan3A_181 = arith.constant 79 : i32
    %scan3A_182 = arith.addi %scan3A, %scan3A_181 : i32
    %scan3A_183 = arith.constant 1 : i32
    scf.for %scan3A_200 = %scan3A to %scan3A_182 step %scan3A_183  : i32 {
      %add3A_201 = arith.constant 1 : i32
      %add3A_202 = arith.addi %scan3A_200, %add3A_201 : i32
      %lt3A = arith.constant 79 : i32
      %lt3A_203 = arith.cmpi slt, %add3A_202, %lt3A : i32
      %convert_element_type3A_204 = arith.extui %lt3A_203 : i1 to i32
      %cond3A_205 = arith.constant 0 : i32
      %cond3A_206 = arith.cmpi ne, %convert_element_type3A_204, %cond3A_205 : i32
      scf.if %cond3A_206 {
        %add3A_307 = arith.constant 1 : i32
        %add3A_308 = arith.addi %scan3A_200, %add3A_307 : i32
        %mul3A_309 = arith.constant 4 : i32
        %mul3A_310 = arith.muli %add3A_308, %mul3A_309 : i32
        %mul3A_311 = arith.constant 32 : i32
        %mul3A_312 = arith.muli %mul3A_310, %mul3A_311 : i32
        %jit3A_313 = arith.constant 2 : i32
        %eq3A_314 = arith.constant 0 : i32
        %eq3A_315 = arith.cmpi eq, %jit3A_313, %eq3A_314 : i32
        %jit3A_316 = arith.constant 1 : i32
        %select_n3A_317 = arith.select %eq3A_315, %jit3A_316, %jit3A_313 : i32
        %rem3A_318 = arith.remsi %add3A_308, %select_n3A_317 : i32
        %ne3A_319 = arith.constant 0 : i32
        %ne3A_320 = arith.cmpi ne, %rem3A_318, %ne3A_319 : i32
        %lt3A_321 = arith.constant 0 : i32
        %lt3A_322 = arith.cmpi slt, %rem3A_318, %lt3A_321 : i32
        %lt3A_323 = arith.constant 0 : i32
        %lt3A_324 = arith.cmpi slt, %select_n3A_317, %lt3A_323 : i32
        %ne3A_325 = arith.xori %lt3A_322, %lt3A_324 : i1
        %and3A_326 = arith.andi %ne3A_325, %ne3A_320 : i1
        %add3A_327 = arith.addi %rem3A_318, %select_n3A_317 : i32
        %select_n3A_328 = arith.select %and3A_326, %add3A_327, %rem3A_318 : i32
        %mul3A_329 = arith.constant 4 : i32
        %mul3A_330 = arith.muli %select_n3A_328, %mul3A_329 : i32
        %mul3A_331 = arith.constant 32 : i32
        %mul3A_332 = arith.muli %mul3A_330, %mul3A_331 : i32
        %multiple_of3A_333 = tpu.assume_multiple %mul3A_332, 128 : i32
        %dma_start3A_334 = arith.constant 0 : i32
        %dma_start3A_335 = tpu.memref_slice %arg22[%multiple_of3A_333, %dma_start3A_334] : memref<256x128xf32, #tpu.memory_space<vmem>> -> memref<128x128xf32, #tpu.memory_space<vmem>>
        %dma_start3A_336 = tpu.memref_slice %arg21[%mul3A_312] : memref<10112xi32, #tpu.memory_space<vmem>> -> memref<128xi32, #tpu.memory_space<vmem>>
        %dma_start3A_337 = arith.constant 0 : i32
        %dma_start3A_338 = arith.constant 0 : i32
        %dma_start3A_339 = tpu.memref_slice %arg2[%dma_start3A_337, %dma_start3A_338] : memref<10000x128xf32, #tpu.memory_space<hbm>> -> memref<10000x128xf32, #tpu.memory_space<hbm>>
        tpu.enqueue_indirect_dma source(%dma_start3A_339 : memref<10000x128xf32, #tpu.memory_space<hbm>>) target(%dma_start3A_335 : memref<128x128xf32, #tpu.memory_space<vmem>>) offsets(%dma_start3A_336 : memref<128xi32, #tpu.memory_space<vmem>>) semaphore(%arg27 : memref<!tpu.dma_semaphore, #tpu.memory_space<semaphore_mem>>)
      } else {
      }
      %mul3A_207 = arith.constant 4 : i32
      %mul3A_208 = arith.muli %scan3A_200, %mul3A_207 : i32
      %add3A_209 = arith.addi %mul3A_2, %mul3A_208 : i32
      %mul3A_210 = arith.constant 15 : i32
      %mul3A_211 = arith.muli %add3A_209, %mul3A_210 : i32
      %mul3A_212 = arith.constant 16 : i32
      %mul3A_213 = arith.muli %mul3A_211, %mul3A_212 : i32
      %dma_start3A_214 = tpu.memref_slice %arg5[%mul3A_213] : memref<2426880xf32, #tpu.memory_space<hbm>> -> memref<960xf32, #tpu.memory_space<hbm>>
      %dma_start3A_215 = tpu.memref_slice %arg5[%mul3A_213] : memref<2426880xf32, #tpu.memory_space<hbm>> -> memref<960xf32, #tpu.memory_space<hbm>>
      tpu.enqueue_dma source(%dma_start3A_215 : memref<960xf32, #tpu.memory_space<hbm>>) target(%arg23 : memref<960xf32, #tpu.memory_space<vmem>>) target_semaphore(%arg28 : memref<!tpu.dma_semaphore, #tpu.memory_space<semaphore_mem>>)
      %scan3A_216 = arith.constant 0 : i32
      %scan3A_217 = arith.constant 4 : i32
      %scan3A_218 = arith.addi %scan3A_216, %scan3A_217 : i32
      %scan3A_219 = arith.constant 1 : i32
      scf.for %scan3A_307 = %scan3A_216 to %scan3A_218 step %scan3A_219  : i32 {
        %mul3A_308 = arith.constant 4 : i32
        %mul3A_309 = arith.muli %scan3A_200, %mul3A_308 : i32
        %mul3A_310 = arith.constant 32 : i32
        %mul3A_311 = arith.muli %mul3A_309, %mul3A_310 : i32
        %mul3A_312 = arith.constant 32 : i32
        %mul3A_313 = arith.muli %scan3A_307, %mul3A_312 : i32
        %add3A_314 = arith.addi %mul3A_311, %mul3A_313 : i32
        %get3A_315 = arith.index_cast %add3A_314 : i32 to index
        %get3A_316 = tpu.vector_load %arg21[%get3A_315] {strides = array<i32>} : memref<10112xi32, #tpu.memory_space<vmem>>, vector<16xi32>,
        %add3A_317 = arith.constant 16 : i32
        %add3A_318 = arith.addi %add3A_314, %add3A_317 : i32
        %get3A_319 = arith.index_cast %add3A_318 : i32 to index
        %get3A_320 = tpu.vector_load %arg21[%get3A_319] {strides = array<i32>} : memref<10112xi32, #tpu.memory_space<vmem>>, vector<16xi32>,
        %mul3A_321 = arith.constant 4 : i32
        %mul3A_322 = arith.muli %scan3A_200, %mul3A_321 : i32
        %mul3A_323 = arith.constant 4 : i32
        %mul3A_324 = arith.muli %mul3A_322, %mul3A_323 : i32
        %mul3A_325 = arith.constant 4 : i32
        %mul3A_326 = arith.muli %scan3A_307, %mul3A_325 : i32
        %add3A_327 = arith.addi %mul3A_324, %mul3A_326 : i32
        %broadcast_in_dim3A = vector.broadcast %add3A_327 : i32 to vector<16xi32>
        %gather3A = tpu.vector_load_idx %arg20[%broadcast_in_dim3A] : memref<1264xf32, #tpu.memory_space<vmem>>[vector<16xi32>], vector<16xf32>,
        %add3A_328 = arith.constant 1 : i32
        %add3A_329 = arith.addi %add3A_327, %add3A_328 : i32
        %broadcast_in_dim3A_330 = vector.broadcast %add3A_329 : i32 to vector<16xi32>
        %gather3A_331 = tpu.vector_load_idx %arg20[%broadcast_in_dim3A_330] : memref<1264xf32, #tpu.memory_space<vmem>>[vector<16xi32>], vector<16xf32>,
        %add3A_332 = arith.constant 2 : i32
        %add3A_333 = arith.addi %add3A_327, %add3A_332 : i32
        %broadcast_in_dim3A_334 = vector.broadcast %add3A_333 : i32 to vector<16xi32>
        %gather3A_335 = tpu.vector_load_idx %arg20[%broadcast_in_dim3A_334] : memref<1264xf32, #tpu.memory_space<vmem>>[vector<16xi32>], vector<16xf32>,
        %gather3A_336 = tpu.vector_load_idx %arg12[%get3A_316] : memref<10000xf32, #tpu.memory_space<vmem>>[vector<16xi32>], vector<16xf32>,
        %sub3A = arith.subf %gather3A_336, %gather3A : vector<16xf32>
        %gather3A_337 = tpu.vector_load_idx %arg13[%get3A_316] : memref<10000xf32, #tpu.memory_space<vmem>>[vector<16xi32>], vector<16xf32>,
        %sub3A_338 = arith.subf %gather3A_337, %gather3A_331 : vector<16xf32>
        %gather3A_339 = tpu.vector_load_idx %arg14[%get3A_316] : memref<10000xf32, #tpu.memory_space<vmem>>[vector<16xi32>], vector<16xf32>,
        %sub3A_340 = arith.subf %gather3A_339, %gather3A_335 : vector<16xf32>
        %gather3A_341 = tpu.vector_load_idx %arg12[%get3A_320] : memref<10000xf32, #tpu.memory_space<vmem>>[vector<16xi32>], vector<16xf32>,
        %sub3A_342 = arith.subf %gather3A_341, %gather3A : vector<16xf32>
        %gather3A_343 = tpu.vector_load_idx %arg13[%get3A_320] : memref<10000xf32, #tpu.memory_space<vmem>>[vector<16xi32>], vector<16xf32>,
        %sub3A_344 = arith.subf %gather3A_343, %gather3A_331 : vector<16xf32>
        %gather3A_345 = tpu.vector_load_idx %arg14[%get3A_320] : memref<10000xf32, #tpu.memory_space<vmem>>[vector<16xi32>], vector<16xf32>,
        %sub3A_346 = arith.subf %gather3A_345, %gather3A_335 : vector<16xf32>
        %broadcast_in_dim3A_347 = arith.constant 1.000000e+30 : f32
        %broadcast_in_dim3A_348 = vector.broadcast %broadcast_in_dim3A_347 : f32 to vector<16xf32>
        %broadcast_in_dim3A_349 = arith.constant 1.000000e+30 : f32
        %broadcast_in_dim3A_350 = vector.broadcast %broadcast_in_dim3A_349 : f32 to vector<16xf32>
        %broadcast_in_dim3A_351 = arith.constant 0 : i32
        %broadcast_in_dim3A_352 = vector.broadcast %broadcast_in_dim3A_351 : i32 to vector<16xi32>
        %broadcast_in_dim3A_353 = arith.constant 0 : i32
        %broadcast_in_dim3A_354 = vector.broadcast %broadcast_in_dim3A_353 : i32 to vector<16xi32>
        %sub3A_355 = vector.broadcast %squeeze3A : f32 to vector<16xf32>
        %sub3A_356 = arith.subf %sub3A, %sub3A_355 : vector<16xf32>
        %sub3A_357 = vector.broadcast %squeeze3A_43 : f32 to vector<16xf32>
        %sub3A_358 = arith.subf %sub3A_338, %sub3A_357 : vector<16xf32>
        %sub3A_359 = vector.broadcast %squeeze3A_73 : f32 to vector<16xf32>
        %sub3A_360 = arith.subf %sub3A_340, %sub3A_359 : vector<16xf32>
        %mul3A_361 = arith.mulf %sub3A_356, %sub3A_356 : vector<16xf32>
        %mul3A_362 = arith.mulf %sub3A_358, %sub3A_358 : vector<16xf32>
        %add3A_363 = arith.addf %mul3A_361, %mul3A_362 : vector<16xf32>
        %mul3A_364 = arith.mulf %sub3A_360, %sub3A_360 : vector<16xf32>
        %add3A_365 = arith.addf %add3A_363, %mul3A_364 : vector<16xf32>
        %lt3A_366 = arith.cmpf olt, %add3A_365, %broadcast_in_dim3A_348 : vector<16xf32>
        %select_n3A_367 = arith.select %lt3A_366, %add3A_365, %broadcast_in_dim3A_348 : vector<16xi1>, vector<16xf32>
        %jit3A_368 = arith.constant 0 : i32
        %broadcast_in_dim3A_369 = vector.broadcast %jit3A_368 : i32 to vector<16xi32>
        %select_n3A_370 = arith.select %lt3A_366, %broadcast_in_dim3A_369, %broadcast_in_dim3A_352 : vector<16xi1>, vector<16xi32>
        %sub3A_371 = vector.broadcast %squeeze3A : f32 to vector<16xf32>
        %sub3A_372 = arith.subf %sub3A_342, %sub3A_371 : vector<16xf32>
        %sub3A_373 = vector.broadcast %squeeze3A_43 : f32 to vector<16xf32>
        %sub3A_374 = arith.subf %sub3A_344, %sub3A_373 : vector<16xf32>
        %sub3A_375 = vector.broadcast %squeeze3A_73 : f32 to vector<16xf32>
        %sub3A_376 = arith.subf %sub3A_346, %sub3A_375 : vector<16xf32>
        %mul3A_377 = arith.mulf %sub3A_372, %sub3A_372 : vector<16xf32>
        %mul3A_378 = arith.mulf %sub3A_374, %sub3A_374 : vector<16xf32>
        %add3A_379 = arith.addf %mul3A_377, %mul3A_378 : vector<16xf32>
        %mul3A_380 = arith.mulf %sub3A_376, %sub3A_376 : vector<16xf32>
        %add3A_381 = arith.addf %add3A_379, %mul3A_380 : vector<16xf32>
        %lt3A_382 = arith.cmpf olt, %add3A_381, %broadcast_in_dim3A_350 : vector<16xf32>
        %select_n3A_383 = arith.select %lt3A_382, %add3A_381, %broadcast_in_dim3A_350 : vector<16xi1>, vector<16xf32>
        %jit3A_384 = arith.constant 0 : i32
        %broadcast_in_dim3A_385 = vector.broadcast %jit3A_384 : i32 to vector<16xi32>
        %select_n3A_386 = arith.select %lt3A_382, %broadcast_in_dim3A_385, %broadcast_in_dim3A_354 : vector<16xi1>, vector<16xi32>
        %sub3A_387 = vector.broadcast %squeeze3A_15 : f32 to vector<16xf32>
        %sub3A_388 = arith.subf %sub3A, %sub3A_387 : vector<16xf32>
        %sub3A_389 = vector.broadcast %squeeze3A_45 : f32 to vector<16xf32>
        %sub3A_390 = arith.subf %sub3A_338, %sub3A_389 : vector<16xf32>
        %sub3A_391 = vector.broadcast %squeeze3A_75 : f32 to vector<16xf32>
        %sub3A_392 = arith.subf %sub3A_340, %sub3A_391 : vector<16xf32>
        %mul3A_393 = arith.mulf %sub3A_388, %sub3A_388 : vector<16xf32>
        %mul3A_394 = arith.mulf %sub3A_390, %sub3A_390 : vector<16xf32>
        %add3A_395 = arith.addf %mul3A_393, %mul3A_394 : vector<16xf32>
        %mul3A_396 = arith.mulf %sub3A_392, %sub3A_392 : vector<16xf32>
        %add3A_397 = arith.addf %add3A_395, %mul3A_396 : vector<16xf32>
        %lt3A_398 = arith.cmpf olt, %add3A_397, %select_n3A_367 : vector<16xf32>
        %select_n3A_399 = arith.select %lt3A_398, %add3A_397, %select_n3A_367 : vector<16xi1>, vector<16xf32>
        %jit3A_400 = arith.constant 1 : i32
        %broadcast_in_dim3A_401 = vector.broadcast %jit3A_400 : i32 to vector<16xi32>
        %select_n3A_402 = arith.select %lt3A_398, %broadcast_in_dim3A_401, %select_n3A_370 : vector<16xi1>, vector<16xi32>
        %sub3A_403 = vector.broadcast %squeeze3A_15 : f32 to vector<16xf32>
        %sub3A_404 = arith.subf %sub3A_342, %sub3A_403 : vector<16xf32>
        %sub3A_405 = vector.broadcast %squeeze3A_45 : f32 to vector<16xf32>
        %sub3A_406 = arith.subf %sub3A_344, %sub3A_405 : vector<16xf32>
        %sub3A_407 = vector.broadcast %squeeze3A_75 : f32 to vector<16xf32>
        %sub3A_408 = arith.subf %sub3A_346, %sub3A_407 : vector<16xf32>
        %mul3A_409 = arith.mulf %sub3A_404, %sub3A_404 : vector<16xf32>
        %mul3A_410 = arith.mulf %sub3A_406, %sub3A_406 : vector<16xf32>
        %add3A_411 = arith.addf %mul3A_409, %mul3A_410 : vector<16xf32>
        %mul3A_412 = arith.mulf %sub3A_408, %sub3A_408 : vector<16xf32>
        %add3A_413 = arith.addf %add3A_411, %mul3A_412 : vector<16xf32>
        %lt3A_414 = arith.cmpf olt, %add3A_413, %select_n3A_383 : vector<16xf32>
        %select_n3A_415 = arith.select %lt3A_414, %add3A_413, %select_n3A_383 : vector<16xi1>, vector<16xf32>
        %jit3A_416 = arith.constant 1 : i32
        %broadcast_in_dim3A_417 = vector.broadcast %jit3A_416 : i32 to vector<16xi32>
        %select_n3A_418 = arith.select %lt3A_414, %broadcast_in_dim3A_417, %select_n3A_386 : vector<16xi1>, vector<16xi32>
        %sub3A_419 = vector.broadcast %squeeze3A_17 : f32 to vector<16xf32>
        %sub3A_420 = arith.subf %sub3A, %sub3A_419 : vector<16xf32>
        %sub3A_421 = vector.broadcast %squeeze3A_47 : f32 to vector<16xf32>
        %sub3A_422 = arith.subf %sub3A_338, %sub3A_421 : vector<16xf32>
        %sub3A_423 = vector.broadcast %squeeze3A_77 : f32 to vector<16xf32>
        %sub3A_424 = arith.subf %sub3A_340, %sub3A_423 : vector<16xf32>
        %mul3A_425 = arith.mulf %sub3A_420, %sub3A_420 : vector<16xf32>
        %mul3A_426 = arith.mulf %sub3A_422, %sub3A_422 : vector<16xf32>
        %add3A_427 = arith.addf %mul3A_425, %mul3A_426 : vector<16xf32>
        %mul3A_428 = arith.mulf %sub3A_424, %sub3A_424 : vector<16xf32>
        %add3A_429 = arith.addf %add3A_427, %mul3A_428 : vector<16xf32>
        %lt3A_430 = arith.cmpf olt, %add3A_429, %select_n3A_399 : vector<16xf32>
        %select_n3A_431 = arith.select %lt3A_430, %add3A_429, %select_n3A_399 : vector<16xi1>, vector<16xf32>
        %jit3A_432 = arith.constant 2 : i32
        %broadcast_in_dim3A_433 = vector.broadcast %jit3A_432 : i32 to vector<16xi32>
        %select_n3A_434 = arith.select %lt3A_430, %broadcast_in_dim3A_433, %select_n3A_402 : vector<16xi1>, vector<16xi32>
        %sub3A_435 = vector.broadcast %squeeze3A_17 : f32 to vector<16xf32>
        %sub3A_436 = arith.subf %sub3A_342, %sub3A_435 : vector<16xf32>
        %sub3A_437 = vector.broadcast %squeeze3A_47 : f32 to vector<16xf32>
        %sub3A_438 = arith.subf %sub3A_344, %sub3A_437 : vector<16xf32>
        %sub3A_439 = vector.broadcast %squeeze3A_77 : f32 to vector<16xf32>
        %sub3A_440 = arith.subf %sub3A_346, %sub3A_439 : vector<16xf32>
        %mul3A_441 = arith.mulf %sub3A_436, %sub3A_436 : vector<16xf32>
        %mul3A_442 = arith.mulf %sub3A_438, %sub3A_438 : vector<16xf32>
        %add3A_443 = arith.addf %mul3A_441, %mul3A_442 : vector<16xf32>
        %mul3A_444 = arith.mulf %sub3A_440, %sub3A_440 : vector<16xf32>
        %add3A_445 = arith.addf %add3A_443, %mul3A_444 : vector<16xf32>
        %lt3A_446 = arith.cmpf olt, %add3A_445, %select_n3A_415 : vector<16xf32>
        %select_n3A_447 = arith.select %lt3A_446, %add3A_445, %select_n3A_415 : vector<16xi1>, vector<16xf32>
        %jit3A_448 = arith.constant 2 : i32
        %broadcast_in_dim3A_449 = vector.broadcast %jit3A_448 : i32 to vector<16xi32>
        %select_n3A_450 = arith.select %lt3A_446, %broadcast_in_dim3A_449, %select_n3A_418 : vector<16xi1>, vector<16xi32>
        %sub3A_451 = vector.broadcast %squeeze3A_19 : f32 to vector<16xf32>
        %sub3A_452 = arith.subf %sub3A, %sub3A_451 : vector<16xf32>
        %sub3A_453 = vector.broadcast %squeeze3A_49 : f32 to vector<16xf32>
        %sub3A_454 = arith.subf %sub3A_338, %sub3A_453 : vector<16xf32>
        %sub3A_455 = vector.broadcast %squeeze3A_79 : f32 to vector<16xf32>
        %sub3A_456 = arith.subf %sub3A_340, %sub3A_455 : vector<16xf32>
        %mul3A_457 = arith.mulf %sub3A_452, %sub3A_452 : vector<16xf32>
        %mul3A_458 = arith.mulf %sub3A_454, %sub3A_454 : vector<16xf32>
        %add3A_459 = arith.addf %mul3A_457, %mul3A_458 : vector<16xf32>
        %mul3A_460 = arith.mulf %sub3A_456, %sub3A_456 : vector<16xf32>
        %add3A_461 = arith.addf %add3A_459, %mul3A_460 : vector<16xf32>
        %lt3A_462 = arith.cmpf olt, %add3A_461, %select_n3A_431 : vector<16xf32>
        %select_n3A_463 = arith.select %lt3A_462, %add3A_461, %select_n3A_431 : vector<16xi1>, vector<16xf32>
        %jit3A_464 = arith.constant 3 : i32
        %broadcast_in_dim3A_465 = vector.broadcast %jit3A_464 : i32 to vector<16xi32>
        %select_n3A_466 = arith.select %lt3A_462, %broadcast_in_dim3A_465, %select_n3A_434 : vector<16xi1>, vector<16xi32>
        %sub3A_467 = vector.broadcast %squeeze3A_19 : f32 to vector<16xf32>
        %sub3A_468 = arith.subf %sub3A_342, %sub3A_467 : vector<16xf32>
        %sub3A_469 = vector.broadcast %squeeze3A_49 : f32 to vector<16xf32>
        %sub3A_470 = arith.subf %sub3A_344, %sub3A_469 : vector<16xf32>
        %sub3A_471 = vector.broadcast %squeeze3A_79 : f32 to vector<16xf32>
        %sub3A_472 = arith.subf %sub3A_346, %sub3A_471 : vector<16xf32>
        %mul3A_473 = arith.mulf %sub3A_468, %sub3A_468 : vector<16xf32>
        %mul3A_474 = arith.mulf %sub3A_470, %sub3A_470 : vector<16xf32>
        %add3A_475 = arith.addf %mul3A_473, %mul3A_474 : vector<16xf32>
        %mul3A_476 = arith.mulf %sub3A_472, %sub3A_472 : vector<16xf32>
        %add3A_477 = arith.addf %add3A_475, %mul3A_476 : vector<16xf32>
        %lt3A_478 = arith.cmpf olt, %add3A_477, %select_n3A_447 : vector<16xf32>
        %select_n3A_479 = arith.select %lt3A_478, %add3A_477, %select_n3A_447 : vector<16xi1>, vector<16xf32>
        %jit3A_480 = arith.constant 3 : i32
        %broadcast_in_dim3A_481 = vector.broadcast %jit3A_480 : i32 to vector<16xi32>
        %select_n3A_482 = arith.select %lt3A_478, %broadcast_in_dim3A_481, %select_n3A_450 : vector<16xi1>, vector<16xi32>
        %sub3A_483 = vector.broadcast %squeeze3A_21 : f32 to vector<16xf32>
        %sub3A_484 = arith.subf %sub3A, %sub3A_483 : vector<16xf32>
        %sub3A_485 = vector.broadcast %squeeze3A_51 : f32 to vector<16xf32>
        %sub3A_486 = arith.subf %sub3A_338, %sub3A_485 : vector<16xf32>
        %sub3A_487 = vector.broadcast %squeeze3A_81 : f32 to vector<16xf32>
        %sub3A_488 = arith.subf %sub3A_340, %sub3A_487 : vector<16xf32>
        %mul3A_489 = arith.mulf %sub3A_484, %sub3A_484 : vector<16xf32>
        %mul3A_490 = arith.mulf %sub3A_486, %sub3A_486 : vector<16xf32>
        %add3A_491 = arith.addf %mul3A_489, %mul3A_490 : vector<16xf32>
        %mul3A_492 = arith.mulf %sub3A_488, %sub3A_488 : vector<16xf32>
        %add3A_493 = arith.addf %add3A_491, %mul3A_492 : vector<16xf32>
        %lt3A_494 = arith.cmpf olt, %add3A_493, %select_n3A_463 : vector<16xf32>
        %select_n3A_495 = arith.select %lt3A_494, %add3A_493, %select_n3A_463 : vector<16xi1>, vector<16xf32>
        %jit3A_496 = arith.constant 4 : i32
        %broadcast_in_dim3A_497 = vector.broadcast %jit3A_496 : i32 to vector<16xi32>
        %select_n3A_498 = arith.select %lt3A_494, %broadcast_in_dim3A_497, %select_n3A_466 : vector<16xi1>, vector<16xi32>
        %sub3A_499 = vector.broadcast %squeeze3A_21 : f32 to vector<16xf32>
        %sub3A_500 = arith.subf %sub3A_342, %sub3A_499 : vector<16xf32>
        %sub3A_501 = vector.broadcast %squeeze3A_51 : f32 to vector<16xf32>
        %sub3A_502 = arith.subf %sub3A_344, %sub3A_501 : vector<16xf32>
        %sub3A_503 = vector.broadcast %squeeze3A_81 : f32 to vector<16xf32>
        %sub3A_504 = arith.subf %sub3A_346, %sub3A_503 : vector<16xf32>
        %mul3A_505 = arith.mulf %sub3A_500, %sub3A_500 : vector<16xf32>
        %mul3A_506 = arith.mulf %sub3A_502, %sub3A_502 : vector<16xf32>
        %add3A_507 = arith.addf %mul3A_505, %mul3A_506 : vector<16xf32>
        %mul3A_508 = arith.mulf %sub3A_504, %sub3A_504 : vector<16xf32>
        %add3A_509 = arith.addf %add3A_507, %mul3A_508 : vector<16xf32>
        %lt3A_510 = arith.cmpf olt, %add3A_509, %select_n3A_479 : vector<16xf32>
        %select_n3A_511 = arith.select %lt3A_510, %add3A_509, %select_n3A_479 : vector<16xi1>, vector<16xf32>
        %jit3A_512 = arith.constant 4 : i32
        %broadcast_in_dim3A_513 = vector.broadcast %jit3A_512 : i32 to vector<16xi32>
        %select_n3A_514 = arith.select %lt3A_510, %broadcast_in_dim3A_513, %select_n3A_482 : vector<16xi1>, vector<16xi32>
        %sub3A_515 = vector.broadcast %squeeze3A_23 : f32 to vector<16xf32>
        %sub3A_516 = arith.subf %sub3A, %sub3A_515 : vector<16xf32>
        %sub3A_517 = vector.broadcast %squeeze3A_53 : f32 to vector<16xf32>
        %sub3A_518 = arith.subf %sub3A_338, %sub3A_517 : vector<16xf32>
        %sub3A_519 = vector.broadcast %squeeze3A_83 : f32 to vector<16xf32>
        %sub3A_520 = arith.subf %sub3A_340, %sub3A_519 : vector<16xf32>
        %mul3A_521 = arith.mulf %sub3A_516, %sub3A_516 : vector<16xf32>
        %mul3A_522 = arith.mulf %sub3A_518, %sub3A_518 : vector<16xf32>
        %add3A_523 = arith.addf %mul3A_521, %mul3A_522 : vector<16xf32>
        %mul3A_524 = arith.mulf %sub3A_520, %sub3A_520 : vector<16xf32>
        %add3A_525 = arith.addf %add3A_523, %mul3A_524 : vector<16xf32>
        %lt3A_526 = arith.cmpf olt, %add3A_525, %select_n3A_495 : vector<16xf32>
        %select_n3A_527 = arith.select %lt3A_526, %add3A_525, %select_n3A_495 : vector<16xi1>, vector<16xf32>
        %jit3A_528 = arith.constant 5 : i32
        %broadcast_in_dim3A_529 = vector.broadcast %jit3A_528 : i32 to vector<16xi32>
        %select_n3A_530 = arith.select %lt3A_526, %broadcast_in_dim3A_529, %select_n3A_498 : vector<16xi1>, vector<16xi32>
        %sub3A_531 = vector.broadcast %squeeze3A_23 : f32 to vector<16xf32>
        %sub3A_532 = arith.subf %sub3A_342, %sub3A_531 : vector<16xf32>
        %sub3A_533 = vector.broadcast %squeeze3A_53 : f32 to vector<16xf32>
        %sub3A_534 = arith.subf %sub3A_344, %sub3A_533 : vector<16xf32>
        %sub3A_535 = vector.broadcast %squeeze3A_83 : f32 to vector<16xf32>
        %sub3A_536 = arith.subf %sub3A_346, %sub3A_535 : vector<16xf32>
        %mul3A_537 = arith.mulf %sub3A_532, %sub3A_532 : vector<16xf32>
        %mul3A_538 = arith.mulf %sub3A_534, %sub3A_534 : vector<16xf32>
        %add3A_539 = arith.addf %mul3A_537, %mul3A_538 : vector<16xf32>
        %mul3A_540 = arith.mulf %sub3A_536, %sub3A_536 : vector<16xf32>
        %add3A_541 = arith.addf %add3A_539, %mul3A_540 : vector<16xf32>
        %lt3A_542 = arith.cmpf olt, %add3A_541, %select_n3A_511 : vector<16xf32>
        %select_n3A_543 = arith.select %lt3A_542, %add3A_541, %select_n3A_511 : vector<16xi1>, vector<16xf32>
        %jit3A_544 = arith.constant 5 : i32
        %broadcast_in_dim3A_545 = vector.broadcast %jit3A_544 : i32 to vector<16xi32>
        %select_n3A_546 = arith.select %lt3A_542, %broadcast_in_dim3A_545, %select_n3A_514 : vector<16xi1>, vector<16xi32>
        %sub3A_547 = vector.broadcast %squeeze3A_25 : f32 to vector<16xf32>
        %sub3A_548 = arith.subf %sub3A, %sub3A_547 : vector<16xf32>
        %sub3A_549 = vector.broadcast %squeeze3A_55 : f32 to vector<16xf32>
        %sub3A_550 = arith.subf %sub3A_338, %sub3A_549 : vector<16xf32>
        %sub3A_551 = vector.broadcast %squeeze3A_85 : f32 to vector<16xf32>
        %sub3A_552 = arith.subf %sub3A_340, %sub3A_551 : vector<16xf32>
        %mul3A_553 = arith.mulf %sub3A_548, %sub3A_548 : vector<16xf32>
        %mul3A_554 = arith.mulf %sub3A_550, %sub3A_550 : vector<16xf32>
        %add3A_555 = arith.addf %mul3A_553, %mul3A_554 : vector<16xf32>
        %mul3A_556 = arith.mulf %sub3A_552, %sub3A_552 : vector<16xf32>
        %add3A_557 = arith.addf %add3A_555, %mul3A_556 : vector<16xf32>
        %lt3A_558 = arith.cmpf olt, %add3A_557, %select_n3A_527 : vector<16xf32>
        %select_n3A_559 = arith.select %lt3A_558, %add3A_557, %select_n3A_527 : vector<16xi1>, vector<16xf32>
        %jit3A_560 = arith.constant 6 : i32
        %broadcast_in_dim3A_561 = vector.broadcast %jit3A_560 : i32 to vector<16xi32>
        %select_n3A_562 = arith.select %lt3A_558, %broadcast_in_dim3A_561, %select_n3A_530 : vector<16xi1>, vector<16xi32>
        %sub3A_563 = vector.broadcast %squeeze3A_25 : f32 to vector<16xf32>
        %sub3A_564 = arith.subf %sub3A_342, %sub3A_563 : vector<16xf32>
        %sub3A_565 = vector.broadcast %squeeze3A_55 : f32 to vector<16xf32>
        %sub3A_566 = arith.subf %sub3A_344, %sub3A_565 : vector<16xf32>
        %sub3A_567 = vector.broadcast %squeeze3A_85 : f32 to vector<16xf32>
        %sub3A_568 = arith.subf %sub3A_346, %sub3A_567 : vector<16xf32>
        %mul3A_569 = arith.mulf %sub3A_564, %sub3A_564 : vector<16xf32>
        %mul3A_570 = arith.mulf %sub3A_566, %sub3A_566 : vector<16xf32>
        %add3A_571 = arith.addf %mul3A_569, %mul3A_570 : vector<16xf32>
        %mul3A_572 = arith.mulf %sub3A_568, %sub3A_568 : vector<16xf32>
        %add3A_573 = arith.addf %add3A_571, %mul3A_572 : vector<16xf32>
        %lt3A_574 = arith.cmpf olt, %add3A_573, %select_n3A_543 : vector<16xf32>
        %select_n3A_575 = arith.select %lt3A_574, %add3A_573, %select_n3A_543 : vector<16xi1>, vector<16xf32>
        %jit3A_576 = arith.constant 6 : i32
        %broadcast_in_dim3A_577 = vector.broadcast %jit3A_576 : i32 to vector<16xi32>
        %select_n3A_578 = arith.select %lt3A_574, %broadcast_in_dim3A_577, %select_n3A_546 : vector<16xi1>, vector<16xi32>
        %sub3A_579 = vector.broadcast %squeeze3A_27 : f32 to vector<16xf32>
        %sub3A_580 = arith.subf %sub3A, %sub3A_579 : vector<16xf32>
        %sub3A_581 = vector.broadcast %squeeze3A_57 : f32 to vector<16xf32>
        %sub3A_582 = arith.subf %sub3A_338, %sub3A_581 : vector<16xf32>
        %sub3A_583 = vector.broadcast %squeeze3A_87 : f32 to vector<16xf32>
        %sub3A_584 = arith.subf %sub3A_340, %sub3A_583 : vector<16xf32>
        %mul3A_585 = arith.mulf %sub3A_580, %sub3A_580 : vector<16xf32>
        %mul3A_586 = arith.mulf %sub3A_582, %sub3A_582 : vector<16xf32>
        %add3A_587 = arith.addf %mul3A_585, %mul3A_586 : vector<16xf32>
        %mul3A_588 = arith.mulf %sub3A_584, %sub3A_584 : vector<16xf32>
        %add3A_589 = arith.addf %add3A_587, %mul3A_588 : vector<16xf32>
        %lt3A_590 = arith.cmpf olt, %add3A_589, %select_n3A_559 : vector<16xf32>
        %select_n3A_591 = arith.select %lt3A_590, %add3A_589, %select_n3A_559 : vector<16xi1>, vector<16xf32>
        %jit3A_592 = arith.constant 7 : i32
        %broadcast_in_dim3A_593 = vector.broadcast %jit3A_592 : i32 to vector<16xi32>
        %select_n3A_594 = arith.select %lt3A_590, %broadcast_in_dim3A_593, %select_n3A_562 : vector<16xi1>, vector<16xi32>
        %sub3A_595 = vector.broadcast %squeeze3A_27 : f32 to vector<16xf32>
        %sub3A_596 = arith.subf %sub3A_342, %sub3A_595 : vector<16xf32>
        %sub3A_597 = vector.broadcast %squeeze3A_57 : f32 to vector<16xf32>
        %sub3A_598 = arith.subf %sub3A_344, %sub3A_597 : vector<16xf32>
        %sub3A_599 = vector.broadcast %squeeze3A_87 : f32 to vector<16xf32>
        %sub3A_600 = arith.subf %sub3A_346, %sub3A_599 : vector<16xf32>
        %mul3A_601 = arith.mulf %sub3A_596, %sub3A_596 : vector<16xf32>
        %mul3A_602 = arith.mulf %sub3A_598, %sub3A_598 : vector<16xf32>
        %add3A_603 = arith.addf %mul3A_601, %mul3A_602 : vector<16xf32>
        %mul3A_604 = arith.mulf %sub3A_600, %sub3A_600 : vector<16xf32>
        %add3A_605 = arith.addf %add3A_603, %mul3A_604 : vector<16xf32>
        %lt3A_606 = arith.cmpf olt, %add3A_605, %select_n3A_575 : vector<16xf32>
        %select_n3A_607 = arith.select %lt3A_606, %add3A_605, %select_n3A_575 : vector<16xi1>, vector<16xf32>
        %jit3A_608 = arith.constant 7 : i32
        %broadcast_in_dim3A_609 = vector.broadcast %jit3A_608 : i32 to vector<16xi32>
        %select_n3A_610 = arith.select %lt3A_606, %broadcast_in_dim3A_609, %select_n3A_578 : vector<16xi1>, vector<16xi32>
        %sub3A_611 = vector.broadcast %squeeze3A_29 : f32 to vector<16xf32>
        %sub3A_612 = arith.subf %sub3A, %sub3A_611 : vector<16xf32>
        %sub3A_613 = vector.broadcast %squeeze3A_59 : f32 to vector<16xf32>
        %sub3A_614 = arith.subf %sub3A_338, %sub3A_613 : vector<16xf32>
        %sub3A_615 = vector.broadcast %squeeze3A_89 : f32 to vector<16xf32>
        %sub3A_616 = arith.subf %sub3A_340, %sub3A_615 : vector<16xf32>
        %mul3A_617 = arith.mulf %sub3A_612, %sub3A_612 : vector<16xf32>
        %mul3A_618 = arith.mulf %sub3A_614, %sub3A_614 : vector<16xf32>
        %add3A_619 = arith.addf %mul3A_617, %mul3A_618 : vector<16xf32>
        %mul3A_620 = arith.mulf %sub3A_616, %sub3A_616 : vector<16xf32>
        %add3A_621 = arith.addf %add3A_619, %mul3A_620 : vector<16xf32>
        %lt3A_622 = arith.cmpf olt, %add3A_621, %select_n3A_591 : vector<16xf32>
        %select_n3A_623 = arith.select %lt3A_622, %add3A_621, %select_n3A_591 : vector<16xi1>, vector<16xf32>
        %jit3A_624 = arith.constant 8 : i32
        %broadcast_in_dim3A_625 = vector.broadcast %jit3A_624 : i32 to vector<16xi32>
        %select_n3A_626 = arith.select %lt3A_622, %broadcast_in_dim3A_625, %select_n3A_594 : vector<16xi1>, vector<16xi32>
        %sub3A_627 = vector.broadcast %squeeze3A_29 : f32 to vector<16xf32>
        %sub3A_628 = arith.subf %sub3A_342, %sub3A_627 : vector<16xf32>
        %sub3A_629 = vector.broadcast %squeeze3A_59 : f32 to vector<16xf32>
        %sub3A_630 = arith.subf %sub3A_344, %sub3A_629 : vector<16xf32>
        %sub3A_631 = vector.broadcast %squeeze3A_89 : f32 to vector<16xf32>
        %sub3A_632 = arith.subf %sub3A_346, %sub3A_631 : vector<16xf32>
        %mul3A_633 = arith.mulf %sub3A_628, %sub3A_628 : vector<16xf32>
        %mul3A_634 = arith.mulf %sub3A_630, %sub3A_630 : vector<16xf32>
        %add3A_635 = arith.addf %mul3A_633, %mul3A_634 : vector<16xf32>
        %mul3A_636 = arith.mulf %sub3A_632, %sub3A_632 : vector<16xf32>
        %add3A_637 = arith.addf %add3A_635, %mul3A_636 : vector<16xf32>
        %lt3A_638 = arith.cmpf olt, %add3A_637, %select_n3A_607 : vector<16xf32>
        %select_n3A_639 = arith.select %lt3A_638, %add3A_637, %select_n3A_607 : vector<16xi1>, vector<16xf32>
        %jit3A_640 = arith.constant 8 : i32
        %broadcast_in_dim3A_641 = vector.broadcast %jit3A_640 : i32 to vector<16xi32>
        %select_n3A_642 = arith.select %lt3A_638, %broadcast_in_dim3A_641, %select_n3A_610 : vector<16xi1>, vector<16xi32>
        %sub3A_643 = vector.broadcast %squeeze3A_31 : f32 to vector<16xf32>
        %sub3A_644 = arith.subf %sub3A, %sub3A_643 : vector<16xf32>
        %sub3A_645 = vector.broadcast %squeeze3A_61 : f32 to vector<16xf32>
        %sub3A_646 = arith.subf %sub3A_338, %sub3A_645 : vector<16xf32>
        %sub3A_647 = vector.broadcast %squeeze3A_91 : f32 to vector<16xf32>
        %sub3A_648 = arith.subf %sub3A_340, %sub3A_647 : vector<16xf32>
        %mul3A_649 = arith.mulf %sub3A_644, %sub3A_644 : vector<16xf32>
        %mul3A_650 = arith.mulf %sub3A_646, %sub3A_646 : vector<16xf32>
        %add3A_651 = arith.addf %mul3A_649, %mul3A_650 : vector<16xf32>
        %mul3A_652 = arith.mulf %sub3A_648, %sub3A_648 : vector<16xf32>
        %add3A_653 = arith.addf %add3A_651, %mul3A_652 : vector<16xf32>
        %lt3A_654 = arith.cmpf olt, %add3A_653, %select_n3A_623 : vector<16xf32>
        %select_n3A_655 = arith.select %lt3A_654, %add3A_653, %select_n3A_623 : vector<16xi1>, vector<16xf32>
        %jit3A_656 = arith.constant 9 : i32
        %broadcast_in_dim3A_657 = vector.broadcast %jit3A_656 : i32 to vector<16xi32>
        %select_n3A_658 = arith.select %lt3A_654, %broadcast_in_dim3A_657, %select_n3A_626 : vector<16xi1>, vector<16xi32>
        %sub3A_659 = vector.broadcast %squeeze3A_31 : f32 to vector<16xf32>
        %sub3A_660 = arith.subf %sub3A_342, %sub3A_659 : vector<16xf32>
        %sub3A_661 = vector.broadcast %squeeze3A_61 : f32 to vector<16xf32>
        %sub3A_662 = arith.subf %sub3A_344, %sub3A_661 : vector<16xf32>
        %sub3A_663 = vector.broadcast %squeeze3A_91 : f32 to vector<16xf32>
        %sub3A_664 = arith.subf %sub3A_346, %sub3A_663 : vector<16xf32>
        %mul3A_665 = arith.mulf %sub3A_660, %sub3A_660 : vector<16xf32>
        %mul3A_666 = arith.mulf %sub3A_662, %sub3A_662 : vector<16xf32>
        %add3A_667 = arith.addf %mul3A_665, %mul3A_666 : vector<16xf32>
        %mul3A_668 = arith.mulf %sub3A_664, %sub3A_664 : vector<16xf32>
        %add3A_669 = arith.addf %add3A_667, %mul3A_668 : vector<16xf32>
        %lt3A_670 = arith.cmpf olt, %add3A_669, %select_n3A_639 : vector<16xf32>
        %select_n3A_671 = arith.select %lt3A_670, %add3A_669, %select_n3A_639 : vector<16xi1>, vector<16xf32>
        %jit3A_672 = arith.constant 9 : i32
        %broadcast_in_dim3A_673 = vector.broadcast %jit3A_672 : i32 to vector<16xi32>
        %select_n3A_674 = arith.select %lt3A_670, %broadcast_in_dim3A_673, %select_n3A_642 : vector<16xi1>, vector<16xi32>
        %sub3A_675 = vector.broadcast %squeeze3A_33 : f32 to vector<16xf32>
        %sub3A_676 = arith.subf %sub3A, %sub3A_675 : vector<16xf32>
        %sub3A_677 = vector.broadcast %squeeze3A_63 : f32 to vector<16xf32>
        %sub3A_678 = arith.subf %sub3A_338, %sub3A_677 : vector<16xf32>
        %sub3A_679 = vector.broadcast %squeeze3A_93 : f32 to vector<16xf32>
        %sub3A_680 = arith.subf %sub3A_340, %sub3A_679 : vector<16xf32>
        %mul3A_681 = arith.mulf %sub3A_676, %sub3A_676 : vector<16xf32>
        %mul3A_682 = arith.mulf %sub3A_678, %sub3A_678 : vector<16xf32>
        %add3A_683 = arith.addf %mul3A_681, %mul3A_682 : vector<16xf32>
        %mul3A_684 = arith.mulf %sub3A_680, %sub3A_680 : vector<16xf32>
        %add3A_685 = arith.addf %add3A_683, %mul3A_684 : vector<16xf32>
        %lt3A_686 = arith.cmpf olt, %add3A_685, %select_n3A_655 : vector<16xf32>
        %select_n3A_687 = arith.select %lt3A_686, %add3A_685, %select_n3A_655 : vector<16xi1>, vector<16xf32>
        %jit3A_688 = arith.constant 10 : i32
        %broadcast_in_dim3A_689 = vector.broadcast %jit3A_688 : i32 to vector<16xi32>
        %select_n3A_690 = arith.select %lt3A_686, %broadcast_in_dim3A_689, %select_n3A_658 : vector<16xi1>, vector<16xi32>
        %sub3A_691 = vector.broadcast %squeeze3A_33 : f32 to vector<16xf32>
        %sub3A_692 = arith.subf %sub3A_342, %sub3A_691 : vector<16xf32>
        %sub3A_693 = vector.broadcast %squeeze3A_63 : f32 to vector<16xf32>
        %sub3A_694 = arith.subf %sub3A_344, %sub3A_693 : vector<16xf32>
        %sub3A_695 = vector.broadcast %squeeze3A_93 : f32 to vector<16xf32>
        %sub3A_696 = arith.subf %sub3A_346, %sub3A_695 : vector<16xf32>
        %mul3A_697 = arith.mulf %sub3A_692, %sub3A_692 : vector<16xf32>
        %mul3A_698 = arith.mulf %sub3A_694, %sub3A_694 : vector<16xf32>
        %add3A_699 = arith.addf %mul3A_697, %mul3A_698 : vector<16xf32>
        %mul3A_700 = arith.mulf %sub3A_696, %sub3A_696 : vector<16xf32>
        %add3A_701 = arith.addf %add3A_699, %mul3A_700 : vector<16xf32>
        %lt3A_702 = arith.cmpf olt, %add3A_701, %select_n3A_671 : vector<16xf32>
        %select_n3A_703 = arith.select %lt3A_702, %add3A_701, %select_n3A_671 : vector<16xi1>, vector<16xf32>
        %jit3A_704 = arith.constant 10 : i32
        %broadcast_in_dim3A_705 = vector.broadcast %jit3A_704 : i32 to vector<16xi32>
        %select_n3A_706 = arith.select %lt3A_702, %broadcast_in_dim3A_705, %select_n3A_674 : vector<16xi1>, vector<16xi32>
        %sub3A_707 = vector.broadcast %squeeze3A_35 : f32 to vector<16xf32>
        %sub3A_708 = arith.subf %sub3A, %sub3A_707 : vector<16xf32>
        %sub3A_709 = vector.broadcast %squeeze3A_65 : f32 to vector<16xf32>
        %sub3A_710 = arith.subf %sub3A_338, %sub3A_709 : vector<16xf32>
        %sub3A_711 = vector.broadcast %squeeze3A_95 : f32 to vector<16xf32>
        %sub3A_712 = arith.subf %sub3A_340, %sub3A_711 : vector<16xf32>
        %mul3A_713 = arith.mulf %sub3A_708, %sub3A_708 : vector<16xf32>
        %mul3A_714 = arith.mulf %sub3A_710, %sub3A_710 : vector<16xf32>
        %add3A_715 = arith.addf %mul3A_713, %mul3A_714 : vector<16xf32>
        %mul3A_716 = arith.mulf %sub3A_712, %sub3A_712 : vector<16xf32>
        %add3A_717 = arith.addf %add3A_715, %mul3A_716 : vector<16xf32>
        %lt3A_718 = arith.cmpf olt, %add3A_717, %select_n3A_687 : vector<16xf32>
        %select_n3A_719 = arith.select %lt3A_718, %add3A_717, %select_n3A_687 : vector<16xi1>, vector<16xf32>
        %jit3A_720 = arith.constant 11 : i32
        %broadcast_in_dim3A_721 = vector.broadcast %jit3A_720 : i32 to vector<16xi32>
        %select_n3A_722 = arith.select %lt3A_718, %broadcast_in_dim3A_721, %select_n3A_690 : vector<16xi1>, vector<16xi32>
        %sub3A_723 = vector.broadcast %squeeze3A_35 : f32 to vector<16xf32>
        %sub3A_724 = arith.subf %sub3A_342, %sub3A_723 : vector<16xf32>
        %sub3A_725 = vector.broadcast %squeeze3A_65 : f32 to vector<16xf32>
        %sub3A_726 = arith.subf %sub3A_344, %sub3A_725 : vector<16xf32>
        %sub3A_727 = vector.broadcast %squeeze3A_95 : f32 to vector<16xf32>
        %sub3A_728 = arith.subf %sub3A_346, %sub3A_727 : vector<16xf32>
        %mul3A_729 = arith.mulf %sub3A_724, %sub3A_724 : vector<16xf32>
        %mul3A_730 = arith.mulf %sub3A_726, %sub3A_726 : vector<16xf32>
        %add3A_731 = arith.addf %mul3A_729, %mul3A_730 : vector<16xf32>
        %mul3A_732 = arith.mulf %sub3A_728, %sub3A_728 : vector<16xf32>
        %add3A_733 = arith.addf %add3A_731, %mul3A_732 : vector<16xf32>
        %lt3A_734 = arith.cmpf olt, %add3A_733, %select_n3A_703 : vector<16xf32>
        %select_n3A_735 = arith.select %lt3A_734, %add3A_733, %select_n3A_703 : vector<16xi1>, vector<16xf32>
        %jit3A_736 = arith.constant 11 : i32
        %broadcast_in_dim3A_737 = vector.broadcast %jit3A_736 : i32 to vector<16xi32>
        %select_n3A_738 = arith.select %lt3A_734, %broadcast_in_dim3A_737, %select_n3A_706 : vector<16xi1>, vector<16xi32>
        %sub3A_739 = vector.broadcast %squeeze3A_37 : f32 to vector<16xf32>
        %sub3A_740 = arith.subf %sub3A, %sub3A_739 : vector<16xf32>
        %sub3A_741 = vector.broadcast %squeeze3A_67 : f32 to vector<16xf32>
        %sub3A_742 = arith.subf %sub3A_338, %sub3A_741 : vector<16xf32>
        %sub3A_743 = vector.broadcast %squeeze3A_97 : f32 to vector<16xf32>
        %sub3A_744 = arith.subf %sub3A_340, %sub3A_743 : vector<16xf32>
        %mul3A_745 = arith.mulf %sub3A_740, %sub3A_740 : vector<16xf32>
        %mul3A_746 = arith.mulf %sub3A_742, %sub3A_742 : vector<16xf32>
        %add3A_747 = arith.addf %mul3A_745, %mul3A_746 : vector<16xf32>
        %mul3A_748 = arith.mulf %sub3A_744, %sub3A_744 : vector<16xf32>
        %add3A_749 = arith.addf %add3A_747, %mul3A_748 : vector<16xf32>
        %lt3A_750 = arith.cmpf olt, %add3A_749, %select_n3A_719 : vector<16xf32>
        %select_n3A_751 = arith.select %lt3A_750, %add3A_749, %select_n3A_719 : vector<16xi1>, vector<16xf32>
        %jit3A_752 = arith.constant 12 : i32
        %broadcast_in_dim3A_753 = vector.broadcast %jit3A_752 : i32 to vector<16xi32>
        %select_n3A_754 = arith.select %lt3A_750, %broadcast_in_dim3A_753, %select_n3A_722 : vector<16xi1>, vector<16xi32>
        %sub3A_755 = vector.broadcast %squeeze3A_37 : f32 to vector<16xf32>
        %sub3A_756 = arith.subf %sub3A_342, %sub3A_755 : vector<16xf32>
        %sub3A_757 = vector.broadcast %squeeze3A_67 : f32 to vector<16xf32>
        %sub3A_758 = arith.subf %sub3A_344, %sub3A_757 : vector<16xf32>
        %sub3A_759 = vector.broadcast %squeeze3A_97 : f32 to vector<16xf32>
        %sub3A_760 = arith.subf %sub3A_346, %sub3A_759 : vector<16xf32>
        %mul3A_761 = arith.mulf %sub3A_756, %sub3A_756 : vector<16xf32>
        %mul3A_762 = arith.mulf %sub3A_758, %sub3A_758 : vector<16xf32>
        %add3A_763 = arith.addf %mul3A_761, %mul3A_762 : vector<16xf32>
        %mul3A_764 = arith.mulf %sub3A_760, %sub3A_760 : vector<16xf32>
        %add3A_765 = arith.addf %add3A_763, %mul3A_764 : vector<16xf32>
        %lt3A_766 = arith.cmpf olt, %add3A_765, %select_n3A_735 : vector<16xf32>
        %select_n3A_767 = arith.select %lt3A_766, %add3A_765, %select_n3A_735 : vector<16xi1>, vector<16xf32>
        %jit3A_768 = arith.constant 12 : i32
        %broadcast_in_dim3A_769 = vector.broadcast %jit3A_768 : i32 to vector<16xi32>
        %select_n3A_770 = arith.select %lt3A_766, %broadcast_in_dim3A_769, %select_n3A_738 : vector<16xi1>, vector<16xi32>
        %sub3A_771 = vector.broadcast %squeeze3A_39 : f32 to vector<16xf32>
        %sub3A_772 = arith.subf %sub3A, %sub3A_771 : vector<16xf32>
        %sub3A_773 = vector.broadcast %squeeze3A_69 : f32 to vector<16xf32>
        %sub3A_774 = arith.subf %sub3A_338, %sub3A_773 : vector<16xf32>
        %sub3A_775 = vector.broadcast %squeeze3A_99 : f32 to vector<16xf32>
        %sub3A_776 = arith.subf %sub3A_340, %sub3A_775 : vector<16xf32>
        %mul3A_777 = arith.mulf %sub3A_772, %sub3A_772 : vector<16xf32>
        %mul3A_778 = arith.mulf %sub3A_774, %sub3A_774 : vector<16xf32>
        %add3A_779 = arith.addf %mul3A_777, %mul3A_778 : vector<16xf32>
        %mul3A_780 = arith.mulf %sub3A_776, %sub3A_776 : vector<16xf32>
        %add3A_781 = arith.addf %add3A_779, %mul3A_780 : vector<16xf32>
        %lt3A_782 = arith.cmpf olt, %add3A_781, %select_n3A_751 : vector<16xf32>
        %select_n3A_783 = arith.select %lt3A_782, %add3A_781, %select_n3A_751 : vector<16xi1>, vector<16xf32>
        %jit3A_784 = arith.constant 13 : i32
        %broadcast_in_dim3A_785 = vector.broadcast %jit3A_784 : i32 to vector<16xi32>
        %select_n3A_786 = arith.select %lt3A_782, %broadcast_in_dim3A_785, %select_n3A_754 : vector<16xi1>, vector<16xi32>
        %sub3A_787 = vector.broadcast %squeeze3A_39 : f32 to vector<16xf32>
        %sub3A_788 = arith.subf %sub3A_342, %sub3A_787 : vector<16xf32>
        %sub3A_789 = vector.broadcast %squeeze3A_69 : f32 to vector<16xf32>
        %sub3A_790 = arith.subf %sub3A_344, %sub3A_789 : vector<16xf32>
        %sub3A_791 = vector.broadcast %squeeze3A_99 : f32 to vector<16xf32>
        %sub3A_792 = arith.subf %sub3A_346, %sub3A_791 : vector<16xf32>
        %mul3A_793 = arith.mulf %sub3A_788, %sub3A_788 : vector<16xf32>
        %mul3A_794 = arith.mulf %sub3A_790, %sub3A_790 : vector<16xf32>
        %add3A_795 = arith.addf %mul3A_793, %mul3A_794 : vector<16xf32>
        %mul3A_796 = arith.mulf %sub3A_792, %sub3A_792 : vector<16xf32>
        %add3A_797 = arith.addf %add3A_795, %mul3A_796 : vector<16xf32>
        %lt3A_798 = arith.cmpf olt, %add3A_797, %select_n3A_767 : vector<16xf32>
        %select_n3A_799 = arith.select %lt3A_798, %add3A_797, %select_n3A_767 : vector<16xi1>, vector<16xf32>
        %jit3A_800 = arith.constant 13 : i32
        %broadcast_in_dim3A_801 = vector.broadcast %jit3A_800 : i32 to vector<16xi32>
        %select_n3A_802 = arith.select %lt3A_798, %broadcast_in_dim3A_801, %select_n3A_770 : vector<16xi1>, vector<16xi32>
        %sub3A_803 = vector.broadcast %squeeze3A_41 : f32 to vector<16xf32>
        %sub3A_804 = arith.subf %sub3A, %sub3A_803 : vector<16xf32>
        %sub3A_805 = vector.broadcast %squeeze3A_71 : f32 to vector<16xf32>
        %sub3A_806 = arith.subf %sub3A_338, %sub3A_805 : vector<16xf32>
        %sub3A_807 = vector.broadcast %squeeze3A_101 : f32 to vector<16xf32>
        %sub3A_808 = arith.subf %sub3A_340, %sub3A_807 : vector<16xf32>
        %mul3A_809 = arith.mulf %sub3A_804, %sub3A_804 : vector<16xf32>
        %mul3A_810 = arith.mulf %sub3A_806, %sub3A_806 : vector<16xf32>
        %add3A_811 = arith.addf %mul3A_809, %mul3A_810 : vector<16xf32>
        %mul3A_812 = arith.mulf %sub3A_808, %sub3A_808 : vector<16xf32>
        %add3A_813 = arith.addf %add3A_811, %mul3A_812 : vector<16xf32>
        %lt3A_814 = arith.cmpf olt, %add3A_813, %select_n3A_783 : vector<16xf32>
        %select_n3A_815 = arith.select %lt3A_814, %add3A_813, %select_n3A_783 : vector<16xi1>, vector<16xf32>
        %jit3A_816 = arith.constant 14 : i32
        %broadcast_in_dim3A_817 = vector.broadcast %jit3A_816 : i32 to vector<16xi32>
        %select_n3A_818 = arith.select %lt3A_814, %broadcast_in_dim3A_817, %select_n3A_786 : vector<16xi1>, vector<16xi32>
        %sub3A_819 = vector.broadcast %squeeze3A_41 : f32 to vector<16xf32>
        %sub3A_820 = arith.subf %sub3A_342, %sub3A_819 : vector<16xf32>
        %sub3A_821 = vector.broadcast %squeeze3A_71 : f32 to vector<16xf32>
        %sub3A_822 = arith.subf %sub3A_344, %sub3A_821 : vector<16xf32>
        %sub3A_823 = vector.broadcast %squeeze3A_101 : f32 to vector<16xf32>
        %sub3A_824 = arith.subf %sub3A_346, %sub3A_823 : vector<16xf32>
        %mul3A_825 = arith.mulf %sub3A_820, %sub3A_820 : vector<16xf32>
        %mul3A_826 = arith.mulf %sub3A_822, %sub3A_822 : vector<16xf32>
        %add3A_827 = arith.addf %mul3A_825, %mul3A_826 : vector<16xf32>
        %mul3A_828 = arith.mulf %sub3A_824, %sub3A_824 : vector<16xf32>
        %add3A_829 = arith.addf %add3A_827, %mul3A_828 : vector<16xf32>
        %lt3A_830 = arith.cmpf olt, %add3A_829, %select_n3A_799 : vector<16xf32>
        %select_n3A_831 = arith.select %lt3A_830, %add3A_829, %select_n3A_799 : vector<16xi1>, vector<16xf32>
        %jit3A_832 = arith.constant 14 : i32
        %broadcast_in_dim3A_833 = vector.broadcast %jit3A_832 : i32 to vector<16xi32>
        %select_n3A_834 = arith.select %lt3A_830, %broadcast_in_dim3A_833, %select_n3A_802 : vector<16xi1>, vector<16xi32>
        %bitcast3A = vector.bitcast %select_n3A_815 : vector<16xf32> to vector<16xi32>
        %shift_right_logical3A = arith.constant 1 : i32
        %shift_right_logical3A_835 = vector.broadcast %shift_right_logical3A : i32 to vector<16xi32>
        %shift_right_logical3A_836 = arith.shrui %bitcast3A, %shift_right_logical3A_835 : vector<16xi32>
        %add3A_837 = arith.constant 532487670 : i32
        %add3A_838 = vector.broadcast %add3A_837 : i32 to vector<16xi32>
        %add3A_839 = arith.addi %shift_right_logical3A_836, %add3A_838 : vector<16xi32>
        %bitcast3A_840 = vector.bitcast %add3A_839 : vector<16xi32> to vector<16xf32>
        %div3A = arith.divf %select_n3A_815, %bitcast3A_840 : vector<16xf32>
        %add3A_841 = arith.addf %bitcast3A_840, %div3A : vector<16xf32>
        %mul3A_842 = arith.constant 5.000000e-01 : f32
        %mul3A_843 = vector.broadcast %mul3A_842 : f32 to vector<16xf32>
        %mul3A_844 = arith.mulf %mul3A_843, %add3A_841 : vector<16xf32>
        %div3A_845 = arith.divf %select_n3A_815, %mul3A_844 : vector<16xf32>
        %add3A_846 = arith.addf %mul3A_844, %div3A_845 : vector<16xf32>
        %mul3A_847 = arith.constant 5.000000e-01 : f32
        %mul3A_848 = vector.broadcast %mul3A_847 : f32 to vector<16xf32>
        %mul3A_849 = arith.mulf %mul3A_848, %add3A_846 : vector<16xf32>
        %div3A_850 = arith.divf %select_n3A_815, %mul3A_849 : vector<16xf32>
        %add3A_851 = arith.addf %mul3A_849, %div3A_850 : vector<16xf32>
        %mul3A_852 = arith.constant 5.000000e-01 : f32
        %mul3A_853 = vector.broadcast %mul3A_852 : f32 to vector<16xf32>
        %mul3A_854 = arith.mulf %mul3A_853, %add3A_851 : vector<16xf32>
        %mul3A_855 = arith.constant 1.66666663 : f32
        %mul3A_856 = vector.broadcast %mul3A_855 : f32 to vector<16xf32>
        %mul3A_857 = arith.mulf %mul3A_854, %mul3A_856 : vector<16xf32>
        %sub3A_858 = arith.constant 1.000000e+00 : f32
        %sub3A_859 = vector.broadcast %sub3A_858 : f32 to vector<16xf32>
        %sub3A_860 = arith.subf %sub3A_859, %mul3A_857 : vector<16xf32>
        %max3A = arith.constant 0.000000e+00 : f32
        %max3A_861 = vector.broadcast %max3A : f32 to vector<16xf32>
        %max3A_862 = arith.maximumf %sub3A_860, %max3A_861 : vector<16xf32>
        %bitcast3A_863 = vector.bitcast %select_n3A_831 : vector<16xf32> to vector<16xi32>
        %shift_right_logical3A_864 = arith.constant 1 : i32
        %shift_right_logical3A_865 = vector.broadcast %shift_right_logical3A_864 : i32 to vector<16xi32>
        %shift_right_logical3A_866 = arith.shrui %bitcast3A_863, %shift_right_logical3A_865 : vector<16xi32>
        %add3A_867 = arith.constant 532487670 : i32
        %add3A_868 = vector.broadcast %add3A_867 : i32 to vector<16xi32>
        %add3A_869 = arith.addi %shift_right_logical3A_866, %add3A_868 : vector<16xi32>
        %bitcast3A_870 = vector.bitcast %add3A_869 : vector<16xi32> to vector<16xf32>
        %div3A_871 = arith.divf %select_n3A_831, %bitcast3A_870 : vector<16xf32>
        %add3A_872 = arith.addf %bitcast3A_870, %div3A_871 : vector<16xf32>
        %mul3A_873 = arith.constant 5.000000e-01 : f32
        %mul3A_874 = vector.broadcast %mul3A_873 : f32 to vector<16xf32>
        %mul3A_875 = arith.mulf %mul3A_874, %add3A_872 : vector<16xf32>
        %div3A_876 = arith.divf %select_n3A_831, %mul3A_875 : vector<16xf32>
        %add3A_877 = arith.addf %mul3A_875, %div3A_876 : vector<16xf32>
        %mul3A_878 = arith.constant 5.000000e-01 : f32
        %mul3A_879 = vector.broadcast %mul3A_878 : f32 to vector<16xf32>
        %mul3A_880 = arith.mulf %mul3A_879, %add3A_877 : vector<16xf32>
        %div3A_881 = arith.divf %select_n3A_831, %mul3A_880 : vector<16xf32>
        %add3A_882 = arith.addf %mul3A_880, %div3A_881 : vector<16xf32>
        %mul3A_883 = arith.constant 5.000000e-01 : f32
        %mul3A_884 = vector.broadcast %mul3A_883 : f32 to vector<16xf32>
        %mul3A_885 = arith.mulf %mul3A_884, %add3A_882 : vector<16xf32>
        %mul3A_886 = arith.constant 1.66666663 : f32
        %mul3A_887 = vector.broadcast %mul3A_886 : f32 to vector<16xf32>
        %mul3A_888 = arith.mulf %mul3A_885, %mul3A_887 : vector<16xf32>
        %sub3A_889 = arith.constant 1.000000e+00 : f32
        %sub3A_890 = vector.broadcast %sub3A_889 : f32 to vector<16xf32>
        %sub3A_891 = arith.subf %sub3A_890, %mul3A_888 : vector<16xf32>
        %max3A_892 = arith.constant 0.000000e+00 : f32
        %max3A_893 = vector.broadcast %max3A_892 : f32 to vector<16xf32>
        %max3A_894 = arith.maximumf %sub3A_891, %max3A_893 : vector<16xf32>
        %mul3A_895 = arith.constant 32 : i32
        %mul3A_896 = arith.muli %scan3A_307, %mul3A_895 : i32
        %add3A_897 = vector.broadcast %mul3A_896 : i32 to vector<16xi32>
        %add3A_898 = arith.addi %iota3A, %add3A_897 : vector<16xi32>
        tpu.vector_store_idx %arg25[%add3A_898], %select_n3A_818 : memref<128xi32, #tpu.memory_space<vmem>>[vector<16xi32>], vector<16xi32>,
        %mul3A_899 = arith.constant 32 : i32
        %mul3A_900 = arith.muli %scan3A_307, %mul3A_899 : i32
        %add3A_901 = arith.constant 16 : i32
        %add3A_902 = arith.addi %mul3A_900, %add3A_901 : i32
        %add3A_903 = vector.broadcast %add3A_902 : i32 to vector<16xi32>
        %add3A_904 = arith.addi %iota3A, %add3A_903 : vector<16xi32>
        tpu.vector_store_idx %arg25[%add3A_904], %select_n3A_834 : memref<128xi32, #tpu.memory_space<vmem>>[vector<16xi32>], vector<16xi32>,
        %mul3A_905 = arith.constant 32 : i32
        %mul3A_906 = arith.muli %scan3A_307, %mul3A_905 : i32
        %add3A_907 = vector.broadcast %mul3A_906 : i32 to vector<16xi32>
        %add3A_908 = arith.addi %iota3A, %add3A_907 : vector<16xi32>
        tpu.vector_store_idx %arg26[%add3A_908], %max3A_862 : memref<128xf32, #tpu.memory_space<vmem>>[vector<16xi32>], vector<16xf32>,
        %mul3A_909 = arith.constant 32 : i32
        %mul3A_910 = arith.muli %scan3A_307, %mul3A_909 : i32
        %add3A_911 = arith.constant 16 : i32
        %add3A_912 = arith.addi %mul3A_910, %add3A_911 : i32
        %add3A_913 = vector.broadcast %add3A_912 : i32 to vector<16xi32>
        %add3A_914 = arith.addi %iota3A, %add3A_913 : vector<16xi32>
        tpu.vector_store_idx %arg26[%add3A_914], %max3A_894 : memref<128xf32, #tpu.memory_space<vmem>>[vector<16xi32>], vector<16xf32>,
      }
      %scan3A_220 = arith.constant 4 : i32
      %ge3A = arith.constant 2 : i32
      %ge3A_221 = arith.cmpi sge, %scan3A_200, %ge3A : i32
      %convert_element_type3A_222 = arith.extui %ge3A_221 : i1 to i32
      %cond3A_223 = arith.constant 0 : i32
      %cond3A_224 = arith.cmpi ne, %convert_element_type3A_222, %cond3A_223 : i32
      scf.if %cond3A_224 {
        %dma_wait3A_307 = arith.constant 0 : i32
        %dma_wait3A_308 = tpu.memref_slice %arg24[%dma_wait3A_307] : memref<1024xf32, #tpu.memory_space<vmem>> -> memref<512xf32, #tpu.memory_space<vmem>>
        %dma_wait3A_309 = arith.constant 0 : i32
        %dma_wait3A_310 = tpu.memref_slice %arg11[%dma_wait3A_309] : memref<1294336xf32, #tpu.memory_space<hbm>> -> memref<512xf32, #tpu.memory_space<hbm>>
        %dma_wait3A_311 = arith.constant 0 : i32
        %dma_wait3A_312 = tpu.memref_slice %arg11[%dma_wait3A_311] : memref<1294336xf32, #tpu.memory_space<hbm>> -> memref<512xf32, #tpu.memory_space<hbm>>
        %dma_wait3A_313 = arith.constant 0 : i32
        %dma_wait3A_314 = tpu.memref_slice %arg24[%dma_wait3A_313] : memref<1024xf32, #tpu.memory_space<vmem>> -> memref<512xf32, #tpu.memory_space<vmem>>
        tpu.wait_dma2 semaphore(%arg29 : memref<!tpu.dma_semaphore, #tpu.memory_space<semaphore_mem>>) src(%dma_wait3A_314 : memref<512xf32, #tpu.memory_space<vmem>>) dst(%dma_wait3A_312 : memref<512xf32, #tpu.memory_space<hbm>>)
      } else {
      }
      %dma_wait3A_225 = tpu.memref_slice %arg5[%mul3A_213] : memref<2426880xf32, #tpu.memory_space<hbm>> -> memref<960xf32, #tpu.memory_space<hbm>>
      %dma_wait3A_226 = tpu.memref_slice %arg5[%mul3A_213] : memref<2426880xf32, #tpu.memory_space<hbm>> -> memref<960xf32, #tpu.memory_space<hbm>>
      tpu.wait_dma2 semaphore(%arg28 : memref<!tpu.dma_semaphore, #tpu.memory_space<semaphore_mem>>) src(%dma_wait3A_226 : memref<960xf32, #tpu.memory_space<hbm>>) dst(%arg23 : memref<960xf32, #tpu.memory_space<vmem>>)
      %mul3A_227 = arith.constant 4 : i32
      %mul3A_228 = arith.muli %scan3A_200, %mul3A_227 : i32
      %mul3A_229 = arith.constant 32 : i32
      %mul3A_230 = arith.muli %mul3A_228, %mul3A_229 : i32
      %jit3A = arith.constant 2 : i32
      %eq3A_231 = arith.constant 0 : i32
      %eq3A_232 = arith.cmpi eq, %jit3A, %eq3A_231 : i32
      %jit3A_233 = arith.constant 1 : i32
      %select_n3A = arith.select %eq3A_232, %jit3A_233, %jit3A : i32
      %rem3A = arith.remsi %scan3A_200, %select_n3A : i32
      %ne3A = arith.constant 0 : i32
      %ne3A_234 = arith.cmpi ne, %rem3A, %ne3A : i32
      %lt3A_235 = arith.constant 0 : i32
      %lt3A_236 = arith.cmpi slt, %rem3A, %lt3A_235 : i32
      %lt3A_237 = arith.constant 0 : i32
      %lt3A_238 = arith.cmpi slt, %select_n3A, %lt3A_237 : i32
      %ne3A_239 = arith.xori %lt3A_236, %lt3A_238 : i1
      %and3A = arith.andi %ne3A_239, %ne3A_234 : i1
      %add3A_240 = arith.addi %rem3A, %select_n3A : i32
      %select_n3A_241 = arith.select %and3A, %add3A_240, %rem3A : i32
      %mul3A_242 = arith.constant 4 : i32
      %mul3A_243 = arith.muli %select_n3A_241, %mul3A_242 : i32
      %mul3A_244 = arith.constant 32 : i32
      %mul3A_245 = arith.muli %mul3A_243, %mul3A_244 : i32
      %multiple_of3A_246 = tpu.assume_multiple %mul3A_245, 128 : i32
      %dma_wait3A_247 = arith.constant 0 : i32
      %dma_wait3A_248 = tpu.memref_slice %arg22[%multiple_of3A_246, %dma_wait3A_247] : memref<256x128xf32, #tpu.memory_space<vmem>> -> memref<128x128xf32, #tpu.memory_space<vmem>>
      %dma_wait3A_249 = tpu.memref_slice %arg21[%mul3A_230] : memref<10112xi32, #tpu.memory_space<vmem>> -> memref<128xi32, #tpu.memory_space<vmem>>
      %dma_wait3A_250 = arith.constant 0 : i32
      %dma_wait3A_251 = arith.constant 0 : i32
      %dma_wait3A_252 = tpu.memref_slice %arg2[%dma_wait3A_250, %dma_wait3A_251] : memref<10000x128xf32, #tpu.memory_space<hbm>> -> memref<10000x128xf32, #tpu.memory_space<hbm>>
      tpu.wait_indirect_dma semaphore(%arg27 : memref<!tpu.dma_semaphore, #tpu.memory_space<semaphore_mem>>) src(%dma_wait3A_252 : memref<10000x128xf32, #tpu.memory_space<hbm>>) dst(%dma_wait3A_248 : memref<128x128xf32, #tpu.memory_space<vmem>>)
      %jit3A_253 = arith.constant 2 : i32
      %eq3A_254 = arith.constant 0 : i32
      %eq3A_255 = arith.cmpi eq, %jit3A_253, %eq3A_254 : i32
      %jit3A_256 = arith.constant 1 : i32
      %select_n3A_257 = arith.select %eq3A_255, %jit3A_256, %jit3A_253 : i32
      %rem3A_258 = arith.remsi %scan3A_200, %select_n3A_257 : i32
      %ne3A_259 = arith.constant 0 : i32
      %ne3A_260 = arith.cmpi ne, %rem3A_258, %ne3A_259 : i32
      %lt3A_261 = arith.constant 0 : i32
      %lt3A_262 = arith.cmpi slt, %rem3A_258, %lt3A_261 : i32
      %lt3A_263 = arith.constant 0 : i32
      %lt3A_264 = arith.cmpi slt, %select_n3A_257, %lt3A_263 : i32
      %ne3A_265 = arith.xori %lt3A_262, %lt3A_264 : i1
      %and3A_266 = arith.andi %ne3A_265, %ne3A_260 : i1
      %add3A_267 = arith.addi %rem3A_258, %select_n3A_257 : i32
      %select_n3A_268 = arith.select %and3A_266, %add3A_267, %rem3A_258 : i32
      %mul3A_269 = arith.constant 4 : i32
      %mul3A_270 = arith.muli %select_n3A_268, %mul3A_269 : i32
      %mul3A_271 = arith.constant 128 : i32
      %mul3A_272 = arith.muli %mul3A_270, %mul3A_271 : i32
      %jit3A_273 = arith.constant 2 : i32
      %eq3A_274 = arith.constant 0 : i32
      %eq3A_275 = arith.cmpi eq, %jit3A_273, %eq3A_274 : i32
      %jit3A_276 = arith.constant 1 : i32
      %select_n3A_277 = arith.select %eq3A_275, %jit3A_276, %jit3A_273 : i32
      %rem3A_278 = arith.remsi %scan3A_200, %select_n3A_277 : i32
      %ne3A_279 = arith.constant 0 : i32
      %ne3A_280 = arith.cmpi ne, %rem3A_278, %ne3A_279 : i32
      %lt3A_281 = arith.constant 0 : i32
      %lt3A_282 = arith.cmpi slt, %rem3A_278, %lt3A_281 : i32
      %lt3A_283 = arith.constant 0 : i32
      %lt3A_284 = arith.cmpi slt, %select_n3A_277, %lt3A_283 : i32
      %ne3A_285 = arith.xori %lt3A_282, %lt3A_284 : i1
      %and3A_286 = arith.andi %ne3A_285, %ne3A_280 : i1
      %add3A_287 = arith.addi %rem3A_278, %select_n3A_277 : i32
      %select_n3A_288 = arith.select %and3A_286, %add3A_287, %rem3A_278 : i32
      %mul3A_289 = arith.constant 4 : i32
      %mul3A_290 = arith.muli %select_n3A_288, %mul3A_289 : i32
      %mul3A_291 = arith.constant 32 : i32
      %mul3A_292 = arith.muli %mul3A_290, %mul3A_291 : i32
      %scan3A_293 = arith.constant 0 : i32
      %scan3A_294 = arith.constant 4 : i32
      %scan3A_295 = arith.addi %scan3A_293, %scan3A_294 : i32
      %scan3A_296 = arith.constant 1 : i32
      scf.for %scan3A_307 = %scan3A_293 to %scan3A_295 step %scan3A_296  : i32 {
        %mul3A_308 = arith.constant 32 : i32
        %mul3A_309 = arith.muli %scan3A_307, %mul3A_308 : i32
        %get3A_310 = arith.index_cast %mul3A_309 : i32 to index
        %get3A_311 = tpu.vector_load %arg25[%get3A_310] {strides = array<i32>} : memref<128xi32, #tpu.memory_space<vmem>>, vector<16xi32>,
        %mul3A_312 = arith.constant 32 : i32
        %mul3A_313 = arith.muli %scan3A_307, %mul3A_312 : i32
        %add3A_314 = arith.constant 16 : i32
        %add3A_315 = arith.addi %mul3A_313, %add3A_314 : i32
        %get3A_316 = arith.index_cast %add3A_315 : i32 to index
        %get3A_317 = tpu.vector_load %arg25[%get3A_316] {strides = array<i32>} : memref<128xi32, #tpu.memory_space<vmem>>, vector<16xi32>,
        %mul3A_318 = arith.constant 32 : i32
        %mul3A_319 = arith.muli %scan3A_307, %mul3A_318 : i32
        %get3A_320 = arith.index_cast %mul3A_319 : i32 to index
        %get3A_321 = tpu.vector_load %arg26[%get3A_320] {strides = array<i32>} : memref<128xf32, #tpu.memory_space<vmem>>, vector<16xf32>,
        %mul3A_322 = arith.constant 32 : i32
        %mul3A_323 = arith.muli %scan3A_307, %mul3A_322 : i32
        %add3A_324 = arith.constant 16 : i32
        %add3A_325 = arith.addi %mul3A_323, %add3A_324 : i32
        %get3A_326 = arith.index_cast %add3A_325 : i32 to index
        %get3A_327 = tpu.vector_load %arg26[%get3A_326] {strides = array<i32>} : memref<128xf32, #tpu.memory_space<vmem>>, vector<16xf32>,
        %broadcast_in_dim3A = arith.constant 0.000000e+00 : f32
        %broadcast_in_dim3A_328 = vector.broadcast %broadcast_in_dim3A : f32 to vector<16xf32>
        %broadcast_in_dim3A_329 = arith.constant 0.000000e+00 : f32
        %broadcast_in_dim3A_330 = vector.broadcast %broadcast_in_dim3A_329 : f32 to vector<16xf32>
        %broadcast_in_dim3A_331 = arith.constant 0.000000e+00 : f32
        %broadcast_in_dim3A_332 = vector.broadcast %broadcast_in_dim3A_331 : f32 to vector<16xf32>
        %broadcast_in_dim3A_333 = arith.constant 0.000000e+00 : f32
        %broadcast_in_dim3A_334 = vector.broadcast %broadcast_in_dim3A_333 : f32 to vector<16xf32>
        %broadcast_in_dim3A_335 = arith.constant 0.000000e+00 : f32
        %broadcast_in_dim3A_336 = vector.broadcast %broadcast_in_dim3A_335 : f32 to vector<16xf32>
        %broadcast_in_dim3A_337 = arith.constant 0.000000e+00 : f32
        %broadcast_in_dim3A_338 = vector.broadcast %broadcast_in_dim3A_337 : f32 to vector<16xf32>
        %broadcast_in_dim3A_339 = arith.constant 0.000000e+00 : f32
        %broadcast_in_dim3A_340 = vector.broadcast %broadcast_in_dim3A_339 : f32 to vector<16xf32>
        %broadcast_in_dim3A_341 = arith.constant 0.000000e+00 : f32
        %broadcast_in_dim3A_342 = vector.broadcast %broadcast_in_dim3A_341 : f32 to vector<16xf32>
        %slice3A_343 = vector.extract_strided_slice %get3A_311 {offsets = [0], sizes = [1], strides = [1]} : vector<16xi32> to vector<1xi32>
        %squeeze3A_344 = vector.extract %slice3A_343[0] : i32 from vector<1xi32>
        %slice3A_345 = vector.extract_strided_slice %get3A_321 {offsets = [0], sizes = [1], strides = [1]} : vector<16xf32> to vector<1xf32>
        %squeeze3A_346 = vector.extract %slice3A_345[0] : f32 from vector<1xf32>
        %mul3A_347 = arith.constant 15 : i32
        %mul3A_348 = arith.muli %scan3A_307, %mul3A_347 : i32
        %mul3A_349 = arith.constant 16 : i32
        %mul3A_350 = arith.muli %mul3A_348, %mul3A_349 : i32
        %mul3A_351 = arith.constant 16 : i32
        %mul3A_352 = arith.muli %squeeze3A_344, %mul3A_351 : i32
        %add3A_353 = arith.addi %mul3A_350, %mul3A_352 : i32
        %get3A_354 = arith.index_cast %add3A_353 : i32 to index
        %get3A_355 = tpu.vector_load %arg23[%get3A_354] {strides = array<i32>} : memref<960xf32, #tpu.memory_space<vmem>>, vector<16xf32>,
        %mul3A_356 = vector.broadcast %squeeze3A_346 : f32 to vector<16xf32>
        %mul3A_357 = arith.mulf %mul3A_356, %get3A_355 : vector<16xf32>
        %mul3A_358 = arith.constant 128 : i32
        %mul3A_359 = arith.muli %squeeze3A_344, %mul3A_358 : i32
        %mul3A_360 = arith.constant 32 : i32
        %mul3A_361 = arith.muli %scan3A_307, %mul3A_360 : i32
        %add3A_362 = arith.addi %mul3A_292, %mul3A_361 : i32
        %add3A_363 = arith.constant 0 : i32
        %add3A_364 = arith.addi %add3A_362, %add3A_363 : i32
        %get3A_365 = arith.index_cast %add3A_364 : i32 to index
        %get3A_366 = arith.constant 0 : index
        %get3A_367 = tpu.vector_load %arg22[%get3A_365, %get3A_366] {strides = array<i32>} : memref<256x128xf32, #tpu.memory_space<vmem>>, vector<16xf32>,
        %add3A_368 = arith.constant 0 : i32
        %add3A_369 = arith.addi %mul3A_359, %add3A_368 : i32
        %get3A_370 = arith.index_cast %add3A_369 : i32 to index
        %get3A_371 = tpu.vector_load %arg19[%get3A_370] {strides = array<i32>} : memref<1920xf32, #tpu.memory_space<vmem>>, vector<16xf32>,
        %mul3A_372 = arith.mulf %get3A_371, %mul3A_357 : vector<16xf32>
        %mul3A_373 = arith.mulf %get3A_367, %mul3A_372 : vector<16xf32>
        %add3A_374 = arith.addf %broadcast_in_dim3A_328, %mul3A_373 : vector<16xf32>
        %get3A_375 = arith.index_cast %add3A_364 : i32 to index
        %get3A_376 = arith.constant 16 : index
        %get3A_377 = tpu.vector_load %arg22[%get3A_375, %get3A_376] {strides = array<i32>} : memref<256x128xf32, #tpu.memory_space<vmem>>, vector<16xf32>,
        %add3A_378 = arith.constant 16 : i32
        %add3A_379 = arith.addi %mul3A_359, %add3A_378 : i32
        %get3A_380 = arith.index_cast %add3A_379 : i32 to index
        %get3A_381 = tpu.vector_load %arg19[%get3A_380] {strides = array<i32>} : memref<1920xf32, #tpu.memory_space<vmem>>, vector<16xf32>,
        %mul3A_382 = arith.mulf %get3A_381, %mul3A_357 : vector<16xf32>
        %mul3A_383 = arith.mulf %get3A_377, %mul3A_382 : vector<16xf32>
        %add3A_384 = arith.addf %broadcast_in_dim3A_330, %mul3A_383 : vector<16xf32>
        %get3A_385 = arith.index_cast %add3A_364 : i32 to index
        %get3A_386 = arith.constant 32 : index
        %get3A_387 = tpu.vector_load %arg22[%get3A_385, %get3A_386] {strides = array<i32>} : memref<256x128xf32, #tpu.memory_space<vmem>>, vector<16xf32>,
        %add3A_388 = arith.constant 32 : i32
        %add3A_389 = arith.addi %mul3A_359, %add3A_388 : i32
        %get3A_390 = arith.index_cast %add3A_389 : i32 to index
        %get3A_391 = tpu.vector_load %arg19[%get3A_390] {strides = array<i32>} : memref<1920xf32, #tpu.memory_space<vmem>>, vector<16xf32>,
        %mul3A_392 = arith.mulf %get3A_391, %mul3A_357 : vector<16xf32>
        %mul3A_393 = arith.mulf %get3A_387, %mul3A_392 : vector<16xf32>
        %add3A_394 = arith.addf %broadcast_in_dim3A_332, %mul3A_393 : vector<16xf32>
        %get3A_395 = arith.index_cast %add3A_364 : i32 to index
        %get3A_396 = arith.constant 48 : index
        %get3A_397 = tpu.vector_load %arg22[%get3A_395, %get3A_396] {strides = array<i32>} : memref<256x128xf32, #tpu.memory_space<vmem>>, vector<16xf32>,
        %add3A_398 = arith.constant 48 : i32
        %add3A_399 = arith.addi %mul3A_359, %add3A_398 : i32
        %get3A_400 = arith.index_cast %add3A_399 : i32 to index
        %get3A_401 = tpu.vector_load %arg19[%get3A_400] {strides = array<i32>} : memref<1920xf32, #tpu.memory_space<vmem>>, vector<16xf32>,
        %mul3A_402 = arith.mulf %get3A_401, %mul3A_357 : vector<16xf32>
        %mul3A_403 = arith.mulf %get3A_397, %mul3A_402 : vector<16xf32>
        %add3A_404 = arith.addf %broadcast_in_dim3A_334, %mul3A_403 : vector<16xf32>
        %get3A_405 = arith.index_cast %add3A_364 : i32 to index
        %get3A_406 = arith.constant 64 : index
        %get3A_407 = tpu.vector_load %arg22[%get3A_405, %get3A_406] {strides = array<i32>} : memref<256x128xf32, #tpu.memory_space<vmem>>, vector<16xf32>,
        %add3A_408 = arith.constant 64 : i32
        %add3A_409 = arith.addi %mul3A_359, %add3A_408 : i32
        %get3A_410 = arith.index_cast %add3A_409 : i32 to index
        %get3A_411 = tpu.vector_load %arg19[%get3A_410] {strides = array<i32>} : memref<1920xf32, #tpu.memory_space<vmem>>, vector<16xf32>,
        %mul3A_412 = arith.mulf %get3A_411, %mul3A_357 : vector<16xf32>
        %mul3A_413 = arith.mulf %get3A_407, %mul3A_412 : vector<16xf32>
        %add3A_414 = arith.addf %broadcast_in_dim3A_336, %mul3A_413 : vector<16xf32>
        %get3A_415 = arith.index_cast %add3A_364 : i32 to index
        %get3A_416 = arith.constant 80 : index
        %get3A_417 = tpu.vector_load %arg22[%get3A_415, %get3A_416] {strides = array<i32>} : memref<256x128xf32, #tpu.memory_space<vmem>>, vector<16xf32>,
        %add3A_418 = arith.constant 80 : i32
        %add3A_419 = arith.addi %mul3A_359, %add3A_418 : i32
        %get3A_420 = arith.index_cast %add3A_419 : i32 to index
        %get3A_421 = tpu.vector_load %arg19[%get3A_420] {strides = array<i32>} : memref<1920xf32, #tpu.memory_space<vmem>>, vector<16xf32>,
        %mul3A_422 = arith.mulf %get3A_421, %mul3A_357 : vector<16xf32>
        %mul3A_423 = arith.mulf %get3A_417, %mul3A_422 : vector<16xf32>
        %add3A_424 = arith.addf %broadcast_in_dim3A_338, %mul3A_423 : vector<16xf32>
        %get3A_425 = arith.index_cast %add3A_364 : i32 to index
        %get3A_426 = arith.constant 96 : index
        %get3A_427 = tpu.vector_load %arg22[%get3A_425, %get3A_426] {strides = array<i32>} : memref<256x128xf32, #tpu.memory_space<vmem>>, vector<16xf32>,
        %add3A_428 = arith.constant 96 : i32
        %add3A_429 = arith.addi %mul3A_359, %add3A_428 : i32
        %get3A_430 = arith.index_cast %add3A_429 : i32 to index
        %get3A_431 = tpu.vector_load %arg19[%get3A_430] {strides = array<i32>} : memref<1920xf32, #tpu.memory_space<vmem>>, vector<16xf32>,
        %mul3A_432 = arith.mulf %get3A_431, %mul3A_357 : vector<16xf32>
        %mul3A_433 = arith.mulf %get3A_427, %mul3A_432 : vector<16xf32>
        %add3A_434 = arith.addf %broadcast_in_dim3A_340, %mul3A_433 : vector<16xf32>
        %get3A_435 = arith.index_cast %add3A_364 : i32 to index
        %get3A_436 = arith.constant 112 : index
        %get3A_437 = tpu.vector_load %arg22[%get3A_435, %get3A_436] {strides = array<i32>} : memref<256x128xf32, #tpu.memory_space<vmem>>, vector<16xf32>,
        %add3A_438 = arith.constant 112 : i32
        %add3A_439 = arith.addi %mul3A_359, %add3A_438 : i32
        %get3A_440 = arith.index_cast %add3A_439 : i32 to index
        %get3A_441 = tpu.vector_load %arg19[%get3A_440] {strides = array<i32>} : memref<1920xf32, #tpu.memory_space<vmem>>, vector<16xf32>,
        %mul3A_442 = arith.mulf %get3A_441, %mul3A_357 : vector<16xf32>
        %mul3A_443 = arith.mulf %get3A_437, %mul3A_442 : vector<16xf32>
        %add3A_444 = arith.addf %broadcast_in_dim3A_342, %mul3A_443 : vector<16xf32>
        %slice3A_445 = vector.extract_strided_slice %get3A_311 {offsets = [1], sizes = [1], strides = [1]} : vector<16xi32> to vector<1xi32>
        %squeeze3A_446 = vector.extract %slice3A_445[0] : i32 from vector<1xi32>
        %slice3A_447 = vector.extract_strided_slice %get3A_321 {offsets = [1], sizes = [1], strides = [1]} : vector<16xf32> to vector<1xf32>
        %squeeze3A_448 = vector.extract %slice3A_447[0] : f32 from vector<1xf32>
        %mul3A_449 = arith.constant 15 : i32
        %mul3A_450 = arith.muli %scan3A_307, %mul3A_449 : i32
        %mul3A_451 = arith.constant 16 : i32
        %mul3A_452 = arith.muli %mul3A_450, %mul3A_451 : i32
        %mul3A_453 = arith.constant 16 : i32
        %mul3A_454 = arith.muli %squeeze3A_446, %mul3A_453 : i32
        %add3A_455 = arith.addi %mul3A_452, %mul3A_454 : i32
        %get3A_456 = arith.index_cast %add3A_455 : i32 to index
        %get3A_457 = tpu.vector_load %arg23[%get3A_456] {strides = array<i32>} : memref<960xf32, #tpu.memory_space<vmem>>, vector<16xf32>,
        %mul3A_458 = vector.broadcast %squeeze3A_448 : f32 to vector<16xf32>
        %mul3A_459 = arith.mulf %mul3A_458, %get3A_457 : vector<16xf32>
        %mul3A_460 = arith.constant 128 : i32
        %mul3A_461 = arith.muli %squeeze3A_446, %mul3A_460 : i32
        %mul3A_462 = arith.constant 32 : i32
        %mul3A_463 = arith.muli %scan3A_307, %mul3A_462 : i32
        %add3A_464 = arith.addi %mul3A_292, %mul3A_463 : i32
        %add3A_465 = arith.constant 1 : i32
        %add3A_466 = arith.addi %add3A_464, %add3A_465 : i32
        %get3A_467 = arith.index_cast %add3A_466 : i32 to index
        %get3A_468 = arith.constant 0 : index
        %get3A_469 = tpu.vector_load %arg22[%get3A_467, %get3A_468] {strides = array<i32>} : memref<256x128xf32, #tpu.memory_space<vmem>>, vector<16xf32>,
        %add3A_470 = arith.constant 0 : i32
        %add3A_471 = arith.addi %mul3A_461, %add3A_470 : i32
        %get3A_472 = arith.index_cast %add3A_471 : i32 to index
        %get3A_473 = tpu.vector_load %arg19[%get3A_472] {strides = array<i32>} : memref<1920xf32, #tpu.memory_space<vmem>>, vector<16xf32>,
        %mul3A_474 = arith.mulf %get3A_473, %mul3A_459 : vector<16xf32>
        %mul3A_475 = arith.mulf %get3A_469, %mul3A_474 : vector<16xf32>
        %add3A_476 = arith.addf %add3A_374, %mul3A_475 : vector<16xf32>
        %get3A_477 = arith.index_cast %add3A_466 : i32 to index
        %get3A_478 = arith.constant 16 : index
        %get3A_479 = tpu.vector_load %arg22[%get3A_477, %get3A_478] {strides = array<i32>} : memref<256x128xf32, #tpu.memory_space<vmem>>, vector<16xf32>,
        %add3A_480 = arith.constant 16 : i32
        %add3A_481 = arith.addi %mul3A_461, %add3A_480 : i32
        %get3A_482 = arith.index_cast %add3A_481 : i32 to index
        %get3A_483 = tpu.vector_load %arg19[%get3A_482] {strides = array<i32>} : memref<1920xf32, #tpu.memory_space<vmem>>, vector<16xf32>,
        %mul3A_484 = arith.mulf %get3A_483, %mul3A_459 : vector<16xf32>
        %mul3A_485 = arith.mulf %get3A_479, %mul3A_484 : vector<16xf32>
        %add3A_486 = arith.addf %add3A_384, %mul3A_485 : vector<16xf32>
        %get3A_487 = arith.index_cast %add3A_466 : i32 to index
        %get3A_488 = arith.constant 32 : index
        %get3A_489 = tpu.vector_load %arg22[%get3A_487, %get3A_488] {strides = array<i32>} : memref<256x128xf32, #tpu.memory_space<vmem>>, vector<16xf32>,
        %add3A_490 = arith.constant 32 : i32
        %add3A_491 = arith.addi %mul3A_461, %add3A_490 : i32
        %get3A_492 = arith.index_cast %add3A_491 : i32 to index
        %get3A_493 = tpu.vector_load %arg19[%get3A_492] {strides = array<i32>} : memref<1920xf32, #tpu.memory_space<vmem>>, vector<16xf32>,
        %mul3A_494 = arith.mulf %get3A_493, %mul3A_459 : vector<16xf32>
        %mul3A_495 = arith.mulf %get3A_489, %mul3A_494 : vector<16xf32>
        %add3A_496 = arith.addf %add3A_394, %mul3A_495 : vector<16xf32>
        %get3A_497 = arith.index_cast %add3A_466 : i32 to index
        %get3A_498 = arith.constant 48 : index
        %get3A_499 = tpu.vector_load %arg22[%get3A_497, %get3A_498] {strides = array<i32>} : memref<256x128xf32, #tpu.memory_space<vmem>>, vector<16xf32>,
        %add3A_500 = arith.constant 48 : i32
        %add3A_501 = arith.addi %mul3A_461, %add3A_500 : i32
        %get3A_502 = arith.index_cast %add3A_501 : i32 to index
        %get3A_503 = tpu.vector_load %arg19[%get3A_502] {strides = array<i32>} : memref<1920xf32, #tpu.memory_space<vmem>>, vector<16xf32>,
        %mul3A_504 = arith.mulf %get3A_503, %mul3A_459 : vector<16xf32>
        %mul3A_505 = arith.mulf %get3A_499, %mul3A_504 : vector<16xf32>
        %add3A_506 = arith.addf %add3A_404, %mul3A_505 : vector<16xf32>
        %get3A_507 = arith.index_cast %add3A_466 : i32 to index
        %get3A_508 = arith.constant 64 : index
        %get3A_509 = tpu.vector_load %arg22[%get3A_507, %get3A_508] {strides = array<i32>} : memref<256x128xf32, #tpu.memory_space<vmem>>, vector<16xf32>,
        %add3A_510 = arith.constant 64 : i32
        %add3A_511 = arith.addi %mul3A_461, %add3A_510 : i32
        %get3A_512 = arith.index_cast %add3A_511 : i32 to index
        %get3A_513 = tpu.vector_load %arg19[%get3A_512] {strides = array<i32>} : memref<1920xf32, #tpu.memory_space<vmem>>, vector<16xf32>,
        %mul3A_514 = arith.mulf %get3A_513, %mul3A_459 : vector<16xf32>
        %mul3A_515 = arith.mulf %get3A_509, %mul3A_514 : vector<16xf32>
        %add3A_516 = arith.addf %add3A_414, %mul3A_515 : vector<16xf32>
        %get3A_517 = arith.index_cast %add3A_466 : i32 to index
        %get3A_518 = arith.constant 80 : index
        %get3A_519 = tpu.vector_load %arg22[%get3A_517, %get3A_518] {strides = array<i32>} : memref<256x128xf32, #tpu.memory_space<vmem>>, vector<16xf32>,
        %add3A_520 = arith.constant 80 : i32
        %add3A_521 = arith.addi %mul3A_461, %add3A_520 : i32
        %get3A_522 = arith.index_cast %add3A_521 : i32 to index
        %get3A_523 = tpu.vector_load %arg19[%get3A_522] {strides = array<i32>} : memref<1920xf32, #tpu.memory_space<vmem>>, vector<16xf32>,
        %mul3A_524 = arith.mulf %get3A_523, %mul3A_459 : vector<16xf32>
        %mul3A_525 = arith.mulf %get3A_519, %mul3A_524 : vector<16xf32>
        %add3A_526 = arith.addf %add3A_424, %mul3A_525 : vector<16xf32>
        %get3A_527 = arith.index_cast %add3A_466 : i32 to index
        %get3A_528 = arith.constant 96 : index
        %get3A_529 = tpu.vector_load %arg22[%get3A_527, %get3A_528] {strides = array<i32>} : memref<256x128xf32, #tpu.memory_space<vmem>>, vector<16xf32>,
        %add3A_530 = arith.constant 96 : i32
        %add3A_531 = arith.addi %mul3A_461, %add3A_530 : i32
        %get3A_532 = arith.index_cast %add3A_531 : i32 to index
        %get3A_533 = tpu.vector_load %arg19[%get3A_532] {strides = array<i32>} : memref<1920xf32, #tpu.memory_space<vmem>>, vector<16xf32>,
        %mul3A_534 = arith.mulf %get3A_533, %mul3A_459 : vector<16xf32>
        %mul3A_535 = arith.mulf %get3A_529, %mul3A_534 : vector<16xf32>
        %add3A_536 = arith.addf %add3A_434, %mul3A_535 : vector<16xf32>
        %get3A_537 = arith.index_cast %add3A_466 : i32 to index
        %get3A_538 = arith.constant 112 : index
        %get3A_539 = tpu.vector_load %arg22[%get3A_537, %get3A_538] {strides = array<i32>} : memref<256x128xf32, #tpu.memory_space<vmem>>, vector<16xf32>,
        %add3A_540 = arith.constant 112 : i32
        %add3A_541 = arith.addi %mul3A_461, %add3A_540 : i32
        %get3A_542 = arith.index_cast %add3A_541 : i32 to index
        %get3A_543 = tpu.vector_load %arg19[%get3A_542] {strides = array<i32>} : memref<1920xf32, #tpu.memory_space<vmem>>, vector<16xf32>,
        %mul3A_544 = arith.mulf %get3A_543, %mul3A_459 : vector<16xf32>
        %mul3A_545 = arith.mulf %get3A_539, %mul3A_544 : vector<16xf32>
        %add3A_546 = arith.addf %add3A_444, %mul3A_545 : vector<16xf32>
        %slice3A_547 = vector.extract_strided_slice %get3A_311 {offsets = [2], sizes = [1], strides = [1]} : vector<16xi32> to vector<1xi32>
        %squeeze3A_548 = vector.extract %slice3A_547[0] : i32 from vector<1xi32>
        %slice3A_549 = vector.extract_strided_slice %get3A_321 {offsets = [2], sizes = [1], strides = [1]} : vector<16xf32> to vector<1xf32>
        %squeeze3A_550 = vector.extract %slice3A_549[0] : f32 from vector<1xf32>
        %mul3A_551 = arith.constant 15 : i32
        %mul3A_552 = arith.muli %scan3A_307, %mul3A_551 : i32
        %mul3A_553 = arith.constant 16 : i32
        %mul3A_554 = arith.muli %mul3A_552, %mul3A_553 : i32
        %mul3A_555 = arith.constant 16 : i32
        %mul3A_556 = arith.muli %squeeze3A_548, %mul3A_555 : i32
        %add3A_557 = arith.addi %mul3A_554, %mul3A_556 : i32
        %get3A_558 = arith.index_cast %add3A_557 : i32 to index
        %get3A_559 = tpu.vector_load %arg23[%get3A_558] {strides = array<i32>} : memref<960xf32, #tpu.memory_space<vmem>>, vector<16xf32>,
        %mul3A_560 = vector.broadcast %squeeze3A_550 : f32 to vector<16xf32>
        %mul3A_561 = arith.mulf %mul3A_560, %get3A_559 : vector<16xf32>
        %mul3A_562 = arith.constant 128 : i32
        %mul3A_563 = arith.muli %squeeze3A_548, %mul3A_562 : i32
        %mul3A_564 = arith.constant 32 : i32
        %mul3A_565 = arith.muli %scan3A_307, %mul3A_564 : i32
        %add3A_566 = arith.addi %mul3A_292, %mul3A_565 : i32
        %add3A_567 = arith.constant 2 : i32
        %add3A_568 = arith.addi %add3A_566, %add3A_567 : i32
        %get3A_569 = arith.index_cast %add3A_568 : i32 to index
        %get3A_570 = arith.constant 0 : index
        %get3A_571 = tpu.vector_load %arg22[%get3A_569, %get3A_570] {strides = array<i32>} : memref<256x128xf32, #tpu.memory_space<vmem>>, vector<16xf32>,
        %add3A_572 = arith.constant 0 : i32
        %add3A_573 = arith.addi %mul3A_563, %add3A_572 : i32
        %get3A_574 = arith.index_cast %add3A_573 : i32 to index
        %get3A_575 = tpu.vector_load %arg19[%get3A_574] {strides = array<i32>} : memref<1920xf32, #tpu.memory_space<vmem>>, vector<16xf32>,
        %mul3A_576 = arith.mulf %get3A_575, %mul3A_561 : vector<16xf32>
        %mul3A_577 = arith.mulf %get3A_571, %mul3A_576 : vector<16xf32>
        %add3A_578 = arith.addf %add3A_476, %mul3A_577 : vector<16xf32>
        %get3A_579 = arith.index_cast %add3A_568 : i32 to index
        %get3A_580 = arith.constant 16 : index
        %get3A_581 = tpu.vector_load %arg22[%get3A_579, %get3A_580] {strides = array<i32>} : memref<256x128xf32, #tpu.memory_space<vmem>>, vector<16xf32>,
        %add3A_582 = arith.constant 16 : i32
        %add3A_583 = arith.addi %mul3A_563, %add3A_582 : i32
        %get3A_584 = arith.index_cast %add3A_583 : i32 to index
        %get3A_585 = tpu.vector_load %arg19[%get3A_584] {strides = array<i32>} : memref<1920xf32, #tpu.memory_space<vmem>>, vector<16xf32>,
        %mul3A_586 = arith.mulf %get3A_585, %mul3A_561 : vector<16xf32>
        %mul3A_587 = arith.mulf %get3A_581, %mul3A_586 : vector<16xf32>
        %add3A_588 = arith.addf %add3A_486, %mul3A_587 : vector<16xf32>
        %get3A_589 = arith.index_cast %add3A_568 : i32 to index
        %get3A_590 = arith.constant 32 : index
        %get3A_591 = tpu.vector_load %arg22[%get3A_589, %get3A_590] {strides = array<i32>} : memref<256x128xf32, #tpu.memory_space<vmem>>, vector<16xf32>,
        %add3A_592 = arith.constant 32 : i32
        %add3A_593 = arith.addi %mul3A_563, %add3A_592 : i32
        %get3A_594 = arith.index_cast %add3A_593 : i32 to index
        %get3A_595 = tpu.vector_load %arg19[%get3A_594] {strides = array<i32>} : memref<1920xf32, #tpu.memory_space<vmem>>, vector<16xf32>,
        %mul3A_596 = arith.mulf %get3A_595, %mul3A_561 : vector<16xf32>
        %mul3A_597 = arith.mulf %get3A_591, %mul3A_596 : vector<16xf32>
        %add3A_598 = arith.addf %add3A_496, %mul3A_597 : vector<16xf32>
        %get3A_599 = arith.index_cast %add3A_568 : i32 to index
        %get3A_600 = arith.constant 48 : index
        %get3A_601 = tpu.vector_load %arg22[%get3A_599, %get3A_600] {strides = array<i32>} : memref<256x128xf32, #tpu.memory_space<vmem>>, vector<16xf32>,
        %add3A_602 = arith.constant 48 : i32
        %add3A_603 = arith.addi %mul3A_563, %add3A_602 : i32
        %get3A_604 = arith.index_cast %add3A_603 : i32 to index
        %get3A_605 = tpu.vector_load %arg19[%get3A_604] {strides = array<i32>} : memref<1920xf32, #tpu.memory_space<vmem>>, vector<16xf32>,
        %mul3A_606 = arith.mulf %get3A_605, %mul3A_561 : vector<16xf32>
        %mul3A_607 = arith.mulf %get3A_601, %mul3A_606 : vector<16xf32>
        %add3A_608 = arith.addf %add3A_506, %mul3A_607 : vector<16xf32>
        %get3A_609 = arith.index_cast %add3A_568 : i32 to index
        %get3A_610 = arith.constant 64 : index
        %get3A_611 = tpu.vector_load %arg22[%get3A_609, %get3A_610] {strides = array<i32>} : memref<256x128xf32, #tpu.memory_space<vmem>>, vector<16xf32>,
        %add3A_612 = arith.constant 64 : i32
        %add3A_613 = arith.addi %mul3A_563, %add3A_612 : i32
        %get3A_614 = arith.index_cast %add3A_613 : i32 to index
        %get3A_615 = tpu.vector_load %arg19[%get3A_614] {strides = array<i32>} : memref<1920xf32, #tpu.memory_space<vmem>>, vector<16xf32>,
        %mul3A_616 = arith.mulf %get3A_615, %mul3A_561 : vector<16xf32>
        %mul3A_617 = arith.mulf %get3A_611, %mul3A_616 : vector<16xf32>
        %add3A_618 = arith.addf %add3A_516, %mul3A_617 : vector<16xf32>
        %get3A_619 = arith.index_cast %add3A_568 : i32 to index
        %get3A_620 = arith.constant 80 : index
        %get3A_621 = tpu.vector_load %arg22[%get3A_619, %get3A_620] {strides = array<i32>} : memref<256x128xf32, #tpu.memory_space<vmem>>, vector<16xf32>,
        %add3A_622 = arith.constant 80 : i32
        %add3A_623 = arith.addi %mul3A_563, %add3A_622 : i32
        %get3A_624 = arith.index_cast %add3A_623 : i32 to index
        %get3A_625 = tpu.vector_load %arg19[%get3A_624] {strides = array<i32>} : memref<1920xf32, #tpu.memory_space<vmem>>, vector<16xf32>,
        %mul3A_626 = arith.mulf %get3A_625, %mul3A_561 : vector<16xf32>
        %mul3A_627 = arith.mulf %get3A_621, %mul3A_626 : vector<16xf32>
        %add3A_628 = arith.addf %add3A_526, %mul3A_627 : vector<16xf32>
        %get3A_629 = arith.index_cast %add3A_568 : i32 to index
        %get3A_630 = arith.constant 96 : index
        %get3A_631 = tpu.vector_load %arg22[%get3A_629, %get3A_630] {strides = array<i32>} : memref<256x128xf32, #tpu.memory_space<vmem>>, vector<16xf32>,
        %add3A_632 = arith.constant 96 : i32
        %add3A_633 = arith.addi %mul3A_563, %add3A_632 : i32
        %get3A_634 = arith.index_cast %add3A_633 : i32 to index
        %get3A_635 = tpu.vector_load %arg19[%get3A_634] {strides = array<i32>} : memref<1920xf32, #tpu.memory_space<vmem>>, vector<16xf32>,
        %mul3A_636 = arith.mulf %get3A_635, %mul3A_561 : vector<16xf32>
        %mul3A_637 = arith.mulf %get3A_631, %mul3A_636 : vector<16xf32>
        %add3A_638 = arith.addf %add3A_536, %mul3A_637 : vector<16xf32>
        %get3A_639 = arith.index_cast %add3A_568 : i32 to index
        %get3A_640 = arith.constant 112 : index
        %get3A_641 = tpu.vector_load %arg22[%get3A_639, %get3A_640] {strides = array<i32>} : memref<256x128xf32, #tpu.memory_space<vmem>>, vector<16xf32>,
        %add3A_642 = arith.constant 112 : i32
        %add3A_643 = arith.addi %mul3A_563, %add3A_642 : i32
        %get3A_644 = arith.index_cast %add3A_643 : i32 to index
        %get3A_645 = tpu.vector_load %arg19[%get3A_644] {strides = array<i32>} : memref<1920xf32, #tpu.memory_space<vmem>>, vector<16xf32>,
        %mul3A_646 = arith.mulf %get3A_645, %mul3A_561 : vector<16xf32>
        %mul3A_647 = arith.mulf %get3A_641, %mul3A_646 : vector<16xf32>
        %add3A_648 = arith.addf %add3A_546, %mul3A_647 : vector<16xf32>
        %slice3A_649 = vector.extract_strided_slice %get3A_311 {offsets = [3], sizes = [1], strides = [1]} : vector<16xi32> to vector<1xi32>
        %squeeze3A_650 = vector.extract %slice3A_649[0] : i32 from vector<1xi32>
        %slice3A_651 = vector.extract_strided_slice %get3A_321 {offsets = [3], sizes = [1], strides = [1]} : vector<16xf32> to vector<1xf32>
        %squeeze3A_652 = vector.extract %slice3A_651[0] : f32 from vector<1xf32>
        %mul3A_653 = arith.constant 15 : i32
        %mul3A_654 = arith.muli %scan3A_307, %mul3A_653 : i32
        %mul3A_655 = arith.constant 16 : i32
        %mul3A_656 = arith.muli %mul3A_654, %mul3A_655 : i32
        %mul3A_657 = arith.constant 16 : i32
        %mul3A_658 = arith.muli %squeeze3A_650, %mul3A_657 : i32
        %add3A_659 = arith.addi %mul3A_656, %mul3A_658 : i32
        %get3A_660 = arith.index_cast %add3A_659 : i32 to index
        %get3A_661 = tpu.vector_load %arg23[%get3A_660] {strides = array<i32>} : memref<960xf32, #tpu.memory_space<vmem>>, vector<16xf32>,
        %mul3A_662 = vector.broadcast %squeeze3A_652 : f32 to vector<16xf32>
        %mul3A_663 = arith.mulf %mul3A_662, %get3A_661 : vector<16xf32>
        %mul3A_664 = arith.constant 128 : i32
        %mul3A_665 = arith.muli %squeeze3A_650, %mul3A_664 : i32
        %mul3A_666 = arith.constant 32 : i32
        %mul3A_667 = arith.muli %scan3A_307, %mul3A_666 : i32
        %add3A_668 = arith.addi %mul3A_292, %mul3A_667 : i32
        %add3A_669 = arith.constant 3 : i32
        %add3A_670 = arith.addi %add3A_668, %add3A_669 : i32
        %get3A_671 = arith.index_cast %add3A_670 : i32 to index
        %get3A_672 = arith.constant 0 : index
        %get3A_673 = tpu.vector_load %arg22[%get3A_671, %get3A_672] {strides = array<i32>} : memref<256x128xf32, #tpu.memory_space<vmem>>, vector<16xf32>,
        %add3A_674 = arith.constant 0 : i32
        %add3A_675 = arith.addi %mul3A_665, %add3A_674 : i32
        %get3A_676 = arith.index_cast %add3A_675 : i32 to index
        %get3A_677 = tpu.vector_load %arg19[%get3A_676] {strides = array<i32>} : memref<1920xf32, #tpu.memory_space<vmem>>, vector<16xf32>,
        %mul3A_678 = arith.mulf %get3A_677, %mul3A_663 : vector<16xf32>
        %mul3A_679 = arith.mulf %get3A_673, %mul3A_678 : vector<16xf32>
        %add3A_680 = arith.addf %add3A_578, %mul3A_679 : vector<16xf32>
        %get3A_681 = arith.index_cast %add3A_670 : i32 to index
        %get3A_682 = arith.constant 16 : index
        %get3A_683 = tpu.vector_load %arg22[%get3A_681, %get3A_682] {strides = array<i32>} : memref<256x128xf32, #tpu.memory_space<vmem>>, vector<16xf32>,
        %add3A_684 = arith.constant 16 : i32
        %add3A_685 = arith.addi %mul3A_665, %add3A_684 : i32
        %get3A_686 = arith.index_cast %add3A_685 : i32 to index
        %get3A_687 = tpu.vector_load %arg19[%get3A_686] {strides = array<i32>} : memref<1920xf32, #tpu.memory_space<vmem>>, vector<16xf32>,
        %mul3A_688 = arith.mulf %get3A_687, %mul3A_663 : vector<16xf32>
        %mul3A_689 = arith.mulf %get3A_683, %mul3A_688 : vector<16xf32>
        %add3A_690 = arith.addf %add3A_588, %mul3A_689 : vector<16xf32>
        %get3A_691 = arith.index_cast %add3A_670 : i32 to index
        %get3A_692 = arith.constant 32 : index
        %get3A_693 = tpu.vector_load %arg22[%get3A_691, %get3A_692] {strides = array<i32>} : memref<256x128xf32, #tpu.memory_space<vmem>>, vector<16xf32>,
        %add3A_694 = arith.constant 32 : i32
        %add3A_695 = arith.addi %mul3A_665, %add3A_694 : i32
        %get3A_696 = arith.index_cast %add3A_695 : i32 to index
        %get3A_697 = tpu.vector_load %arg19[%get3A_696] {strides = array<i32>} : memref<1920xf32, #tpu.memory_space<vmem>>, vector<16xf32>,
        %mul3A_698 = arith.mulf %get3A_697, %mul3A_663 : vector<16xf32>
        %mul3A_699 = arith.mulf %get3A_693, %mul3A_698 : vector<16xf32>
        %add3A_700 = arith.addf %add3A_598, %mul3A_699 : vector<16xf32>
        %get3A_701 = arith.index_cast %add3A_670 : i32 to index
        %get3A_702 = arith.constant 48 : index
        %get3A_703 = tpu.vector_load %arg22[%get3A_701, %get3A_702] {strides = array<i32>} : memref<256x128xf32, #tpu.memory_space<vmem>>, vector<16xf32>,
        %add3A_704 = arith.constant 48 : i32
        %add3A_705 = arith.addi %mul3A_665, %add3A_704 : i32
        %get3A_706 = arith.index_cast %add3A_705 : i32 to index
        %get3A_707 = tpu.vector_load %arg19[%get3A_706] {strides = array<i32>} : memref<1920xf32, #tpu.memory_space<vmem>>, vector<16xf32>,
        %mul3A_708 = arith.mulf %get3A_707, %mul3A_663 : vector<16xf32>
        %mul3A_709 = arith.mulf %get3A_703, %mul3A_708 : vector<16xf32>
        %add3A_710 = arith.addf %add3A_608, %mul3A_709 : vector<16xf32>
        %get3A_711 = arith.index_cast %add3A_670 : i32 to index
        %get3A_712 = arith.constant 64 : index
        %get3A_713 = tpu.vector_load %arg22[%get3A_711, %get3A_712] {strides = array<i32>} : memref<256x128xf32, #tpu.memory_space<vmem>>, vector<16xf32>,
        %add3A_714 = arith.constant 64 : i32
        %add3A_715 = arith.addi %mul3A_665, %add3A_714 : i32
        %get3A_716 = arith.index_cast %add3A_715 : i32 to index
        %get3A_717 = tpu.vector_load %arg19[%get3A_716] {strides = array<i32>} : memref<1920xf32, #tpu.memory_space<vmem>>, vector<16xf32>,
        %mul3A_718 = arith.mulf %get3A_717, %mul3A_663 : vector<16xf32>
        %mul3A_719 = arith.mulf %get3A_713, %mul3A_718 : vector<16xf32>
        %add3A_720 = arith.addf %add3A_618, %mul3A_719 : vector<16xf32>
        %get3A_721 = arith.index_cast %add3A_670 : i32 to index
        %get3A_722 = arith.constant 80 : index
        %get3A_723 = tpu.vector_load %arg22[%get3A_721, %get3A_722] {strides = array<i32>} : memref<256x128xf32, #tpu.memory_space<vmem>>, vector<16xf32>,
        %add3A_724 = arith.constant 80 : i32
        %add3A_725 = arith.addi %mul3A_665, %add3A_724 : i32
        %get3A_726 = arith.index_cast %add3A_725 : i32 to index
        %get3A_727 = tpu.vector_load %arg19[%get3A_726] {strides = array<i32>} : memref<1920xf32, #tpu.memory_space<vmem>>, vector<16xf32>,
        %mul3A_728 = arith.mulf %get3A_727, %mul3A_663 : vector<16xf32>
        %mul3A_729 = arith.mulf %get3A_723, %mul3A_728 : vector<16xf32>
        %add3A_730 = arith.addf %add3A_628, %mul3A_729 : vector<16xf32>
        %get3A_731 = arith.index_cast %add3A_670 : i32 to index
        %get3A_732 = arith.constant 96 : index
        %get3A_733 = tpu.vector_load %arg22[%get3A_731, %get3A_732] {strides = array<i32>} : memref<256x128xf32, #tpu.memory_space<vmem>>, vector<16xf32>,
        %add3A_734 = arith.constant 96 : i32
        %add3A_735 = arith.addi %mul3A_665, %add3A_734 : i32
        %get3A_736 = arith.index_cast %add3A_735 : i32 to index
        %get3A_737 = tpu.vector_load %arg19[%get3A_736] {strides = array<i32>} : memref<1920xf32, #tpu.memory_space<vmem>>, vector<16xf32>,
        %mul3A_738 = arith.mulf %get3A_737, %mul3A_663 : vector<16xf32>
        %mul3A_739 = arith.mulf %get3A_733, %mul3A_738 : vector<16xf32>
        %add3A_740 = arith.addf %add3A_638, %mul3A_739 : vector<16xf32>
        %get3A_741 = arith.index_cast %add3A_670 : i32 to index
        %get3A_742 = arith.constant 112 : index
        %get3A_743 = tpu.vector_load %arg22[%get3A_741, %get3A_742] {strides = array<i32>} : memref<256x128xf32, #tpu.memory_space<vmem>>, vector<16xf32>,
        %add3A_744 = arith.constant 112 : i32
        %add3A_745 = arith.addi %mul3A_665, %add3A_744 : i32
        %get3A_746 = arith.index_cast %add3A_745 : i32 to index
        %get3A_747 = tpu.vector_load %arg19[%get3A_746] {strides = array<i32>} : memref<1920xf32, #tpu.memory_space<vmem>>, vector<16xf32>,
        %mul3A_748 = arith.mulf %get3A_747, %mul3A_663 : vector<16xf32>
        %mul3A_749 = arith.mulf %get3A_743, %mul3A_748 : vector<16xf32>
        %add3A_750 = arith.addf %add3A_648, %mul3A_749 : vector<16xf32>
        %slice3A_751 = vector.extract_strided_slice %get3A_311 {offsets = [4], sizes = [1], strides = [1]} : vector<16xi32> to vector<1xi32>
        %squeeze3A_752 = vector.extract %slice3A_751[0] : i32 from vector<1xi32>
        %slice3A_753 = vector.extract_strided_slice %get3A_321 {offsets = [4], sizes = [1], strides = [1]} : vector<16xf32> to vector<1xf32>
        %squeeze3A_754 = vector.extract %slice3A_753[0] : f32 from vector<1xf32>
        %mul3A_755 = arith.constant 15 : i32
        %mul3A_756 = arith.muli %scan3A_307, %mul3A_755 : i32
        %mul3A_757 = arith.constant 16 : i32
        %mul3A_758 = arith.muli %mul3A_756, %mul3A_757 : i32
        %mul3A_759 = arith.constant 16 : i32
        %mul3A_760 = arith.muli %squeeze3A_752, %mul3A_759 : i32
        %add3A_761 = arith.addi %mul3A_758, %mul3A_760 : i32
        %get3A_762 = arith.index_cast %add3A_761 : i32 to index
        %get3A_763 = tpu.vector_load %arg23[%get3A_762] {strides = array<i32>} : memref<960xf32, #tpu.memory_space<vmem>>, vector<16xf32>,
        %mul3A_764 = vector.broadcast %squeeze3A_754 : f32 to vector<16xf32>
        %mul3A_765 = arith.mulf %mul3A_764, %get3A_763 : vector<16xf32>
        %mul3A_766 = arith.constant 128 : i32
        %mul3A_767 = arith.muli %squeeze3A_752, %mul3A_766 : i32
        %mul3A_768 = arith.constant 32 : i32
        %mul3A_769 = arith.muli %scan3A_307, %mul3A_768 : i32
        %add3A_770 = arith.addi %mul3A_292, %mul3A_769 : i32
        %add3A_771 = arith.constant 4 : i32
        %add3A_772 = arith.addi %add3A_770, %add3A_771 : i32
        %get3A_773 = arith.index_cast %add3A_772 : i32 to index
        %get3A_774 = arith.constant 0 : index
        %get3A_775 = tpu.vector_load %arg22[%get3A_773, %get3A_774] {strides = array<i32>} : memref<256x128xf32, #tpu.memory_space<vmem>>, vector<16xf32>,
        %add3A_776 = arith.constant 0 : i32
        %add3A_777 = arith.addi %mul3A_767, %add3A_776 : i32
        %get3A_778 = arith.index_cast %add3A_777 : i32 to index
        %get3A_779 = tpu.vector_load %arg19[%get3A_778] {strides = array<i32>} : memref<1920xf32, #tpu.memory_space<vmem>>, vector<16xf32>,
        %mul3A_780 = arith.mulf %get3A_779, %mul3A_765 : vector<16xf32>
        %mul3A_781 = arith.mulf %get3A_775, %mul3A_780 : vector<16xf32>
        %add3A_782 = arith.addf %add3A_680, %mul3A_781 : vector<16xf32>
        %get3A_783 = arith.index_cast %add3A_772 : i32 to index
        %get3A_784 = arith.constant 16 : index
        %get3A_785 = tpu.vector_load %arg22[%get3A_783, %get3A_784] {strides = array<i32>} : memref<256x128xf32, #tpu.memory_space<vmem>>, vector<16xf32>,
        %add3A_786 = arith.constant 16 : i32
        %add3A_787 = arith.addi %mul3A_767, %add3A_786 : i32
        %get3A_788 = arith.index_cast %add3A_787 : i32 to index
        %get3A_789 = tpu.vector_load %arg19[%get3A_788] {strides = array<i32>} : memref<1920xf32, #tpu.memory_space<vmem>>, vector<16xf32>,
        %mul3A_790 = arith.mulf %get3A_789, %mul3A_765 : vector<16xf32>
        %mul3A_791 = arith.mulf %get3A_785, %mul3A_790 : vector<16xf32>
        %add3A_792 = arith.addf %add3A_690, %mul3A_791 : vector<16xf32>
        %get3A_793 = arith.index_cast %add3A_772 : i32 to index
        %get3A_794 = arith.constant 32 : index
        %get3A_795 = tpu.vector_load %arg22[%get3A_793, %get3A_794] {strides = array<i32>} : memref<256x128xf32, #tpu.memory_space<vmem>>, vector<16xf32>,
        %add3A_796 = arith.constant 32 : i32
        %add3A_797 = arith.addi %mul3A_767, %add3A_796 : i32
        %get3A_798 = arith.index_cast %add3A_797 : i32 to index
        %get3A_799 = tpu.vector_load %arg19[%get3A_798] {strides = array<i32>} : memref<1920xf32, #tpu.memory_space<vmem>>, vector<16xf32>,
        %mul3A_800 = arith.mulf %get3A_799, %mul3A_765 : vector<16xf32>
        %mul3A_801 = arith.mulf %get3A_795, %mul3A_800 : vector<16xf32>
        %add3A_802 = arith.addf %add3A_700, %mul3A_801 : vector<16xf32>
        %get3A_803 = arith.index_cast %add3A_772 : i32 to index
        %get3A_804 = arith.constant 48 : index
        %get3A_805 = tpu.vector_load %arg22[%get3A_803, %get3A_804] {strides = array<i32>} : memref<256x128xf32, #tpu.memory_space<vmem>>, vector<16xf32>,
        %add3A_806 = arith.constant 48 : i32
        %add3A_807 = arith.addi %mul3A_767, %add3A_806 : i32
        %get3A_808 = arith.index_cast %add3A_807 : i32 to index
        %get3A_809 = tpu.vector_load %arg19[%get3A_808] {strides = array<i32>} : memref<1920xf32, #tpu.memory_space<vmem>>, vector<16xf32>,
        %mul3A_810 = arith.mulf %get3A_809, %mul3A_765 : vector<16xf32>
        %mul3A_811 = arith.mulf %get3A_805, %mul3A_810 : vector<16xf32>
        %add3A_812 = arith.addf %add3A_710, %mul3A_811 : vector<16xf32>
        %get3A_813 = arith.index_cast %add3A_772 : i32 to index
        %get3A_814 = arith.constant 64 : index
        %get3A_815 = tpu.vector_load %arg22[%get3A_813, %get3A_814] {strides = array<i32>} : memref<256x128xf32, #tpu.memory_space<vmem>>, vector<16xf32>,
        %add3A_816 = arith.constant 64 : i32
        %add3A_817 = arith.addi %mul3A_767, %add3A_816 : i32
        %get3A_818 = arith.index_cast %add3A_817 : i32 to index
        %get3A_819 = tpu.vector_load %arg19[%get3A_818] {strides = array<i32>} : memref<1920xf32, #tpu.memory_space<vmem>>, vector<16xf32>,
        %mul3A_820 = arith.mulf %get3A_819, %mul3A_765 : vector<16xf32>
        %mul3A_821 = arith.mulf %get3A_815, %mul3A_820 : vector<16xf32>
        %add3A_822 = arith.addf %add3A_720, %mul3A_821 : vector<16xf32>
        %get3A_823 = arith.index_cast %add3A_772 : i32 to index
        %get3A_824 = arith.constant 80 : index
        %get3A_825 = tpu.vector_load %arg22[%get3A_823, %get3A_824] {strides = array<i32>} : memref<256x128xf32, #tpu.memory_space<vmem>>, vector<16xf32>,
        %add3A_826 = arith.constant 80 : i32
        %add3A_827 = arith.addi %mul3A_767, %add3A_826 : i32
        %get3A_828 = arith.index_cast %add3A_827 : i32 to index
        %get3A_829 = tpu.vector_load %arg19[%get3A_828] {strides = array<i32>} : memref<1920xf32, #tpu.memory_space<vmem>>, vector<16xf32>,
        %mul3A_830 = arith.mulf %get3A_829, %mul3A_765 : vector<16xf32>
        %mul3A_831 = arith.mulf %get3A_825, %mul3A_830 : vector<16xf32>
        %add3A_832 = arith.addf %add3A_730, %mul3A_831 : vector<16xf32>
        %get3A_833 = arith.index_cast %add3A_772 : i32 to index
        %get3A_834 = arith.constant 96 : index
        %get3A_835 = tpu.vector_load %arg22[%get3A_833, %get3A_834] {strides = array<i32>} : memref<256x128xf32, #tpu.memory_space<vmem>>, vector<16xf32>,
        %add3A_836 = arith.constant 96 : i32
        %add3A_837 = arith.addi %mul3A_767, %add3A_836 : i32
        %get3A_838 = arith.index_cast %add3A_837 : i32 to index
        %get3A_839 = tpu.vector_load %arg19[%get3A_838] {strides = array<i32>} : memref<1920xf32, #tpu.memory_space<vmem>>, vector<16xf32>,
        %mul3A_840 = arith.mulf %get3A_839, %mul3A_765 : vector<16xf32>
        %mul3A_841 = arith.mulf %get3A_835, %mul3A_840 : vector<16xf32>
        %add3A_842 = arith.addf %add3A_740, %mul3A_841 : vector<16xf32>
        %get3A_843 = arith.index_cast %add3A_772 : i32 to index
        %get3A_844 = arith.constant 112 : index
        %get3A_845 = tpu.vector_load %arg22[%get3A_843, %get3A_844] {strides = array<i32>} : memref<256x128xf32, #tpu.memory_space<vmem>>, vector<16xf32>,
        %add3A_846 = arith.constant 112 : i32
        %add3A_847 = arith.addi %mul3A_767, %add3A_846 : i32
        %get3A_848 = arith.index_cast %add3A_847 : i32 to index
        %get3A_849 = tpu.vector_load %arg19[%get3A_848] {strides = array<i32>} : memref<1920xf32, #tpu.memory_space<vmem>>, vector<16xf32>,
        %mul3A_850 = arith.mulf %get3A_849, %mul3A_765 : vector<16xf32>
        %mul3A_851 = arith.mulf %get3A_845, %mul3A_850 : vector<16xf32>
        %add3A_852 = arith.addf %add3A_750, %mul3A_851 : vector<16xf32>
        %slice3A_853 = vector.extract_strided_slice %get3A_311 {offsets = [5], sizes = [1], strides = [1]} : vector<16xi32> to vector<1xi32>
        %squeeze3A_854 = vector.extract %slice3A_853[0] : i32 from vector<1xi32>
        %slice3A_855 = vector.extract_strided_slice %get3A_321 {offsets = [5], sizes = [1], strides = [1]} : vector<16xf32> to vector<1xf32>
        %squeeze3A_856 = vector.extract %slice3A_855[0] : f32 from vector<1xf32>
        %mul3A_857 = arith.constant 15 : i32
        %mul3A_858 = arith.muli %scan3A_307, %mul3A_857 : i32
        %mul3A_859 = arith.constant 16 : i32
        %mul3A_860 = arith.muli %mul3A_858, %mul3A_859 : i32
        %mul3A_861 = arith.constant 16 : i32
        %mul3A_862 = arith.muli %squeeze3A_854, %mul3A_861 : i32
        %add3A_863 = arith.addi %mul3A_860, %mul3A_862 : i32
        %get3A_864 = arith.index_cast %add3A_863 : i32 to index
        %get3A_865 = tpu.vector_load %arg23[%get3A_864] {strides = array<i32>} : memref<960xf32, #tpu.memory_space<vmem>>, vector<16xf32>,
        %mul3A_866 = vector.broadcast %squeeze3A_856 : f32 to vector<16xf32>
        %mul3A_867 = arith.mulf %mul3A_866, %get3A_865 : vector<16xf32>
        %mul3A_868 = arith.constant 128 : i32
        %mul3A_869 = arith.muli %squeeze3A_854, %mul3A_868 : i32
        %mul3A_870 = arith.constant 32 : i32
        %mul3A_871 = arith.muli %scan3A_307, %mul3A_870 : i32
        %add3A_872 = arith.addi %mul3A_292, %mul3A_871 : i32
        %add3A_873 = arith.constant 5 : i32
        %add3A_874 = arith.addi %add3A_872, %add3A_873 : i32
        %get3A_875 = arith.index_cast %add3A_874 : i32 to index
        %get3A_876 = arith.constant 0 : index
        %get3A_877 = tpu.vector_load %arg22[%get3A_875, %get3A_876] {strides = array<i32>} : memref<256x128xf32, #tpu.memory_space<vmem>>, vector<16xf32>,
        %add3A_878 = arith.constant 0 : i32
        %add3A_879 = arith.addi %mul3A_869, %add3A_878 : i32
        %get3A_880 = arith.index_cast %add3A_879 : i32 to index
        %get3A_881 = tpu.vector_load %arg19[%get3A_880] {strides = array<i32>} : memref<1920xf32, #tpu.memory_space<vmem>>, vector<16xf32>,
        %mul3A_882 = arith.mulf %get3A_881, %mul3A_867 : vector<16xf32>
        %mul3A_883 = arith.mulf %get3A_877, %mul3A_882 : vector<16xf32>
        %add3A_884 = arith.addf %add3A_782, %mul3A_883 : vector<16xf32>
        %get3A_885 = arith.index_cast %add3A_874 : i32 to index
        %get3A_886 = arith.constant 16 : index
        %get3A_887 = tpu.vector_load %arg22[%get3A_885, %get3A_886] {strides = array<i32>} : memref<256x128xf32, #tpu.memory_space<vmem>>, vector<16xf32>,
        %add3A_888 = arith.constant 16 : i32
        %add3A_889 = arith.addi %mul3A_869, %add3A_888 : i32
        %get3A_890 = arith.index_cast %add3A_889 : i32 to index
        %get3A_891 = tpu.vector_load %arg19[%get3A_890] {strides = array<i32>} : memref<1920xf32, #tpu.memory_space<vmem>>, vector<16xf32>,
        %mul3A_892 = arith.mulf %get3A_891, %mul3A_867 : vector<16xf32>
        %mul3A_893 = arith.mulf %get3A_887, %mul3A_892 : vector<16xf32>
        %add3A_894 = arith.addf %add3A_792, %mul3A_893 : vector<16xf32>
        %get3A_895 = arith.index_cast %add3A_874 : i32 to index
        %get3A_896 = arith.constant 32 : index
        %get3A_897 = tpu.vector_load %arg22[%get3A_895, %get3A_896] {strides = array<i32>} : memref<256x128xf32, #tpu.memory_space<vmem>>, vector<16xf32>,
        %add3A_898 = arith.constant 32 : i32
        %add3A_899 = arith.addi %mul3A_869, %add3A_898 : i32
        %get3A_900 = arith.index_cast %add3A_899 : i32 to index
        %get3A_901 = tpu.vector_load %arg19[%get3A_900] {strides = array<i32>} : memref<1920xf32, #tpu.memory_space<vmem>>, vector<16xf32>,
        %mul3A_902 = arith.mulf %get3A_901, %mul3A_867 : vector<16xf32>
        %mul3A_903 = arith.mulf %get3A_897, %mul3A_902 : vector<16xf32>
        %add3A_904 = arith.addf %add3A_802, %mul3A_903 : vector<16xf32>
        %get3A_905 = arith.index_cast %add3A_874 : i32 to index
        %get3A_906 = arith.constant 48 : index
        %get3A_907 = tpu.vector_load %arg22[%get3A_905, %get3A_906] {strides = array<i32>} : memref<256x128xf32, #tpu.memory_space<vmem>>, vector<16xf32>,
        %add3A_908 = arith.constant 48 : i32
        %add3A_909 = arith.addi %mul3A_869, %add3A_908 : i32
        %get3A_910 = arith.index_cast %add3A_909 : i32 to index
        %get3A_911 = tpu.vector_load %arg19[%get3A_910] {strides = array<i32>} : memref<1920xf32, #tpu.memory_space<vmem>>, vector<16xf32>,
        %mul3A_912 = arith.mulf %get3A_911, %mul3A_867 : vector<16xf32>
        %mul3A_913 = arith.mulf %get3A_907, %mul3A_912 : vector<16xf32>
        %add3A_914 = arith.addf %add3A_812, %mul3A_913 : vector<16xf32>
        %get3A_915 = arith.index_cast %add3A_874 : i32 to index
        %get3A_916 = arith.constant 64 : index
        %get3A_917 = tpu.vector_load %arg22[%get3A_915, %get3A_916] {strides = array<i32>} : memref<256x128xf32, #tpu.memory_space<vmem>>, vector<16xf32>,
        %add3A_918 = arith.constant 64 : i32
        %add3A_919 = arith.addi %mul3A_869, %add3A_918 : i32
        %get3A_920 = arith.index_cast %add3A_919 : i32 to index
        %get3A_921 = tpu.vector_load %arg19[%get3A_920] {strides = array<i32>} : memref<1920xf32, #tpu.memory_space<vmem>>, vector<16xf32>,
        %mul3A_922 = arith.mulf %get3A_921, %mul3A_867 : vector<16xf32>
        %mul3A_923 = arith.mulf %get3A_917, %mul3A_922 : vector<16xf32>
        %add3A_924 = arith.addf %add3A_822, %mul3A_923 : vector<16xf32>
        %get3A_925 = arith.index_cast %add3A_874 : i32 to index
        %get3A_926 = arith.constant 80 : index
        %get3A_927 = tpu.vector_load %arg22[%get3A_925, %get3A_926] {strides = array<i32>} : memref<256x128xf32, #tpu.memory_space<vmem>>, vector<16xf32>,
        %add3A_928 = arith.constant 80 : i32
        %add3A_929 = arith.addi %mul3A_869, %add3A_928 : i32
        %get3A_930 = arith.index_cast %add3A_929 : i32 to index
        %get3A_931 = tpu.vector_load %arg19[%get3A_930] {strides = array<i32>} : memref<1920xf32, #tpu.memory_space<vmem>>, vector<16xf32>,
        %mul3A_932 = arith.mulf %get3A_931, %mul3A_867 : vector<16xf32>
        %mul3A_933 = arith.mulf %get3A_927, %mul3A_932 : vector<16xf32>
        %add3A_934 = arith.addf %add3A_832, %mul3A_933 : vector<16xf32>
        %get3A_935 = arith.index_cast %add3A_874 : i32 to index
        %get3A_936 = arith.constant 96 : index
        %get3A_937 = tpu.vector_load %arg22[%get3A_935, %get3A_936] {strides = array<i32>} : memref<256x128xf32, #tpu.memory_space<vmem>>, vector<16xf32>,
        %add3A_938 = arith.constant 96 : i32
        %add3A_939 = arith.addi %mul3A_869, %add3A_938 : i32
        %get3A_940 = arith.index_cast %add3A_939 : i32 to index
        %get3A_941 = tpu.vector_load %arg19[%get3A_940] {strides = array<i32>} : memref<1920xf32, #tpu.memory_space<vmem>>, vector<16xf32>,
        %mul3A_942 = arith.mulf %get3A_941, %mul3A_867 : vector<16xf32>
        %mul3A_943 = arith.mulf %get3A_937, %mul3A_942 : vector<16xf32>
        %add3A_944 = arith.addf %add3A_842, %mul3A_943 : vector<16xf32>
        %get3A_945 = arith.index_cast %add3A_874 : i32 to index
        %get3A_946 = arith.constant 112 : index
        %get3A_947 = tpu.vector_load %arg22[%get3A_945, %get3A_946] {strides = array<i32>} : memref<256x128xf32, #tpu.memory_space<vmem>>, vector<16xf32>,
        %add3A_948 = arith.constant 112 : i32
        %add3A_949 = arith.addi %mul3A_869, %add3A_948 : i32
        %get3A_950 = arith.index_cast %add3A_949 : i32 to index
        %get3A_951 = tpu.vector_load %arg19[%get3A_950] {strides = array<i32>} : memref<1920xf32, #tpu.memory_space<vmem>>, vector<16xf32>,
        %mul3A_952 = arith.mulf %get3A_951, %mul3A_867 : vector<16xf32>
        %mul3A_953 = arith.mulf %get3A_947, %mul3A_952 : vector<16xf32>
        %add3A_954 = arith.addf %add3A_852, %mul3A_953 : vector<16xf32>
        %slice3A_955 = vector.extract_strided_slice %get3A_311 {offsets = [6], sizes = [1], strides = [1]} : vector<16xi32> to vector<1xi32>
        %squeeze3A_956 = vector.extract %slice3A_955[0] : i32 from vector<1xi32>
        %slice3A_957 = vector.extract_strided_slice %get3A_321 {offsets = [6], sizes = [1], strides = [1]} : vector<16xf32> to vector<1xf32>
        %squeeze3A_958 = vector.extract %slice3A_957[0] : f32 from vector<1xf32>
        %mul3A_959 = arith.constant 15 : i32
        %mul3A_960 = arith.muli %scan3A_307, %mul3A_959 : i32
        %mul3A_961 = arith.constant 16 : i32
        %mul3A_962 = arith.muli %mul3A_960, %mul3A_961 : i32
        %mul3A_963 = arith.constant 16 : i32
        %mul3A_964 = arith.muli %squeeze3A_956, %mul3A_963 : i32
        %add3A_965 = arith.addi %mul3A_962, %mul3A_964 : i32
        %get3A_966 = arith.index_cast %add3A_965 : i32 to index
        %get3A_967 = tpu.vector_load %arg23[%get3A_966] {strides = array<i32>} : memref<960xf32, #tpu.memory_space<vmem>>, vector<16xf32>,
        %mul3A_968 = vector.broadcast %squeeze3A_958 : f32 to vector<16xf32>
        %mul3A_969 = arith.mulf %mul3A_968, %get3A_967 : vector<16xf32>
        %mul3A_970 = arith.constant 128 : i32
        %mul3A_971 = arith.muli %squeeze3A_956, %mul3A_970 : i32
        %mul3A_972 = arith.constant 32 : i32
        %mul3A_973 = arith.muli %scan3A_307, %mul3A_972 : i32
        %add3A_974 = arith.addi %mul3A_292, %mul3A_973 : i32
        %add3A_975 = arith.constant 6 : i32
        %add3A_976 = arith.addi %add3A_974, %add3A_975 : i32
        %get3A_977 = arith.index_cast %add3A_976 : i32 to index
        %get3A_978 = arith.constant 0 : index
        %get3A_979 = tpu.vector_load %arg22[%get3A_977, %get3A_978] {strides = array<i32>} : memref<256x128xf32, #tpu.memory_space<vmem>>, vector<16xf32>,
        %add3A_980 = arith.constant 0 : i32
        %add3A_981 = arith.addi %mul3A_971, %add3A_980 : i32
        %get3A_982 = arith.index_cast %add3A_981 : i32 to index
        %get3A_983 = tpu.vector_load %arg19[%get3A_982] {strides = array<i32>} : memref<1920xf32, #tpu.memory_space<vmem>>, vector<16xf32>,
        %mul3A_984 = arith.mulf %get3A_983, %mul3A_969 : vector<16xf32>
        %mul3A_985 = arith.mulf %get3A_979, %mul3A_984 : vector<16xf32>
        %add3A_986 = arith.addf %add3A_884, %mul3A_985 : vector<16xf32>
        %get3A_987 = arith.index_cast %add3A_976 : i32 to index
        %get3A_988 = arith.constant 16 : index
        %get3A_989 = tpu.vector_load %arg22[%get3A_987, %get3A_988] {strides = array<i32>} : memref<256x128xf32, #tpu.memory_space<vmem>>, vector<16xf32>,
        %add3A_990 = arith.constant 16 : i32
        %add3A_991 = arith.addi %mul3A_971, %add3A_990 : i32
        %get3A_992 = arith.index_cast %add3A_991 : i32 to index
        %get3A_993 = tpu.vector_load %arg19[%get3A_992] {strides = array<i32>} : memref<1920xf32, #tpu.memory_space<vmem>>, vector<16xf32>,
        %mul3A_994 = arith.mulf %get3A_993, %mul3A_969 : vector<16xf32>
        %mul3A_995 = arith.mulf %get3A_989, %mul3A_994 : vector<16xf32>
        %add3A_996 = arith.addf %add3A_894, %mul3A_995 : vector<16xf32>
        %get3A_997 = arith.index_cast %add3A_976 : i32 to index
        %get3A_998 = arith.constant 32 : index
        %get3A_999 = tpu.vector_load %arg22[%get3A_997, %get3A_998] {strides = array<i32>} : memref<256x128xf32, #tpu.memory_space<vmem>>, vector<16xf32>,
        %add3A_1000 = arith.constant 32 : i32
        %add3A_1001 = arith.addi %mul3A_971, %add3A_1000 : i32
        %get3A_1002 = arith.index_cast %add3A_1001 : i32 to index
        %get3A_1003 = tpu.vector_load %arg19[%get3A_1002] {strides = array<i32>} : memref<1920xf32, #tpu.memory_space<vmem>>, vector<16xf32>,
        %mul3A_1004 = arith.mulf %get3A_1003, %mul3A_969 : vector<16xf32>
        %mul3A_1005 = arith.mulf %get3A_999, %mul3A_1004 : vector<16xf32>
        %add3A_1006 = arith.addf %add3A_904, %mul3A_1005 : vector<16xf32>
        %get3A_1007 = arith.index_cast %add3A_976 : i32 to index
        %get3A_1008 = arith.constant 48 : index
        %get3A_1009 = tpu.vector_load %arg22[%get3A_1007, %get3A_1008] {strides = array<i32>} : memref<256x128xf32, #tpu.memory_space<vmem>>, vector<16xf32>,
        %add3A_1010 = arith.constant 48 : i32
        %add3A_1011 = arith.addi %mul3A_971, %add3A_1010 : i32
        %get3A_1012 = arith.index_cast %add3A_1011 : i32 to index
        %get3A_1013 = tpu.vector_load %arg19[%get3A_1012] {strides = array<i32>} : memref<1920xf32, #tpu.memory_space<vmem>>, vector<16xf32>,
        %mul3A_1014 = arith.mulf %get3A_1013, %mul3A_969 : vector<16xf32>
        %mul3A_1015 = arith.mulf %get3A_1009, %mul3A_1014 : vector<16xf32>
        %add3A_1016 = arith.addf %add3A_914, %mul3A_1015 : vector<16xf32>
        %get3A_1017 = arith.index_cast %add3A_976 : i32 to index
        %get3A_1018 = arith.constant 64 : index
        %get3A_1019 = tpu.vector_load %arg22[%get3A_1017, %get3A_1018] {strides = array<i32>} : memref<256x128xf32, #tpu.memory_space<vmem>>, vector<16xf32>,
        %add3A_1020 = arith.constant 64 : i32
        %add3A_1021 = arith.addi %mul3A_971, %add3A_1020 : i32
        %get3A_1022 = arith.index_cast %add3A_1021 : i32 to index
        %get3A_1023 = tpu.vector_load %arg19[%get3A_1022] {strides = array<i32>} : memref<1920xf32, #tpu.memory_space<vmem>>, vector<16xf32>,
        %mul3A_1024 = arith.mulf %get3A_1023, %mul3A_969 : vector<16xf32>
        %mul3A_1025 = arith.mulf %get3A_1019, %mul3A_1024 : vector<16xf32>
        %add3A_1026 = arith.addf %add3A_924, %mul3A_1025 : vector<16xf32>
        %get3A_1027 = arith.index_cast %add3A_976 : i32 to index
        %get3A_1028 = arith.constant 80 : index
        %get3A_1029 = tpu.vector_load %arg22[%get3A_1027, %get3A_1028] {strides = array<i32>} : memref<256x128xf32, #tpu.memory_space<vmem>>, vector<16xf32>,
        %add3A_1030 = arith.constant 80 : i32
        %add3A_1031 = arith.addi %mul3A_971, %add3A_1030 : i32
        %get3A_1032 = arith.index_cast %add3A_1031 : i32 to index
        %get3A_1033 = tpu.vector_load %arg19[%get3A_1032] {strides = array<i32>} : memref<1920xf32, #tpu.memory_space<vmem>>, vector<16xf32>,
        %mul3A_1034 = arith.mulf %get3A_1033, %mul3A_969 : vector<16xf32>
        %mul3A_1035 = arith.mulf %get3A_1029, %mul3A_1034 : vector<16xf32>
        %add3A_1036 = arith.addf %add3A_934, %mul3A_1035 : vector<16xf32>
        %get3A_1037 = arith.index_cast %add3A_976 : i32 to index
        %get3A_1038 = arith.constant 96 : index
        %get3A_1039 = tpu.vector_load %arg22[%get3A_1037, %get3A_1038] {strides = array<i32>} : memref<256x128xf32, #tpu.memory_space<vmem>>, vector<16xf32>,
        %add3A_1040 = arith.constant 96 : i32
        %add3A_1041 = arith.addi %mul3A_971, %add3A_1040 : i32
        %get3A_1042 = arith.index_cast %add3A_1041 : i32 to index
        %get3A_1043 = tpu.vector_load %arg19[%get3A_1042] {strides = array<i32>} : memref<1920xf32, #tpu.memory_space<vmem>>, vector<16xf32>,
        %mul3A_1044 = arith.mulf %get3A_1043, %mul3A_969 : vector<16xf32>
        %mul3A_1045 = arith.mulf %get3A_1039, %mul3A_1044 : vector<16xf32>
        %add3A_1046 = arith.addf %add3A_944, %mul3A_1045 : vector<16xf32>
        %get3A_1047 = arith.index_cast %add3A_976 : i32 to index
        %get3A_1048 = arith.constant 112 : index
        %get3A_1049 = tpu.vector_load %arg22[%get3A_1047, %get3A_1048] {strides = array<i32>} : memref<256x128xf32, #tpu.memory_space<vmem>>, vector<16xf32>,
        %add3A_1050 = arith.constant 112 : i32
        %add3A_1051 = arith.addi %mul3A_971, %add3A_1050 : i32
        %get3A_1052 = arith.index_cast %add3A_1051 : i32 to index
        %get3A_1053 = tpu.vector_load %arg19[%get3A_1052] {strides = array<i32>} : memref<1920xf32, #tpu.memory_space<vmem>>, vector<16xf32>,
        %mul3A_1054 = arith.mulf %get3A_1053, %mul3A_969 : vector<16xf32>
        %mul3A_1055 = arith.mulf %get3A_1049, %mul3A_1054 : vector<16xf32>
        %add3A_1056 = arith.addf %add3A_954, %mul3A_1055 : vector<16xf32>
        %slice3A_1057 = vector.extract_strided_slice %get3A_311 {offsets = [7], sizes = [1], strides = [1]} : vector<16xi32> to vector<1xi32>
        %squeeze3A_1058 = vector.extract %slice3A_1057[0] : i32 from vector<1xi32>
        %slice3A_1059 = vector.extract_strided_slice %get3A_321 {offsets = [7], sizes = [1], strides = [1]} : vector<16xf32> to vector<1xf32>
        %squeeze3A_1060 = vector.extract %slice3A_1059[0] : f32 from vector<1xf32>
        %mul3A_1061 = arith.constant 15 : i32
        %mul3A_1062 = arith.muli %scan3A_307, %mul3A_1061 : i32
        %mul3A_1063 = arith.constant 16 : i32
        %mul3A_1064 = arith.muli %mul3A_1062, %mul3A_1063 : i32
        %mul3A_1065 = arith.constant 16 : i32
        %mul3A_1066 = arith.muli %squeeze3A_1058, %mul3A_1065 : i32
        %add3A_1067 = arith.addi %mul3A_1064, %mul3A_1066 : i32
        %get3A_1068 = arith.index_cast %add3A_1067 : i32 to index
        %get3A_1069 = tpu.vector_load %arg23[%get3A_1068] {strides = array<i32>} : memref<960xf32, #tpu.memory_space<vmem>>, vector<16xf32>,
        %mul3A_1070 = vector.broadcast %squeeze3A_1060 : f32 to vector<16xf32>
        %mul3A_1071 = arith.mulf %mul3A_1070, %get3A_1069 : vector<16xf32>
        %mul3A_1072 = arith.constant 128 : i32
        %mul3A_1073 = arith.muli %squeeze3A_1058, %mul3A_1072 : i32
        %mul3A_1074 = arith.constant 32 : i32
        %mul3A_1075 = arith.muli %scan3A_307, %mul3A_1074 : i32
        %add3A_1076 = arith.addi %mul3A_292, %mul3A_1075 : i32
        %add3A_1077 = arith.constant 7 : i32
        %add3A_1078 = arith.addi %add3A_1076, %add3A_1077 : i32
        %get3A_1079 = arith.index_cast %add3A_1078 : i32 to index
        %get3A_1080 = arith.constant 0 : index
        %get3A_1081 = tpu.vector_load %arg22[%get3A_1079, %get3A_1080] {strides = array<i32>} : memref<256x128xf32, #tpu.memory_space<vmem>>, vector<16xf32>,
        %add3A_1082 = arith.constant 0 : i32
        %add3A_1083 = arith.addi %mul3A_1073, %add3A_1082 : i32
        %get3A_1084 = arith.index_cast %add3A_1083 : i32 to index
        %get3A_1085 = tpu.vector_load %arg19[%get3A_1084] {strides = array<i32>} : memref<1920xf32, #tpu.memory_space<vmem>>, vector<16xf32>,
        %mul3A_1086 = arith.mulf %get3A_1085, %mul3A_1071 : vector<16xf32>
        %mul3A_1087 = arith.mulf %get3A_1081, %mul3A_1086 : vector<16xf32>
        %add3A_1088 = arith.addf %add3A_986, %mul3A_1087 : vector<16xf32>
        %get3A_1089 = arith.index_cast %add3A_1078 : i32 to index
        %get3A_1090 = arith.constant 16 : index
        %get3A_1091 = tpu.vector_load %arg22[%get3A_1089, %get3A_1090] {strides = array<i32>} : memref<256x128xf32, #tpu.memory_space<vmem>>, vector<16xf32>,
        %add3A_1092 = arith.constant 16 : i32
        %add3A_1093 = arith.addi %mul3A_1073, %add3A_1092 : i32
        %get3A_1094 = arith.index_cast %add3A_1093 : i32 to index
        %get3A_1095 = tpu.vector_load %arg19[%get3A_1094] {strides = array<i32>} : memref<1920xf32, #tpu.memory_space<vmem>>, vector<16xf32>,
        %mul3A_1096 = arith.mulf %get3A_1095, %mul3A_1071 : vector<16xf32>
        %mul3A_1097 = arith.mulf %get3A_1091, %mul3A_1096 : vector<16xf32>
        %add3A_1098 = arith.addf %add3A_996, %mul3A_1097 : vector<16xf32>
        %get3A_1099 = arith.index_cast %add3A_1078 : i32 to index
        %get3A_1100 = arith.constant 32 : index
        %get3A_1101 = tpu.vector_load %arg22[%get3A_1099, %get3A_1100] {strides = array<i32>} : memref<256x128xf32, #tpu.memory_space<vmem>>, vector<16xf32>,
        %add3A_1102 = arith.constant 32 : i32
        %add3A_1103 = arith.addi %mul3A_1073, %add3A_1102 : i32
        %get3A_1104 = arith.index_cast %add3A_1103 : i32 to index
        %get3A_1105 = tpu.vector_load %arg19[%get3A_1104] {strides = array<i32>} : memref<1920xf32, #tpu.memory_space<vmem>>, vector<16xf32>,
        %mul3A_1106 = arith.mulf %get3A_1105, %mul3A_1071 : vector<16xf32>
        %mul3A_1107 = arith.mulf %get3A_1101, %mul3A_1106 : vector<16xf32>
        %add3A_1108 = arith.addf %add3A_1006, %mul3A_1107 : vector<16xf32>
        %get3A_1109 = arith.index_cast %add3A_1078 : i32 to index
        %get3A_1110 = arith.constant 48 : index
        %get3A_1111 = tpu.vector_load %arg22[%get3A_1109, %get3A_1110] {strides = array<i32>} : memref<256x128xf32, #tpu.memory_space<vmem>>, vector<16xf32>,
        %add3A_1112 = arith.constant 48 : i32
        %add3A_1113 = arith.addi %mul3A_1073, %add3A_1112 : i32
        %get3A_1114 = arith.index_cast %add3A_1113 : i32 to index
        %get3A_1115 = tpu.vector_load %arg19[%get3A_1114] {strides = array<i32>} : memref<1920xf32, #tpu.memory_space<vmem>>, vector<16xf32>,
        %mul3A_1116 = arith.mulf %get3A_1115, %mul3A_1071 : vector<16xf32>
        %mul3A_1117 = arith.mulf %get3A_1111, %mul3A_1116 : vector<16xf32>
        %add3A_1118 = arith.addf %add3A_1016, %mul3A_1117 : vector<16xf32>
        %get3A_1119 = arith.index_cast %add3A_1078 : i32 to index
        %get3A_1120 = arith.constant 64 : index
        %get3A_1121 = tpu.vector_load %arg22[%get3A_1119, %get3A_1120] {strides = array<i32>} : memref<256x128xf32, #tpu.memory_space<vmem>>, vector<16xf32>,
        %add3A_1122 = arith.constant 64 : i32
        %add3A_1123 = arith.addi %mul3A_1073, %add3A_1122 : i32
        %get3A_1124 = arith.index_cast %add3A_1123 : i32 to index
        %get3A_1125 = tpu.vector_load %arg19[%get3A_1124] {strides = array<i32>} : memref<1920xf32, #tpu.memory_space<vmem>>, vector<16xf32>,
        %mul3A_1126 = arith.mulf %get3A_1125, %mul3A_1071 : vector<16xf32>
        %mul3A_1127 = arith.mulf %get3A_1121, %mul3A_1126 : vector<16xf32>
        %add3A_1128 = arith.addf %add3A_1026, %mul3A_1127 : vector<16xf32>
        %get3A_1129 = arith.index_cast %add3A_1078 : i32 to index
        %get3A_1130 = arith.constant 80 : index
        %get3A_1131 = tpu.vector_load %arg22[%get3A_1129, %get3A_1130] {strides = array<i32>} : memref<256x128xf32, #tpu.memory_space<vmem>>, vector<16xf32>,
        %add3A_1132 = arith.constant 80 : i32
        %add3A_1133 = arith.addi %mul3A_1073, %add3A_1132 : i32
        %get3A_1134 = arith.index_cast %add3A_1133 : i32 to index
        %get3A_1135 = tpu.vector_load %arg19[%get3A_1134] {strides = array<i32>} : memref<1920xf32, #tpu.memory_space<vmem>>, vector<16xf32>,
        %mul3A_1136 = arith.mulf %get3A_1135, %mul3A_1071 : vector<16xf32>
        %mul3A_1137 = arith.mulf %get3A_1131, %mul3A_1136 : vector<16xf32>
        %add3A_1138 = arith.addf %add3A_1036, %mul3A_1137 : vector<16xf32>
        %get3A_1139 = arith.index_cast %add3A_1078 : i32 to index
        %get3A_1140 = arith.constant 96 : index
        %get3A_1141 = tpu.vector_load %arg22[%get3A_1139, %get3A_1140] {strides = array<i32>} : memref<256x128xf32, #tpu.memory_space<vmem>>, vector<16xf32>,
        %add3A_1142 = arith.constant 96 : i32
        %add3A_1143 = arith.addi %mul3A_1073, %add3A_1142 : i32
        %get3A_1144 = arith.index_cast %add3A_1143 : i32 to index
        %get3A_1145 = tpu.vector_load %arg19[%get3A_1144] {strides = array<i32>} : memref<1920xf32, #tpu.memory_space<vmem>>, vector<16xf32>,
        %mul3A_1146 = arith.mulf %get3A_1145, %mul3A_1071 : vector<16xf32>
        %mul3A_1147 = arith.mulf %get3A_1141, %mul3A_1146 : vector<16xf32>
        %add3A_1148 = arith.addf %add3A_1046, %mul3A_1147 : vector<16xf32>
        %get3A_1149 = arith.index_cast %add3A_1078 : i32 to index
        %get3A_1150 = arith.constant 112 : index
        %get3A_1151 = tpu.vector_load %arg22[%get3A_1149, %get3A_1150] {strides = array<i32>} : memref<256x128xf32, #tpu.memory_space<vmem>>, vector<16xf32>,
        %add3A_1152 = arith.constant 112 : i32
        %add3A_1153 = arith.addi %mul3A_1073, %add3A_1152 : i32
        %get3A_1154 = arith.index_cast %add3A_1153 : i32 to index
        %get3A_1155 = tpu.vector_load %arg19[%get3A_1154] {strides = array<i32>} : memref<1920xf32, #tpu.memory_space<vmem>>, vector<16xf32>,
        %mul3A_1156 = arith.mulf %get3A_1155, %mul3A_1071 : vector<16xf32>
        %mul3A_1157 = arith.mulf %get3A_1151, %mul3A_1156 : vector<16xf32>
        %add3A_1158 = arith.addf %add3A_1056, %mul3A_1157 : vector<16xf32>
        %slice3A_1159 = vector.extract_strided_slice %get3A_311 {offsets = [8], sizes = [1], strides = [1]} : vector<16xi32> to vector<1xi32>
        %squeeze3A_1160 = vector.extract %slice3A_1159[0] : i32 from vector<1xi32>
        %slice3A_1161 = vector.extract_strided_slice %get3A_321 {offsets = [8], sizes = [1], strides = [1]} : vector<16xf32> to vector<1xf32>
        %squeeze3A_1162 = vector.extract %slice3A_1161[0] : f32 from vector<1xf32>
        %mul3A_1163 = arith.constant 15 : i32
        %mul3A_1164 = arith.muli %scan3A_307, %mul3A_1163 : i32
        %mul3A_1165 = arith.constant 16 : i32
        %mul3A_1166 = arith.muli %mul3A_1164, %mul3A_1165 : i32
        %mul3A_1167 = arith.constant 16 : i32
        %mul3A_1168 = arith.muli %squeeze3A_1160, %mul3A_1167 : i32
        %add3A_1169 = arith.addi %mul3A_1166, %mul3A_1168 : i32
        %get3A_1170 = arith.index_cast %add3A_1169 : i32 to index
        %get3A_1171 = tpu.vector_load %arg23[%get3A_1170] {strides = array<i32>} : memref<960xf32, #tpu.memory_space<vmem>>, vector<16xf32>,
        %mul3A_1172 = vector.broadcast %squeeze3A_1162 : f32 to vector<16xf32>
        %mul3A_1173 = arith.mulf %mul3A_1172, %get3A_1171 : vector<16xf32>
        %mul3A_1174 = arith.constant 128 : i32
        %mul3A_1175 = arith.muli %squeeze3A_1160, %mul3A_1174 : i32
        %mul3A_1176 = arith.constant 32 : i32
        %mul3A_1177 = arith.muli %scan3A_307, %mul3A_1176 : i32
        %add3A_1178 = arith.addi %mul3A_292, %mul3A_1177 : i32
        %add3A_1179 = arith.constant 8 : i32
        %add3A_1180 = arith.addi %add3A_1178, %add3A_1179 : i32
        %get3A_1181 = arith.index_cast %add3A_1180 : i32 to index
        %get3A_1182 = arith.constant 0 : index
        %get3A_1183 = tpu.vector_load %arg22[%get3A_1181, %get3A_1182] {strides = array<i32>} : memref<256x128xf32, #tpu.memory_space<vmem>>, vector<16xf32>,
        %add3A_1184 = arith.constant 0 : i32
        %add3A_1185 = arith.addi %mul3A_1175, %add3A_1184 : i32
        %get3A_1186 = arith.index_cast %add3A_1185 : i32 to index
        %get3A_1187 = tpu.vector_load %arg19[%get3A_1186] {strides = array<i32>} : memref<1920xf32, #tpu.memory_space<vmem>>, vector<16xf32>,
        %mul3A_1188 = arith.mulf %get3A_1187, %mul3A_1173 : vector<16xf32>
        %mul3A_1189 = arith.mulf %get3A_1183, %mul3A_1188 : vector<16xf32>
        %add3A_1190 = arith.addf %add3A_1088, %mul3A_1189 : vector<16xf32>
        %get3A_1191 = arith.index_cast %add3A_1180 : i32 to index
        %get3A_1192 = arith.constant 16 : index
        %get3A_1193 = tpu.vector_load %arg22[%get3A_1191, %get3A_1192] {strides = array<i32>} : memref<256x128xf32, #tpu.memory_space<vmem>>, vector<16xf32>,
        %add3A_1194 = arith.constant 16 : i32
        %add3A_1195 = arith.addi %mul3A_1175, %add3A_1194 : i32
        %get3A_1196 = arith.index_cast %add3A_1195 : i32 to index
        %get3A_1197 = tpu.vector_load %arg19[%get3A_1196] {strides = array<i32>} : memref<1920xf32, #tpu.memory_space<vmem>>, vector<16xf32>,
        %mul3A_1198 = arith.mulf %get3A_1197, %mul3A_1173 : vector<16xf32>
        %mul3A_1199 = arith.mulf %get3A_1193, %mul3A_1198 : vector<16xf32>
        %add3A_1200 = arith.addf %add3A_1098, %mul3A_1199 : vector<16xf32>
        %get3A_1201 = arith.index_cast %add3A_1180 : i32 to index
        %get3A_1202 = arith.constant 32 : index
        %get3A_1203 = tpu.vector_load %arg22[%get3A_1201, %get3A_1202] {strides = array<i32>} : memref<256x128xf32, #tpu.memory_space<vmem>>, vector<16xf32>,
        %add3A_1204 = arith.constant 32 : i32
        %add3A_1205 = arith.addi %mul3A_1175, %add3A_1204 : i32
        %get3A_1206 = arith.index_cast %add3A_1205 : i32 to index
        %get3A_1207 = tpu.vector_load %arg19[%get3A_1206] {strides = array<i32>} : memref<1920xf32, #tpu.memory_space<vmem>>, vector<16xf32>,
        %mul3A_1208 = arith.mulf %get3A_1207, %mul3A_1173 : vector<16xf32>
        %mul3A_1209 = arith.mulf %get3A_1203, %mul3A_1208 : vector<16xf32>
        %add3A_1210 = arith.addf %add3A_1108, %mul3A_1209 : vector<16xf32>
        %get3A_1211 = arith.index_cast %add3A_1180 : i32 to index
        %get3A_1212 = arith.constant 48 : index
        %get3A_1213 = tpu.vector_load %arg22[%get3A_1211, %get3A_1212] {strides = array<i32>} : memref<256x128xf32, #tpu.memory_space<vmem>>, vector<16xf32>,
        %add3A_1214 = arith.constant 48 : i32
        %add3A_1215 = arith.addi %mul3A_1175, %add3A_1214 : i32
        %get3A_1216 = arith.index_cast %add3A_1215 : i32 to index
        %get3A_1217 = tpu.vector_load %arg19[%get3A_1216] {strides = array<i32>} : memref<1920xf32, #tpu.memory_space<vmem>>, vector<16xf32>,
        %mul3A_1218 = arith.mulf %get3A_1217, %mul3A_1173 : vector<16xf32>
        %mul3A_1219 = arith.mulf %get3A_1213, %mul3A_1218 : vector<16xf32>
        %add3A_1220 = arith.addf %add3A_1118, %mul3A_1219 : vector<16xf32>
        %get3A_1221 = arith.index_cast %add3A_1180 : i32 to index
        %get3A_1222 = arith.constant 64 : index
        %get3A_1223 = tpu.vector_load %arg22[%get3A_1221, %get3A_1222] {strides = array<i32>} : memref<256x128xf32, #tpu.memory_space<vmem>>, vector<16xf32>,
        %add3A_1224 = arith.constant 64 : i32
        %add3A_1225 = arith.addi %mul3A_1175, %add3A_1224 : i32
        %get3A_1226 = arith.index_cast %add3A_1225 : i32 to index
        %get3A_1227 = tpu.vector_load %arg19[%get3A_1226] {strides = array<i32>} : memref<1920xf32, #tpu.memory_space<vmem>>, vector<16xf32>,
        %mul3A_1228 = arith.mulf %get3A_1227, %mul3A_1173 : vector<16xf32>
        %mul3A_1229 = arith.mulf %get3A_1223, %mul3A_1228 : vector<16xf32>
        %add3A_1230 = arith.addf %add3A_1128, %mul3A_1229 : vector<16xf32>
        %get3A_1231 = arith.index_cast %add3A_1180 : i32 to index
        %get3A_1232 = arith.constant 80 : index
        %get3A_1233 = tpu.vector_load %arg22[%get3A_1231, %get3A_1232] {strides = array<i32>} : memref<256x128xf32, #tpu.memory_space<vmem>>, vector<16xf32>,
        %add3A_1234 = arith.constant 80 : i32
        %add3A_1235 = arith.addi %mul3A_1175, %add3A_1234 : i32
        %get3A_1236 = arith.index_cast %add3A_1235 : i32 to index
        %get3A_1237 = tpu.vector_load %arg19[%get3A_1236] {strides = array<i32>} : memref<1920xf32, #tpu.memory_space<vmem>>, vector<16xf32>,
        %mul3A_1238 = arith.mulf %get3A_1237, %mul3A_1173 : vector<16xf32>
        %mul3A_1239 = arith.mulf %get3A_1233, %mul3A_1238 : vector<16xf32>
        %add3A_1240 = arith.addf %add3A_1138, %mul3A_1239 : vector<16xf32>
        %get3A_1241 = arith.index_cast %add3A_1180 : i32 to index
        %get3A_1242 = arith.constant 96 : index
        %get3A_1243 = tpu.vector_load %arg22[%get3A_1241, %get3A_1242] {strides = array<i32>} : memref<256x128xf32, #tpu.memory_space<vmem>>, vector<16xf32>,
        %add3A_1244 = arith.constant 96 : i32
        %add3A_1245 = arith.addi %mul3A_1175, %add3A_1244 : i32
        %get3A_1246 = arith.index_cast %add3A_1245 : i32 to index
        %get3A_1247 = tpu.vector_load %arg19[%get3A_1246] {strides = array<i32>} : memref<1920xf32, #tpu.memory_space<vmem>>, vector<16xf32>,
        %mul3A_1248 = arith.mulf %get3A_1247, %mul3A_1173 : vector<16xf32>
        %mul3A_1249 = arith.mulf %get3A_1243, %mul3A_1248 : vector<16xf32>
        %add3A_1250 = arith.addf %add3A_1148, %mul3A_1249 : vector<16xf32>
        %get3A_1251 = arith.index_cast %add3A_1180 : i32 to index
        %get3A_1252 = arith.constant 112 : index
        %get3A_1253 = tpu.vector_load %arg22[%get3A_1251, %get3A_1252] {strides = array<i32>} : memref<256x128xf32, #tpu.memory_space<vmem>>, vector<16xf32>,
        %add3A_1254 = arith.constant 112 : i32
        %add3A_1255 = arith.addi %mul3A_1175, %add3A_1254 : i32
        %get3A_1256 = arith.index_cast %add3A_1255 : i32 to index
        %get3A_1257 = tpu.vector_load %arg19[%get3A_1256] {strides = array<i32>} : memref<1920xf32, #tpu.memory_space<vmem>>, vector<16xf32>,
        %mul3A_1258 = arith.mulf %get3A_1257, %mul3A_1173 : vector<16xf32>
        %mul3A_1259 = arith.mulf %get3A_1253, %mul3A_1258 : vector<16xf32>
        %add3A_1260 = arith.addf %add3A_1158, %mul3A_1259 : vector<16xf32>
        %slice3A_1261 = vector.extract_strided_slice %get3A_311 {offsets = [9], sizes = [1], strides = [1]} : vector<16xi32> to vector<1xi32>
        %squeeze3A_1262 = vector.extract %slice3A_1261[0] : i32 from vector<1xi32>
        %slice3A_1263 = vector.extract_strided_slice %get3A_321 {offsets = [9], sizes = [1], strides = [1]} : vector<16xf32> to vector<1xf32>
        %squeeze3A_1264 = vector.extract %slice3A_1263[0] : f32 from vector<1xf32>
        %mul3A_1265 = arith.constant 15 : i32
        %mul3A_1266 = arith.muli %scan3A_307, %mul3A_1265 : i32
        %mul3A_1267 = arith.constant 16 : i32
        %mul3A_1268 = arith.muli %mul3A_1266, %mul3A_1267 : i32
        %mul3A_1269 = arith.constant 16 : i32
        %mul3A_1270 = arith.muli %squeeze3A_1262, %mul3A_1269 : i32
        %add3A_1271 = arith.addi %mul3A_1268, %mul3A_1270 : i32
        %get3A_1272 = arith.index_cast %add3A_1271 : i32 to index
        %get3A_1273 = tpu.vector_load %arg23[%get3A_1272] {strides = array<i32>} : memref<960xf32, #tpu.memory_space<vmem>>, vector<16xf32>,
        %mul3A_1274 = vector.broadcast %squeeze3A_1264 : f32 to vector<16xf32>
        %mul3A_1275 = arith.mulf %mul3A_1274, %get3A_1273 : vector<16xf32>
        %mul3A_1276 = arith.constant 128 : i32
        %mul3A_1277 = arith.muli %squeeze3A_1262, %mul3A_1276 : i32
        %mul3A_1278 = arith.constant 32 : i32
        %mul3A_1279 = arith.muli %scan3A_307, %mul3A_1278 : i32
        %add3A_1280 = arith.addi %mul3A_292, %mul3A_1279 : i32
        %add3A_1281 = arith.constant 9 : i32
        %add3A_1282 = arith.addi %add3A_1280, %add3A_1281 : i32
        %get3A_1283 = arith.index_cast %add3A_1282 : i32 to index
        %get3A_1284 = arith.constant 0 : index
        %get3A_1285 = tpu.vector_load %arg22[%get3A_1283, %get3A_1284] {strides = array<i32>} : memref<256x128xf32, #tpu.memory_space<vmem>>, vector<16xf32>,
        %add3A_1286 = arith.constant 0 : i32
        %add3A_1287 = arith.addi %mul3A_1277, %add3A_1286 : i32
        %get3A_1288 = arith.index_cast %add3A_1287 : i32 to index
        %get3A_1289 = tpu.vector_load %arg19[%get3A_1288] {strides = array<i32>} : memref<1920xf32, #tpu.memory_space<vmem>>, vector<16xf32>,
        %mul3A_1290 = arith.mulf %get3A_1289, %mul3A_1275 : vector<16xf32>
        %mul3A_1291 = arith.mulf %get3A_1285, %mul3A_1290 : vector<16xf32>
        %add3A_1292 = arith.addf %add3A_1190, %mul3A_1291 : vector<16xf32>
        %get3A_1293 = arith.index_cast %add3A_1282 : i32 to index
        %get3A_1294 = arith.constant 16 : index
        %get3A_1295 = tpu.vector_load %arg22[%get3A_1293, %get3A_1294] {strides = array<i32>} : memref<256x128xf32, #tpu.memory_space<vmem>>, vector<16xf32>,
        %add3A_1296 = arith.constant 16 : i32
        %add3A_1297 = arith.addi %mul3A_1277, %add3A_1296 : i32
        %get3A_1298 = arith.index_cast %add3A_1297 : i32 to index
        %get3A_1299 = tpu.vector_load %arg19[%get3A_1298] {strides = array<i32>} : memref<1920xf32, #tpu.memory_space<vmem>>, vector<16xf32>,
        %mul3A_1300 = arith.mulf %get3A_1299, %mul3A_1275 : vector<16xf32>
        %mul3A_1301 = arith.mulf %get3A_1295, %mul3A_1300 : vector<16xf32>
        %add3A_1302 = arith.addf %add3A_1200, %mul3A_1301 : vector<16xf32>
        %get3A_1303 = arith.index_cast %add3A_1282 : i32 to index
        %get3A_1304 = arith.constant 32 : index
        %get3A_1305 = tpu.vector_load %arg22[%get3A_1303, %get3A_1304] {strides = array<i32>} : memref<256x128xf32, #tpu.memory_space<vmem>>, vector<16xf32>,
        %add3A_1306 = arith.constant 32 : i32
        %add3A_1307 = arith.addi %mul3A_1277, %add3A_1306 : i32
        %get3A_1308 = arith.index_cast %add3A_1307 : i32 to index
        %get3A_1309 = tpu.vector_load %arg19[%get3A_1308] {strides = array<i32>} : memref<1920xf32, #tpu.memory_space<vmem>>, vector<16xf32>,
        %mul3A_1310 = arith.mulf %get3A_1309, %mul3A_1275 : vector<16xf32>
        %mul3A_1311 = arith.mulf %get3A_1305, %mul3A_1310 : vector<16xf32>
        %add3A_1312 = arith.addf %add3A_1210, %mul3A_1311 : vector<16xf32>
        %get3A_1313 = arith.index_cast %add3A_1282 : i32 to index
        %get3A_1314 = arith.constant 48 : index
        %get3A_1315 = tpu.vector_load %arg22[%get3A_1313, %get3A_1314] {strides = array<i32>} : memref<256x128xf32, #tpu.memory_space<vmem>>, vector<16xf32>,
        %add3A_1316 = arith.constant 48 : i32
        %add3A_1317 = arith.addi %mul3A_1277, %add3A_1316 : i32
        %get3A_1318 = arith.index_cast %add3A_1317 : i32 to index
        %get3A_1319 = tpu.vector_load %arg19[%get3A_1318] {strides = array<i32>} : memref<1920xf32, #tpu.memory_space<vmem>>, vector<16xf32>,
        %mul3A_1320 = arith.mulf %get3A_1319, %mul3A_1275 : vector<16xf32>
        %mul3A_1321 = arith.mulf %get3A_1315, %mul3A_1320 : vector<16xf32>
        %add3A_1322 = arith.addf %add3A_1220, %mul3A_1321 : vector<16xf32>
        %get3A_1323 = arith.index_cast %add3A_1282 : i32 to index
        %get3A_1324 = arith.constant 64 : index
        %get3A_1325 = tpu.vector_load %arg22[%get3A_1323, %get3A_1324] {strides = array<i32>} : memref<256x128xf32, #tpu.memory_space<vmem>>, vector<16xf32>,
        %add3A_1326 = arith.constant 64 : i32
        %add3A_1327 = arith.addi %mul3A_1277, %add3A_1326 : i32
        %get3A_1328 = arith.index_cast %add3A_1327 : i32 to index
        %get3A_1329 = tpu.vector_load %arg19[%get3A_1328] {strides = array<i32>} : memref<1920xf32, #tpu.memory_space<vmem>>, vector<16xf32>,
        %mul3A_1330 = arith.mulf %get3A_1329, %mul3A_1275 : vector<16xf32>
        %mul3A_1331 = arith.mulf %get3A_1325, %mul3A_1330 : vector<16xf32>
        %add3A_1332 = arith.addf %add3A_1230, %mul3A_1331 : vector<16xf32>
        %get3A_1333 = arith.index_cast %add3A_1282 : i32 to index
        %get3A_1334 = arith.constant 80 : index
        %get3A_1335 = tpu.vector_load %arg22[%get3A_1333, %get3A_1334] {strides = array<i32>} : memref<256x128xf32, #tpu.memory_space<vmem>>, vector<16xf32>,
        %add3A_1336 = arith.constant 80 : i32
        %add3A_1337 = arith.addi %mul3A_1277, %add3A_1336 : i32
        %get3A_1338 = arith.index_cast %add3A_1337 : i32 to index
        %get3A_1339 = tpu.vector_load %arg19[%get3A_1338] {strides = array<i32>} : memref<1920xf32, #tpu.memory_space<vmem>>, vector<16xf32>,
        %mul3A_1340 = arith.mulf %get3A_1339, %mul3A_1275 : vector<16xf32>
        %mul3A_1341 = arith.mulf %get3A_1335, %mul3A_1340 : vector<16xf32>
        %add3A_1342 = arith.addf %add3A_1240, %mul3A_1341 : vector<16xf32>
        %get3A_1343 = arith.index_cast %add3A_1282 : i32 to index
        %get3A_1344 = arith.constant 96 : index
        %get3A_1345 = tpu.vector_load %arg22[%get3A_1343, %get3A_1344] {strides = array<i32>} : memref<256x128xf32, #tpu.memory_space<vmem>>, vector<16xf32>,
        %add3A_1346 = arith.constant 96 : i32
        %add3A_1347 = arith.addi %mul3A_1277, %add3A_1346 : i32
        %get3A_1348 = arith.index_cast %add3A_1347 : i32 to index
        %get3A_1349 = tpu.vector_load %arg19[%get3A_1348] {strides = array<i32>} : memref<1920xf32, #tpu.memory_space<vmem>>, vector<16xf32>,
        %mul3A_1350 = arith.mulf %get3A_1349, %mul3A_1275 : vector<16xf32>
        %mul3A_1351 = arith.mulf %get3A_1345, %mul3A_1350 : vector<16xf32>
        %add3A_1352 = arith.addf %add3A_1250, %mul3A_1351 : vector<16xf32>
        %get3A_1353 = arith.index_cast %add3A_1282 : i32 to index
        %get3A_1354 = arith.constant 112 : index
        %get3A_1355 = tpu.vector_load %arg22[%get3A_1353, %get3A_1354] {strides = array<i32>} : memref<256x128xf32, #tpu.memory_space<vmem>>, vector<16xf32>,
        %add3A_1356 = arith.constant 112 : i32
        %add3A_1357 = arith.addi %mul3A_1277, %add3A_1356 : i32
        %get3A_1358 = arith.index_cast %add3A_1357 : i32 to index
        %get3A_1359 = tpu.vector_load %arg19[%get3A_1358] {strides = array<i32>} : memref<1920xf32, #tpu.memory_space<vmem>>, vector<16xf32>,
        %mul3A_1360 = arith.mulf %get3A_1359, %mul3A_1275 : vector<16xf32>
        %mul3A_1361 = arith.mulf %get3A_1355, %mul3A_1360 : vector<16xf32>
        %add3A_1362 = arith.addf %add3A_1260, %mul3A_1361 : vector<16xf32>
        %slice3A_1363 = vector.extract_strided_slice %get3A_311 {offsets = [10], sizes = [1], strides = [1]} : vector<16xi32> to vector<1xi32>
        %squeeze3A_1364 = vector.extract %slice3A_1363[0] : i32 from vector<1xi32>
        %slice3A_1365 = vector.extract_strided_slice %get3A_321 {offsets = [10], sizes = [1], strides = [1]} : vector<16xf32> to vector<1xf32>
        %squeeze3A_1366 = vector.extract %slice3A_1365[0] : f32 from vector<1xf32>
        %mul3A_1367 = arith.constant 15 : i32
        %mul3A_1368 = arith.muli %scan3A_307, %mul3A_1367 : i32
        %mul3A_1369 = arith.constant 16 : i32
        %mul3A_1370 = arith.muli %mul3A_1368, %mul3A_1369 : i32
        %mul3A_1371 = arith.constant 16 : i32
        %mul3A_1372 = arith.muli %squeeze3A_1364, %mul3A_1371 : i32
        %add3A_1373 = arith.addi %mul3A_1370, %mul3A_1372 : i32
        %get3A_1374 = arith.index_cast %add3A_1373 : i32 to index
        %get3A_1375 = tpu.vector_load %arg23[%get3A_1374] {strides = array<i32>} : memref<960xf32, #tpu.memory_space<vmem>>, vector<16xf32>,
        %mul3A_1376 = vector.broadcast %squeeze3A_1366 : f32 to vector<16xf32>
        %mul3A_1377 = arith.mulf %mul3A_1376, %get3A_1375 : vector<16xf32>
        %mul3A_1378 = arith.constant 128 : i32
        %mul3A_1379 = arith.muli %squeeze3A_1364, %mul3A_1378 : i32
        %mul3A_1380 = arith.constant 32 : i32
        %mul3A_1381 = arith.muli %scan3A_307, %mul3A_1380 : i32
        %add3A_1382 = arith.addi %mul3A_292, %mul3A_1381 : i32
        %add3A_1383 = arith.constant 10 : i32
        %add3A_1384 = arith.addi %add3A_1382, %add3A_1383 : i32
        %get3A_1385 = arith.index_cast %add3A_1384 : i32 to index
        %get3A_1386 = arith.constant 0 : index
        %get3A_1387 = tpu.vector_load %arg22[%get3A_1385, %get3A_1386] {strides = array<i32>} : memref<256x128xf32, #tpu.memory_space<vmem>>, vector<16xf32>,
        %add3A_1388 = arith.constant 0 : i32
        %add3A_1389 = arith.addi %mul3A_1379, %add3A_1388 : i32
        %get3A_1390 = arith.index_cast %add3A_1389 : i32 to index
        %get3A_1391 = tpu.vector_load %arg19[%get3A_1390] {strides = array<i32>} : memref<1920xf32, #tpu.memory_space<vmem>>, vector<16xf32>,
        %mul3A_1392 = arith.mulf %get3A_1391, %mul3A_1377 : vector<16xf32>
        %mul3A_1393 = arith.mulf %get3A_1387, %mul3A_1392 : vector<16xf32>
        %add3A_1394 = arith.addf %add3A_1292, %mul3A_1393 : vector<16xf32>
        %get3A_1395 = arith.index_cast %add3A_1384 : i32 to index
        %get3A_1396 = arith.constant 16 : index
        %get3A_1397 = tpu.vector_load %arg22[%get3A_1395, %get3A_1396] {strides = array<i32>} : memref<256x128xf32, #tpu.memory_space<vmem>>, vector<16xf32>,
        %add3A_1398 = arith.constant 16 : i32
        %add3A_1399 = arith.addi %mul3A_1379, %add3A_1398 : i32
        %get3A_1400 = arith.index_cast %add3A_1399 : i32 to index
        %get3A_1401 = tpu.vector_load %arg19[%get3A_1400] {strides = array<i32>} : memref<1920xf32, #tpu.memory_space<vmem>>, vector<16xf32>,
        %mul3A_1402 = arith.mulf %get3A_1401, %mul3A_1377 : vector<16xf32>
        %mul3A_1403 = arith.mulf %get3A_1397, %mul3A_1402 : vector<16xf32>
        %add3A_1404 = arith.addf %add3A_1302, %mul3A_1403 : vector<16xf32>
        %get3A_1405 = arith.index_cast %add3A_1384 : i32 to index
        %get3A_1406 = arith.constant 32 : index
        %get3A_1407 = tpu.vector_load %arg22[%get3A_1405, %get3A_1406] {strides = array<i32>} : memref<256x128xf32, #tpu.memory_space<vmem>>, vector<16xf32>,
        %add3A_1408 = arith.constant 32 : i32
        %add3A_1409 = arith.addi %mul3A_1379, %add3A_1408 : i32
        %get3A_1410 = arith.index_cast %add3A_1409 : i32 to index
        %get3A_1411 = tpu.vector_load %arg19[%get3A_1410] {strides = array<i32>} : memref<1920xf32, #tpu.memory_space<vmem>>, vector<16xf32>,
        %mul3A_1412 = arith.mulf %get3A_1411, %mul3A_1377 : vector<16xf32>
        %mul3A_1413 = arith.mulf %get3A_1407, %mul3A_1412 : vector<16xf32>
        %add3A_1414 = arith.addf %add3A_1312, %mul3A_1413 : vector<16xf32>
        %get3A_1415 = arith.index_cast %add3A_1384 : i32 to index
        %get3A_1416 = arith.constant 48 : index
        %get3A_1417 = tpu.vector_load %arg22[%get3A_1415, %get3A_1416] {strides = array<i32>} : memref<256x128xf32, #tpu.memory_space<vmem>>, vector<16xf32>,
        %add3A_1418 = arith.constant 48 : i32
        %add3A_1419 = arith.addi %mul3A_1379, %add3A_1418 : i32
        %get3A_1420 = arith.index_cast %add3A_1419 : i32 to index
        %get3A_1421 = tpu.vector_load %arg19[%get3A_1420] {strides = array<i32>} : memref<1920xf32, #tpu.memory_space<vmem>>, vector<16xf32>,
        %mul3A_1422 = arith.mulf %get3A_1421, %mul3A_1377 : vector<16xf32>
        %mul3A_1423 = arith.mulf %get3A_1417, %mul3A_1422 : vector<16xf32>
        %add3A_1424 = arith.addf %add3A_1322, %mul3A_1423 : vector<16xf32>
        %get3A_1425 = arith.index_cast %add3A_1384 : i32 to index
        %get3A_1426 = arith.constant 64 : index
        %get3A_1427 = tpu.vector_load %arg22[%get3A_1425, %get3A_1426] {strides = array<i32>} : memref<256x128xf32, #tpu.memory_space<vmem>>, vector<16xf32>,
        %add3A_1428 = arith.constant 64 : i32
        %add3A_1429 = arith.addi %mul3A_1379, %add3A_1428 : i32
        %get3A_1430 = arith.index_cast %add3A_1429 : i32 to index
        %get3A_1431 = tpu.vector_load %arg19[%get3A_1430] {strides = array<i32>} : memref<1920xf32, #tpu.memory_space<vmem>>, vector<16xf32>,
        %mul3A_1432 = arith.mulf %get3A_1431, %mul3A_1377 : vector<16xf32>
        %mul3A_1433 = arith.mulf %get3A_1427, %mul3A_1432 : vector<16xf32>
        %add3A_1434 = arith.addf %add3A_1332, %mul3A_1433 : vector<16xf32>
        %get3A_1435 = arith.index_cast %add3A_1384 : i32 to index
        %get3A_1436 = arith.constant 80 : index
        %get3A_1437 = tpu.vector_load %arg22[%get3A_1435, %get3A_1436] {strides = array<i32>} : memref<256x128xf32, #tpu.memory_space<vmem>>, vector<16xf32>,
        %add3A_1438 = arith.constant 80 : i32
        %add3A_1439 = arith.addi %mul3A_1379, %add3A_1438 : i32
        %get3A_1440 = arith.index_cast %add3A_1439 : i32 to index
        %get3A_1441 = tpu.vector_load %arg19[%get3A_1440] {strides = array<i32>} : memref<1920xf32, #tpu.memory_space<vmem>>, vector<16xf32>,
        %mul3A_1442 = arith.mulf %get3A_1441, %mul3A_1377 : vector<16xf32>
        %mul3A_1443 = arith.mulf %get3A_1437, %mul3A_1442 : vector<16xf32>
        %add3A_1444 = arith.addf %add3A_1342, %mul3A_1443 : vector<16xf32>
        %get3A_1445 = arith.index_cast %add3A_1384 : i32 to index
        %get3A_1446 = arith.constant 96 : index
        %get3A_1447 = tpu.vector_load %arg22[%get3A_1445, %get3A_1446] {strides = array<i32>} : memref<256x128xf32, #tpu.memory_space<vmem>>, vector<16xf32>,
        %add3A_1448 = arith.constant 96 : i32
        %add3A_1449 = arith.addi %mul3A_1379, %add3A_1448 : i32
        %get3A_1450 = arith.index_cast %add3A_1449 : i32 to index
        %get3A_1451 = tpu.vector_load %arg19[%get3A_1450] {strides = array<i32>} : memref<1920xf32, #tpu.memory_space<vmem>>, vector<16xf32>,
        %mul3A_1452 = arith.mulf %get3A_1451, %mul3A_1377 : vector<16xf32>
        %mul3A_1453 = arith.mulf %get3A_1447, %mul3A_1452 : vector<16xf32>
        %add3A_1454 = arith.addf %add3A_1352, %mul3A_1453 : vector<16xf32>
        %get3A_1455 = arith.index_cast %add3A_1384 : i32 to index
        %get3A_1456 = arith.constant 112 : index
        %get3A_1457 = tpu.vector_load %arg22[%get3A_1455, %get3A_1456] {strides = array<i32>} : memref<256x128xf32, #tpu.memory_space<vmem>>, vector<16xf32>,
        %add3A_1458 = arith.constant 112 : i32
        %add3A_1459 = arith.addi %mul3A_1379, %add3A_1458 : i32
        %get3A_1460 = arith.index_cast %add3A_1459 : i32 to index
        %get3A_1461 = tpu.vector_load %arg19[%get3A_1460] {strides = array<i32>} : memref<1920xf32, #tpu.memory_space<vmem>>, vector<16xf32>,
        %mul3A_1462 = arith.mulf %get3A_1461, %mul3A_1377 : vector<16xf32>
        %mul3A_1463 = arith.mulf %get3A_1457, %mul3A_1462 : vector<16xf32>
        %add3A_1464 = arith.addf %add3A_1362, %mul3A_1463 : vector<16xf32>
        %slice3A_1465 = vector.extract_strided_slice %get3A_311 {offsets = [11], sizes = [1], strides = [1]} : vector<16xi32> to vector<1xi32>
        %squeeze3A_1466 = vector.extract %slice3A_1465[0] : i32 from vector<1xi32>
        %slice3A_1467 = vector.extract_strided_slice %get3A_321 {offsets = [11], sizes = [1], strides = [1]} : vector<16xf32> to vector<1xf32>
        %squeeze3A_1468 = vector.extract %slice3A_1467[0] : f32 from vector<1xf32>
        %mul3A_1469 = arith.constant 15 : i32
        %mul3A_1470 = arith.muli %scan3A_307, %mul3A_1469 : i32
        %mul3A_1471 = arith.constant 16 : i32
        %mul3A_1472 = arith.muli %mul3A_1470, %mul3A_1471 : i32
        %mul3A_1473 = arith.constant 16 : i32
        %mul3A_1474 = arith.muli %squeeze3A_1466, %mul3A_1473 : i32
        %add3A_1475 = arith.addi %mul3A_1472, %mul3A_1474 : i32
        %get3A_1476 = arith.index_cast %add3A_1475 : i32 to index
        %get3A_1477 = tpu.vector_load %arg23[%get3A_1476] {strides = array<i32>} : memref<960xf32, #tpu.memory_space<vmem>>, vector<16xf32>,
        %mul3A_1478 = vector.broadcast %squeeze3A_1468 : f32 to vector<16xf32>
        %mul3A_1479 = arith.mulf %mul3A_1478, %get3A_1477 : vector<16xf32>
        %mul3A_1480 = arith.constant 128 : i32
        %mul3A_1481 = arith.muli %squeeze3A_1466, %mul3A_1480 : i32
        %mul3A_1482 = arith.constant 32 : i32
        %mul3A_1483 = arith.muli %scan3A_307, %mul3A_1482 : i32
        %add3A_1484 = arith.addi %mul3A_292, %mul3A_1483 : i32
        %add3A_1485 = arith.constant 11 : i32
        %add3A_1486 = arith.addi %add3A_1484, %add3A_1485 : i32
        %get3A_1487 = arith.index_cast %add3A_1486 : i32 to index
        %get3A_1488 = arith.constant 0 : index
        %get3A_1489 = tpu.vector_load %arg22[%get3A_1487, %get3A_1488] {strides = array<i32>} : memref<256x128xf32, #tpu.memory_space<vmem>>, vector<16xf32>,
        %add3A_1490 = arith.constant 0 : i32
        %add3A_1491 = arith.addi %mul3A_1481, %add3A_1490 : i32
        %get3A_1492 = arith.index_cast %add3A_1491 : i32 to index
        %get3A_1493 = tpu.vector_load %arg19[%get3A_1492] {strides = array<i32>} : memref<1920xf32, #tpu.memory_space<vmem>>, vector<16xf32>,
        %mul3A_1494 = arith.mulf %get3A_1493, %mul3A_1479 : vector<16xf32>
        %mul3A_1495 = arith.mulf %get3A_1489, %mul3A_1494 : vector<16xf32>
        %add3A_1496 = arith.addf %add3A_1394, %mul3A_1495 : vector<16xf32>
        %get3A_1497 = arith.index_cast %add3A_1486 : i32 to index
        %get3A_1498 = arith.constant 16 : index
        %get3A_1499 = tpu.vector_load %arg22[%get3A_1497, %get3A_1498] {strides = array<i32>} : memref<256x128xf32, #tpu.memory_space<vmem>>, vector<16xf32>,
        %add3A_1500 = arith.constant 16 : i32
        %add3A_1501 = arith.addi %mul3A_1481, %add3A_1500 : i32
        %get3A_1502 = arith.index_cast %add3A_1501 : i32 to index
        %get3A_1503 = tpu.vector_load %arg19[%get3A_1502] {strides = array<i32>} : memref<1920xf32, #tpu.memory_space<vmem>>, vector<16xf32>,
        %mul3A_1504 = arith.mulf %get3A_1503, %mul3A_1479 : vector<16xf32>
        %mul3A_1505 = arith.mulf %get3A_1499, %mul3A_1504 : vector<16xf32>
        %add3A_1506 = arith.addf %add3A_1404, %mul3A_1505 : vector<16xf32>
        %get3A_1507 = arith.index_cast %add3A_1486 : i32 to index
        %get3A_1508 = arith.constant 32 : index
        %get3A_1509 = tpu.vector_load %arg22[%get3A_1507, %get3A_1508] {strides = array<i32>} : memref<256x128xf32, #tpu.memory_space<vmem>>, vector<16xf32>,
        %add3A_1510 = arith.constant 32 : i32
        %add3A_1511 = arith.addi %mul3A_1481, %add3A_1510 : i32
        %get3A_1512 = arith.index_cast %add3A_1511 : i32 to index
        %get3A_1513 = tpu.vector_load %arg19[%get3A_1512] {strides = array<i32>} : memref<1920xf32, #tpu.memory_space<vmem>>, vector<16xf32>,
        %mul3A_1514 = arith.mulf %get3A_1513, %mul3A_1479 : vector<16xf32>
        %mul3A_1515 = arith.mulf %get3A_1509, %mul3A_1514 : vector<16xf32>
        %add3A_1516 = arith.addf %add3A_1414, %mul3A_1515 : vector<16xf32>
        %get3A_1517 = arith.index_cast %add3A_1486 : i32 to index
        %get3A_1518 = arith.constant 48 : index
        %get3A_1519 = tpu.vector_load %arg22[%get3A_1517, %get3A_1518] {strides = array<i32>} : memref<256x128xf32, #tpu.memory_space<vmem>>, vector<16xf32>,
        %add3A_1520 = arith.constant 48 : i32
        %add3A_1521 = arith.addi %mul3A_1481, %add3A_1520 : i32
        %get3A_1522 = arith.index_cast %add3A_1521 : i32 to index
        %get3A_1523 = tpu.vector_load %arg19[%get3A_1522] {strides = array<i32>} : memref<1920xf32, #tpu.memory_space<vmem>>, vector<16xf32>,
        %mul3A_1524 = arith.mulf %get3A_1523, %mul3A_1479 : vector<16xf32>
        %mul3A_1525 = arith.mulf %get3A_1519, %mul3A_1524 : vector<16xf32>
        %add3A_1526 = arith.addf %add3A_1424, %mul3A_1525 : vector<16xf32>
        %get3A_1527 = arith.index_cast %add3A_1486 : i32 to index
        %get3A_1528 = arith.constant 64 : index
        %get3A_1529 = tpu.vector_load %arg22[%get3A_1527, %get3A_1528] {strides = array<i32>} : memref<256x128xf32, #tpu.memory_space<vmem>>, vector<16xf32>,
        %add3A_1530 = arith.constant 64 : i32
        %add3A_1531 = arith.addi %mul3A_1481, %add3A_1530 : i32
        %get3A_1532 = arith.index_cast %add3A_1531 : i32 to index
        %get3A_1533 = tpu.vector_load %arg19[%get3A_1532] {strides = array<i32>} : memref<1920xf32, #tpu.memory_space<vmem>>, vector<16xf32>,
        %mul3A_1534 = arith.mulf %get3A_1533, %mul3A_1479 : vector<16xf32>
        %mul3A_1535 = arith.mulf %get3A_1529, %mul3A_1534 : vector<16xf32>
        %add3A_1536 = arith.addf %add3A_1434, %mul3A_1535 : vector<16xf32>
        %get3A_1537 = arith.index_cast %add3A_1486 : i32 to index
        %get3A_1538 = arith.constant 80 : index
        %get3A_1539 = tpu.vector_load %arg22[%get3A_1537, %get3A_1538] {strides = array<i32>} : memref<256x128xf32, #tpu.memory_space<vmem>>, vector<16xf32>,
        %add3A_1540 = arith.constant 80 : i32
        %add3A_1541 = arith.addi %mul3A_1481, %add3A_1540 : i32
        %get3A_1542 = arith.index_cast %add3A_1541 : i32 to index
        %get3A_1543 = tpu.vector_load %arg19[%get3A_1542] {strides = array<i32>} : memref<1920xf32, #tpu.memory_space<vmem>>, vector<16xf32>,
        %mul3A_1544 = arith.mulf %get3A_1543, %mul3A_1479 : vector<16xf32>
        %mul3A_1545 = arith.mulf %get3A_1539, %mul3A_1544 : vector<16xf32>
        %add3A_1546 = arith.addf %add3A_1444, %mul3A_1545 : vector<16xf32>
        %get3A_1547 = arith.index_cast %add3A_1486 : i32 to index
        %get3A_1548 = arith.constant 96 : index
        %get3A_1549 = tpu.vector_load %arg22[%get3A_1547, %get3A_1548] {strides = array<i32>} : memref<256x128xf32, #tpu.memory_space<vmem>>, vector<16xf32>,
        %add3A_1550 = arith.constant 96 : i32
        %add3A_1551 = arith.addi %mul3A_1481, %add3A_1550 : i32
        %get3A_1552 = arith.index_cast %add3A_1551 : i32 to index
        %get3A_1553 = tpu.vector_load %arg19[%get3A_1552] {strides = array<i32>} : memref<1920xf32, #tpu.memory_space<vmem>>, vector<16xf32>,
        %mul3A_1554 = arith.mulf %get3A_1553, %mul3A_1479 : vector<16xf32>
        %mul3A_1555 = arith.mulf %get3A_1549, %mul3A_1554 : vector<16xf32>
        %add3A_1556 = arith.addf %add3A_1454, %mul3A_1555 : vector<16xf32>
        %get3A_1557 = arith.index_cast %add3A_1486 : i32 to index
        %get3A_1558 = arith.constant 112 : index
        %get3A_1559 = tpu.vector_load %arg22[%get3A_1557, %get3A_1558] {strides = array<i32>} : memref<256x128xf32, #tpu.memory_space<vmem>>, vector<16xf32>,
        %add3A_1560 = arith.constant 112 : i32
        %add3A_1561 = arith.addi %mul3A_1481, %add3A_1560 : i32
        %get3A_1562 = arith.index_cast %add3A_1561 : i32 to index
        %get3A_1563 = tpu.vector_load %arg19[%get3A_1562] {strides = array<i32>} : memref<1920xf32, #tpu.memory_space<vmem>>, vector<16xf32>,
        %mul3A_1564 = arith.mulf %get3A_1563, %mul3A_1479 : vector<16xf32>
        %mul3A_1565 = arith.mulf %get3A_1559, %mul3A_1564 : vector<16xf32>
        %add3A_1566 = arith.addf %add3A_1464, %mul3A_1565 : vector<16xf32>
        %slice3A_1567 = vector.extract_strided_slice %get3A_311 {offsets = [12], sizes = [1], strides = [1]} : vector<16xi32> to vector<1xi32>
        %squeeze3A_1568 = vector.extract %slice3A_1567[0] : i32 from vector<1xi32>
        %slice3A_1569 = vector.extract_strided_slice %get3A_321 {offsets = [12], sizes = [1], strides = [1]} : vector<16xf32> to vector<1xf32>
        %squeeze3A_1570 = vector.extract %slice3A_1569[0] : f32 from vector<1xf32>
        %mul3A_1571 = arith.constant 15 : i32
        %mul3A_1572 = arith.muli %scan3A_307, %mul3A_1571 : i32
        %mul3A_1573 = arith.constant 16 : i32
        %mul3A_1574 = arith.muli %mul3A_1572, %mul3A_1573 : i32
        %mul3A_1575 = arith.constant 16 : i32
        %mul3A_1576 = arith.muli %squeeze3A_1568, %mul3A_1575 : i32
        %add3A_1577 = arith.addi %mul3A_1574, %mul3A_1576 : i32
        %get3A_1578 = arith.index_cast %add3A_1577 : i32 to index
        %get3A_1579 = tpu.vector_load %arg23[%get3A_1578] {strides = array<i32>} : memref<960xf32, #tpu.memory_space<vmem>>, vector<16xf32>,
        %mul3A_1580 = vector.broadcast %squeeze3A_1570 : f32 to vector<16xf32>
        %mul3A_1581 = arith.mulf %mul3A_1580, %get3A_1579 : vector<16xf32>
        %mul3A_1582 = arith.constant 128 : i32
        %mul3A_1583 = arith.muli %squeeze3A_1568, %mul3A_1582 : i32
        %mul3A_1584 = arith.constant 32 : i32
        %mul3A_1585 = arith.muli %scan3A_307, %mul3A_1584 : i32
        %add3A_1586 = arith.addi %mul3A_292, %mul3A_1585 : i32
        %add3A_1587 = arith.constant 12 : i32
        %add3A_1588 = arith.addi %add3A_1586, %add3A_1587 : i32
        %get3A_1589 = arith.index_cast %add3A_1588 : i32 to index
        %get3A_1590 = arith.constant 0 : index
        %get3A_1591 = tpu.vector_load %arg22[%get3A_1589, %get3A_1590] {strides = array<i32>} : memref<256x128xf32, #tpu.memory_space<vmem>>, vector<16xf32>,
        %add3A_1592 = arith.constant 0 : i32
        %add3A_1593 = arith.addi %mul3A_1583, %add3A_1592 : i32
        %get3A_1594 = arith.index_cast %add3A_1593 : i32 to index
        %get3A_1595 = tpu.vector_load %arg19[%get3A_1594] {strides = array<i32>} : memref<1920xf32, #tpu.memory_space<vmem>>, vector<16xf32>,
        %mul3A_1596 = arith.mulf %get3A_1595, %mul3A_1581 : vector<16xf32>
        %mul3A_1597 = arith.mulf %get3A_1591, %mul3A_1596 : vector<16xf32>
        %add3A_1598 = arith.addf %add3A_1496, %mul3A_1597 : vector<16xf32>
        %get3A_1599 = arith.index_cast %add3A_1588 : i32 to index
        %get3A_1600 = arith.constant 16 : index
        %get3A_1601 = tpu.vector_load %arg22[%get3A_1599, %get3A_1600] {strides = array<i32>} : memref<256x128xf32, #tpu.memory_space<vmem>>, vector<16xf32>,
        %add3A_1602 = arith.constant 16 : i32
        %add3A_1603 = arith.addi %mul3A_1583, %add3A_1602 : i32
        %get3A_1604 = arith.index_cast %add3A_1603 : i32 to index
        %get3A_1605 = tpu.vector_load %arg19[%get3A_1604] {strides = array<i32>} : memref<1920xf32, #tpu.memory_space<vmem>>, vector<16xf32>,
        %mul3A_1606 = arith.mulf %get3A_1605, %mul3A_1581 : vector<16xf32>
        %mul3A_1607 = arith.mulf %get3A_1601, %mul3A_1606 : vector<16xf32>
        %add3A_1608 = arith.addf %add3A_1506, %mul3A_1607 : vector<16xf32>
        %get3A_1609 = arith.index_cast %add3A_1588 : i32 to index
        %get3A_1610 = arith.constant 32 : index
        %get3A_1611 = tpu.vector_load %arg22[%get3A_1609, %get3A_1610] {strides = array<i32>} : memref<256x128xf32, #tpu.memory_space<vmem>>, vector<16xf32>,
        %add3A_1612 = arith.constant 32 : i32
        %add3A_1613 = arith.addi %mul3A_1583, %add3A_1612 : i32
        %get3A_1614 = arith.index_cast %add3A_1613 : i32 to index
        %get3A_1615 = tpu.vector_load %arg19[%get3A_1614] {strides = array<i32>} : memref<1920xf32, #tpu.memory_space<vmem>>, vector<16xf32>,
        %mul3A_1616 = arith.mulf %get3A_1615, %mul3A_1581 : vector<16xf32>
        %mul3A_1617 = arith.mulf %get3A_1611, %mul3A_1616 : vector<16xf32>
        %add3A_1618 = arith.addf %add3A_1516, %mul3A_1617 : vector<16xf32>
        %get3A_1619 = arith.index_cast %add3A_1588 : i32 to index
        %get3A_1620 = arith.constant 48 : index
        %get3A_1621 = tpu.vector_load %arg22[%get3A_1619, %get3A_1620] {strides = array<i32>} : memref<256x128xf32, #tpu.memory_space<vmem>>, vector<16xf32>,
        %add3A_1622 = arith.constant 48 : i32
        %add3A_1623 = arith.addi %mul3A_1583, %add3A_1622 : i32
        %get3A_1624 = arith.index_cast %add3A_1623 : i32 to index
        %get3A_1625 = tpu.vector_load %arg19[%get3A_1624] {strides = array<i32>} : memref<1920xf32, #tpu.memory_space<vmem>>, vector<16xf32>,
        %mul3A_1626 = arith.mulf %get3A_1625, %mul3A_1581 : vector<16xf32>
        %mul3A_1627 = arith.mulf %get3A_1621, %mul3A_1626 : vector<16xf32>
        %add3A_1628 = arith.addf %add3A_1526, %mul3A_1627 : vector<16xf32>
        %get3A_1629 = arith.index_cast %add3A_1588 : i32 to index
        %get3A_1630 = arith.constant 64 : index
        %get3A_1631 = tpu.vector_load %arg22[%get3A_1629, %get3A_1630] {strides = array<i32>} : memref<256x128xf32, #tpu.memory_space<vmem>>, vector<16xf32>,
        %add3A_1632 = arith.constant 64 : i32
        %add3A_1633 = arith.addi %mul3A_1583, %add3A_1632 : i32
        %get3A_1634 = arith.index_cast %add3A_1633 : i32 to index
        %get3A_1635 = tpu.vector_load %arg19[%get3A_1634] {strides = array<i32>} : memref<1920xf32, #tpu.memory_space<vmem>>, vector<16xf32>,
        %mul3A_1636 = arith.mulf %get3A_1635, %mul3A_1581 : vector<16xf32>
        %mul3A_1637 = arith.mulf %get3A_1631, %mul3A_1636 : vector<16xf32>
        %add3A_1638 = arith.addf %add3A_1536, %mul3A_1637 : vector<16xf32>
        %get3A_1639 = arith.index_cast %add3A_1588 : i32 to index
        %get3A_1640 = arith.constant 80 : index
        %get3A_1641 = tpu.vector_load %arg22[%get3A_1639, %get3A_1640] {strides = array<i32>} : memref<256x128xf32, #tpu.memory_space<vmem>>, vector<16xf32>,
        %add3A_1642 = arith.constant 80 : i32
        %add3A_1643 = arith.addi %mul3A_1583, %add3A_1642 : i32
        %get3A_1644 = arith.index_cast %add3A_1643 : i32 to index
        %get3A_1645 = tpu.vector_load %arg19[%get3A_1644] {strides = array<i32>} : memref<1920xf32, #tpu.memory_space<vmem>>, vector<16xf32>,
        %mul3A_1646 = arith.mulf %get3A_1645, %mul3A_1581 : vector<16xf32>
        %mul3A_1647 = arith.mulf %get3A_1641, %mul3A_1646 : vector<16xf32>
        %add3A_1648 = arith.addf %add3A_1546, %mul3A_1647 : vector<16xf32>
        %get3A_1649 = arith.index_cast %add3A_1588 : i32 to index
        %get3A_1650 = arith.constant 96 : index
        %get3A_1651 = tpu.vector_load %arg22[%get3A_1649, %get3A_1650] {strides = array<i32>} : memref<256x128xf32, #tpu.memory_space<vmem>>, vector<16xf32>,
        %add3A_1652 = arith.constant 96 : i32
        %add3A_1653 = arith.addi %mul3A_1583, %add3A_1652 : i32
        %get3A_1654 = arith.index_cast %add3A_1653 : i32 to index
        %get3A_1655 = tpu.vector_load %arg19[%get3A_1654] {strides = array<i32>} : memref<1920xf32, #tpu.memory_space<vmem>>, vector<16xf32>,
        %mul3A_1656 = arith.mulf %get3A_1655, %mul3A_1581 : vector<16xf32>
        %mul3A_1657 = arith.mulf %get3A_1651, %mul3A_1656 : vector<16xf32>
        %add3A_1658 = arith.addf %add3A_1556, %mul3A_1657 : vector<16xf32>
        %get3A_1659 = arith.index_cast %add3A_1588 : i32 to index
        %get3A_1660 = arith.constant 112 : index
        %get3A_1661 = tpu.vector_load %arg22[%get3A_1659, %get3A_1660] {strides = array<i32>} : memref<256x128xf32, #tpu.memory_space<vmem>>, vector<16xf32>,
        %add3A_1662 = arith.constant 112 : i32
        %add3A_1663 = arith.addi %mul3A_1583, %add3A_1662 : i32
        %get3A_1664 = arith.index_cast %add3A_1663 : i32 to index
        %get3A_1665 = tpu.vector_load %arg19[%get3A_1664] {strides = array<i32>} : memref<1920xf32, #tpu.memory_space<vmem>>, vector<16xf32>,
        %mul3A_1666 = arith.mulf %get3A_1665, %mul3A_1581 : vector<16xf32>
        %mul3A_1667 = arith.mulf %get3A_1661, %mul3A_1666 : vector<16xf32>
        %add3A_1668 = arith.addf %add3A_1566, %mul3A_1667 : vector<16xf32>
        %slice3A_1669 = vector.extract_strided_slice %get3A_311 {offsets = [13], sizes = [1], strides = [1]} : vector<16xi32> to vector<1xi32>
        %squeeze3A_1670 = vector.extract %slice3A_1669[0] : i32 from vector<1xi32>
        %slice3A_1671 = vector.extract_strided_slice %get3A_321 {offsets = [13], sizes = [1], strides = [1]} : vector<16xf32> to vector<1xf32>
        %squeeze3A_1672 = vector.extract %slice3A_1671[0] : f32 from vector<1xf32>
        %mul3A_1673 = arith.constant 15 : i32
        %mul3A_1674 = arith.muli %scan3A_307, %mul3A_1673 : i32
        %mul3A_1675 = arith.constant 16 : i32
        %mul3A_1676 = arith.muli %mul3A_1674, %mul3A_1675 : i32
        %mul3A_1677 = arith.constant 16 : i32
        %mul3A_1678 = arith.muli %squeeze3A_1670, %mul3A_1677 : i32
        %add3A_1679 = arith.addi %mul3A_1676, %mul3A_1678 : i32
        %get3A_1680 = arith.index_cast %add3A_1679 : i32 to index
        %get3A_1681 = tpu.vector_load %arg23[%get3A_1680] {strides = array<i32>} : memref<960xf32, #tpu.memory_space<vmem>>, vector<16xf32>,
        %mul3A_1682 = vector.broadcast %squeeze3A_1672 : f32 to vector<16xf32>
        %mul3A_1683 = arith.mulf %mul3A_1682, %get3A_1681 : vector<16xf32>
        %mul3A_1684 = arith.constant 128 : i32
        %mul3A_1685 = arith.muli %squeeze3A_1670, %mul3A_1684 : i32
        %mul3A_1686 = arith.constant 32 : i32
        %mul3A_1687 = arith.muli %scan3A_307, %mul3A_1686 : i32
        %add3A_1688 = arith.addi %mul3A_292, %mul3A_1687 : i32
        %add3A_1689 = arith.constant 13 : i32
        %add3A_1690 = arith.addi %add3A_1688, %add3A_1689 : i32
        %get3A_1691 = arith.index_cast %add3A_1690 : i32 to index
        %get3A_1692 = arith.constant 0 : index
        %get3A_1693 = tpu.vector_load %arg22[%get3A_1691, %get3A_1692] {strides = array<i32>} : memref<256x128xf32, #tpu.memory_space<vmem>>, vector<16xf32>,
        %add3A_1694 = arith.constant 0 : i32
        %add3A_1695 = arith.addi %mul3A_1685, %add3A_1694 : i32
        %get3A_1696 = arith.index_cast %add3A_1695 : i32 to index
        %get3A_1697 = tpu.vector_load %arg19[%get3A_1696] {strides = array<i32>} : memref<1920xf32, #tpu.memory_space<vmem>>, vector<16xf32>,
        %mul3A_1698 = arith.mulf %get3A_1697, %mul3A_1683 : vector<16xf32>
        %mul3A_1699 = arith.mulf %get3A_1693, %mul3A_1698 : vector<16xf32>
        %add3A_1700 = arith.addf %add3A_1598, %mul3A_1699 : vector<16xf32>
        %get3A_1701 = arith.index_cast %add3A_1690 : i32 to index
        %get3A_1702 = arith.constant 16 : index
        %get3A_1703 = tpu.vector_load %arg22[%get3A_1701, %get3A_1702] {strides = array<i32>} : memref<256x128xf32, #tpu.memory_space<vmem>>, vector<16xf32>,
        %add3A_1704 = arith.constant 16 : i32
        %add3A_1705 = arith.addi %mul3A_1685, %add3A_1704 : i32
        %get3A_1706 = arith.index_cast %add3A_1705 : i32 to index
        %get3A_1707 = tpu.vector_load %arg19[%get3A_1706] {strides = array<i32>} : memref<1920xf32, #tpu.memory_space<vmem>>, vector<16xf32>,
        %mul3A_1708 = arith.mulf %get3A_1707, %mul3A_1683 : vector<16xf32>
        %mul3A_1709 = arith.mulf %get3A_1703, %mul3A_1708 : vector<16xf32>
        %add3A_1710 = arith.addf %add3A_1608, %mul3A_1709 : vector<16xf32>
        %get3A_1711 = arith.index_cast %add3A_1690 : i32 to index
        %get3A_1712 = arith.constant 32 : index
        %get3A_1713 = tpu.vector_load %arg22[%get3A_1711, %get3A_1712] {strides = array<i32>} : memref<256x128xf32, #tpu.memory_space<vmem>>, vector<16xf32>,
        %add3A_1714 = arith.constant 32 : i32
        %add3A_1715 = arith.addi %mul3A_1685, %add3A_1714 : i32
        %get3A_1716 = arith.index_cast %add3A_1715 : i32 to index
        %get3A_1717 = tpu.vector_load %arg19[%get3A_1716] {strides = array<i32>} : memref<1920xf32, #tpu.memory_space<vmem>>, vector<16xf32>,
        %mul3A_1718 = arith.mulf %get3A_1717, %mul3A_1683 : vector<16xf32>
        %mul3A_1719 = arith.mulf %get3A_1713, %mul3A_1718 : vector<16xf32>
        %add3A_1720 = arith.addf %add3A_1618, %mul3A_1719 : vector<16xf32>
        %get3A_1721 = arith.index_cast %add3A_1690 : i32 to index
        %get3A_1722 = arith.constant 48 : index
        %get3A_1723 = tpu.vector_load %arg22[%get3A_1721, %get3A_1722] {strides = array<i32>} : memref<256x128xf32, #tpu.memory_space<vmem>>, vector<16xf32>,
        %add3A_1724 = arith.constant 48 : i32
        %add3A_1725 = arith.addi %mul3A_1685, %add3A_1724 : i32
        %get3A_1726 = arith.index_cast %add3A_1725 : i32 to index
        %get3A_1727 = tpu.vector_load %arg19[%get3A_1726] {strides = array<i32>} : memref<1920xf32, #tpu.memory_space<vmem>>, vector<16xf32>,
        %mul3A_1728 = arith.mulf %get3A_1727, %mul3A_1683 : vector<16xf32>
        %mul3A_1729 = arith.mulf %get3A_1723, %mul3A_1728 : vector<16xf32>
        %add3A_1730 = arith.addf %add3A_1628, %mul3A_1729 : vector<16xf32>
        %get3A_1731 = arith.index_cast %add3A_1690 : i32 to index
        %get3A_1732 = arith.constant 64 : index
        %get3A_1733 = tpu.vector_load %arg22[%get3A_1731, %get3A_1732] {strides = array<i32>} : memref<256x128xf32, #tpu.memory_space<vmem>>, vector<16xf32>,
        %add3A_1734 = arith.constant 64 : i32
        %add3A_1735 = arith.addi %mul3A_1685, %add3A_1734 : i32
        %get3A_1736 = arith.index_cast %add3A_1735 : i32 to index
        %get3A_1737 = tpu.vector_load %arg19[%get3A_1736] {strides = array<i32>} : memref<1920xf32, #tpu.memory_space<vmem>>, vector<16xf32>,
        %mul3A_1738 = arith.mulf %get3A_1737, %mul3A_1683 : vector<16xf32>
        %mul3A_1739 = arith.mulf %get3A_1733, %mul3A_1738 : vector<16xf32>
        %add3A_1740 = arith.addf %add3A_1638, %mul3A_1739 : vector<16xf32>
        %get3A_1741 = arith.index_cast %add3A_1690 : i32 to index
        %get3A_1742 = arith.constant 80 : index
        %get3A_1743 = tpu.vector_load %arg22[%get3A_1741, %get3A_1742] {strides = array<i32>} : memref<256x128xf32, #tpu.memory_space<vmem>>, vector<16xf32>,
        %add3A_1744 = arith.constant 80 : i32
        %add3A_1745 = arith.addi %mul3A_1685, %add3A_1744 : i32
        %get3A_1746 = arith.index_cast %add3A_1745 : i32 to index
        %get3A_1747 = tpu.vector_load %arg19[%get3A_1746] {strides = array<i32>} : memref<1920xf32, #tpu.memory_space<vmem>>, vector<16xf32>,
        %mul3A_1748 = arith.mulf %get3A_1747, %mul3A_1683 : vector<16xf32>
        %mul3A_1749 = arith.mulf %get3A_1743, %mul3A_1748 : vector<16xf32>
        %add3A_1750 = arith.addf %add3A_1648, %mul3A_1749 : vector<16xf32>
        %get3A_1751 = arith.index_cast %add3A_1690 : i32 to index
        %get3A_1752 = arith.constant 96 : index
        %get3A_1753 = tpu.vector_load %arg22[%get3A_1751, %get3A_1752] {strides = array<i32>} : memref<256x128xf32, #tpu.memory_space<vmem>>, vector<16xf32>,
        %add3A_1754 = arith.constant 96 : i32
        %add3A_1755 = arith.addi %mul3A_1685, %add3A_1754 : i32
        %get3A_1756 = arith.index_cast %add3A_1755 : i32 to index
        %get3A_1757 = tpu.vector_load %arg19[%get3A_1756] {strides = array<i32>} : memref<1920xf32, #tpu.memory_space<vmem>>, vector<16xf32>,
        %mul3A_1758 = arith.mulf %get3A_1757, %mul3A_1683 : vector<16xf32>
        %mul3A_1759 = arith.mulf %get3A_1753, %mul3A_1758 : vector<16xf32>
        %add3A_1760 = arith.addf %add3A_1658, %mul3A_1759 : vector<16xf32>
        %get3A_1761 = arith.index_cast %add3A_1690 : i32 to index
        %get3A_1762 = arith.constant 112 : index
        %get3A_1763 = tpu.vector_load %arg22[%get3A_1761, %get3A_1762] {strides = array<i32>} : memref<256x128xf32, #tpu.memory_space<vmem>>, vector<16xf32>,
        %add3A_1764 = arith.constant 112 : i32
        %add3A_1765 = arith.addi %mul3A_1685, %add3A_1764 : i32
        %get3A_1766 = arith.index_cast %add3A_1765 : i32 to index
        %get3A_1767 = tpu.vector_load %arg19[%get3A_1766] {strides = array<i32>} : memref<1920xf32, #tpu.memory_space<vmem>>, vector<16xf32>,
        %mul3A_1768 = arith.mulf %get3A_1767, %mul3A_1683 : vector<16xf32>
        %mul3A_1769 = arith.mulf %get3A_1763, %mul3A_1768 : vector<16xf32>
        %add3A_1770 = arith.addf %add3A_1668, %mul3A_1769 : vector<16xf32>
        %slice3A_1771 = vector.extract_strided_slice %get3A_311 {offsets = [14], sizes = [1], strides = [1]} : vector<16xi32> to vector<1xi32>
        %squeeze3A_1772 = vector.extract %slice3A_1771[0] : i32 from vector<1xi32>
        %slice3A_1773 = vector.extract_strided_slice %get3A_321 {offsets = [14], sizes = [1], strides = [1]} : vector<16xf32> to vector<1xf32>
        %squeeze3A_1774 = vector.extract %slice3A_1773[0] : f32 from vector<1xf32>
        %mul3A_1775 = arith.constant 15 : i32
        %mul3A_1776 = arith.muli %scan3A_307, %mul3A_1775 : i32
        %mul3A_1777 = arith.constant 16 : i32
        %mul3A_1778 = arith.muli %mul3A_1776, %mul3A_1777 : i32
        %mul3A_1779 = arith.constant 16 : i32
        %mul3A_1780 = arith.muli %squeeze3A_1772, %mul3A_1779 : i32
        %add3A_1781 = arith.addi %mul3A_1778, %mul3A_1780 : i32
        %get3A_1782 = arith.index_cast %add3A_1781 : i32 to index
        %get3A_1783 = tpu.vector_load %arg23[%get3A_1782] {strides = array<i32>} : memref<960xf32, #tpu.memory_space<vmem>>, vector<16xf32>,
        %mul3A_1784 = vector.broadcast %squeeze3A_1774 : f32 to vector<16xf32>
        %mul3A_1785 = arith.mulf %mul3A_1784, %get3A_1783 : vector<16xf32>
        %mul3A_1786 = arith.constant 128 : i32
        %mul3A_1787 = arith.muli %squeeze3A_1772, %mul3A_1786 : i32
        %mul3A_1788 = arith.constant 32 : i32
        %mul3A_1789 = arith.muli %scan3A_307, %mul3A_1788 : i32
        %add3A_1790 = arith.addi %mul3A_292, %mul3A_1789 : i32
        %add3A_1791 = arith.constant 14 : i32
        %add3A_1792 = arith.addi %add3A_1790, %add3A_1791 : i32
        %get3A_1793 = arith.index_cast %add3A_1792 : i32 to index
        %get3A_1794 = arith.constant 0 : index
        %get3A_1795 = tpu.vector_load %arg22[%get3A_1793, %get3A_1794] {strides = array<i32>} : memref<256x128xf32, #tpu.memory_space<vmem>>, vector<16xf32>,
        %add3A_1796 = arith.constant 0 : i32
        %add3A_1797 = arith.addi %mul3A_1787, %add3A_1796 : i32
        %get3A_1798 = arith.index_cast %add3A_1797 : i32 to index
        %get3A_1799 = tpu.vector_load %arg19[%get3A_1798] {strides = array<i32>} : memref<1920xf32, #tpu.memory_space<vmem>>, vector<16xf32>,
        %mul3A_1800 = arith.mulf %get3A_1799, %mul3A_1785 : vector<16xf32>
        %mul3A_1801 = arith.mulf %get3A_1795, %mul3A_1800 : vector<16xf32>
        %add3A_1802 = arith.addf %add3A_1700, %mul3A_1801 : vector<16xf32>
        %get3A_1803 = arith.index_cast %add3A_1792 : i32 to index
        %get3A_1804 = arith.constant 16 : index
        %get3A_1805 = tpu.vector_load %arg22[%get3A_1803, %get3A_1804] {strides = array<i32>} : memref<256x128xf32, #tpu.memory_space<vmem>>, vector<16xf32>,
        %add3A_1806 = arith.constant 16 : i32
        %add3A_1807 = arith.addi %mul3A_1787, %add3A_1806 : i32
        %get3A_1808 = arith.index_cast %add3A_1807 : i32 to index
        %get3A_1809 = tpu.vector_load %arg19[%get3A_1808] {strides = array<i32>} : memref<1920xf32, #tpu.memory_space<vmem>>, vector<16xf32>,
        %mul3A_1810 = arith.mulf %get3A_1809, %mul3A_1785 : vector<16xf32>
        %mul3A_1811 = arith.mulf %get3A_1805, %mul3A_1810 : vector<16xf32>
        %add3A_1812 = arith.addf %add3A_1710, %mul3A_1811 : vector<16xf32>
        %get3A_1813 = arith.index_cast %add3A_1792 : i32 to index
        %get3A_1814 = arith.constant 32 : index
        %get3A_1815 = tpu.vector_load %arg22[%get3A_1813, %get3A_1814] {strides = array<i32>} : memref<256x128xf32, #tpu.memory_space<vmem>>, vector<16xf32>,
        %add3A_1816 = arith.constant 32 : i32
        %add3A_1817 = arith.addi %mul3A_1787, %add3A_1816 : i32
        %get3A_1818 = arith.index_cast %add3A_1817 : i32 to index
        %get3A_1819 = tpu.vector_load %arg19[%get3A_1818] {strides = array<i32>} : memref<1920xf32, #tpu.memory_space<vmem>>, vector<16xf32>,
        %mul3A_1820 = arith.mulf %get3A_1819, %mul3A_1785 : vector<16xf32>
        %mul3A_1821 = arith.mulf %get3A_1815, %mul3A_1820 : vector<16xf32>
        %add3A_1822 = arith.addf %add3A_1720, %mul3A_1821 : vector<16xf32>
        %get3A_1823 = arith.index_cast %add3A_1792 : i32 to index
        %get3A_1824 = arith.constant 48 : index
        %get3A_1825 = tpu.vector_load %arg22[%get3A_1823, %get3A_1824] {strides = array<i32>} : memref<256x128xf32, #tpu.memory_space<vmem>>, vector<16xf32>,
        %add3A_1826 = arith.constant 48 : i32
        %add3A_1827 = arith.addi %mul3A_1787, %add3A_1826 : i32
        %get3A_1828 = arith.index_cast %add3A_1827 : i32 to index
        %get3A_1829 = tpu.vector_load %arg19[%get3A_1828] {strides = array<i32>} : memref<1920xf32, #tpu.memory_space<vmem>>, vector<16xf32>,
        %mul3A_1830 = arith.mulf %get3A_1829, %mul3A_1785 : vector<16xf32>
        %mul3A_1831 = arith.mulf %get3A_1825, %mul3A_1830 : vector<16xf32>
        %add3A_1832 = arith.addf %add3A_1730, %mul3A_1831 : vector<16xf32>
        %get3A_1833 = arith.index_cast %add3A_1792 : i32 to index
        %get3A_1834 = arith.constant 64 : index
        %get3A_1835 = tpu.vector_load %arg22[%get3A_1833, %get3A_1834] {strides = array<i32>} : memref<256x128xf32, #tpu.memory_space<vmem>>, vector<16xf32>,
        %add3A_1836 = arith.constant 64 : i32
        %add3A_1837 = arith.addi %mul3A_1787, %add3A_1836 : i32
        %get3A_1838 = arith.index_cast %add3A_1837 : i32 to index
        %get3A_1839 = tpu.vector_load %arg19[%get3A_1838] {strides = array<i32>} : memref<1920xf32, #tpu.memory_space<vmem>>, vector<16xf32>,
        %mul3A_1840 = arith.mulf %get3A_1839, %mul3A_1785 : vector<16xf32>
        %mul3A_1841 = arith.mulf %get3A_1835, %mul3A_1840 : vector<16xf32>
        %add3A_1842 = arith.addf %add3A_1740, %mul3A_1841 : vector<16xf32>
        %get3A_1843 = arith.index_cast %add3A_1792 : i32 to index
        %get3A_1844 = arith.constant 80 : index
        %get3A_1845 = tpu.vector_load %arg22[%get3A_1843, %get3A_1844] {strides = array<i32>} : memref<256x128xf32, #tpu.memory_space<vmem>>, vector<16xf32>,
        %add3A_1846 = arith.constant 80 : i32
        %add3A_1847 = arith.addi %mul3A_1787, %add3A_1846 : i32
        %get3A_1848 = arith.index_cast %add3A_1847 : i32 to index
        %get3A_1849 = tpu.vector_load %arg19[%get3A_1848] {strides = array<i32>} : memref<1920xf32, #tpu.memory_space<vmem>>, vector<16xf32>,
        %mul3A_1850 = arith.mulf %get3A_1849, %mul3A_1785 : vector<16xf32>
        %mul3A_1851 = arith.mulf %get3A_1845, %mul3A_1850 : vector<16xf32>
        %add3A_1852 = arith.addf %add3A_1750, %mul3A_1851 : vector<16xf32>
        %get3A_1853 = arith.index_cast %add3A_1792 : i32 to index
        %get3A_1854 = arith.constant 96 : index
        %get3A_1855 = tpu.vector_load %arg22[%get3A_1853, %get3A_1854] {strides = array<i32>} : memref<256x128xf32, #tpu.memory_space<vmem>>, vector<16xf32>,
        %add3A_1856 = arith.constant 96 : i32
        %add3A_1857 = arith.addi %mul3A_1787, %add3A_1856 : i32
        %get3A_1858 = arith.index_cast %add3A_1857 : i32 to index
        %get3A_1859 = tpu.vector_load %arg19[%get3A_1858] {strides = array<i32>} : memref<1920xf32, #tpu.memory_space<vmem>>, vector<16xf32>,
        %mul3A_1860 = arith.mulf %get3A_1859, %mul3A_1785 : vector<16xf32>
        %mul3A_1861 = arith.mulf %get3A_1855, %mul3A_1860 : vector<16xf32>
        %add3A_1862 = arith.addf %add3A_1760, %mul3A_1861 : vector<16xf32>
        %get3A_1863 = arith.index_cast %add3A_1792 : i32 to index
        %get3A_1864 = arith.constant 112 : index
        %get3A_1865 = tpu.vector_load %arg22[%get3A_1863, %get3A_1864] {strides = array<i32>} : memref<256x128xf32, #tpu.memory_space<vmem>>, vector<16xf32>,
        %add3A_1866 = arith.constant 112 : i32
        %add3A_1867 = arith.addi %mul3A_1787, %add3A_1866 : i32
        %get3A_1868 = arith.index_cast %add3A_1867 : i32 to index
        %get3A_1869 = tpu.vector_load %arg19[%get3A_1868] {strides = array<i32>} : memref<1920xf32, #tpu.memory_space<vmem>>, vector<16xf32>,
        %mul3A_1870 = arith.mulf %get3A_1869, %mul3A_1785 : vector<16xf32>
        %mul3A_1871 = arith.mulf %get3A_1865, %mul3A_1870 : vector<16xf32>
        %add3A_1872 = arith.addf %add3A_1770, %mul3A_1871 : vector<16xf32>
        %slice3A_1873 = vector.extract_strided_slice %get3A_311 {offsets = [15], sizes = [1], strides = [1]} : vector<16xi32> to vector<1xi32>
        %squeeze3A_1874 = vector.extract %slice3A_1873[0] : i32 from vector<1xi32>
        %slice3A_1875 = vector.extract_strided_slice %get3A_321 {offsets = [15], sizes = [1], strides = [1]} : vector<16xf32> to vector<1xf32>
        %squeeze3A_1876 = vector.extract %slice3A_1875[0] : f32 from vector<1xf32>
        %mul3A_1877 = arith.constant 15 : i32
        %mul3A_1878 = arith.muli %scan3A_307, %mul3A_1877 : i32
        %mul3A_1879 = arith.constant 16 : i32
        %mul3A_1880 = arith.muli %mul3A_1878, %mul3A_1879 : i32
        %mul3A_1881 = arith.constant 16 : i32
        %mul3A_1882 = arith.muli %squeeze3A_1874, %mul3A_1881 : i32
        %add3A_1883 = arith.addi %mul3A_1880, %mul3A_1882 : i32
        %get3A_1884 = arith.index_cast %add3A_1883 : i32 to index
        %get3A_1885 = tpu.vector_load %arg23[%get3A_1884] {strides = array<i32>} : memref<960xf32, #tpu.memory_space<vmem>>, vector<16xf32>,
        %mul3A_1886 = vector.broadcast %squeeze3A_1876 : f32 to vector<16xf32>
        %mul3A_1887 = arith.mulf %mul3A_1886, %get3A_1885 : vector<16xf32>
        %mul3A_1888 = arith.constant 128 : i32
        %mul3A_1889 = arith.muli %squeeze3A_1874, %mul3A_1888 : i32
        %mul3A_1890 = arith.constant 32 : i32
        %mul3A_1891 = arith.muli %scan3A_307, %mul3A_1890 : i32
        %add3A_1892 = arith.addi %mul3A_292, %mul3A_1891 : i32
        %add3A_1893 = arith.constant 15 : i32
        %add3A_1894 = arith.addi %add3A_1892, %add3A_1893 : i32
        %get3A_1895 = arith.index_cast %add3A_1894 : i32 to index
        %get3A_1896 = arith.constant 0 : index
        %get3A_1897 = tpu.vector_load %arg22[%get3A_1895, %get3A_1896] {strides = array<i32>} : memref<256x128xf32, #tpu.memory_space<vmem>>, vector<16xf32>,
        %add3A_1898 = arith.constant 0 : i32
        %add3A_1899 = arith.addi %mul3A_1889, %add3A_1898 : i32
        %get3A_1900 = arith.index_cast %add3A_1899 : i32 to index
        %get3A_1901 = tpu.vector_load %arg19[%get3A_1900] {strides = array<i32>} : memref<1920xf32, #tpu.memory_space<vmem>>, vector<16xf32>,
        %mul3A_1902 = arith.mulf %get3A_1901, %mul3A_1887 : vector<16xf32>
        %mul3A_1903 = arith.mulf %get3A_1897, %mul3A_1902 : vector<16xf32>
        %add3A_1904 = arith.addf %add3A_1802, %mul3A_1903 : vector<16xf32>
        %get3A_1905 = arith.index_cast %add3A_1894 : i32 to index
        %get3A_1906 = arith.constant 16 : index
        %get3A_1907 = tpu.vector_load %arg22[%get3A_1905, %get3A_1906] {strides = array<i32>} : memref<256x128xf32, #tpu.memory_space<vmem>>, vector<16xf32>,
        %add3A_1908 = arith.constant 16 : i32
        %add3A_1909 = arith.addi %mul3A_1889, %add3A_1908 : i32
        %get3A_1910 = arith.index_cast %add3A_1909 : i32 to index
        %get3A_1911 = tpu.vector_load %arg19[%get3A_1910] {strides = array<i32>} : memref<1920xf32, #tpu.memory_space<vmem>>, vector<16xf32>,
        %mul3A_1912 = arith.mulf %get3A_1911, %mul3A_1887 : vector<16xf32>
        %mul3A_1913 = arith.mulf %get3A_1907, %mul3A_1912 : vector<16xf32>
        %add3A_1914 = arith.addf %add3A_1812, %mul3A_1913 : vector<16xf32>
        %get3A_1915 = arith.index_cast %add3A_1894 : i32 to index
        %get3A_1916 = arith.constant 32 : index
        %get3A_1917 = tpu.vector_load %arg22[%get3A_1915, %get3A_1916] {strides = array<i32>} : memref<256x128xf32, #tpu.memory_space<vmem>>, vector<16xf32>,
        %add3A_1918 = arith.constant 32 : i32
        %add3A_1919 = arith.addi %mul3A_1889, %add3A_1918 : i32
        %get3A_1920 = arith.index_cast %add3A_1919 : i32 to index
        %get3A_1921 = tpu.vector_load %arg19[%get3A_1920] {strides = array<i32>} : memref<1920xf32, #tpu.memory_space<vmem>>, vector<16xf32>,
        %mul3A_1922 = arith.mulf %get3A_1921, %mul3A_1887 : vector<16xf32>
        %mul3A_1923 = arith.mulf %get3A_1917, %mul3A_1922 : vector<16xf32>
        %add3A_1924 = arith.addf %add3A_1822, %mul3A_1923 : vector<16xf32>
        %get3A_1925 = arith.index_cast %add3A_1894 : i32 to index
        %get3A_1926 = arith.constant 48 : index
        %get3A_1927 = tpu.vector_load %arg22[%get3A_1925, %get3A_1926] {strides = array<i32>} : memref<256x128xf32, #tpu.memory_space<vmem>>, vector<16xf32>,
        %add3A_1928 = arith.constant 48 : i32
        %add3A_1929 = arith.addi %mul3A_1889, %add3A_1928 : i32
        %get3A_1930 = arith.index_cast %add3A_1929 : i32 to index
        %get3A_1931 = tpu.vector_load %arg19[%get3A_1930] {strides = array<i32>} : memref<1920xf32, #tpu.memory_space<vmem>>, vector<16xf32>,
        %mul3A_1932 = arith.mulf %get3A_1931, %mul3A_1887 : vector<16xf32>
        %mul3A_1933 = arith.mulf %get3A_1927, %mul3A_1932 : vector<16xf32>
        %add3A_1934 = arith.addf %add3A_1832, %mul3A_1933 : vector<16xf32>
        %get3A_1935 = arith.index_cast %add3A_1894 : i32 to index
        %get3A_1936 = arith.constant 64 : index
        %get3A_1937 = tpu.vector_load %arg22[%get3A_1935, %get3A_1936] {strides = array<i32>} : memref<256x128xf32, #tpu.memory_space<vmem>>, vector<16xf32>,
        %add3A_1938 = arith.constant 64 : i32
        %add3A_1939 = arith.addi %mul3A_1889, %add3A_1938 : i32
        %get3A_1940 = arith.index_cast %add3A_1939 : i32 to index
        %get3A_1941 = tpu.vector_load %arg19[%get3A_1940] {strides = array<i32>} : memref<1920xf32, #tpu.memory_space<vmem>>, vector<16xf32>,
        %mul3A_1942 = arith.mulf %get3A_1941, %mul3A_1887 : vector<16xf32>
        %mul3A_1943 = arith.mulf %get3A_1937, %mul3A_1942 : vector<16xf32>
        %add3A_1944 = arith.addf %add3A_1842, %mul3A_1943 : vector<16xf32>
        %get3A_1945 = arith.index_cast %add3A_1894 : i32 to index
        %get3A_1946 = arith.constant 80 : index
        %get3A_1947 = tpu.vector_load %arg22[%get3A_1945, %get3A_1946] {strides = array<i32>} : memref<256x128xf32, #tpu.memory_space<vmem>>, vector<16xf32>,
        %add3A_1948 = arith.constant 80 : i32
        %add3A_1949 = arith.addi %mul3A_1889, %add3A_1948 : i32
        %get3A_1950 = arith.index_cast %add3A_1949 : i32 to index
        %get3A_1951 = tpu.vector_load %arg19[%get3A_1950] {strides = array<i32>} : memref<1920xf32, #tpu.memory_space<vmem>>, vector<16xf32>,
        %mul3A_1952 = arith.mulf %get3A_1951, %mul3A_1887 : vector<16xf32>
        %mul3A_1953 = arith.mulf %get3A_1947, %mul3A_1952 : vector<16xf32>
        %add3A_1954 = arith.addf %add3A_1852, %mul3A_1953 : vector<16xf32>
        %get3A_1955 = arith.index_cast %add3A_1894 : i32 to index
        %get3A_1956 = arith.constant 96 : index
        %get3A_1957 = tpu.vector_load %arg22[%get3A_1955, %get3A_1956] {strides = array<i32>} : memref<256x128xf32, #tpu.memory_space<vmem>>, vector<16xf32>,
        %add3A_1958 = arith.constant 96 : i32
        %add3A_1959 = arith.addi %mul3A_1889, %add3A_1958 : i32
        %get3A_1960 = arith.index_cast %add3A_1959 : i32 to index
        %get3A_1961 = tpu.vector_load %arg19[%get3A_1960] {strides = array<i32>} : memref<1920xf32, #tpu.memory_space<vmem>>, vector<16xf32>,
        %mul3A_1962 = arith.mulf %get3A_1961, %mul3A_1887 : vector<16xf32>
        %mul3A_1963 = arith.mulf %get3A_1957, %mul3A_1962 : vector<16xf32>
        %add3A_1964 = arith.addf %add3A_1862, %mul3A_1963 : vector<16xf32>
        %get3A_1965 = arith.index_cast %add3A_1894 : i32 to index
        %get3A_1966 = arith.constant 112 : index
        %get3A_1967 = tpu.vector_load %arg22[%get3A_1965, %get3A_1966] {strides = array<i32>} : memref<256x128xf32, #tpu.memory_space<vmem>>, vector<16xf32>,
        %add3A_1968 = arith.constant 112 : i32
        %add3A_1969 = arith.addi %mul3A_1889, %add3A_1968 : i32
        %get3A_1970 = arith.index_cast %add3A_1969 : i32 to index
        %get3A_1971 = tpu.vector_load %arg19[%get3A_1970] {strides = array<i32>} : memref<1920xf32, #tpu.memory_space<vmem>>, vector<16xf32>,
        %mul3A_1972 = arith.mulf %get3A_1971, %mul3A_1887 : vector<16xf32>
        %mul3A_1973 = arith.mulf %get3A_1967, %mul3A_1972 : vector<16xf32>
        %add3A_1974 = arith.addf %add3A_1872, %mul3A_1973 : vector<16xf32>
        %slice3A_1975 = vector.extract_strided_slice %get3A_317 {offsets = [0], sizes = [1], strides = [1]} : vector<16xi32> to vector<1xi32>
        %squeeze3A_1976 = vector.extract %slice3A_1975[0] : i32 from vector<1xi32>
        %slice3A_1977 = vector.extract_strided_slice %get3A_327 {offsets = [0], sizes = [1], strides = [1]} : vector<16xf32> to vector<1xf32>
        %squeeze3A_1978 = vector.extract %slice3A_1977[0] : f32 from vector<1xf32>
        %mul3A_1979 = arith.constant 15 : i32
        %mul3A_1980 = arith.muli %scan3A_307, %mul3A_1979 : i32
        %mul3A_1981 = arith.constant 16 : i32
        %mul3A_1982 = arith.muli %mul3A_1980, %mul3A_1981 : i32
        %mul3A_1983 = arith.constant 16 : i32
        %mul3A_1984 = arith.muli %squeeze3A_1976, %mul3A_1983 : i32
        %add3A_1985 = arith.addi %mul3A_1982, %mul3A_1984 : i32
        %get3A_1986 = arith.index_cast %add3A_1985 : i32 to index
        %get3A_1987 = tpu.vector_load %arg23[%get3A_1986] {strides = array<i32>} : memref<960xf32, #tpu.memory_space<vmem>>, vector<16xf32>,
        %mul3A_1988 = vector.broadcast %squeeze3A_1978 : f32 to vector<16xf32>
        %mul3A_1989 = arith.mulf %mul3A_1988, %get3A_1987 : vector<16xf32>
        %mul3A_1990 = arith.constant 128 : i32
        %mul3A_1991 = arith.muli %squeeze3A_1976, %mul3A_1990 : i32
        %mul3A_1992 = arith.constant 32 : i32
        %mul3A_1993 = arith.muli %scan3A_307, %mul3A_1992 : i32
        %add3A_1994 = arith.addi %mul3A_292, %mul3A_1993 : i32
        %add3A_1995 = arith.constant 16 : i32
        %add3A_1996 = arith.addi %add3A_1994, %add3A_1995 : i32
        %get3A_1997 = arith.index_cast %add3A_1996 : i32 to index
        %get3A_1998 = arith.constant 0 : index
        %get3A_1999 = tpu.vector_load %arg22[%get3A_1997, %get3A_1998] {strides = array<i32>} : memref<256x128xf32, #tpu.memory_space<vmem>>, vector<16xf32>,
        %add3A_2000 = arith.constant 0 : i32
        %add3A_2001 = arith.addi %mul3A_1991, %add3A_2000 : i32
        %get3A_2002 = arith.index_cast %add3A_2001 : i32 to index
        %get3A_2003 = tpu.vector_load %arg19[%get3A_2002] {strides = array<i32>} : memref<1920xf32, #tpu.memory_space<vmem>>, vector<16xf32>,
        %mul3A_2004 = arith.mulf %get3A_2003, %mul3A_1989 : vector<16xf32>
        %mul3A_2005 = arith.mulf %get3A_1999, %mul3A_2004 : vector<16xf32>
        %add3A_2006 = arith.addf %add3A_1904, %mul3A_2005 : vector<16xf32>
        %get3A_2007 = arith.index_cast %add3A_1996 : i32 to index
        %get3A_2008 = arith.constant 16 : index
        %get3A_2009 = tpu.vector_load %arg22[%get3A_2007, %get3A_2008] {strides = array<i32>} : memref<256x128xf32, #tpu.memory_space<vmem>>, vector<16xf32>,
        %add3A_2010 = arith.constant 16 : i32
        %add3A_2011 = arith.addi %mul3A_1991, %add3A_2010 : i32
        %get3A_2012 = arith.index_cast %add3A_2011 : i32 to index
        %get3A_2013 = tpu.vector_load %arg19[%get3A_2012] {strides = array<i32>} : memref<1920xf32, #tpu.memory_space<vmem>>, vector<16xf32>,
        %mul3A_2014 = arith.mulf %get3A_2013, %mul3A_1989 : vector<16xf32>
        %mul3A_2015 = arith.mulf %get3A_2009, %mul3A_2014 : vector<16xf32>
        %add3A_2016 = arith.addf %add3A_1914, %mul3A_2015 : vector<16xf32>
        %get3A_2017 = arith.index_cast %add3A_1996 : i32 to index
        %get3A_2018 = arith.constant 32 : index
        %get3A_2019 = tpu.vector_load %arg22[%get3A_2017, %get3A_2018] {strides = array<i32>} : memref<256x128xf32, #tpu.memory_space<vmem>>, vector<16xf32>,
        %add3A_2020 = arith.constant 32 : i32
        %add3A_2021 = arith.addi %mul3A_1991, %add3A_2020 : i32
        %get3A_2022 = arith.index_cast %add3A_2021 : i32 to index
        %get3A_2023 = tpu.vector_load %arg19[%get3A_2022] {strides = array<i32>} : memref<1920xf32, #tpu.memory_space<vmem>>, vector<16xf32>,
        %mul3A_2024 = arith.mulf %get3A_2023, %mul3A_1989 : vector<16xf32>
        %mul3A_2025 = arith.mulf %get3A_2019, %mul3A_2024 : vector<16xf32>
        %add3A_2026 = arith.addf %add3A_1924, %mul3A_2025 : vector<16xf32>
        %get3A_2027 = arith.index_cast %add3A_1996 : i32 to index
        %get3A_2028 = arith.constant 48 : index
        %get3A_2029 = tpu.vector_load %arg22[%get3A_2027, %get3A_2028] {strides = array<i32>} : memref<256x128xf32, #tpu.memory_space<vmem>>, vector<16xf32>,
        %add3A_2030 = arith.constant 48 : i32
        %add3A_2031 = arith.addi %mul3A_1991, %add3A_2030 : i32
        %get3A_2032 = arith.index_cast %add3A_2031 : i32 to index
        %get3A_2033 = tpu.vector_load %arg19[%get3A_2032] {strides = array<i32>} : memref<1920xf32, #tpu.memory_space<vmem>>, vector<16xf32>,
        %mul3A_2034 = arith.mulf %get3A_2033, %mul3A_1989 : vector<16xf32>
        %mul3A_2035 = arith.mulf %get3A_2029, %mul3A_2034 : vector<16xf32>
        %add3A_2036 = arith.addf %add3A_1934, %mul3A_2035 : vector<16xf32>
        %get3A_2037 = arith.index_cast %add3A_1996 : i32 to index
        %get3A_2038 = arith.constant 64 : index
        %get3A_2039 = tpu.vector_load %arg22[%get3A_2037, %get3A_2038] {strides = array<i32>} : memref<256x128xf32, #tpu.memory_space<vmem>>, vector<16xf32>,
        %add3A_2040 = arith.constant 64 : i32
        %add3A_2041 = arith.addi %mul3A_1991, %add3A_2040 : i32
        %get3A_2042 = arith.index_cast %add3A_2041 : i32 to index
        %get3A_2043 = tpu.vector_load %arg19[%get3A_2042] {strides = array<i32>} : memref<1920xf32, #tpu.memory_space<vmem>>, vector<16xf32>,
        %mul3A_2044 = arith.mulf %get3A_2043, %mul3A_1989 : vector<16xf32>
        %mul3A_2045 = arith.mulf %get3A_2039, %mul3A_2044 : vector<16xf32>
        %add3A_2046 = arith.addf %add3A_1944, %mul3A_2045 : vector<16xf32>
        %get3A_2047 = arith.index_cast %add3A_1996 : i32 to index
        %get3A_2048 = arith.constant 80 : index
        %get3A_2049 = tpu.vector_load %arg22[%get3A_2047, %get3A_2048] {strides = array<i32>} : memref<256x128xf32, #tpu.memory_space<vmem>>, vector<16xf32>,
        %add3A_2050 = arith.constant 80 : i32
        %add3A_2051 = arith.addi %mul3A_1991, %add3A_2050 : i32
        %get3A_2052 = arith.index_cast %add3A_2051 : i32 to index
        %get3A_2053 = tpu.vector_load %arg19[%get3A_2052] {strides = array<i32>} : memref<1920xf32, #tpu.memory_space<vmem>>, vector<16xf32>,
        %mul3A_2054 = arith.mulf %get3A_2053, %mul3A_1989 : vector<16xf32>
        %mul3A_2055 = arith.mulf %get3A_2049, %mul3A_2054 : vector<16xf32>
        %add3A_2056 = arith.addf %add3A_1954, %mul3A_2055 : vector<16xf32>
        %get3A_2057 = arith.index_cast %add3A_1996 : i32 to index
        %get3A_2058 = arith.constant 96 : index
        %get3A_2059 = tpu.vector_load %arg22[%get3A_2057, %get3A_2058] {strides = array<i32>} : memref<256x128xf32, #tpu.memory_space<vmem>>, vector<16xf32>,
        %add3A_2060 = arith.constant 96 : i32
        %add3A_2061 = arith.addi %mul3A_1991, %add3A_2060 : i32
        %get3A_2062 = arith.index_cast %add3A_2061 : i32 to index
        %get3A_2063 = tpu.vector_load %arg19[%get3A_2062] {strides = array<i32>} : memref<1920xf32, #tpu.memory_space<vmem>>, vector<16xf32>,
        %mul3A_2064 = arith.mulf %get3A_2063, %mul3A_1989 : vector<16xf32>
        %mul3A_2065 = arith.mulf %get3A_2059, %mul3A_2064 : vector<16xf32>
        %add3A_2066 = arith.addf %add3A_1964, %mul3A_2065 : vector<16xf32>
        %get3A_2067 = arith.index_cast %add3A_1996 : i32 to index
        %get3A_2068 = arith.constant 112 : index
        %get3A_2069 = tpu.vector_load %arg22[%get3A_2067, %get3A_2068] {strides = array<i32>} : memref<256x128xf32, #tpu.memory_space<vmem>>, vector<16xf32>,
        %add3A_2070 = arith.constant 112 : i32
        %add3A_2071 = arith.addi %mul3A_1991, %add3A_2070 : i32
        %get3A_2072 = arith.index_cast %add3A_2071 : i32 to index
        %get3A_2073 = tpu.vector_load %arg19[%get3A_2072] {strides = array<i32>} : memref<1920xf32, #tpu.memory_space<vmem>>, vector<16xf32>,
        %mul3A_2074 = arith.mulf %get3A_2073, %mul3A_1989 : vector<16xf32>
        %mul3A_2075 = arith.mulf %get3A_2069, %mul3A_2074 : vector<16xf32>
        %add3A_2076 = arith.addf %add3A_1974, %mul3A_2075 : vector<16xf32>
        %slice3A_2077 = vector.extract_strided_slice %get3A_317 {offsets = [1], sizes = [1], strides = [1]} : vector<16xi32> to vector<1xi32>
        %squeeze3A_2078 = vector.extract %slice3A_2077[0] : i32 from vector<1xi32>
        %slice3A_2079 = vector.extract_strided_slice %get3A_327 {offsets = [1], sizes = [1], strides = [1]} : vector<16xf32> to vector<1xf32>
        %squeeze3A_2080 = vector.extract %slice3A_2079[0] : f32 from vector<1xf32>
        %mul3A_2081 = arith.constant 15 : i32
        %mul3A_2082 = arith.muli %scan3A_307, %mul3A_2081 : i32
        %mul3A_2083 = arith.constant 16 : i32
        %mul3A_2084 = arith.muli %mul3A_2082, %mul3A_2083 : i32
        %mul3A_2085 = arith.constant 16 : i32
        %mul3A_2086 = arith.muli %squeeze3A_2078, %mul3A_2085 : i32
        %add3A_2087 = arith.addi %mul3A_2084, %mul3A_2086 : i32
        %get3A_2088 = arith.index_cast %add3A_2087 : i32 to index
        %get3A_2089 = tpu.vector_load %arg23[%get3A_2088] {strides = array<i32>} : memref<960xf32, #tpu.memory_space<vmem>>, vector<16xf32>,
        %mul3A_2090 = vector.broadcast %squeeze3A_2080 : f32 to vector<16xf32>
        %mul3A_2091 = arith.mulf %mul3A_2090, %get3A_2089 : vector<16xf32>
        %mul3A_2092 = arith.constant 128 : i32
        %mul3A_2093 = arith.muli %squeeze3A_2078, %mul3A_2092 : i32
        %mul3A_2094 = arith.constant 32 : i32
        %mul3A_2095 = arith.muli %scan3A_307, %mul3A_2094 : i32
        %add3A_2096 = arith.addi %mul3A_292, %mul3A_2095 : i32
        %add3A_2097 = arith.constant 17 : i32
        %add3A_2098 = arith.addi %add3A_2096, %add3A_2097 : i32
        %get3A_2099 = arith.index_cast %add3A_2098 : i32 to index
        %get3A_2100 = arith.constant 0 : index
        %get3A_2101 = tpu.vector_load %arg22[%get3A_2099, %get3A_2100] {strides = array<i32>} : memref<256x128xf32, #tpu.memory_space<vmem>>, vector<16xf32>,
        %add3A_2102 = arith.constant 0 : i32
        %add3A_2103 = arith.addi %mul3A_2093, %add3A_2102 : i32
        %get3A_2104 = arith.index_cast %add3A_2103 : i32 to index
        %get3A_2105 = tpu.vector_load %arg19[%get3A_2104] {strides = array<i32>} : memref<1920xf32, #tpu.memory_space<vmem>>, vector<16xf32>,
        %mul3A_2106 = arith.mulf %get3A_2105, %mul3A_2091 : vector<16xf32>
        %mul3A_2107 = arith.mulf %get3A_2101, %mul3A_2106 : vector<16xf32>
        %add3A_2108 = arith.addf %add3A_2006, %mul3A_2107 : vector<16xf32>
        %get3A_2109 = arith.index_cast %add3A_2098 : i32 to index
        %get3A_2110 = arith.constant 16 : index
        %get3A_2111 = tpu.vector_load %arg22[%get3A_2109, %get3A_2110] {strides = array<i32>} : memref<256x128xf32, #tpu.memory_space<vmem>>, vector<16xf32>,
        %add3A_2112 = arith.constant 16 : i32
        %add3A_2113 = arith.addi %mul3A_2093, %add3A_2112 : i32
        %get3A_2114 = arith.index_cast %add3A_2113 : i32 to index
        %get3A_2115 = tpu.vector_load %arg19[%get3A_2114] {strides = array<i32>} : memref<1920xf32, #tpu.memory_space<vmem>>, vector<16xf32>,
        %mul3A_2116 = arith.mulf %get3A_2115, %mul3A_2091 : vector<16xf32>
        %mul3A_2117 = arith.mulf %get3A_2111, %mul3A_2116 : vector<16xf32>
        %add3A_2118 = arith.addf %add3A_2016, %mul3A_2117 : vector<16xf32>
        %get3A_2119 = arith.index_cast %add3A_2098 : i32 to index
        %get3A_2120 = arith.constant 32 : index
        %get3A_2121 = tpu.vector_load %arg22[%get3A_2119, %get3A_2120] {strides = array<i32>} : memref<256x128xf32, #tpu.memory_space<vmem>>, vector<16xf32>,
        %add3A_2122 = arith.constant 32 : i32
        %add3A_2123 = arith.addi %mul3A_2093, %add3A_2122 : i32
        %get3A_2124 = arith.index_cast %add3A_2123 : i32 to index
        %get3A_2125 = tpu.vector_load %arg19[%get3A_2124] {strides = array<i32>} : memref<1920xf32, #tpu.memory_space<vmem>>, vector<16xf32>,
        %mul3A_2126 = arith.mulf %get3A_2125, %mul3A_2091 : vector<16xf32>
        %mul3A_2127 = arith.mulf %get3A_2121, %mul3A_2126 : vector<16xf32>
        %add3A_2128 = arith.addf %add3A_2026, %mul3A_2127 : vector<16xf32>
        %get3A_2129 = arith.index_cast %add3A_2098 : i32 to index
        %get3A_2130 = arith.constant 48 : index
        %get3A_2131 = tpu.vector_load %arg22[%get3A_2129, %get3A_2130] {strides = array<i32>} : memref<256x128xf32, #tpu.memory_space<vmem>>, vector<16xf32>,
        %add3A_2132 = arith.constant 48 : i32
        %add3A_2133 = arith.addi %mul3A_2093, %add3A_2132 : i32
        %get3A_2134 = arith.index_cast %add3A_2133 : i32 to index
        %get3A_2135 = tpu.vector_load %arg19[%get3A_2134] {strides = array<i32>} : memref<1920xf32, #tpu.memory_space<vmem>>, vector<16xf32>,
        %mul3A_2136 = arith.mulf %get3A_2135, %mul3A_2091 : vector<16xf32>
        %mul3A_2137 = arith.mulf %get3A_2131, %mul3A_2136 : vector<16xf32>
        %add3A_2138 = arith.addf %add3A_2036, %mul3A_2137 : vector<16xf32>
        %get3A_2139 = arith.index_cast %add3A_2098 : i32 to index
        %get3A_2140 = arith.constant 64 : index
        %get3A_2141 = tpu.vector_load %arg22[%get3A_2139, %get3A_2140] {strides = array<i32>} : memref<256x128xf32, #tpu.memory_space<vmem>>, vector<16xf32>,
        %add3A_2142 = arith.constant 64 : i32
        %add3A_2143 = arith.addi %mul3A_2093, %add3A_2142 : i32
        %get3A_2144 = arith.index_cast %add3A_2143 : i32 to index
        %get3A_2145 = tpu.vector_load %arg19[%get3A_2144] {strides = array<i32>} : memref<1920xf32, #tpu.memory_space<vmem>>, vector<16xf32>,
        %mul3A_2146 = arith.mulf %get3A_2145, %mul3A_2091 : vector<16xf32>
        %mul3A_2147 = arith.mulf %get3A_2141, %mul3A_2146 : vector<16xf32>
        %add3A_2148 = arith.addf %add3A_2046, %mul3A_2147 : vector<16xf32>
        %get3A_2149 = arith.index_cast %add3A_2098 : i32 to index
        %get3A_2150 = arith.constant 80 : index
        %get3A_2151 = tpu.vector_load %arg22[%get3A_2149, %get3A_2150] {strides = array<i32>} : memref<256x128xf32, #tpu.memory_space<vmem>>, vector<16xf32>,
        %add3A_2152 = arith.constant 80 : i32
        %add3A_2153 = arith.addi %mul3A_2093, %add3A_2152 : i32
        %get3A_2154 = arith.index_cast %add3A_2153 : i32 to index
        %get3A_2155 = tpu.vector_load %arg19[%get3A_2154] {strides = array<i32>} : memref<1920xf32, #tpu.memory_space<vmem>>, vector<16xf32>,
        %mul3A_2156 = arith.mulf %get3A_2155, %mul3A_2091 : vector<16xf32>
        %mul3A_2157 = arith.mulf %get3A_2151, %mul3A_2156 : vector<16xf32>
        %add3A_2158 = arith.addf %add3A_2056, %mul3A_2157 : vector<16xf32>
        %get3A_2159 = arith.index_cast %add3A_2098 : i32 to index
        %get3A_2160 = arith.constant 96 : index
        %get3A_2161 = tpu.vector_load %arg22[%get3A_2159, %get3A_2160] {strides = array<i32>} : memref<256x128xf32, #tpu.memory_space<vmem>>, vector<16xf32>,
        %add3A_2162 = arith.constant 96 : i32
        %add3A_2163 = arith.addi %mul3A_2093, %add3A_2162 : i32
        %get3A_2164 = arith.index_cast %add3A_2163 : i32 to index
        %get3A_2165 = tpu.vector_load %arg19[%get3A_2164] {strides = array<i32>} : memref<1920xf32, #tpu.memory_space<vmem>>, vector<16xf32>,
        %mul3A_2166 = arith.mulf %get3A_2165, %mul3A_2091 : vector<16xf32>
        %mul3A_2167 = arith.mulf %get3A_2161, %mul3A_2166 : vector<16xf32>
        %add3A_2168 = arith.addf %add3A_2066, %mul3A_2167 : vector<16xf32>
        %get3A_2169 = arith.index_cast %add3A_2098 : i32 to index
        %get3A_2170 = arith.constant 112 : index
        %get3A_2171 = tpu.vector_load %arg22[%get3A_2169, %get3A_2170] {strides = array<i32>} : memref<256x128xf32, #tpu.memory_space<vmem>>, vector<16xf32>,
        %add3A_2172 = arith.constant 112 : i32
        %add3A_2173 = arith.addi %mul3A_2093, %add3A_2172 : i32
        %get3A_2174 = arith.index_cast %add3A_2173 : i32 to index
        %get3A_2175 = tpu.vector_load %arg19[%get3A_2174] {strides = array<i32>} : memref<1920xf32, #tpu.memory_space<vmem>>, vector<16xf32>,
        %mul3A_2176 = arith.mulf %get3A_2175, %mul3A_2091 : vector<16xf32>
        %mul3A_2177 = arith.mulf %get3A_2171, %mul3A_2176 : vector<16xf32>
        %add3A_2178 = arith.addf %add3A_2076, %mul3A_2177 : vector<16xf32>
        %slice3A_2179 = vector.extract_strided_slice %get3A_317 {offsets = [2], sizes = [1], strides = [1]} : vector<16xi32> to vector<1xi32>
        %squeeze3A_2180 = vector.extract %slice3A_2179[0] : i32 from vector<1xi32>
        %slice3A_2181 = vector.extract_strided_slice %get3A_327 {offsets = [2], sizes = [1], strides = [1]} : vector<16xf32> to vector<1xf32>
        %squeeze3A_2182 = vector.extract %slice3A_2181[0] : f32 from vector<1xf32>
        %mul3A_2183 = arith.constant 15 : i32
        %mul3A_2184 = arith.muli %scan3A_307, %mul3A_2183 : i32
        %mul3A_2185 = arith.constant 16 : i32
        %mul3A_2186 = arith.muli %mul3A_2184, %mul3A_2185 : i32
        %mul3A_2187 = arith.constant 16 : i32
        %mul3A_2188 = arith.muli %squeeze3A_2180, %mul3A_2187 : i32
        %add3A_2189 = arith.addi %mul3A_2186, %mul3A_2188 : i32
        %get3A_2190 = arith.index_cast %add3A_2189 : i32 to index
        %get3A_2191 = tpu.vector_load %arg23[%get3A_2190] {strides = array<i32>} : memref<960xf32, #tpu.memory_space<vmem>>, vector<16xf32>,
        %mul3A_2192 = vector.broadcast %squeeze3A_2182 : f32 to vector<16xf32>
        %mul3A_2193 = arith.mulf %mul3A_2192, %get3A_2191 : vector<16xf32>
        %mul3A_2194 = arith.constant 128 : i32
        %mul3A_2195 = arith.muli %squeeze3A_2180, %mul3A_2194 : i32
        %mul3A_2196 = arith.constant 32 : i32
        %mul3A_2197 = arith.muli %scan3A_307, %mul3A_2196 : i32
        %add3A_2198 = arith.addi %mul3A_292, %mul3A_2197 : i32
        %add3A_2199 = arith.constant 18 : i32
        %add3A_2200 = arith.addi %add3A_2198, %add3A_2199 : i32
        %get3A_2201 = arith.index_cast %add3A_2200 : i32 to index
        %get3A_2202 = arith.constant 0 : index
        %get3A_2203 = tpu.vector_load %arg22[%get3A_2201, %get3A_2202] {strides = array<i32>} : memref<256x128xf32, #tpu.memory_space<vmem>>, vector<16xf32>,
        %add3A_2204 = arith.constant 0 : i32
        %add3A_2205 = arith.addi %mul3A_2195, %add3A_2204 : i32
        %get3A_2206 = arith.index_cast %add3A_2205 : i32 to index
        %get3A_2207 = tpu.vector_load %arg19[%get3A_2206] {strides = array<i32>} : memref<1920xf32, #tpu.memory_space<vmem>>, vector<16xf32>,
        %mul3A_2208 = arith.mulf %get3A_2207, %mul3A_2193 : vector<16xf32>
        %mul3A_2209 = arith.mulf %get3A_2203, %mul3A_2208 : vector<16xf32>
        %add3A_2210 = arith.addf %add3A_2108, %mul3A_2209 : vector<16xf32>
        %get3A_2211 = arith.index_cast %add3A_2200 : i32 to index
        %get3A_2212 = arith.constant 16 : index
        %get3A_2213 = tpu.vector_load %arg22[%get3A_2211, %get3A_2212] {strides = array<i32>} : memref<256x128xf32, #tpu.memory_space<vmem>>, vector<16xf32>,
        %add3A_2214 = arith.constant 16 : i32
        %add3A_2215 = arith.addi %mul3A_2195, %add3A_2214 : i32
        %get3A_2216 = arith.index_cast %add3A_2215 : i32 to index
        %get3A_2217 = tpu.vector_load %arg19[%get3A_2216] {strides = array<i32>} : memref<1920xf32, #tpu.memory_space<vmem>>, vector<16xf32>,
        %mul3A_2218 = arith.mulf %get3A_2217, %mul3A_2193 : vector<16xf32>
        %mul3A_2219 = arith.mulf %get3A_2213, %mul3A_2218 : vector<16xf32>
        %add3A_2220 = arith.addf %add3A_2118, %mul3A_2219 : vector<16xf32>
        %get3A_2221 = arith.index_cast %add3A_2200 : i32 to index
        %get3A_2222 = arith.constant 32 : index
        %get3A_2223 = tpu.vector_load %arg22[%get3A_2221, %get3A_2222] {strides = array<i32>} : memref<256x128xf32, #tpu.memory_space<vmem>>, vector<16xf32>,
        %add3A_2224 = arith.constant 32 : i32
        %add3A_2225 = arith.addi %mul3A_2195, %add3A_2224 : i32
        %get3A_2226 = arith.index_cast %add3A_2225 : i32 to index
        %get3A_2227 = tpu.vector_load %arg19[%get3A_2226] {strides = array<i32>} : memref<1920xf32, #tpu.memory_space<vmem>>, vector<16xf32>,
        %mul3A_2228 = arith.mulf %get3A_2227, %mul3A_2193 : vector<16xf32>
        %mul3A_2229 = arith.mulf %get3A_2223, %mul3A_2228 : vector<16xf32>
        %add3A_2230 = arith.addf %add3A_2128, %mul3A_2229 : vector<16xf32>
        %get3A_2231 = arith.index_cast %add3A_2200 : i32 to index
        %get3A_2232 = arith.constant 48 : index
        %get3A_2233 = tpu.vector_load %arg22[%get3A_2231, %get3A_2232] {strides = array<i32>} : memref<256x128xf32, #tpu.memory_space<vmem>>, vector<16xf32>,
        %add3A_2234 = arith.constant 48 : i32
        %add3A_2235 = arith.addi %mul3A_2195, %add3A_2234 : i32
        %get3A_2236 = arith.index_cast %add3A_2235 : i32 to index
        %get3A_2237 = tpu.vector_load %arg19[%get3A_2236] {strides = array<i32>} : memref<1920xf32, #tpu.memory_space<vmem>>, vector<16xf32>,
        %mul3A_2238 = arith.mulf %get3A_2237, %mul3A_2193 : vector<16xf32>
        %mul3A_2239 = arith.mulf %get3A_2233, %mul3A_2238 : vector<16xf32>
        %add3A_2240 = arith.addf %add3A_2138, %mul3A_2239 : vector<16xf32>
        %get3A_2241 = arith.index_cast %add3A_2200 : i32 to index
        %get3A_2242 = arith.constant 64 : index
        %get3A_2243 = tpu.vector_load %arg22[%get3A_2241, %get3A_2242] {strides = array<i32>} : memref<256x128xf32, #tpu.memory_space<vmem>>, vector<16xf32>,
        %add3A_2244 = arith.constant 64 : i32
        %add3A_2245 = arith.addi %mul3A_2195, %add3A_2244 : i32
        %get3A_2246 = arith.index_cast %add3A_2245 : i32 to index
        %get3A_2247 = tpu.vector_load %arg19[%get3A_2246] {strides = array<i32>} : memref<1920xf32, #tpu.memory_space<vmem>>, vector<16xf32>,
        %mul3A_2248 = arith.mulf %get3A_2247, %mul3A_2193 : vector<16xf32>
        %mul3A_2249 = arith.mulf %get3A_2243, %mul3A_2248 : vector<16xf32>
        %add3A_2250 = arith.addf %add3A_2148, %mul3A_2249 : vector<16xf32>
        %get3A_2251 = arith.index_cast %add3A_2200 : i32 to index
        %get3A_2252 = arith.constant 80 : index
        %get3A_2253 = tpu.vector_load %arg22[%get3A_2251, %get3A_2252] {strides = array<i32>} : memref<256x128xf32, #tpu.memory_space<vmem>>, vector<16xf32>,
        %add3A_2254 = arith.constant 80 : i32
        %add3A_2255 = arith.addi %mul3A_2195, %add3A_2254 : i32
        %get3A_2256 = arith.index_cast %add3A_2255 : i32 to index
        %get3A_2257 = tpu.vector_load %arg19[%get3A_2256] {strides = array<i32>} : memref<1920xf32, #tpu.memory_space<vmem>>, vector<16xf32>,
        %mul3A_2258 = arith.mulf %get3A_2257, %mul3A_2193 : vector<16xf32>
        %mul3A_2259 = arith.mulf %get3A_2253, %mul3A_2258 : vector<16xf32>
        %add3A_2260 = arith.addf %add3A_2158, %mul3A_2259 : vector<16xf32>
        %get3A_2261 = arith.index_cast %add3A_2200 : i32 to index
        %get3A_2262 = arith.constant 96 : index
        %get3A_2263 = tpu.vector_load %arg22[%get3A_2261, %get3A_2262] {strides = array<i32>} : memref<256x128xf32, #tpu.memory_space<vmem>>, vector<16xf32>,
        %add3A_2264 = arith.constant 96 : i32
        %add3A_2265 = arith.addi %mul3A_2195, %add3A_2264 : i32
        %get3A_2266 = arith.index_cast %add3A_2265 : i32 to index
        %get3A_2267 = tpu.vector_load %arg19[%get3A_2266] {strides = array<i32>} : memref<1920xf32, #tpu.memory_space<vmem>>, vector<16xf32>,
        %mul3A_2268 = arith.mulf %get3A_2267, %mul3A_2193 : vector<16xf32>
        %mul3A_2269 = arith.mulf %get3A_2263, %mul3A_2268 : vector<16xf32>
        %add3A_2270 = arith.addf %add3A_2168, %mul3A_2269 : vector<16xf32>
        %get3A_2271 = arith.index_cast %add3A_2200 : i32 to index
        %get3A_2272 = arith.constant 112 : index
        %get3A_2273 = tpu.vector_load %arg22[%get3A_2271, %get3A_2272] {strides = array<i32>} : memref<256x128xf32, #tpu.memory_space<vmem>>, vector<16xf32>,
        %add3A_2274 = arith.constant 112 : i32
        %add3A_2275 = arith.addi %mul3A_2195, %add3A_2274 : i32
        %get3A_2276 = arith.index_cast %add3A_2275 : i32 to index
        %get3A_2277 = tpu.vector_load %arg19[%get3A_2276] {strides = array<i32>} : memref<1920xf32, #tpu.memory_space<vmem>>, vector<16xf32>,
        %mul3A_2278 = arith.mulf %get3A_2277, %mul3A_2193 : vector<16xf32>
        %mul3A_2279 = arith.mulf %get3A_2273, %mul3A_2278 : vector<16xf32>
        %add3A_2280 = arith.addf %add3A_2178, %mul3A_2279 : vector<16xf32>
        %slice3A_2281 = vector.extract_strided_slice %get3A_317 {offsets = [3], sizes = [1], strides = [1]} : vector<16xi32> to vector<1xi32>
        %squeeze3A_2282 = vector.extract %slice3A_2281[0] : i32 from vector<1xi32>
        %slice3A_2283 = vector.extract_strided_slice %get3A_327 {offsets = [3], sizes = [1], strides = [1]} : vector<16xf32> to vector<1xf32>
        %squeeze3A_2284 = vector.extract %slice3A_2283[0] : f32 from vector<1xf32>
        %mul3A_2285 = arith.constant 15 : i32
        %mul3A_2286 = arith.muli %scan3A_307, %mul3A_2285 : i32
        %mul3A_2287 = arith.constant 16 : i32
        %mul3A_2288 = arith.muli %mul3A_2286, %mul3A_2287 : i32
        %mul3A_2289 = arith.constant 16 : i32
        %mul3A_2290 = arith.muli %squeeze3A_2282, %mul3A_2289 : i32
        %add3A_2291 = arith.addi %mul3A_2288, %mul3A_2290 : i32
        %get3A_2292 = arith.index_cast %add3A_2291 : i32 to index
        %get3A_2293 = tpu.vector_load %arg23[%get3A_2292] {strides = array<i32>} : memref<960xf32, #tpu.memory_space<vmem>>, vector<16xf32>,
        %mul3A_2294 = vector.broadcast %squeeze3A_2284 : f32 to vector<16xf32>
        %mul3A_2295 = arith.mulf %mul3A_2294, %get3A_2293 : vector<16xf32>
        %mul3A_2296 = arith.constant 128 : i32
        %mul3A_2297 = arith.muli %squeeze3A_2282, %mul3A_2296 : i32
        %mul3A_2298 = arith.constant 32 : i32
        %mul3A_2299 = arith.muli %scan3A_307, %mul3A_2298 : i32
        %add3A_2300 = arith.addi %mul3A_292, %mul3A_2299 : i32
        %add3A_2301 = arith.constant 19 : i32
        %add3A_2302 = arith.addi %add3A_2300, %add3A_2301 : i32
        %get3A_2303 = arith.index_cast %add3A_2302 : i32 to index
        %get3A_2304 = arith.constant 0 : index
        %get3A_2305 = tpu.vector_load %arg22[%get3A_2303, %get3A_2304] {strides = array<i32>} : memref<256x128xf32, #tpu.memory_space<vmem>>, vector<16xf32>,
        %add3A_2306 = arith.constant 0 : i32
        %add3A_2307 = arith.addi %mul3A_2297, %add3A_2306 : i32
        %get3A_2308 = arith.index_cast %add3A_2307 : i32 to index
        %get3A_2309 = tpu.vector_load %arg19[%get3A_2308] {strides = array<i32>} : memref<1920xf32, #tpu.memory_space<vmem>>, vector<16xf32>,
        %mul3A_2310 = arith.mulf %get3A_2309, %mul3A_2295 : vector<16xf32>
        %mul3A_2311 = arith.mulf %get3A_2305, %mul3A_2310 : vector<16xf32>
        %add3A_2312 = arith.addf %add3A_2210, %mul3A_2311 : vector<16xf32>
        %get3A_2313 = arith.index_cast %add3A_2302 : i32 to index
        %get3A_2314 = arith.constant 16 : index
        %get3A_2315 = tpu.vector_load %arg22[%get3A_2313, %get3A_2314] {strides = array<i32>} : memref<256x128xf32, #tpu.memory_space<vmem>>, vector<16xf32>,
        %add3A_2316 = arith.constant 16 : i32
        %add3A_2317 = arith.addi %mul3A_2297, %add3A_2316 : i32
        %get3A_2318 = arith.index_cast %add3A_2317 : i32 to index
        %get3A_2319 = tpu.vector_load %arg19[%get3A_2318] {strides = array<i32>} : memref<1920xf32, #tpu.memory_space<vmem>>, vector<16xf32>,
        %mul3A_2320 = arith.mulf %get3A_2319, %mul3A_2295 : vector<16xf32>
        %mul3A_2321 = arith.mulf %get3A_2315, %mul3A_2320 : vector<16xf32>
        %add3A_2322 = arith.addf %add3A_2220, %mul3A_2321 : vector<16xf32>
        %get3A_2323 = arith.index_cast %add3A_2302 : i32 to index
        %get3A_2324 = arith.constant 32 : index
        %get3A_2325 = tpu.vector_load %arg22[%get3A_2323, %get3A_2324] {strides = array<i32>} : memref<256x128xf32, #tpu.memory_space<vmem>>, vector<16xf32>,
        %add3A_2326 = arith.constant 32 : i32
        %add3A_2327 = arith.addi %mul3A_2297, %add3A_2326 : i32
        %get3A_2328 = arith.index_cast %add3A_2327 : i32 to index
        %get3A_2329 = tpu.vector_load %arg19[%get3A_2328] {strides = array<i32>} : memref<1920xf32, #tpu.memory_space<vmem>>, vector<16xf32>,
        %mul3A_2330 = arith.mulf %get3A_2329, %mul3A_2295 : vector<16xf32>
        %mul3A_2331 = arith.mulf %get3A_2325, %mul3A_2330 : vector<16xf32>
        %add3A_2332 = arith.addf %add3A_2230, %mul3A_2331 : vector<16xf32>
        %get3A_2333 = arith.index_cast %add3A_2302 : i32 to index
        %get3A_2334 = arith.constant 48 : index
        %get3A_2335 = tpu.vector_load %arg22[%get3A_2333, %get3A_2334] {strides = array<i32>} : memref<256x128xf32, #tpu.memory_space<vmem>>, vector<16xf32>,
        %add3A_2336 = arith.constant 48 : i32
        %add3A_2337 = arith.addi %mul3A_2297, %add3A_2336 : i32
        %get3A_2338 = arith.index_cast %add3A_2337 : i32 to index
        %get3A_2339 = tpu.vector_load %arg19[%get3A_2338] {strides = array<i32>} : memref<1920xf32, #tpu.memory_space<vmem>>, vector<16xf32>,
        %mul3A_2340 = arith.mulf %get3A_2339, %mul3A_2295 : vector<16xf32>
        %mul3A_2341 = arith.mulf %get3A_2335, %mul3A_2340 : vector<16xf32>
        %add3A_2342 = arith.addf %add3A_2240, %mul3A_2341 : vector<16xf32>
        %get3A_2343 = arith.index_cast %add3A_2302 : i32 to index
        %get3A_2344 = arith.constant 64 : index
        %get3A_2345 = tpu.vector_load %arg22[%get3A_2343, %get3A_2344] {strides = array<i32>} : memref<256x128xf32, #tpu.memory_space<vmem>>, vector<16xf32>,
        %add3A_2346 = arith.constant 64 : i32
        %add3A_2347 = arith.addi %mul3A_2297, %add3A_2346 : i32
        %get3A_2348 = arith.index_cast %add3A_2347 : i32 to index
        %get3A_2349 = tpu.vector_load %arg19[%get3A_2348] {strides = array<i32>} : memref<1920xf32, #tpu.memory_space<vmem>>, vector<16xf32>,
        %mul3A_2350 = arith.mulf %get3A_2349, %mul3A_2295 : vector<16xf32>
        %mul3A_2351 = arith.mulf %get3A_2345, %mul3A_2350 : vector<16xf32>
        %add3A_2352 = arith.addf %add3A_2250, %mul3A_2351 : vector<16xf32>
        %get3A_2353 = arith.index_cast %add3A_2302 : i32 to index
        %get3A_2354 = arith.constant 80 : index
        %get3A_2355 = tpu.vector_load %arg22[%get3A_2353, %get3A_2354] {strides = array<i32>} : memref<256x128xf32, #tpu.memory_space<vmem>>, vector<16xf32>,
        %add3A_2356 = arith.constant 80 : i32
        %add3A_2357 = arith.addi %mul3A_2297, %add3A_2356 : i32
        %get3A_2358 = arith.index_cast %add3A_2357 : i32 to index
        %get3A_2359 = tpu.vector_load %arg19[%get3A_2358] {strides = array<i32>} : memref<1920xf32, #tpu.memory_space<vmem>>, vector<16xf32>,
        %mul3A_2360 = arith.mulf %get3A_2359, %mul3A_2295 : vector<16xf32>
        %mul3A_2361 = arith.mulf %get3A_2355, %mul3A_2360 : vector<16xf32>
        %add3A_2362 = arith.addf %add3A_2260, %mul3A_2361 : vector<16xf32>
        %get3A_2363 = arith.index_cast %add3A_2302 : i32 to index
        %get3A_2364 = arith.constant 96 : index
        %get3A_2365 = tpu.vector_load %arg22[%get3A_2363, %get3A_2364] {strides = array<i32>} : memref<256x128xf32, #tpu.memory_space<vmem>>, vector<16xf32>,
        %add3A_2366 = arith.constant 96 : i32
        %add3A_2367 = arith.addi %mul3A_2297, %add3A_2366 : i32
        %get3A_2368 = arith.index_cast %add3A_2367 : i32 to index
        %get3A_2369 = tpu.vector_load %arg19[%get3A_2368] {strides = array<i32>} : memref<1920xf32, #tpu.memory_space<vmem>>, vector<16xf32>,
        %mul3A_2370 = arith.mulf %get3A_2369, %mul3A_2295 : vector<16xf32>
        %mul3A_2371 = arith.mulf %get3A_2365, %mul3A_2370 : vector<16xf32>
        %add3A_2372 = arith.addf %add3A_2270, %mul3A_2371 : vector<16xf32>
        %get3A_2373 = arith.index_cast %add3A_2302 : i32 to index
        %get3A_2374 = arith.constant 112 : index
        %get3A_2375 = tpu.vector_load %arg22[%get3A_2373, %get3A_2374] {strides = array<i32>} : memref<256x128xf32, #tpu.memory_space<vmem>>, vector<16xf32>,
        %add3A_2376 = arith.constant 112 : i32
        %add3A_2377 = arith.addi %mul3A_2297, %add3A_2376 : i32
        %get3A_2378 = arith.index_cast %add3A_2377 : i32 to index
        %get3A_2379 = tpu.vector_load %arg19[%get3A_2378] {strides = array<i32>} : memref<1920xf32, #tpu.memory_space<vmem>>, vector<16xf32>,
        %mul3A_2380 = arith.mulf %get3A_2379, %mul3A_2295 : vector<16xf32>
        %mul3A_2381 = arith.mulf %get3A_2375, %mul3A_2380 : vector<16xf32>
        %add3A_2382 = arith.addf %add3A_2280, %mul3A_2381 : vector<16xf32>
        %slice3A_2383 = vector.extract_strided_slice %get3A_317 {offsets = [4], sizes = [1], strides = [1]} : vector<16xi32> to vector<1xi32>
        %squeeze3A_2384 = vector.extract %slice3A_2383[0] : i32 from vector<1xi32>
        %slice3A_2385 = vector.extract_strided_slice %get3A_327 {offsets = [4], sizes = [1], strides = [1]} : vector<16xf32> to vector<1xf32>
        %squeeze3A_2386 = vector.extract %slice3A_2385[0] : f32 from vector<1xf32>
        %mul3A_2387 = arith.constant 15 : i32
        %mul3A_2388 = arith.muli %scan3A_307, %mul3A_2387 : i32
        %mul3A_2389 = arith.constant 16 : i32
        %mul3A_2390 = arith.muli %mul3A_2388, %mul3A_2389 : i32
        %mul3A_2391 = arith.constant 16 : i32
        %mul3A_2392 = arith.muli %squeeze3A_2384, %mul3A_2391 : i32
        %add3A_2393 = arith.addi %mul3A_2390, %mul3A_2392 : i32
        %get3A_2394 = arith.index_cast %add3A_2393 : i32 to index
        %get3A_2395 = tpu.vector_load %arg23[%get3A_2394] {strides = array<i32>} : memref<960xf32, #tpu.memory_space<vmem>>, vector<16xf32>,
        %mul3A_2396 = vector.broadcast %squeeze3A_2386 : f32 to vector<16xf32>
        %mul3A_2397 = arith.mulf %mul3A_2396, %get3A_2395 : vector<16xf32>
        %mul3A_2398 = arith.constant 128 : i32
        %mul3A_2399 = arith.muli %squeeze3A_2384, %mul3A_2398 : i32
        %mul3A_2400 = arith.constant 32 : i32
        %mul3A_2401 = arith.muli %scan3A_307, %mul3A_2400 : i32
        %add3A_2402 = arith.addi %mul3A_292, %mul3A_2401 : i32
        %add3A_2403 = arith.constant 20 : i32
        %add3A_2404 = arith.addi %add3A_2402, %add3A_2403 : i32
        %get3A_2405 = arith.index_cast %add3A_2404 : i32 to index
        %get3A_2406 = arith.constant 0 : index
        %get3A_2407 = tpu.vector_load %arg22[%get3A_2405, %get3A_2406] {strides = array<i32>} : memref<256x128xf32, #tpu.memory_space<vmem>>, vector<16xf32>,
        %add3A_2408 = arith.constant 0 : i32
        %add3A_2409 = arith.addi %mul3A_2399, %add3A_2408 : i32
        %get3A_2410 = arith.index_cast %add3A_2409 : i32 to index
        %get3A_2411 = tpu.vector_load %arg19[%get3A_2410] {strides = array<i32>} : memref<1920xf32, #tpu.memory_space<vmem>>, vector<16xf32>,
        %mul3A_2412 = arith.mulf %get3A_2411, %mul3A_2397 : vector<16xf32>
        %mul3A_2413 = arith.mulf %get3A_2407, %mul3A_2412 : vector<16xf32>
        %add3A_2414 = arith.addf %add3A_2312, %mul3A_2413 : vector<16xf32>
        %get3A_2415 = arith.index_cast %add3A_2404 : i32 to index
        %get3A_2416 = arith.constant 16 : index
        %get3A_2417 = tpu.vector_load %arg22[%get3A_2415, %get3A_2416] {strides = array<i32>} : memref<256x128xf32, #tpu.memory_space<vmem>>, vector<16xf32>,
        %add3A_2418 = arith.constant 16 : i32
        %add3A_2419 = arith.addi %mul3A_2399, %add3A_2418 : i32
        %get3A_2420 = arith.index_cast %add3A_2419 : i32 to index
        %get3A_2421 = tpu.vector_load %arg19[%get3A_2420] {strides = array<i32>} : memref<1920xf32, #tpu.memory_space<vmem>>, vector<16xf32>,
        %mul3A_2422 = arith.mulf %get3A_2421, %mul3A_2397 : vector<16xf32>
        %mul3A_2423 = arith.mulf %get3A_2417, %mul3A_2422 : vector<16xf32>
        %add3A_2424 = arith.addf %add3A_2322, %mul3A_2423 : vector<16xf32>
        %get3A_2425 = arith.index_cast %add3A_2404 : i32 to index
        %get3A_2426 = arith.constant 32 : index
        %get3A_2427 = tpu.vector_load %arg22[%get3A_2425, %get3A_2426] {strides = array<i32>} : memref<256x128xf32, #tpu.memory_space<vmem>>, vector<16xf32>,
        %add3A_2428 = arith.constant 32 : i32
        %add3A_2429 = arith.addi %mul3A_2399, %add3A_2428 : i32
        %get3A_2430 = arith.index_cast %add3A_2429 : i32 to index
        %get3A_2431 = tpu.vector_load %arg19[%get3A_2430] {strides = array<i32>} : memref<1920xf32, #tpu.memory_space<vmem>>, vector<16xf32>,
        %mul3A_2432 = arith.mulf %get3A_2431, %mul3A_2397 : vector<16xf32>
        %mul3A_2433 = arith.mulf %get3A_2427, %mul3A_2432 : vector<16xf32>
        %add3A_2434 = arith.addf %add3A_2332, %mul3A_2433 : vector<16xf32>
        %get3A_2435 = arith.index_cast %add3A_2404 : i32 to index
        %get3A_2436 = arith.constant 48 : index
        %get3A_2437 = tpu.vector_load %arg22[%get3A_2435, %get3A_2436] {strides = array<i32>} : memref<256x128xf32, #tpu.memory_space<vmem>>, vector<16xf32>,
        %add3A_2438 = arith.constant 48 : i32
        %add3A_2439 = arith.addi %mul3A_2399, %add3A_2438 : i32
        %get3A_2440 = arith.index_cast %add3A_2439 : i32 to index
        %get3A_2441 = tpu.vector_load %arg19[%get3A_2440] {strides = array<i32>} : memref<1920xf32, #tpu.memory_space<vmem>>, vector<16xf32>,
        %mul3A_2442 = arith.mulf %get3A_2441, %mul3A_2397 : vector<16xf32>
        %mul3A_2443 = arith.mulf %get3A_2437, %mul3A_2442 : vector<16xf32>
        %add3A_2444 = arith.addf %add3A_2342, %mul3A_2443 : vector<16xf32>
        %get3A_2445 = arith.index_cast %add3A_2404 : i32 to index
        %get3A_2446 = arith.constant 64 : index
        %get3A_2447 = tpu.vector_load %arg22[%get3A_2445, %get3A_2446] {strides = array<i32>} : memref<256x128xf32, #tpu.memory_space<vmem>>, vector<16xf32>,
        %add3A_2448 = arith.constant 64 : i32
        %add3A_2449 = arith.addi %mul3A_2399, %add3A_2448 : i32
        %get3A_2450 = arith.index_cast %add3A_2449 : i32 to index
        %get3A_2451 = tpu.vector_load %arg19[%get3A_2450] {strides = array<i32>} : memref<1920xf32, #tpu.memory_space<vmem>>, vector<16xf32>,
        %mul3A_2452 = arith.mulf %get3A_2451, %mul3A_2397 : vector<16xf32>
        %mul3A_2453 = arith.mulf %get3A_2447, %mul3A_2452 : vector<16xf32>
        %add3A_2454 = arith.addf %add3A_2352, %mul3A_2453 : vector<16xf32>
        %get3A_2455 = arith.index_cast %add3A_2404 : i32 to index
        %get3A_2456 = arith.constant 80 : index
        %get3A_2457 = tpu.vector_load %arg22[%get3A_2455, %get3A_2456] {strides = array<i32>} : memref<256x128xf32, #tpu.memory_space<vmem>>, vector<16xf32>,
        %add3A_2458 = arith.constant 80 : i32
        %add3A_2459 = arith.addi %mul3A_2399, %add3A_2458 : i32
        %get3A_2460 = arith.index_cast %add3A_2459 : i32 to index
        %get3A_2461 = tpu.vector_load %arg19[%get3A_2460] {strides = array<i32>} : memref<1920xf32, #tpu.memory_space<vmem>>, vector<16xf32>,
        %mul3A_2462 = arith.mulf %get3A_2461, %mul3A_2397 : vector<16xf32>
        %mul3A_2463 = arith.mulf %get3A_2457, %mul3A_2462 : vector<16xf32>
        %add3A_2464 = arith.addf %add3A_2362, %mul3A_2463 : vector<16xf32>
        %get3A_2465 = arith.index_cast %add3A_2404 : i32 to index
        %get3A_2466 = arith.constant 96 : index
        %get3A_2467 = tpu.vector_load %arg22[%get3A_2465, %get3A_2466] {strides = array<i32>} : memref<256x128xf32, #tpu.memory_space<vmem>>, vector<16xf32>,
        %add3A_2468 = arith.constant 96 : i32
        %add3A_2469 = arith.addi %mul3A_2399, %add3A_2468 : i32
        %get3A_2470 = arith.index_cast %add3A_2469 : i32 to index
        %get3A_2471 = tpu.vector_load %arg19[%get3A_2470] {strides = array<i32>} : memref<1920xf32, #tpu.memory_space<vmem>>, vector<16xf32>,
        %mul3A_2472 = arith.mulf %get3A_2471, %mul3A_2397 : vector<16xf32>
        %mul3A_2473 = arith.mulf %get3A_2467, %mul3A_2472 : vector<16xf32>
        %add3A_2474 = arith.addf %add3A_2372, %mul3A_2473 : vector<16xf32>
        %get3A_2475 = arith.index_cast %add3A_2404 : i32 to index
        %get3A_2476 = arith.constant 112 : index
        %get3A_2477 = tpu.vector_load %arg22[%get3A_2475, %get3A_2476] {strides = array<i32>} : memref<256x128xf32, #tpu.memory_space<vmem>>, vector<16xf32>,
        %add3A_2478 = arith.constant 112 : i32
        %add3A_2479 = arith.addi %mul3A_2399, %add3A_2478 : i32
        %get3A_2480 = arith.index_cast %add3A_2479 : i32 to index
        %get3A_2481 = tpu.vector_load %arg19[%get3A_2480] {strides = array<i32>} : memref<1920xf32, #tpu.memory_space<vmem>>, vector<16xf32>,
        %mul3A_2482 = arith.mulf %get3A_2481, %mul3A_2397 : vector<16xf32>
        %mul3A_2483 = arith.mulf %get3A_2477, %mul3A_2482 : vector<16xf32>
        %add3A_2484 = arith.addf %add3A_2382, %mul3A_2483 : vector<16xf32>
        %slice3A_2485 = vector.extract_strided_slice %get3A_317 {offsets = [5], sizes = [1], strides = [1]} : vector<16xi32> to vector<1xi32>
        %squeeze3A_2486 = vector.extract %slice3A_2485[0] : i32 from vector<1xi32>
        %slice3A_2487 = vector.extract_strided_slice %get3A_327 {offsets = [5], sizes = [1], strides = [1]} : vector<16xf32> to vector<1xf32>
        %squeeze3A_2488 = vector.extract %slice3A_2487[0] : f32 from vector<1xf32>
        %mul3A_2489 = arith.constant 15 : i32
        %mul3A_2490 = arith.muli %scan3A_307, %mul3A_2489 : i32
        %mul3A_2491 = arith.constant 16 : i32
        %mul3A_2492 = arith.muli %mul3A_2490, %mul3A_2491 : i32
        %mul3A_2493 = arith.constant 16 : i32
        %mul3A_2494 = arith.muli %squeeze3A_2486, %mul3A_2493 : i32
        %add3A_2495 = arith.addi %mul3A_2492, %mul3A_2494 : i32
        %get3A_2496 = arith.index_cast %add3A_2495 : i32 to index
        %get3A_2497 = tpu.vector_load %arg23[%get3A_2496] {strides = array<i32>} : memref<960xf32, #tpu.memory_space<vmem>>, vector<16xf32>,
        %mul3A_2498 = vector.broadcast %squeeze3A_2488 : f32 to vector<16xf32>
        %mul3A_2499 = arith.mulf %mul3A_2498, %get3A_2497 : vector<16xf32>
        %mul3A_2500 = arith.constant 128 : i32
        %mul3A_2501 = arith.muli %squeeze3A_2486, %mul3A_2500 : i32
        %mul3A_2502 = arith.constant 32 : i32
        %mul3A_2503 = arith.muli %scan3A_307, %mul3A_2502 : i32
        %add3A_2504 = arith.addi %mul3A_292, %mul3A_2503 : i32
        %add3A_2505 = arith.constant 21 : i32
        %add3A_2506 = arith.addi %add3A_2504, %add3A_2505 : i32
        %get3A_2507 = arith.index_cast %add3A_2506 : i32 to index
        %get3A_2508 = arith.constant 0 : index
        %get3A_2509 = tpu.vector_load %arg22[%get3A_2507, %get3A_2508] {strides = array<i32>} : memref<256x128xf32, #tpu.memory_space<vmem>>, vector<16xf32>,
        %add3A_2510 = arith.constant 0 : i32
        %add3A_2511 = arith.addi %mul3A_2501, %add3A_2510 : i32
        %get3A_2512 = arith.index_cast %add3A_2511 : i32 to index
        %get3A_2513 = tpu.vector_load %arg19[%get3A_2512] {strides = array<i32>} : memref<1920xf32, #tpu.memory_space<vmem>>, vector<16xf32>,
        %mul3A_2514 = arith.mulf %get3A_2513, %mul3A_2499 : vector<16xf32>
        %mul3A_2515 = arith.mulf %get3A_2509, %mul3A_2514 : vector<16xf32>
        %add3A_2516 = arith.addf %add3A_2414, %mul3A_2515 : vector<16xf32>
        %get3A_2517 = arith.index_cast %add3A_2506 : i32 to index
        %get3A_2518 = arith.constant 16 : index
        %get3A_2519 = tpu.vector_load %arg22[%get3A_2517, %get3A_2518] {strides = array<i32>} : memref<256x128xf32, #tpu.memory_space<vmem>>, vector<16xf32>,
        %add3A_2520 = arith.constant 16 : i32
        %add3A_2521 = arith.addi %mul3A_2501, %add3A_2520 : i32
        %get3A_2522 = arith.index_cast %add3A_2521 : i32 to index
        %get3A_2523 = tpu.vector_load %arg19[%get3A_2522] {strides = array<i32>} : memref<1920xf32, #tpu.memory_space<vmem>>, vector<16xf32>,
        %mul3A_2524 = arith.mulf %get3A_2523, %mul3A_2499 : vector<16xf32>
        %mul3A_2525 = arith.mulf %get3A_2519, %mul3A_2524 : vector<16xf32>
        %add3A_2526 = arith.addf %add3A_2424, %mul3A_2525 : vector<16xf32>
        %get3A_2527 = arith.index_cast %add3A_2506 : i32 to index
        %get3A_2528 = arith.constant 32 : index
        %get3A_2529 = tpu.vector_load %arg22[%get3A_2527, %get3A_2528] {strides = array<i32>} : memref<256x128xf32, #tpu.memory_space<vmem>>, vector<16xf32>,
        %add3A_2530 = arith.constant 32 : i32
        %add3A_2531 = arith.addi %mul3A_2501, %add3A_2530 : i32
        %get3A_2532 = arith.index_cast %add3A_2531 : i32 to index
        %get3A_2533 = tpu.vector_load %arg19[%get3A_2532] {strides = array<i32>} : memref<1920xf32, #tpu.memory_space<vmem>>, vector<16xf32>,
        %mul3A_2534 = arith.mulf %get3A_2533, %mul3A_2499 : vector<16xf32>
        %mul3A_2535 = arith.mulf %get3A_2529, %mul3A_2534 : vector<16xf32>
        %add3A_2536 = arith.addf %add3A_2434, %mul3A_2535 : vector<16xf32>
        %get3A_2537 = arith.index_cast %add3A_2506 : i32 to index
        %get3A_2538 = arith.constant 48 : index
        %get3A_2539 = tpu.vector_load %arg22[%get3A_2537, %get3A_2538] {strides = array<i32>} : memref<256x128xf32, #tpu.memory_space<vmem>>, vector<16xf32>,
        %add3A_2540 = arith.constant 48 : i32
        %add3A_2541 = arith.addi %mul3A_2501, %add3A_2540 : i32
        %get3A_2542 = arith.index_cast %add3A_2541 : i32 to index
        %get3A_2543 = tpu.vector_load %arg19[%get3A_2542] {strides = array<i32>} : memref<1920xf32, #tpu.memory_space<vmem>>, vector<16xf32>,
        %mul3A_2544 = arith.mulf %get3A_2543, %mul3A_2499 : vector<16xf32>
        %mul3A_2545 = arith.mulf %get3A_2539, %mul3A_2544 : vector<16xf32>
        %add3A_2546 = arith.addf %add3A_2444, %mul3A_2545 : vector<16xf32>
        %get3A_2547 = arith.index_cast %add3A_2506 : i32 to index
        %get3A_2548 = arith.constant 64 : index
        %get3A_2549 = tpu.vector_load %arg22[%get3A_2547, %get3A_2548] {strides = array<i32>} : memref<256x128xf32, #tpu.memory_space<vmem>>, vector<16xf32>,
        %add3A_2550 = arith.constant 64 : i32
        %add3A_2551 = arith.addi %mul3A_2501, %add3A_2550 : i32
        %get3A_2552 = arith.index_cast %add3A_2551 : i32 to index
        %get3A_2553 = tpu.vector_load %arg19[%get3A_2552] {strides = array<i32>} : memref<1920xf32, #tpu.memory_space<vmem>>, vector<16xf32>,
        %mul3A_2554 = arith.mulf %get3A_2553, %mul3A_2499 : vector<16xf32>
        %mul3A_2555 = arith.mulf %get3A_2549, %mul3A_2554 : vector<16xf32>
        %add3A_2556 = arith.addf %add3A_2454, %mul3A_2555 : vector<16xf32>
        %get3A_2557 = arith.index_cast %add3A_2506 : i32 to index
        %get3A_2558 = arith.constant 80 : index
        %get3A_2559 = tpu.vector_load %arg22[%get3A_2557, %get3A_2558] {strides = array<i32>} : memref<256x128xf32, #tpu.memory_space<vmem>>, vector<16xf32>,
        %add3A_2560 = arith.constant 80 : i32
        %add3A_2561 = arith.addi %mul3A_2501, %add3A_2560 : i32
        %get3A_2562 = arith.index_cast %add3A_2561 : i32 to index
        %get3A_2563 = tpu.vector_load %arg19[%get3A_2562] {strides = array<i32>} : memref<1920xf32, #tpu.memory_space<vmem>>, vector<16xf32>,
        %mul3A_2564 = arith.mulf %get3A_2563, %mul3A_2499 : vector<16xf32>
        %mul3A_2565 = arith.mulf %get3A_2559, %mul3A_2564 : vector<16xf32>
        %add3A_2566 = arith.addf %add3A_2464, %mul3A_2565 : vector<16xf32>
        %get3A_2567 = arith.index_cast %add3A_2506 : i32 to index
        %get3A_2568 = arith.constant 96 : index
        %get3A_2569 = tpu.vector_load %arg22[%get3A_2567, %get3A_2568] {strides = array<i32>} : memref<256x128xf32, #tpu.memory_space<vmem>>, vector<16xf32>,
        %add3A_2570 = arith.constant 96 : i32
        %add3A_2571 = arith.addi %mul3A_2501, %add3A_2570 : i32
        %get3A_2572 = arith.index_cast %add3A_2571 : i32 to index
        %get3A_2573 = tpu.vector_load %arg19[%get3A_2572] {strides = array<i32>} : memref<1920xf32, #tpu.memory_space<vmem>>, vector<16xf32>,
        %mul3A_2574 = arith.mulf %get3A_2573, %mul3A_2499 : vector<16xf32>
        %mul3A_2575 = arith.mulf %get3A_2569, %mul3A_2574 : vector<16xf32>
        %add3A_2576 = arith.addf %add3A_2474, %mul3A_2575 : vector<16xf32>
        %get3A_2577 = arith.index_cast %add3A_2506 : i32 to index
        %get3A_2578 = arith.constant 112 : index
        %get3A_2579 = tpu.vector_load %arg22[%get3A_2577, %get3A_2578] {strides = array<i32>} : memref<256x128xf32, #tpu.memory_space<vmem>>, vector<16xf32>,
        %add3A_2580 = arith.constant 112 : i32
        %add3A_2581 = arith.addi %mul3A_2501, %add3A_2580 : i32
        %get3A_2582 = arith.index_cast %add3A_2581 : i32 to index
        %get3A_2583 = tpu.vector_load %arg19[%get3A_2582] {strides = array<i32>} : memref<1920xf32, #tpu.memory_space<vmem>>, vector<16xf32>,
        %mul3A_2584 = arith.mulf %get3A_2583, %mul3A_2499 : vector<16xf32>
        %mul3A_2585 = arith.mulf %get3A_2579, %mul3A_2584 : vector<16xf32>
        %add3A_2586 = arith.addf %add3A_2484, %mul3A_2585 : vector<16xf32>
        %slice3A_2587 = vector.extract_strided_slice %get3A_317 {offsets = [6], sizes = [1], strides = [1]} : vector<16xi32> to vector<1xi32>
        %squeeze3A_2588 = vector.extract %slice3A_2587[0] : i32 from vector<1xi32>
        %slice3A_2589 = vector.extract_strided_slice %get3A_327 {offsets = [6], sizes = [1], strides = [1]} : vector<16xf32> to vector<1xf32>
        %squeeze3A_2590 = vector.extract %slice3A_2589[0] : f32 from vector<1xf32>
        %mul3A_2591 = arith.constant 15 : i32
        %mul3A_2592 = arith.muli %scan3A_307, %mul3A_2591 : i32
        %mul3A_2593 = arith.constant 16 : i32
        %mul3A_2594 = arith.muli %mul3A_2592, %mul3A_2593 : i32
        %mul3A_2595 = arith.constant 16 : i32
        %mul3A_2596 = arith.muli %squeeze3A_2588, %mul3A_2595 : i32
        %add3A_2597 = arith.addi %mul3A_2594, %mul3A_2596 : i32
        %get3A_2598 = arith.index_cast %add3A_2597 : i32 to index
        %get3A_2599 = tpu.vector_load %arg23[%get3A_2598] {strides = array<i32>} : memref<960xf32, #tpu.memory_space<vmem>>, vector<16xf32>,
        %mul3A_2600 = vector.broadcast %squeeze3A_2590 : f32 to vector<16xf32>
        %mul3A_2601 = arith.mulf %mul3A_2600, %get3A_2599 : vector<16xf32>
        %mul3A_2602 = arith.constant 128 : i32
        %mul3A_2603 = arith.muli %squeeze3A_2588, %mul3A_2602 : i32
        %mul3A_2604 = arith.constant 32 : i32
        %mul3A_2605 = arith.muli %scan3A_307, %mul3A_2604 : i32
        %add3A_2606 = arith.addi %mul3A_292, %mul3A_2605 : i32
        %add3A_2607 = arith.constant 22 : i32
        %add3A_2608 = arith.addi %add3A_2606, %add3A_2607 : i32
        %get3A_2609 = arith.index_cast %add3A_2608 : i32 to index
        %get3A_2610 = arith.constant 0 : index
        %get3A_2611 = tpu.vector_load %arg22[%get3A_2609, %get3A_2610] {strides = array<i32>} : memref<256x128xf32, #tpu.memory_space<vmem>>, vector<16xf32>,
        %add3A_2612 = arith.constant 0 : i32
        %add3A_2613 = arith.addi %mul3A_2603, %add3A_2612 : i32
        %get3A_2614 = arith.index_cast %add3A_2613 : i32 to index
        %get3A_2615 = tpu.vector_load %arg19[%get3A_2614] {strides = array<i32>} : memref<1920xf32, #tpu.memory_space<vmem>>, vector<16xf32>,
        %mul3A_2616 = arith.mulf %get3A_2615, %mul3A_2601 : vector<16xf32>
        %mul3A_2617 = arith.mulf %get3A_2611, %mul3A_2616 : vector<16xf32>
        %add3A_2618 = arith.addf %add3A_2516, %mul3A_2617 : vector<16xf32>
        %get3A_2619 = arith.index_cast %add3A_2608 : i32 to index
        %get3A_2620 = arith.constant 16 : index
        %get3A_2621 = tpu.vector_load %arg22[%get3A_2619, %get3A_2620] {strides = array<i32>} : memref<256x128xf32, #tpu.memory_space<vmem>>, vector<16xf32>,
        %add3A_2622 = arith.constant 16 : i32
        %add3A_2623 = arith.addi %mul3A_2603, %add3A_2622 : i32
        %get3A_2624 = arith.index_cast %add3A_2623 : i32 to index
        %get3A_2625 = tpu.vector_load %arg19[%get3A_2624] {strides = array<i32>} : memref<1920xf32, #tpu.memory_space<vmem>>, vector<16xf32>,
        %mul3A_2626 = arith.mulf %get3A_2625, %mul3A_2601 : vector<16xf32>
        %mul3A_2627 = arith.mulf %get3A_2621, %mul3A_2626 : vector<16xf32>
        %add3A_2628 = arith.addf %add3A_2526, %mul3A_2627 : vector<16xf32>
        %get3A_2629 = arith.index_cast %add3A_2608 : i32 to index
        %get3A_2630 = arith.constant 32 : index
        %get3A_2631 = tpu.vector_load %arg22[%get3A_2629, %get3A_2630] {strides = array<i32>} : memref<256x128xf32, #tpu.memory_space<vmem>>, vector<16xf32>,
        %add3A_2632 = arith.constant 32 : i32
        %add3A_2633 = arith.addi %mul3A_2603, %add3A_2632 : i32
        %get3A_2634 = arith.index_cast %add3A_2633 : i32 to index
        %get3A_2635 = tpu.vector_load %arg19[%get3A_2634] {strides = array<i32>} : memref<1920xf32, #tpu.memory_space<vmem>>, vector<16xf32>,
        %mul3A_2636 = arith.mulf %get3A_2635, %mul3A_2601 : vector<16xf32>
        %mul3A_2637 = arith.mulf %get3A_2631, %mul3A_2636 : vector<16xf32>
        %add3A_2638 = arith.addf %add3A_2536, %mul3A_2637 : vector<16xf32>
        %get3A_2639 = arith.index_cast %add3A_2608 : i32 to index
        %get3A_2640 = arith.constant 48 : index
        %get3A_2641 = tpu.vector_load %arg22[%get3A_2639, %get3A_2640] {strides = array<i32>} : memref<256x128xf32, #tpu.memory_space<vmem>>, vector<16xf32>,
        %add3A_2642 = arith.constant 48 : i32
        %add3A_2643 = arith.addi %mul3A_2603, %add3A_2642 : i32
        %get3A_2644 = arith.index_cast %add3A_2643 : i32 to index
        %get3A_2645 = tpu.vector_load %arg19[%get3A_2644] {strides = array<i32>} : memref<1920xf32, #tpu.memory_space<vmem>>, vector<16xf32>,
        %mul3A_2646 = arith.mulf %get3A_2645, %mul3A_2601 : vector<16xf32>
        %mul3A_2647 = arith.mulf %get3A_2641, %mul3A_2646 : vector<16xf32>
        %add3A_2648 = arith.addf %add3A_2546, %mul3A_2647 : vector<16xf32>
        %get3A_2649 = arith.index_cast %add3A_2608 : i32 to index
        %get3A_2650 = arith.constant 64 : index
        %get3A_2651 = tpu.vector_load %arg22[%get3A_2649, %get3A_2650] {strides = array<i32>} : memref<256x128xf32, #tpu.memory_space<vmem>>, vector<16xf32>,
        %add3A_2652 = arith.constant 64 : i32
        %add3A_2653 = arith.addi %mul3A_2603, %add3A_2652 : i32
        %get3A_2654 = arith.index_cast %add3A_2653 : i32 to index
        %get3A_2655 = tpu.vector_load %arg19[%get3A_2654] {strides = array<i32>} : memref<1920xf32, #tpu.memory_space<vmem>>, vector<16xf32>,
        %mul3A_2656 = arith.mulf %get3A_2655, %mul3A_2601 : vector<16xf32>
        %mul3A_2657 = arith.mulf %get3A_2651, %mul3A_2656 : vector<16xf32>
        %add3A_2658 = arith.addf %add3A_2556, %mul3A_2657 : vector<16xf32>
        %get3A_2659 = arith.index_cast %add3A_2608 : i32 to index
        %get3A_2660 = arith.constant 80 : index
        %get3A_2661 = tpu.vector_load %arg22[%get3A_2659, %get3A_2660] {strides = array<i32>} : memref<256x128xf32, #tpu.memory_space<vmem>>, vector<16xf32>,
        %add3A_2662 = arith.constant 80 : i32
        %add3A_2663 = arith.addi %mul3A_2603, %add3A_2662 : i32
        %get3A_2664 = arith.index_cast %add3A_2663 : i32 to index
        %get3A_2665 = tpu.vector_load %arg19[%get3A_2664] {strides = array<i32>} : memref<1920xf32, #tpu.memory_space<vmem>>, vector<16xf32>,
        %mul3A_2666 = arith.mulf %get3A_2665, %mul3A_2601 : vector<16xf32>
        %mul3A_2667 = arith.mulf %get3A_2661, %mul3A_2666 : vector<16xf32>
        %add3A_2668 = arith.addf %add3A_2566, %mul3A_2667 : vector<16xf32>
        %get3A_2669 = arith.index_cast %add3A_2608 : i32 to index
        %get3A_2670 = arith.constant 96 : index
        %get3A_2671 = tpu.vector_load %arg22[%get3A_2669, %get3A_2670] {strides = array<i32>} : memref<256x128xf32, #tpu.memory_space<vmem>>, vector<16xf32>,
        %add3A_2672 = arith.constant 96 : i32
        %add3A_2673 = arith.addi %mul3A_2603, %add3A_2672 : i32
        %get3A_2674 = arith.index_cast %add3A_2673 : i32 to index
        %get3A_2675 = tpu.vector_load %arg19[%get3A_2674] {strides = array<i32>} : memref<1920xf32, #tpu.memory_space<vmem>>, vector<16xf32>,
        %mul3A_2676 = arith.mulf %get3A_2675, %mul3A_2601 : vector<16xf32>
        %mul3A_2677 = arith.mulf %get3A_2671, %mul3A_2676 : vector<16xf32>
        %add3A_2678 = arith.addf %add3A_2576, %mul3A_2677 : vector<16xf32>
        %get3A_2679 = arith.index_cast %add3A_2608 : i32 to index
        %get3A_2680 = arith.constant 112 : index
        %get3A_2681 = tpu.vector_load %arg22[%get3A_2679, %get3A_2680] {strides = array<i32>} : memref<256x128xf32, #tpu.memory_space<vmem>>, vector<16xf32>,
        %add3A_2682 = arith.constant 112 : i32
        %add3A_2683 = arith.addi %mul3A_2603, %add3A_2682 : i32
        %get3A_2684 = arith.index_cast %add3A_2683 : i32 to index
        %get3A_2685 = tpu.vector_load %arg19[%get3A_2684] {strides = array<i32>} : memref<1920xf32, #tpu.memory_space<vmem>>, vector<16xf32>,
        %mul3A_2686 = arith.mulf %get3A_2685, %mul3A_2601 : vector<16xf32>
        %mul3A_2687 = arith.mulf %get3A_2681, %mul3A_2686 : vector<16xf32>
        %add3A_2688 = arith.addf %add3A_2586, %mul3A_2687 : vector<16xf32>
        %slice3A_2689 = vector.extract_strided_slice %get3A_317 {offsets = [7], sizes = [1], strides = [1]} : vector<16xi32> to vector<1xi32>
        %squeeze3A_2690 = vector.extract %slice3A_2689[0] : i32 from vector<1xi32>
        %slice3A_2691 = vector.extract_strided_slice %get3A_327 {offsets = [7], sizes = [1], strides = [1]} : vector<16xf32> to vector<1xf32>
        %squeeze3A_2692 = vector.extract %slice3A_2691[0] : f32 from vector<1xf32>
        %mul3A_2693 = arith.constant 15 : i32
        %mul3A_2694 = arith.muli %scan3A_307, %mul3A_2693 : i32
        %mul3A_2695 = arith.constant 16 : i32
        %mul3A_2696 = arith.muli %mul3A_2694, %mul3A_2695 : i32
        %mul3A_2697 = arith.constant 16 : i32
        %mul3A_2698 = arith.muli %squeeze3A_2690, %mul3A_2697 : i32
        %add3A_2699 = arith.addi %mul3A_2696, %mul3A_2698 : i32
        %get3A_2700 = arith.index_cast %add3A_2699 : i32 to index
        %get3A_2701 = tpu.vector_load %arg23[%get3A_2700] {strides = array<i32>} : memref<960xf32, #tpu.memory_space<vmem>>, vector<16xf32>,
        %mul3A_2702 = vector.broadcast %squeeze3A_2692 : f32 to vector<16xf32>
        %mul3A_2703 = arith.mulf %mul3A_2702, %get3A_2701 : vector<16xf32>
        %mul3A_2704 = arith.constant 128 : i32
        %mul3A_2705 = arith.muli %squeeze3A_2690, %mul3A_2704 : i32
        %mul3A_2706 = arith.constant 32 : i32
        %mul3A_2707 = arith.muli %scan3A_307, %mul3A_2706 : i32
        %add3A_2708 = arith.addi %mul3A_292, %mul3A_2707 : i32
        %add3A_2709 = arith.constant 23 : i32
        %add3A_2710 = arith.addi %add3A_2708, %add3A_2709 : i32
        %get3A_2711 = arith.index_cast %add3A_2710 : i32 to index
        %get3A_2712 = arith.constant 0 : index
        %get3A_2713 = tpu.vector_load %arg22[%get3A_2711, %get3A_2712] {strides = array<i32>} : memref<256x128xf32, #tpu.memory_space<vmem>>, vector<16xf32>,
        %add3A_2714 = arith.constant 0 : i32
        %add3A_2715 = arith.addi %mul3A_2705, %add3A_2714 : i32
        %get3A_2716 = arith.index_cast %add3A_2715 : i32 to index
        %get3A_2717 = tpu.vector_load %arg19[%get3A_2716] {strides = array<i32>} : memref<1920xf32, #tpu.memory_space<vmem>>, vector<16xf32>,
        %mul3A_2718 = arith.mulf %get3A_2717, %mul3A_2703 : vector<16xf32>
        %mul3A_2719 = arith.mulf %get3A_2713, %mul3A_2718 : vector<16xf32>
        %add3A_2720 = arith.addf %add3A_2618, %mul3A_2719 : vector<16xf32>
        %get3A_2721 = arith.index_cast %add3A_2710 : i32 to index
        %get3A_2722 = arith.constant 16 : index
        %get3A_2723 = tpu.vector_load %arg22[%get3A_2721, %get3A_2722] {strides = array<i32>} : memref<256x128xf32, #tpu.memory_space<vmem>>, vector<16xf32>,
        %add3A_2724 = arith.constant 16 : i32
        %add3A_2725 = arith.addi %mul3A_2705, %add3A_2724 : i32
        %get3A_2726 = arith.index_cast %add3A_2725 : i32 to index
        %get3A_2727 = tpu.vector_load %arg19[%get3A_2726] {strides = array<i32>} : memref<1920xf32, #tpu.memory_space<vmem>>, vector<16xf32>,
        %mul3A_2728 = arith.mulf %get3A_2727, %mul3A_2703 : vector<16xf32>
        %mul3A_2729 = arith.mulf %get3A_2723, %mul3A_2728 : vector<16xf32>
        %add3A_2730 = arith.addf %add3A_2628, %mul3A_2729 : vector<16xf32>
        %get3A_2731 = arith.index_cast %add3A_2710 : i32 to index
        %get3A_2732 = arith.constant 32 : index
        %get3A_2733 = tpu.vector_load %arg22[%get3A_2731, %get3A_2732] {strides = array<i32>} : memref<256x128xf32, #tpu.memory_space<vmem>>, vector<16xf32>,
        %add3A_2734 = arith.constant 32 : i32
        %add3A_2735 = arith.addi %mul3A_2705, %add3A_2734 : i32
        %get3A_2736 = arith.index_cast %add3A_2735 : i32 to index
        %get3A_2737 = tpu.vector_load %arg19[%get3A_2736] {strides = array<i32>} : memref<1920xf32, #tpu.memory_space<vmem>>, vector<16xf32>,
        %mul3A_2738 = arith.mulf %get3A_2737, %mul3A_2703 : vector<16xf32>
        %mul3A_2739 = arith.mulf %get3A_2733, %mul3A_2738 : vector<16xf32>
        %add3A_2740 = arith.addf %add3A_2638, %mul3A_2739 : vector<16xf32>
        %get3A_2741 = arith.index_cast %add3A_2710 : i32 to index
        %get3A_2742 = arith.constant 48 : index
        %get3A_2743 = tpu.vector_load %arg22[%get3A_2741, %get3A_2742] {strides = array<i32>} : memref<256x128xf32, #tpu.memory_space<vmem>>, vector<16xf32>,
        %add3A_2744 = arith.constant 48 : i32
        %add3A_2745 = arith.addi %mul3A_2705, %add3A_2744 : i32
        %get3A_2746 = arith.index_cast %add3A_2745 : i32 to index
        %get3A_2747 = tpu.vector_load %arg19[%get3A_2746] {strides = array<i32>} : memref<1920xf32, #tpu.memory_space<vmem>>, vector<16xf32>,
        %mul3A_2748 = arith.mulf %get3A_2747, %mul3A_2703 : vector<16xf32>
        %mul3A_2749 = arith.mulf %get3A_2743, %mul3A_2748 : vector<16xf32>
        %add3A_2750 = arith.addf %add3A_2648, %mul3A_2749 : vector<16xf32>
        %get3A_2751 = arith.index_cast %add3A_2710 : i32 to index
        %get3A_2752 = arith.constant 64 : index
        %get3A_2753 = tpu.vector_load %arg22[%get3A_2751, %get3A_2752] {strides = array<i32>} : memref<256x128xf32, #tpu.memory_space<vmem>>, vector<16xf32>,
        %add3A_2754 = arith.constant 64 : i32
        %add3A_2755 = arith.addi %mul3A_2705, %add3A_2754 : i32
        %get3A_2756 = arith.index_cast %add3A_2755 : i32 to index
        %get3A_2757 = tpu.vector_load %arg19[%get3A_2756] {strides = array<i32>} : memref<1920xf32, #tpu.memory_space<vmem>>, vector<16xf32>,
        %mul3A_2758 = arith.mulf %get3A_2757, %mul3A_2703 : vector<16xf32>
        %mul3A_2759 = arith.mulf %get3A_2753, %mul3A_2758 : vector<16xf32>
        %add3A_2760 = arith.addf %add3A_2658, %mul3A_2759 : vector<16xf32>
        %get3A_2761 = arith.index_cast %add3A_2710 : i32 to index
        %get3A_2762 = arith.constant 80 : index
        %get3A_2763 = tpu.vector_load %arg22[%get3A_2761, %get3A_2762] {strides = array<i32>} : memref<256x128xf32, #tpu.memory_space<vmem>>, vector<16xf32>,
        %add3A_2764 = arith.constant 80 : i32
        %add3A_2765 = arith.addi %mul3A_2705, %add3A_2764 : i32
        %get3A_2766 = arith.index_cast %add3A_2765 : i32 to index
        %get3A_2767 = tpu.vector_load %arg19[%get3A_2766] {strides = array<i32>} : memref<1920xf32, #tpu.memory_space<vmem>>, vector<16xf32>,
        %mul3A_2768 = arith.mulf %get3A_2767, %mul3A_2703 : vector<16xf32>
        %mul3A_2769 = arith.mulf %get3A_2763, %mul3A_2768 : vector<16xf32>
        %add3A_2770 = arith.addf %add3A_2668, %mul3A_2769 : vector<16xf32>
        %get3A_2771 = arith.index_cast %add3A_2710 : i32 to index
        %get3A_2772 = arith.constant 96 : index
        %get3A_2773 = tpu.vector_load %arg22[%get3A_2771, %get3A_2772] {strides = array<i32>} : memref<256x128xf32, #tpu.memory_space<vmem>>, vector<16xf32>,
        %add3A_2774 = arith.constant 96 : i32
        %add3A_2775 = arith.addi %mul3A_2705, %add3A_2774 : i32
        %get3A_2776 = arith.index_cast %add3A_2775 : i32 to index
        %get3A_2777 = tpu.vector_load %arg19[%get3A_2776] {strides = array<i32>} : memref<1920xf32, #tpu.memory_space<vmem>>, vector<16xf32>,
        %mul3A_2778 = arith.mulf %get3A_2777, %mul3A_2703 : vector<16xf32>
        %mul3A_2779 = arith.mulf %get3A_2773, %mul3A_2778 : vector<16xf32>
        %add3A_2780 = arith.addf %add3A_2678, %mul3A_2779 : vector<16xf32>
        %get3A_2781 = arith.index_cast %add3A_2710 : i32 to index
        %get3A_2782 = arith.constant 112 : index
        %get3A_2783 = tpu.vector_load %arg22[%get3A_2781, %get3A_2782] {strides = array<i32>} : memref<256x128xf32, #tpu.memory_space<vmem>>, vector<16xf32>,
        %add3A_2784 = arith.constant 112 : i32
        %add3A_2785 = arith.addi %mul3A_2705, %add3A_2784 : i32
        %get3A_2786 = arith.index_cast %add3A_2785 : i32 to index
        %get3A_2787 = tpu.vector_load %arg19[%get3A_2786] {strides = array<i32>} : memref<1920xf32, #tpu.memory_space<vmem>>, vector<16xf32>,
        %mul3A_2788 = arith.mulf %get3A_2787, %mul3A_2703 : vector<16xf32>
        %mul3A_2789 = arith.mulf %get3A_2783, %mul3A_2788 : vector<16xf32>
        %add3A_2790 = arith.addf %add3A_2688, %mul3A_2789 : vector<16xf32>
        %slice3A_2791 = vector.extract_strided_slice %get3A_317 {offsets = [8], sizes = [1], strides = [1]} : vector<16xi32> to vector<1xi32>
        %squeeze3A_2792 = vector.extract %slice3A_2791[0] : i32 from vector<1xi32>
        %slice3A_2793 = vector.extract_strided_slice %get3A_327 {offsets = [8], sizes = [1], strides = [1]} : vector<16xf32> to vector<1xf32>
        %squeeze3A_2794 = vector.extract %slice3A_2793[0] : f32 from vector<1xf32>
        %mul3A_2795 = arith.constant 15 : i32
        %mul3A_2796 = arith.muli %scan3A_307, %mul3A_2795 : i32
        %mul3A_2797 = arith.constant 16 : i32
        %mul3A_2798 = arith.muli %mul3A_2796, %mul3A_2797 : i32
        %mul3A_2799 = arith.constant 16 : i32
        %mul3A_2800 = arith.muli %squeeze3A_2792, %mul3A_2799 : i32
        %add3A_2801 = arith.addi %mul3A_2798, %mul3A_2800 : i32
        %get3A_2802 = arith.index_cast %add3A_2801 : i32 to index
        %get3A_2803 = tpu.vector_load %arg23[%get3A_2802] {strides = array<i32>} : memref<960xf32, #tpu.memory_space<vmem>>, vector<16xf32>,
        %mul3A_2804 = vector.broadcast %squeeze3A_2794 : f32 to vector<16xf32>
        %mul3A_2805 = arith.mulf %mul3A_2804, %get3A_2803 : vector<16xf32>
        %mul3A_2806 = arith.constant 128 : i32
        %mul3A_2807 = arith.muli %squeeze3A_2792, %mul3A_2806 : i32
        %mul3A_2808 = arith.constant 32 : i32
        %mul3A_2809 = arith.muli %scan3A_307, %mul3A_2808 : i32
        %add3A_2810 = arith.addi %mul3A_292, %mul3A_2809 : i32
        %add3A_2811 = arith.constant 24 : i32
        %add3A_2812 = arith.addi %add3A_2810, %add3A_2811 : i32
        %get3A_2813 = arith.index_cast %add3A_2812 : i32 to index
        %get3A_2814 = arith.constant 0 : index
        %get3A_2815 = tpu.vector_load %arg22[%get3A_2813, %get3A_2814] {strides = array<i32>} : memref<256x128xf32, #tpu.memory_space<vmem>>, vector<16xf32>,
        %add3A_2816 = arith.constant 0 : i32
        %add3A_2817 = arith.addi %mul3A_2807, %add3A_2816 : i32
        %get3A_2818 = arith.index_cast %add3A_2817 : i32 to index
        %get3A_2819 = tpu.vector_load %arg19[%get3A_2818] {strides = array<i32>} : memref<1920xf32, #tpu.memory_space<vmem>>, vector<16xf32>,
        %mul3A_2820 = arith.mulf %get3A_2819, %mul3A_2805 : vector<16xf32>
        %mul3A_2821 = arith.mulf %get3A_2815, %mul3A_2820 : vector<16xf32>
        %add3A_2822 = arith.addf %add3A_2720, %mul3A_2821 : vector<16xf32>
        %get3A_2823 = arith.index_cast %add3A_2812 : i32 to index
        %get3A_2824 = arith.constant 16 : index
        %get3A_2825 = tpu.vector_load %arg22[%get3A_2823, %get3A_2824] {strides = array<i32>} : memref<256x128xf32, #tpu.memory_space<vmem>>, vector<16xf32>,
        %add3A_2826 = arith.constant 16 : i32
        %add3A_2827 = arith.addi %mul3A_2807, %add3A_2826 : i32
        %get3A_2828 = arith.index_cast %add3A_2827 : i32 to index
        %get3A_2829 = tpu.vector_load %arg19[%get3A_2828] {strides = array<i32>} : memref<1920xf32, #tpu.memory_space<vmem>>, vector<16xf32>,
        %mul3A_2830 = arith.mulf %get3A_2829, %mul3A_2805 : vector<16xf32>
        %mul3A_2831 = arith.mulf %get3A_2825, %mul3A_2830 : vector<16xf32>
        %add3A_2832 = arith.addf %add3A_2730, %mul3A_2831 : vector<16xf32>
        %get3A_2833 = arith.index_cast %add3A_2812 : i32 to index
        %get3A_2834 = arith.constant 32 : index
        %get3A_2835 = tpu.vector_load %arg22[%get3A_2833, %get3A_2834] {strides = array<i32>} : memref<256x128xf32, #tpu.memory_space<vmem>>, vector<16xf32>,
        %add3A_2836 = arith.constant 32 : i32
        %add3A_2837 = arith.addi %mul3A_2807, %add3A_2836 : i32
        %get3A_2838 = arith.index_cast %add3A_2837 : i32 to index
        %get3A_2839 = tpu.vector_load %arg19[%get3A_2838] {strides = array<i32>} : memref<1920xf32, #tpu.memory_space<vmem>>, vector<16xf32>,
        %mul3A_2840 = arith.mulf %get3A_2839, %mul3A_2805 : vector<16xf32>
        %mul3A_2841 = arith.mulf %get3A_2835, %mul3A_2840 : vector<16xf32>
        %add3A_2842 = arith.addf %add3A_2740, %mul3A_2841 : vector<16xf32>
        %get3A_2843 = arith.index_cast %add3A_2812 : i32 to index
        %get3A_2844 = arith.constant 48 : index
        %get3A_2845 = tpu.vector_load %arg22[%get3A_2843, %get3A_2844] {strides = array<i32>} : memref<256x128xf32, #tpu.memory_space<vmem>>, vector<16xf32>,
        %add3A_2846 = arith.constant 48 : i32
        %add3A_2847 = arith.addi %mul3A_2807, %add3A_2846 : i32
        %get3A_2848 = arith.index_cast %add3A_2847 : i32 to index
        %get3A_2849 = tpu.vector_load %arg19[%get3A_2848] {strides = array<i32>} : memref<1920xf32, #tpu.memory_space<vmem>>, vector<16xf32>,
        %mul3A_2850 = arith.mulf %get3A_2849, %mul3A_2805 : vector<16xf32>
        %mul3A_2851 = arith.mulf %get3A_2845, %mul3A_2850 : vector<16xf32>
        %add3A_2852 = arith.addf %add3A_2750, %mul3A_2851 : vector<16xf32>
        %get3A_2853 = arith.index_cast %add3A_2812 : i32 to index
        %get3A_2854 = arith.constant 64 : index
        %get3A_2855 = tpu.vector_load %arg22[%get3A_2853, %get3A_2854] {strides = array<i32>} : memref<256x128xf32, #tpu.memory_space<vmem>>, vector<16xf32>,
        %add3A_2856 = arith.constant 64 : i32
        %add3A_2857 = arith.addi %mul3A_2807, %add3A_2856 : i32
        %get3A_2858 = arith.index_cast %add3A_2857 : i32 to index
        %get3A_2859 = tpu.vector_load %arg19[%get3A_2858] {strides = array<i32>} : memref<1920xf32, #tpu.memory_space<vmem>>, vector<16xf32>,
        %mul3A_2860 = arith.mulf %get3A_2859, %mul3A_2805 : vector<16xf32>
        %mul3A_2861 = arith.mulf %get3A_2855, %mul3A_2860 : vector<16xf32>
        %add3A_2862 = arith.addf %add3A_2760, %mul3A_2861 : vector<16xf32>
        %get3A_2863 = arith.index_cast %add3A_2812 : i32 to index
        %get3A_2864 = arith.constant 80 : index
        %get3A_2865 = tpu.vector_load %arg22[%get3A_2863, %get3A_2864] {strides = array<i32>} : memref<256x128xf32, #tpu.memory_space<vmem>>, vector<16xf32>,
        %add3A_2866 = arith.constant 80 : i32
        %add3A_2867 = arith.addi %mul3A_2807, %add3A_2866 : i32
        %get3A_2868 = arith.index_cast %add3A_2867 : i32 to index
        %get3A_2869 = tpu.vector_load %arg19[%get3A_2868] {strides = array<i32>} : memref<1920xf32, #tpu.memory_space<vmem>>, vector<16xf32>,
        %mul3A_2870 = arith.mulf %get3A_2869, %mul3A_2805 : vector<16xf32>
        %mul3A_2871 = arith.mulf %get3A_2865, %mul3A_2870 : vector<16xf32>
        %add3A_2872 = arith.addf %add3A_2770, %mul3A_2871 : vector<16xf32>
        %get3A_2873 = arith.index_cast %add3A_2812 : i32 to index
        %get3A_2874 = arith.constant 96 : index
        %get3A_2875 = tpu.vector_load %arg22[%get3A_2873, %get3A_2874] {strides = array<i32>} : memref<256x128xf32, #tpu.memory_space<vmem>>, vector<16xf32>,
        %add3A_2876 = arith.constant 96 : i32
        %add3A_2877 = arith.addi %mul3A_2807, %add3A_2876 : i32
        %get3A_2878 = arith.index_cast %add3A_2877 : i32 to index
        %get3A_2879 = tpu.vector_load %arg19[%get3A_2878] {strides = array<i32>} : memref<1920xf32, #tpu.memory_space<vmem>>, vector<16xf32>,
        %mul3A_2880 = arith.mulf %get3A_2879, %mul3A_2805 : vector<16xf32>
        %mul3A_2881 = arith.mulf %get3A_2875, %mul3A_2880 : vector<16xf32>
        %add3A_2882 = arith.addf %add3A_2780, %mul3A_2881 : vector<16xf32>
        %get3A_2883 = arith.index_cast %add3A_2812 : i32 to index
        %get3A_2884 = arith.constant 112 : index
        %get3A_2885 = tpu.vector_load %arg22[%get3A_2883, %get3A_2884] {strides = array<i32>} : memref<256x128xf32, #tpu.memory_space<vmem>>, vector<16xf32>,
        %add3A_2886 = arith.constant 112 : i32
        %add3A_2887 = arith.addi %mul3A_2807, %add3A_2886 : i32
        %get3A_2888 = arith.index_cast %add3A_2887 : i32 to index
        %get3A_2889 = tpu.vector_load %arg19[%get3A_2888] {strides = array<i32>} : memref<1920xf32, #tpu.memory_space<vmem>>, vector<16xf32>,
        %mul3A_2890 = arith.mulf %get3A_2889, %mul3A_2805 : vector<16xf32>
        %mul3A_2891 = arith.mulf %get3A_2885, %mul3A_2890 : vector<16xf32>
        %add3A_2892 = arith.addf %add3A_2790, %mul3A_2891 : vector<16xf32>
        %slice3A_2893 = vector.extract_strided_slice %get3A_317 {offsets = [9], sizes = [1], strides = [1]} : vector<16xi32> to vector<1xi32>
        %squeeze3A_2894 = vector.extract %slice3A_2893[0] : i32 from vector<1xi32>
        %slice3A_2895 = vector.extract_strided_slice %get3A_327 {offsets = [9], sizes = [1], strides = [1]} : vector<16xf32> to vector<1xf32>
        %squeeze3A_2896 = vector.extract %slice3A_2895[0] : f32 from vector<1xf32>
        %mul3A_2897 = arith.constant 15 : i32
        %mul3A_2898 = arith.muli %scan3A_307, %mul3A_2897 : i32
        %mul3A_2899 = arith.constant 16 : i32
        %mul3A_2900 = arith.muli %mul3A_2898, %mul3A_2899 : i32
        %mul3A_2901 = arith.constant 16 : i32
        %mul3A_2902 = arith.muli %squeeze3A_2894, %mul3A_2901 : i32
        %add3A_2903 = arith.addi %mul3A_2900, %mul3A_2902 : i32
        %get3A_2904 = arith.index_cast %add3A_2903 : i32 to index
        %get3A_2905 = tpu.vector_load %arg23[%get3A_2904] {strides = array<i32>} : memref<960xf32, #tpu.memory_space<vmem>>, vector<16xf32>,
        %mul3A_2906 = vector.broadcast %squeeze3A_2896 : f32 to vector<16xf32>
        %mul3A_2907 = arith.mulf %mul3A_2906, %get3A_2905 : vector<16xf32>
        %mul3A_2908 = arith.constant 128 : i32
        %mul3A_2909 = arith.muli %squeeze3A_2894, %mul3A_2908 : i32
        %mul3A_2910 = arith.constant 32 : i32
        %mul3A_2911 = arith.muli %scan3A_307, %mul3A_2910 : i32
        %add3A_2912 = arith.addi %mul3A_292, %mul3A_2911 : i32
        %add3A_2913 = arith.constant 25 : i32
        %add3A_2914 = arith.addi %add3A_2912, %add3A_2913 : i32
        %get3A_2915 = arith.index_cast %add3A_2914 : i32 to index
        %get3A_2916 = arith.constant 0 : index
        %get3A_2917 = tpu.vector_load %arg22[%get3A_2915, %get3A_2916] {strides = array<i32>} : memref<256x128xf32, #tpu.memory_space<vmem>>, vector<16xf32>,
        %add3A_2918 = arith.constant 0 : i32
        %add3A_2919 = arith.addi %mul3A_2909, %add3A_2918 : i32
        %get3A_2920 = arith.index_cast %add3A_2919 : i32 to index
        %get3A_2921 = tpu.vector_load %arg19[%get3A_2920] {strides = array<i32>} : memref<1920xf32, #tpu.memory_space<vmem>>, vector<16xf32>,
        %mul3A_2922 = arith.mulf %get3A_2921, %mul3A_2907 : vector<16xf32>
        %mul3A_2923 = arith.mulf %get3A_2917, %mul3A_2922 : vector<16xf32>
        %add3A_2924 = arith.addf %add3A_2822, %mul3A_2923 : vector<16xf32>
        %get3A_2925 = arith.index_cast %add3A_2914 : i32 to index
        %get3A_2926 = arith.constant 16 : index
        %get3A_2927 = tpu.vector_load %arg22[%get3A_2925, %get3A_2926] {strides = array<i32>} : memref<256x128xf32, #tpu.memory_space<vmem>>, vector<16xf32>,
        %add3A_2928 = arith.constant 16 : i32
        %add3A_2929 = arith.addi %mul3A_2909, %add3A_2928 : i32
        %get3A_2930 = arith.index_cast %add3A_2929 : i32 to index
        %get3A_2931 = tpu.vector_load %arg19[%get3A_2930] {strides = array<i32>} : memref<1920xf32, #tpu.memory_space<vmem>>, vector<16xf32>,
        %mul3A_2932 = arith.mulf %get3A_2931, %mul3A_2907 : vector<16xf32>
        %mul3A_2933 = arith.mulf %get3A_2927, %mul3A_2932 : vector<16xf32>
        %add3A_2934 = arith.addf %add3A_2832, %mul3A_2933 : vector<16xf32>
        %get3A_2935 = arith.index_cast %add3A_2914 : i32 to index
        %get3A_2936 = arith.constant 32 : index
        %get3A_2937 = tpu.vector_load %arg22[%get3A_2935, %get3A_2936] {strides = array<i32>} : memref<256x128xf32, #tpu.memory_space<vmem>>, vector<16xf32>,
        %add3A_2938 = arith.constant 32 : i32
        %add3A_2939 = arith.addi %mul3A_2909, %add3A_2938 : i32
        %get3A_2940 = arith.index_cast %add3A_2939 : i32 to index
        %get3A_2941 = tpu.vector_load %arg19[%get3A_2940] {strides = array<i32>} : memref<1920xf32, #tpu.memory_space<vmem>>, vector<16xf32>,
        %mul3A_2942 = arith.mulf %get3A_2941, %mul3A_2907 : vector<16xf32>
        %mul3A_2943 = arith.mulf %get3A_2937, %mul3A_2942 : vector<16xf32>
        %add3A_2944 = arith.addf %add3A_2842, %mul3A_2943 : vector<16xf32>
        %get3A_2945 = arith.index_cast %add3A_2914 : i32 to index
        %get3A_2946 = arith.constant 48 : index
        %get3A_2947 = tpu.vector_load %arg22[%get3A_2945, %get3A_2946] {strides = array<i32>} : memref<256x128xf32, #tpu.memory_space<vmem>>, vector<16xf32>,
        %add3A_2948 = arith.constant 48 : i32
        %add3A_2949 = arith.addi %mul3A_2909, %add3A_2948 : i32
        %get3A_2950 = arith.index_cast %add3A_2949 : i32 to index
        %get3A_2951 = tpu.vector_load %arg19[%get3A_2950] {strides = array<i32>} : memref<1920xf32, #tpu.memory_space<vmem>>, vector<16xf32>,
        %mul3A_2952 = arith.mulf %get3A_2951, %mul3A_2907 : vector<16xf32>
        %mul3A_2953 = arith.mulf %get3A_2947, %mul3A_2952 : vector<16xf32>
        %add3A_2954 = arith.addf %add3A_2852, %mul3A_2953 : vector<16xf32>
        %get3A_2955 = arith.index_cast %add3A_2914 : i32 to index
        %get3A_2956 = arith.constant 64 : index
        %get3A_2957 = tpu.vector_load %arg22[%get3A_2955, %get3A_2956] {strides = array<i32>} : memref<256x128xf32, #tpu.memory_space<vmem>>, vector<16xf32>,
        %add3A_2958 = arith.constant 64 : i32
        %add3A_2959 = arith.addi %mul3A_2909, %add3A_2958 : i32
        %get3A_2960 = arith.index_cast %add3A_2959 : i32 to index
        %get3A_2961 = tpu.vector_load %arg19[%get3A_2960] {strides = array<i32>} : memref<1920xf32, #tpu.memory_space<vmem>>, vector<16xf32>,
        %mul3A_2962 = arith.mulf %get3A_2961, %mul3A_2907 : vector<16xf32>
        %mul3A_2963 = arith.mulf %get3A_2957, %mul3A_2962 : vector<16xf32>
        %add3A_2964 = arith.addf %add3A_2862, %mul3A_2963 : vector<16xf32>
        %get3A_2965 = arith.index_cast %add3A_2914 : i32 to index
        %get3A_2966 = arith.constant 80 : index
        %get3A_2967 = tpu.vector_load %arg22[%get3A_2965, %get3A_2966] {strides = array<i32>} : memref<256x128xf32, #tpu.memory_space<vmem>>, vector<16xf32>,
        %add3A_2968 = arith.constant 80 : i32
        %add3A_2969 = arith.addi %mul3A_2909, %add3A_2968 : i32
        %get3A_2970 = arith.index_cast %add3A_2969 : i32 to index
        %get3A_2971 = tpu.vector_load %arg19[%get3A_2970] {strides = array<i32>} : memref<1920xf32, #tpu.memory_space<vmem>>, vector<16xf32>,
        %mul3A_2972 = arith.mulf %get3A_2971, %mul3A_2907 : vector<16xf32>
        %mul3A_2973 = arith.mulf %get3A_2967, %mul3A_2972 : vector<16xf32>
        %add3A_2974 = arith.addf %add3A_2872, %mul3A_2973 : vector<16xf32>
        %get3A_2975 = arith.index_cast %add3A_2914 : i32 to index
        %get3A_2976 = arith.constant 96 : index
        %get3A_2977 = tpu.vector_load %arg22[%get3A_2975, %get3A_2976] {strides = array<i32>} : memref<256x128xf32, #tpu.memory_space<vmem>>, vector<16xf32>,
        %add3A_2978 = arith.constant 96 : i32
        %add3A_2979 = arith.addi %mul3A_2909, %add3A_2978 : i32
        %get3A_2980 = arith.index_cast %add3A_2979 : i32 to index
        %get3A_2981 = tpu.vector_load %arg19[%get3A_2980] {strides = array<i32>} : memref<1920xf32, #tpu.memory_space<vmem>>, vector<16xf32>,
        %mul3A_2982 = arith.mulf %get3A_2981, %mul3A_2907 : vector<16xf32>
        %mul3A_2983 = arith.mulf %get3A_2977, %mul3A_2982 : vector<16xf32>
        %add3A_2984 = arith.addf %add3A_2882, %mul3A_2983 : vector<16xf32>
        %get3A_2985 = arith.index_cast %add3A_2914 : i32 to index
        %get3A_2986 = arith.constant 112 : index
        %get3A_2987 = tpu.vector_load %arg22[%get3A_2985, %get3A_2986] {strides = array<i32>} : memref<256x128xf32, #tpu.memory_space<vmem>>, vector<16xf32>,
        %add3A_2988 = arith.constant 112 : i32
        %add3A_2989 = arith.addi %mul3A_2909, %add3A_2988 : i32
        %get3A_2990 = arith.index_cast %add3A_2989 : i32 to index
        %get3A_2991 = tpu.vector_load %arg19[%get3A_2990] {strides = array<i32>} : memref<1920xf32, #tpu.memory_space<vmem>>, vector<16xf32>,
        %mul3A_2992 = arith.mulf %get3A_2991, %mul3A_2907 : vector<16xf32>
        %mul3A_2993 = arith.mulf %get3A_2987, %mul3A_2992 : vector<16xf32>
        %add3A_2994 = arith.addf %add3A_2892, %mul3A_2993 : vector<16xf32>
        %slice3A_2995 = vector.extract_strided_slice %get3A_317 {offsets = [10], sizes = [1], strides = [1]} : vector<16xi32> to vector<1xi32>
        %squeeze3A_2996 = vector.extract %slice3A_2995[0] : i32 from vector<1xi32>
        %slice3A_2997 = vector.extract_strided_slice %get3A_327 {offsets = [10], sizes = [1], strides = [1]} : vector<16xf32> to vector<1xf32>
        %squeeze3A_2998 = vector.extract %slice3A_2997[0] : f32 from vector<1xf32>
        %mul3A_2999 = arith.constant 15 : i32
        %mul3A_3000 = arith.muli %scan3A_307, %mul3A_2999 : i32
        %mul3A_3001 = arith.constant 16 : i32
        %mul3A_3002 = arith.muli %mul3A_3000, %mul3A_3001 : i32
        %mul3A_3003 = arith.constant 16 : i32
        %mul3A_3004 = arith.muli %squeeze3A_2996, %mul3A_3003 : i32
        %add3A_3005 = arith.addi %mul3A_3002, %mul3A_3004 : i32
        %get3A_3006 = arith.index_cast %add3A_3005 : i32 to index
        %get3A_3007 = tpu.vector_load %arg23[%get3A_3006] {strides = array<i32>} : memref<960xf32, #tpu.memory_space<vmem>>, vector<16xf32>,
        %mul3A_3008 = vector.broadcast %squeeze3A_2998 : f32 to vector<16xf32>
        %mul3A_3009 = arith.mulf %mul3A_3008, %get3A_3007 : vector<16xf32>
        %mul3A_3010 = arith.constant 128 : i32
        %mul3A_3011 = arith.muli %squeeze3A_2996, %mul3A_3010 : i32
        %mul3A_3012 = arith.constant 32 : i32
        %mul3A_3013 = arith.muli %scan3A_307, %mul3A_3012 : i32
        %add3A_3014 = arith.addi %mul3A_292, %mul3A_3013 : i32
        %add3A_3015 = arith.constant 26 : i32
        %add3A_3016 = arith.addi %add3A_3014, %add3A_3015 : i32
        %get3A_3017 = arith.index_cast %add3A_3016 : i32 to index
        %get3A_3018 = arith.constant 0 : index
        %get3A_3019 = tpu.vector_load %arg22[%get3A_3017, %get3A_3018] {strides = array<i32>} : memref<256x128xf32, #tpu.memory_space<vmem>>, vector<16xf32>,
        %add3A_3020 = arith.constant 0 : i32
        %add3A_3021 = arith.addi %mul3A_3011, %add3A_3020 : i32
        %get3A_3022 = arith.index_cast %add3A_3021 : i32 to index
        %get3A_3023 = tpu.vector_load %arg19[%get3A_3022] {strides = array<i32>} : memref<1920xf32, #tpu.memory_space<vmem>>, vector<16xf32>,
        %mul3A_3024 = arith.mulf %get3A_3023, %mul3A_3009 : vector<16xf32>
        %mul3A_3025 = arith.mulf %get3A_3019, %mul3A_3024 : vector<16xf32>
        %add3A_3026 = arith.addf %add3A_2924, %mul3A_3025 : vector<16xf32>
        %get3A_3027 = arith.index_cast %add3A_3016 : i32 to index
        %get3A_3028 = arith.constant 16 : index
        %get3A_3029 = tpu.vector_load %arg22[%get3A_3027, %get3A_3028] {strides = array<i32>} : memref<256x128xf32, #tpu.memory_space<vmem>>, vector<16xf32>,
        %add3A_3030 = arith.constant 16 : i32
        %add3A_3031 = arith.addi %mul3A_3011, %add3A_3030 : i32
        %get3A_3032 = arith.index_cast %add3A_3031 : i32 to index
        %get3A_3033 = tpu.vector_load %arg19[%get3A_3032] {strides = array<i32>} : memref<1920xf32, #tpu.memory_space<vmem>>, vector<16xf32>,
        %mul3A_3034 = arith.mulf %get3A_3033, %mul3A_3009 : vector<16xf32>
        %mul3A_3035 = arith.mulf %get3A_3029, %mul3A_3034 : vector<16xf32>
        %add3A_3036 = arith.addf %add3A_2934, %mul3A_3035 : vector<16xf32>
        %get3A_3037 = arith.index_cast %add3A_3016 : i32 to index
        %get3A_3038 = arith.constant 32 : index
        %get3A_3039 = tpu.vector_load %arg22[%get3A_3037, %get3A_3038] {strides = array<i32>} : memref<256x128xf32, #tpu.memory_space<vmem>>, vector<16xf32>,
        %add3A_3040 = arith.constant 32 : i32
        %add3A_3041 = arith.addi %mul3A_3011, %add3A_3040 : i32
        %get3A_3042 = arith.index_cast %add3A_3041 : i32 to index
        %get3A_3043 = tpu.vector_load %arg19[%get3A_3042] {strides = array<i32>} : memref<1920xf32, #tpu.memory_space<vmem>>, vector<16xf32>,
        %mul3A_3044 = arith.mulf %get3A_3043, %mul3A_3009 : vector<16xf32>
        %mul3A_3045 = arith.mulf %get3A_3039, %mul3A_3044 : vector<16xf32>
        %add3A_3046 = arith.addf %add3A_2944, %mul3A_3045 : vector<16xf32>
        %get3A_3047 = arith.index_cast %add3A_3016 : i32 to index
        %get3A_3048 = arith.constant 48 : index
        %get3A_3049 = tpu.vector_load %arg22[%get3A_3047, %get3A_3048] {strides = array<i32>} : memref<256x128xf32, #tpu.memory_space<vmem>>, vector<16xf32>,
        %add3A_3050 = arith.constant 48 : i32
        %add3A_3051 = arith.addi %mul3A_3011, %add3A_3050 : i32
        %get3A_3052 = arith.index_cast %add3A_3051 : i32 to index
        %get3A_3053 = tpu.vector_load %arg19[%get3A_3052] {strides = array<i32>} : memref<1920xf32, #tpu.memory_space<vmem>>, vector<16xf32>,
        %mul3A_3054 = arith.mulf %get3A_3053, %mul3A_3009 : vector<16xf32>
        %mul3A_3055 = arith.mulf %get3A_3049, %mul3A_3054 : vector<16xf32>
        %add3A_3056 = arith.addf %add3A_2954, %mul3A_3055 : vector<16xf32>
        %get3A_3057 = arith.index_cast %add3A_3016 : i32 to index
        %get3A_3058 = arith.constant 64 : index
        %get3A_3059 = tpu.vector_load %arg22[%get3A_3057, %get3A_3058] {strides = array<i32>} : memref<256x128xf32, #tpu.memory_space<vmem>>, vector<16xf32>,
        %add3A_3060 = arith.constant 64 : i32
        %add3A_3061 = arith.addi %mul3A_3011, %add3A_3060 : i32
        %get3A_3062 = arith.index_cast %add3A_3061 : i32 to index
        %get3A_3063 = tpu.vector_load %arg19[%get3A_3062] {strides = array<i32>} : memref<1920xf32, #tpu.memory_space<vmem>>, vector<16xf32>,
        %mul3A_3064 = arith.mulf %get3A_3063, %mul3A_3009 : vector<16xf32>
        %mul3A_3065 = arith.mulf %get3A_3059, %mul3A_3064 : vector<16xf32>
        %add3A_3066 = arith.addf %add3A_2964, %mul3A_3065 : vector<16xf32>
        %get3A_3067 = arith.index_cast %add3A_3016 : i32 to index
        %get3A_3068 = arith.constant 80 : index
        %get3A_3069 = tpu.vector_load %arg22[%get3A_3067, %get3A_3068] {strides = array<i32>} : memref<256x128xf32, #tpu.memory_space<vmem>>, vector<16xf32>,
        %add3A_3070 = arith.constant 80 : i32
        %add3A_3071 = arith.addi %mul3A_3011, %add3A_3070 : i32
        %get3A_3072 = arith.index_cast %add3A_3071 : i32 to index
        %get3A_3073 = tpu.vector_load %arg19[%get3A_3072] {strides = array<i32>} : memref<1920xf32, #tpu.memory_space<vmem>>, vector<16xf32>,
        %mul3A_3074 = arith.mulf %get3A_3073, %mul3A_3009 : vector<16xf32>
        %mul3A_3075 = arith.mulf %get3A_3069, %mul3A_3074 : vector<16xf32>
        %add3A_3076 = arith.addf %add3A_2974, %mul3A_3075 : vector<16xf32>
        %get3A_3077 = arith.index_cast %add3A_3016 : i32 to index
        %get3A_3078 = arith.constant 96 : index
        %get3A_3079 = tpu.vector_load %arg22[%get3A_3077, %get3A_3078] {strides = array<i32>} : memref<256x128xf32, #tpu.memory_space<vmem>>, vector<16xf32>,
        %add3A_3080 = arith.constant 96 : i32
        %add3A_3081 = arith.addi %mul3A_3011, %add3A_3080 : i32
        %get3A_3082 = arith.index_cast %add3A_3081 : i32 to index
        %get3A_3083 = tpu.vector_load %arg19[%get3A_3082] {strides = array<i32>} : memref<1920xf32, #tpu.memory_space<vmem>>, vector<16xf32>,
        %mul3A_3084 = arith.mulf %get3A_3083, %mul3A_3009 : vector<16xf32>
        %mul3A_3085 = arith.mulf %get3A_3079, %mul3A_3084 : vector<16xf32>
        %add3A_3086 = arith.addf %add3A_2984, %mul3A_3085 : vector<16xf32>
        %get3A_3087 = arith.index_cast %add3A_3016 : i32 to index
        %get3A_3088 = arith.constant 112 : index
        %get3A_3089 = tpu.vector_load %arg22[%get3A_3087, %get3A_3088] {strides = array<i32>} : memref<256x128xf32, #tpu.memory_space<vmem>>, vector<16xf32>,
        %add3A_3090 = arith.constant 112 : i32
        %add3A_3091 = arith.addi %mul3A_3011, %add3A_3090 : i32
        %get3A_3092 = arith.index_cast %add3A_3091 : i32 to index
        %get3A_3093 = tpu.vector_load %arg19[%get3A_3092] {strides = array<i32>} : memref<1920xf32, #tpu.memory_space<vmem>>, vector<16xf32>,
        %mul3A_3094 = arith.mulf %get3A_3093, %mul3A_3009 : vector<16xf32>
        %mul3A_3095 = arith.mulf %get3A_3089, %mul3A_3094 : vector<16xf32>
        %add3A_3096 = arith.addf %add3A_2994, %mul3A_3095 : vector<16xf32>
        %slice3A_3097 = vector.extract_strided_slice %get3A_317 {offsets = [11], sizes = [1], strides = [1]} : vector<16xi32> to vector<1xi32>
        %squeeze3A_3098 = vector.extract %slice3A_3097[0] : i32 from vector<1xi32>
        %slice3A_3099 = vector.extract_strided_slice %get3A_327 {offsets = [11], sizes = [1], strides = [1]} : vector<16xf32> to vector<1xf32>
        %squeeze3A_3100 = vector.extract %slice3A_3099[0] : f32 from vector<1xf32>
        %mul3A_3101 = arith.constant 15 : i32
        %mul3A_3102 = arith.muli %scan3A_307, %mul3A_3101 : i32
        %mul3A_3103 = arith.constant 16 : i32
        %mul3A_3104 = arith.muli %mul3A_3102, %mul3A_3103 : i32
        %mul3A_3105 = arith.constant 16 : i32
        %mul3A_3106 = arith.muli %squeeze3A_3098, %mul3A_3105 : i32
        %add3A_3107 = arith.addi %mul3A_3104, %mul3A_3106 : i32
        %get3A_3108 = arith.index_cast %add3A_3107 : i32 to index
        %get3A_3109 = tpu.vector_load %arg23[%get3A_3108] {strides = array<i32>} : memref<960xf32, #tpu.memory_space<vmem>>, vector<16xf32>,
        %mul3A_3110 = vector.broadcast %squeeze3A_3100 : f32 to vector<16xf32>
        %mul3A_3111 = arith.mulf %mul3A_3110, %get3A_3109 : vector<16xf32>
        %mul3A_3112 = arith.constant 128 : i32
        %mul3A_3113 = arith.muli %squeeze3A_3098, %mul3A_3112 : i32
        %mul3A_3114 = arith.constant 32 : i32
        %mul3A_3115 = arith.muli %scan3A_307, %mul3A_3114 : i32
        %add3A_3116 = arith.addi %mul3A_292, %mul3A_3115 : i32
        %add3A_3117 = arith.constant 27 : i32
        %add3A_3118 = arith.addi %add3A_3116, %add3A_3117 : i32
        %get3A_3119 = arith.index_cast %add3A_3118 : i32 to index
        %get3A_3120 = arith.constant 0 : index
        %get3A_3121 = tpu.vector_load %arg22[%get3A_3119, %get3A_3120] {strides = array<i32>} : memref<256x128xf32, #tpu.memory_space<vmem>>, vector<16xf32>,
        %add3A_3122 = arith.constant 0 : i32
        %add3A_3123 = arith.addi %mul3A_3113, %add3A_3122 : i32
        %get3A_3124 = arith.index_cast %add3A_3123 : i32 to index
        %get3A_3125 = tpu.vector_load %arg19[%get3A_3124] {strides = array<i32>} : memref<1920xf32, #tpu.memory_space<vmem>>, vector<16xf32>,
        %mul3A_3126 = arith.mulf %get3A_3125, %mul3A_3111 : vector<16xf32>
        %mul3A_3127 = arith.mulf %get3A_3121, %mul3A_3126 : vector<16xf32>
        %add3A_3128 = arith.addf %add3A_3026, %mul3A_3127 : vector<16xf32>
        %get3A_3129 = arith.index_cast %add3A_3118 : i32 to index
        %get3A_3130 = arith.constant 16 : index
        %get3A_3131 = tpu.vector_load %arg22[%get3A_3129, %get3A_3130] {strides = array<i32>} : memref<256x128xf32, #tpu.memory_space<vmem>>, vector<16xf32>,
        %add3A_3132 = arith.constant 16 : i32
        %add3A_3133 = arith.addi %mul3A_3113, %add3A_3132 : i32
        %get3A_3134 = arith.index_cast %add3A_3133 : i32 to index
        %get3A_3135 = tpu.vector_load %arg19[%get3A_3134] {strides = array<i32>} : memref<1920xf32, #tpu.memory_space<vmem>>, vector<16xf32>,
        %mul3A_3136 = arith.mulf %get3A_3135, %mul3A_3111 : vector<16xf32>
        %mul3A_3137 = arith.mulf %get3A_3131, %mul3A_3136 : vector<16xf32>
        %add3A_3138 = arith.addf %add3A_3036, %mul3A_3137 : vector<16xf32>
        %get3A_3139 = arith.index_cast %add3A_3118 : i32 to index
        %get3A_3140 = arith.constant 32 : index
        %get3A_3141 = tpu.vector_load %arg22[%get3A_3139, %get3A_3140] {strides = array<i32>} : memref<256x128xf32, #tpu.memory_space<vmem>>, vector<16xf32>,
        %add3A_3142 = arith.constant 32 : i32
        %add3A_3143 = arith.addi %mul3A_3113, %add3A_3142 : i32
        %get3A_3144 = arith.index_cast %add3A_3143 : i32 to index
        %get3A_3145 = tpu.vector_load %arg19[%get3A_3144] {strides = array<i32>} : memref<1920xf32, #tpu.memory_space<vmem>>, vector<16xf32>,
        %mul3A_3146 = arith.mulf %get3A_3145, %mul3A_3111 : vector<16xf32>
        %mul3A_3147 = arith.mulf %get3A_3141, %mul3A_3146 : vector<16xf32>
        %add3A_3148 = arith.addf %add3A_3046, %mul3A_3147 : vector<16xf32>
        %get3A_3149 = arith.index_cast %add3A_3118 : i32 to index
        %get3A_3150 = arith.constant 48 : index
        %get3A_3151 = tpu.vector_load %arg22[%get3A_3149, %get3A_3150] {strides = array<i32>} : memref<256x128xf32, #tpu.memory_space<vmem>>, vector<16xf32>,
        %add3A_3152 = arith.constant 48 : i32
        %add3A_3153 = arith.addi %mul3A_3113, %add3A_3152 : i32
        %get3A_3154 = arith.index_cast %add3A_3153 : i32 to index
        %get3A_3155 = tpu.vector_load %arg19[%get3A_3154] {strides = array<i32>} : memref<1920xf32, #tpu.memory_space<vmem>>, vector<16xf32>,
        %mul3A_3156 = arith.mulf %get3A_3155, %mul3A_3111 : vector<16xf32>
        %mul3A_3157 = arith.mulf %get3A_3151, %mul3A_3156 : vector<16xf32>
        %add3A_3158 = arith.addf %add3A_3056, %mul3A_3157 : vector<16xf32>
        %get3A_3159 = arith.index_cast %add3A_3118 : i32 to index
        %get3A_3160 = arith.constant 64 : index
        %get3A_3161 = tpu.vector_load %arg22[%get3A_3159, %get3A_3160] {strides = array<i32>} : memref<256x128xf32, #tpu.memory_space<vmem>>, vector<16xf32>,
        %add3A_3162 = arith.constant 64 : i32
        %add3A_3163 = arith.addi %mul3A_3113, %add3A_3162 : i32
        %get3A_3164 = arith.index_cast %add3A_3163 : i32 to index
        %get3A_3165 = tpu.vector_load %arg19[%get3A_3164] {strides = array<i32>} : memref<1920xf32, #tpu.memory_space<vmem>>, vector<16xf32>,
        %mul3A_3166 = arith.mulf %get3A_3165, %mul3A_3111 : vector<16xf32>
        %mul3A_3167 = arith.mulf %get3A_3161, %mul3A_3166 : vector<16xf32>
        %add3A_3168 = arith.addf %add3A_3066, %mul3A_3167 : vector<16xf32>
        %get3A_3169 = arith.index_cast %add3A_3118 : i32 to index
        %get3A_3170 = arith.constant 80 : index
        %get3A_3171 = tpu.vector_load %arg22[%get3A_3169, %get3A_3170] {strides = array<i32>} : memref<256x128xf32, #tpu.memory_space<vmem>>, vector<16xf32>,
        %add3A_3172 = arith.constant 80 : i32
        %add3A_3173 = arith.addi %mul3A_3113, %add3A_3172 : i32
        %get3A_3174 = arith.index_cast %add3A_3173 : i32 to index
        %get3A_3175 = tpu.vector_load %arg19[%get3A_3174] {strides = array<i32>} : memref<1920xf32, #tpu.memory_space<vmem>>, vector<16xf32>,
        %mul3A_3176 = arith.mulf %get3A_3175, %mul3A_3111 : vector<16xf32>
        %mul3A_3177 = arith.mulf %get3A_3171, %mul3A_3176 : vector<16xf32>
        %add3A_3178 = arith.addf %add3A_3076, %mul3A_3177 : vector<16xf32>
        %get3A_3179 = arith.index_cast %add3A_3118 : i32 to index
        %get3A_3180 = arith.constant 96 : index
        %get3A_3181 = tpu.vector_load %arg22[%get3A_3179, %get3A_3180] {strides = array<i32>} : memref<256x128xf32, #tpu.memory_space<vmem>>, vector<16xf32>,
        %add3A_3182 = arith.constant 96 : i32
        %add3A_3183 = arith.addi %mul3A_3113, %add3A_3182 : i32
        %get3A_3184 = arith.index_cast %add3A_3183 : i32 to index
        %get3A_3185 = tpu.vector_load %arg19[%get3A_3184] {strides = array<i32>} : memref<1920xf32, #tpu.memory_space<vmem>>, vector<16xf32>,
        %mul3A_3186 = arith.mulf %get3A_3185, %mul3A_3111 : vector<16xf32>
        %mul3A_3187 = arith.mulf %get3A_3181, %mul3A_3186 : vector<16xf32>
        %add3A_3188 = arith.addf %add3A_3086, %mul3A_3187 : vector<16xf32>
        %get3A_3189 = arith.index_cast %add3A_3118 : i32 to index
        %get3A_3190 = arith.constant 112 : index
        %get3A_3191 = tpu.vector_load %arg22[%get3A_3189, %get3A_3190] {strides = array<i32>} : memref<256x128xf32, #tpu.memory_space<vmem>>, vector<16xf32>,
        %add3A_3192 = arith.constant 112 : i32
        %add3A_3193 = arith.addi %mul3A_3113, %add3A_3192 : i32
        %get3A_3194 = arith.index_cast %add3A_3193 : i32 to index
        %get3A_3195 = tpu.vector_load %arg19[%get3A_3194] {strides = array<i32>} : memref<1920xf32, #tpu.memory_space<vmem>>, vector<16xf32>,
        %mul3A_3196 = arith.mulf %get3A_3195, %mul3A_3111 : vector<16xf32>
        %mul3A_3197 = arith.mulf %get3A_3191, %mul3A_3196 : vector<16xf32>
        %add3A_3198 = arith.addf %add3A_3096, %mul3A_3197 : vector<16xf32>
        %slice3A_3199 = vector.extract_strided_slice %get3A_317 {offsets = [12], sizes = [1], strides = [1]} : vector<16xi32> to vector<1xi32>
        %squeeze3A_3200 = vector.extract %slice3A_3199[0] : i32 from vector<1xi32>
        %slice3A_3201 = vector.extract_strided_slice %get3A_327 {offsets = [12], sizes = [1], strides = [1]} : vector<16xf32> to vector<1xf32>
        %squeeze3A_3202 = vector.extract %slice3A_3201[0] : f32 from vector<1xf32>
        %mul3A_3203 = arith.constant 15 : i32
        %mul3A_3204 = arith.muli %scan3A_307, %mul3A_3203 : i32
        %mul3A_3205 = arith.constant 16 : i32
        %mul3A_3206 = arith.muli %mul3A_3204, %mul3A_3205 : i32
        %mul3A_3207 = arith.constant 16 : i32
        %mul3A_3208 = arith.muli %squeeze3A_3200, %mul3A_3207 : i32
        %add3A_3209 = arith.addi %mul3A_3206, %mul3A_3208 : i32
        %get3A_3210 = arith.index_cast %add3A_3209 : i32 to index
        %get3A_3211 = tpu.vector_load %arg23[%get3A_3210] {strides = array<i32>} : memref<960xf32, #tpu.memory_space<vmem>>, vector<16xf32>,
        %mul3A_3212 = vector.broadcast %squeeze3A_3202 : f32 to vector<16xf32>
        %mul3A_3213 = arith.mulf %mul3A_3212, %get3A_3211 : vector<16xf32>
        %mul3A_3214 = arith.constant 128 : i32
        %mul3A_3215 = arith.muli %squeeze3A_3200, %mul3A_3214 : i32
        %mul3A_3216 = arith.constant 32 : i32
        %mul3A_3217 = arith.muli %scan3A_307, %mul3A_3216 : i32
        %add3A_3218 = arith.addi %mul3A_292, %mul3A_3217 : i32
        %add3A_3219 = arith.constant 28 : i32
        %add3A_3220 = arith.addi %add3A_3218, %add3A_3219 : i32
        %get3A_3221 = arith.index_cast %add3A_3220 : i32 to index
        %get3A_3222 = arith.constant 0 : index
        %get3A_3223 = tpu.vector_load %arg22[%get3A_3221, %get3A_3222] {strides = array<i32>} : memref<256x128xf32, #tpu.memory_space<vmem>>, vector<16xf32>,
        %add3A_3224 = arith.constant 0 : i32
        %add3A_3225 = arith.addi %mul3A_3215, %add3A_3224 : i32
        %get3A_3226 = arith.index_cast %add3A_3225 : i32 to index
        %get3A_3227 = tpu.vector_load %arg19[%get3A_3226] {strides = array<i32>} : memref<1920xf32, #tpu.memory_space<vmem>>, vector<16xf32>,
        %mul3A_3228 = arith.mulf %get3A_3227, %mul3A_3213 : vector<16xf32>
        %mul3A_3229 = arith.mulf %get3A_3223, %mul3A_3228 : vector<16xf32>
        %add3A_3230 = arith.addf %add3A_3128, %mul3A_3229 : vector<16xf32>
        %get3A_3231 = arith.index_cast %add3A_3220 : i32 to index
        %get3A_3232 = arith.constant 16 : index
        %get3A_3233 = tpu.vector_load %arg22[%get3A_3231, %get3A_3232] {strides = array<i32>} : memref<256x128xf32, #tpu.memory_space<vmem>>, vector<16xf32>,
        %add3A_3234 = arith.constant 16 : i32
        %add3A_3235 = arith.addi %mul3A_3215, %add3A_3234 : i32
        %get3A_3236 = arith.index_cast %add3A_3235 : i32 to index
        %get3A_3237 = tpu.vector_load %arg19[%get3A_3236] {strides = array<i32>} : memref<1920xf32, #tpu.memory_space<vmem>>, vector<16xf32>,
        %mul3A_3238 = arith.mulf %get3A_3237, %mul3A_3213 : vector<16xf32>
        %mul3A_3239 = arith.mulf %get3A_3233, %mul3A_3238 : vector<16xf32>
        %add3A_3240 = arith.addf %add3A_3138, %mul3A_3239 : vector<16xf32>
        %get3A_3241 = arith.index_cast %add3A_3220 : i32 to index
        %get3A_3242 = arith.constant 32 : index
        %get3A_3243 = tpu.vector_load %arg22[%get3A_3241, %get3A_3242] {strides = array<i32>} : memref<256x128xf32, #tpu.memory_space<vmem>>, vector<16xf32>,
        %add3A_3244 = arith.constant 32 : i32
        %add3A_3245 = arith.addi %mul3A_3215, %add3A_3244 : i32
        %get3A_3246 = arith.index_cast %add3A_3245 : i32 to index
        %get3A_3247 = tpu.vector_load %arg19[%get3A_3246] {strides = array<i32>} : memref<1920xf32, #tpu.memory_space<vmem>>, vector<16xf32>,
        %mul3A_3248 = arith.mulf %get3A_3247, %mul3A_3213 : vector<16xf32>
        %mul3A_3249 = arith.mulf %get3A_3243, %mul3A_3248 : vector<16xf32>
        %add3A_3250 = arith.addf %add3A_3148, %mul3A_3249 : vector<16xf32>
        %get3A_3251 = arith.index_cast %add3A_3220 : i32 to index
        %get3A_3252 = arith.constant 48 : index
        %get3A_3253 = tpu.vector_load %arg22[%get3A_3251, %get3A_3252] {strides = array<i32>} : memref<256x128xf32, #tpu.memory_space<vmem>>, vector<16xf32>,
        %add3A_3254 = arith.constant 48 : i32
        %add3A_3255 = arith.addi %mul3A_3215, %add3A_3254 : i32
        %get3A_3256 = arith.index_cast %add3A_3255 : i32 to index
        %get3A_3257 = tpu.vector_load %arg19[%get3A_3256] {strides = array<i32>} : memref<1920xf32, #tpu.memory_space<vmem>>, vector<16xf32>,
        %mul3A_3258 = arith.mulf %get3A_3257, %mul3A_3213 : vector<16xf32>
        %mul3A_3259 = arith.mulf %get3A_3253, %mul3A_3258 : vector<16xf32>
        %add3A_3260 = arith.addf %add3A_3158, %mul3A_3259 : vector<16xf32>
        %get3A_3261 = arith.index_cast %add3A_3220 : i32 to index
        %get3A_3262 = arith.constant 64 : index
        %get3A_3263 = tpu.vector_load %arg22[%get3A_3261, %get3A_3262] {strides = array<i32>} : memref<256x128xf32, #tpu.memory_space<vmem>>, vector<16xf32>,
        %add3A_3264 = arith.constant 64 : i32
        %add3A_3265 = arith.addi %mul3A_3215, %add3A_3264 : i32
        %get3A_3266 = arith.index_cast %add3A_3265 : i32 to index
        %get3A_3267 = tpu.vector_load %arg19[%get3A_3266] {strides = array<i32>} : memref<1920xf32, #tpu.memory_space<vmem>>, vector<16xf32>,
        %mul3A_3268 = arith.mulf %get3A_3267, %mul3A_3213 : vector<16xf32>
        %mul3A_3269 = arith.mulf %get3A_3263, %mul3A_3268 : vector<16xf32>
        %add3A_3270 = arith.addf %add3A_3168, %mul3A_3269 : vector<16xf32>
        %get3A_3271 = arith.index_cast %add3A_3220 : i32 to index
        %get3A_3272 = arith.constant 80 : index
        %get3A_3273 = tpu.vector_load %arg22[%get3A_3271, %get3A_3272] {strides = array<i32>} : memref<256x128xf32, #tpu.memory_space<vmem>>, vector<16xf32>,
        %add3A_3274 = arith.constant 80 : i32
        %add3A_3275 = arith.addi %mul3A_3215, %add3A_3274 : i32
        %get3A_3276 = arith.index_cast %add3A_3275 : i32 to index
        %get3A_3277 = tpu.vector_load %arg19[%get3A_3276] {strides = array<i32>} : memref<1920xf32, #tpu.memory_space<vmem>>, vector<16xf32>,
        %mul3A_3278 = arith.mulf %get3A_3277, %mul3A_3213 : vector<16xf32>
        %mul3A_3279 = arith.mulf %get3A_3273, %mul3A_3278 : vector<16xf32>
        %add3A_3280 = arith.addf %add3A_3178, %mul3A_3279 : vector<16xf32>
        %get3A_3281 = arith.index_cast %add3A_3220 : i32 to index
        %get3A_3282 = arith.constant 96 : index
        %get3A_3283 = tpu.vector_load %arg22[%get3A_3281, %get3A_3282] {strides = array<i32>} : memref<256x128xf32, #tpu.memory_space<vmem>>, vector<16xf32>,
        %add3A_3284 = arith.constant 96 : i32
        %add3A_3285 = arith.addi %mul3A_3215, %add3A_3284 : i32
        %get3A_3286 = arith.index_cast %add3A_3285 : i32 to index
        %get3A_3287 = tpu.vector_load %arg19[%get3A_3286] {strides = array<i32>} : memref<1920xf32, #tpu.memory_space<vmem>>, vector<16xf32>,
        %mul3A_3288 = arith.mulf %get3A_3287, %mul3A_3213 : vector<16xf32>
        %mul3A_3289 = arith.mulf %get3A_3283, %mul3A_3288 : vector<16xf32>
        %add3A_3290 = arith.addf %add3A_3188, %mul3A_3289 : vector<16xf32>
        %get3A_3291 = arith.index_cast %add3A_3220 : i32 to index
        %get3A_3292 = arith.constant 112 : index
        %get3A_3293 = tpu.vector_load %arg22[%get3A_3291, %get3A_3292] {strides = array<i32>} : memref<256x128xf32, #tpu.memory_space<vmem>>, vector<16xf32>,
        %add3A_3294 = arith.constant 112 : i32
        %add3A_3295 = arith.addi %mul3A_3215, %add3A_3294 : i32
        %get3A_3296 = arith.index_cast %add3A_3295 : i32 to index
        %get3A_3297 = tpu.vector_load %arg19[%get3A_3296] {strides = array<i32>} : memref<1920xf32, #tpu.memory_space<vmem>>, vector<16xf32>,
        %mul3A_3298 = arith.mulf %get3A_3297, %mul3A_3213 : vector<16xf32>
        %mul3A_3299 = arith.mulf %get3A_3293, %mul3A_3298 : vector<16xf32>
        %add3A_3300 = arith.addf %add3A_3198, %mul3A_3299 : vector<16xf32>
        %slice3A_3301 = vector.extract_strided_slice %get3A_317 {offsets = [13], sizes = [1], strides = [1]} : vector<16xi32> to vector<1xi32>
        %squeeze3A_3302 = vector.extract %slice3A_3301[0] : i32 from vector<1xi32>
        %slice3A_3303 = vector.extract_strided_slice %get3A_327 {offsets = [13], sizes = [1], strides = [1]} : vector<16xf32> to vector<1xf32>
        %squeeze3A_3304 = vector.extract %slice3A_3303[0] : f32 from vector<1xf32>
        %mul3A_3305 = arith.constant 15 : i32
        %mul3A_3306 = arith.muli %scan3A_307, %mul3A_3305 : i32
        %mul3A_3307 = arith.constant 16 : i32
        %mul3A_3308 = arith.muli %mul3A_3306, %mul3A_3307 : i32
        %mul3A_3309 = arith.constant 16 : i32
        %mul3A_3310 = arith.muli %squeeze3A_3302, %mul3A_3309 : i32
        %add3A_3311 = arith.addi %mul3A_3308, %mul3A_3310 : i32
        %get3A_3312 = arith.index_cast %add3A_3311 : i32 to index
        %get3A_3313 = tpu.vector_load %arg23[%get3A_3312] {strides = array<i32>} : memref<960xf32, #tpu.memory_space<vmem>>, vector<16xf32>,
        %mul3A_3314 = vector.broadcast %squeeze3A_3304 : f32 to vector<16xf32>
        %mul3A_3315 = arith.mulf %mul3A_3314, %get3A_3313 : vector<16xf32>
        %mul3A_3316 = arith.constant 128 : i32
        %mul3A_3317 = arith.muli %squeeze3A_3302, %mul3A_3316 : i32
        %mul3A_3318 = arith.constant 32 : i32
        %mul3A_3319 = arith.muli %scan3A_307, %mul3A_3318 : i32
        %add3A_3320 = arith.addi %mul3A_292, %mul3A_3319 : i32
        %add3A_3321 = arith.constant 29 : i32
        %add3A_3322 = arith.addi %add3A_3320, %add3A_3321 : i32
        %get3A_3323 = arith.index_cast %add3A_3322 : i32 to index
        %get3A_3324 = arith.constant 0 : index
        %get3A_3325 = tpu.vector_load %arg22[%get3A_3323, %get3A_3324] {strides = array<i32>} : memref<256x128xf32, #tpu.memory_space<vmem>>, vector<16xf32>,
        %add3A_3326 = arith.constant 0 : i32
        %add3A_3327 = arith.addi %mul3A_3317, %add3A_3326 : i32
        %get3A_3328 = arith.index_cast %add3A_3327 : i32 to index
        %get3A_3329 = tpu.vector_load %arg19[%get3A_3328] {strides = array<i32>} : memref<1920xf32, #tpu.memory_space<vmem>>, vector<16xf32>,
        %mul3A_3330 = arith.mulf %get3A_3329, %mul3A_3315 : vector<16xf32>
        %mul3A_3331 = arith.mulf %get3A_3325, %mul3A_3330 : vector<16xf32>
        %add3A_3332 = arith.addf %add3A_3230, %mul3A_3331 : vector<16xf32>
        %get3A_3333 = arith.index_cast %add3A_3322 : i32 to index
        %get3A_3334 = arith.constant 16 : index
        %get3A_3335 = tpu.vector_load %arg22[%get3A_3333, %get3A_3334] {strides = array<i32>} : memref<256x128xf32, #tpu.memory_space<vmem>>, vector<16xf32>,
        %add3A_3336 = arith.constant 16 : i32
        %add3A_3337 = arith.addi %mul3A_3317, %add3A_3336 : i32
        %get3A_3338 = arith.index_cast %add3A_3337 : i32 to index
        %get3A_3339 = tpu.vector_load %arg19[%get3A_3338] {strides = array<i32>} : memref<1920xf32, #tpu.memory_space<vmem>>, vector<16xf32>,
        %mul3A_3340 = arith.mulf %get3A_3339, %mul3A_3315 : vector<16xf32>
        %mul3A_3341 = arith.mulf %get3A_3335, %mul3A_3340 : vector<16xf32>
        %add3A_3342 = arith.addf %add3A_3240, %mul3A_3341 : vector<16xf32>
        %get3A_3343 = arith.index_cast %add3A_3322 : i32 to index
        %get3A_3344 = arith.constant 32 : index
        %get3A_3345 = tpu.vector_load %arg22[%get3A_3343, %get3A_3344] {strides = array<i32>} : memref<256x128xf32, #tpu.memory_space<vmem>>, vector<16xf32>,
        %add3A_3346 = arith.constant 32 : i32
        %add3A_3347 = arith.addi %mul3A_3317, %add3A_3346 : i32
        %get3A_3348 = arith.index_cast %add3A_3347 : i32 to index
        %get3A_3349 = tpu.vector_load %arg19[%get3A_3348] {strides = array<i32>} : memref<1920xf32, #tpu.memory_space<vmem>>, vector<16xf32>,
        %mul3A_3350 = arith.mulf %get3A_3349, %mul3A_3315 : vector<16xf32>
        %mul3A_3351 = arith.mulf %get3A_3345, %mul3A_3350 : vector<16xf32>
        %add3A_3352 = arith.addf %add3A_3250, %mul3A_3351 : vector<16xf32>
        %get3A_3353 = arith.index_cast %add3A_3322 : i32 to index
        %get3A_3354 = arith.constant 48 : index
        %get3A_3355 = tpu.vector_load %arg22[%get3A_3353, %get3A_3354] {strides = array<i32>} : memref<256x128xf32, #tpu.memory_space<vmem>>, vector<16xf32>,
        %add3A_3356 = arith.constant 48 : i32
        %add3A_3357 = arith.addi %mul3A_3317, %add3A_3356 : i32
        %get3A_3358 = arith.index_cast %add3A_3357 : i32 to index
        %get3A_3359 = tpu.vector_load %arg19[%get3A_3358] {strides = array<i32>} : memref<1920xf32, #tpu.memory_space<vmem>>, vector<16xf32>,
        %mul3A_3360 = arith.mulf %get3A_3359, %mul3A_3315 : vector<16xf32>
        %mul3A_3361 = arith.mulf %get3A_3355, %mul3A_3360 : vector<16xf32>
        %add3A_3362 = arith.addf %add3A_3260, %mul3A_3361 : vector<16xf32>
        %get3A_3363 = arith.index_cast %add3A_3322 : i32 to index
        %get3A_3364 = arith.constant 64 : index
        %get3A_3365 = tpu.vector_load %arg22[%get3A_3363, %get3A_3364] {strides = array<i32>} : memref<256x128xf32, #tpu.memory_space<vmem>>, vector<16xf32>,
        %add3A_3366 = arith.constant 64 : i32
        %add3A_3367 = arith.addi %mul3A_3317, %add3A_3366 : i32
        %get3A_3368 = arith.index_cast %add3A_3367 : i32 to index
        %get3A_3369 = tpu.vector_load %arg19[%get3A_3368] {strides = array<i32>} : memref<1920xf32, #tpu.memory_space<vmem>>, vector<16xf32>,
        %mul3A_3370 = arith.mulf %get3A_3369, %mul3A_3315 : vector<16xf32>
        %mul3A_3371 = arith.mulf %get3A_3365, %mul3A_3370 : vector<16xf32>
        %add3A_3372 = arith.addf %add3A_3270, %mul3A_3371 : vector<16xf32>
        %get3A_3373 = arith.index_cast %add3A_3322 : i32 to index
        %get3A_3374 = arith.constant 80 : index
        %get3A_3375 = tpu.vector_load %arg22[%get3A_3373, %get3A_3374] {strides = array<i32>} : memref<256x128xf32, #tpu.memory_space<vmem>>, vector<16xf32>,
        %add3A_3376 = arith.constant 80 : i32
        %add3A_3377 = arith.addi %mul3A_3317, %add3A_3376 : i32
        %get3A_3378 = arith.index_cast %add3A_3377 : i32 to index
        %get3A_3379 = tpu.vector_load %arg19[%get3A_3378] {strides = array<i32>} : memref<1920xf32, #tpu.memory_space<vmem>>, vector<16xf32>,
        %mul3A_3380 = arith.mulf %get3A_3379, %mul3A_3315 : vector<16xf32>
        %mul3A_3381 = arith.mulf %get3A_3375, %mul3A_3380 : vector<16xf32>
        %add3A_3382 = arith.addf %add3A_3280, %mul3A_3381 : vector<16xf32>
        %get3A_3383 = arith.index_cast %add3A_3322 : i32 to index
        %get3A_3384 = arith.constant 96 : index
        %get3A_3385 = tpu.vector_load %arg22[%get3A_3383, %get3A_3384] {strides = array<i32>} : memref<256x128xf32, #tpu.memory_space<vmem>>, vector<16xf32>,
        %add3A_3386 = arith.constant 96 : i32
        %add3A_3387 = arith.addi %mul3A_3317, %add3A_3386 : i32
        %get3A_3388 = arith.index_cast %add3A_3387 : i32 to index
        %get3A_3389 = tpu.vector_load %arg19[%get3A_3388] {strides = array<i32>} : memref<1920xf32, #tpu.memory_space<vmem>>, vector<16xf32>,
        %mul3A_3390 = arith.mulf %get3A_3389, %mul3A_3315 : vector<16xf32>
        %mul3A_3391 = arith.mulf %get3A_3385, %mul3A_3390 : vector<16xf32>
        %add3A_3392 = arith.addf %add3A_3290, %mul3A_3391 : vector<16xf32>
        %get3A_3393 = arith.index_cast %add3A_3322 : i32 to index
        %get3A_3394 = arith.constant 112 : index
        %get3A_3395 = tpu.vector_load %arg22[%get3A_3393, %get3A_3394] {strides = array<i32>} : memref<256x128xf32, #tpu.memory_space<vmem>>, vector<16xf32>,
        %add3A_3396 = arith.constant 112 : i32
        %add3A_3397 = arith.addi %mul3A_3317, %add3A_3396 : i32
        %get3A_3398 = arith.index_cast %add3A_3397 : i32 to index
        %get3A_3399 = tpu.vector_load %arg19[%get3A_3398] {strides = array<i32>} : memref<1920xf32, #tpu.memory_space<vmem>>, vector<16xf32>,
        %mul3A_3400 = arith.mulf %get3A_3399, %mul3A_3315 : vector<16xf32>
        %mul3A_3401 = arith.mulf %get3A_3395, %mul3A_3400 : vector<16xf32>
        %add3A_3402 = arith.addf %add3A_3300, %mul3A_3401 : vector<16xf32>
        %slice3A_3403 = vector.extract_strided_slice %get3A_317 {offsets = [14], sizes = [1], strides = [1]} : vector<16xi32> to vector<1xi32>
        %squeeze3A_3404 = vector.extract %slice3A_3403[0] : i32 from vector<1xi32>
        %slice3A_3405 = vector.extract_strided_slice %get3A_327 {offsets = [14], sizes = [1], strides = [1]} : vector<16xf32> to vector<1xf32>
        %squeeze3A_3406 = vector.extract %slice3A_3405[0] : f32 from vector<1xf32>
        %mul3A_3407 = arith.constant 15 : i32
        %mul3A_3408 = arith.muli %scan3A_307, %mul3A_3407 : i32
        %mul3A_3409 = arith.constant 16 : i32
        %mul3A_3410 = arith.muli %mul3A_3408, %mul3A_3409 : i32
        %mul3A_3411 = arith.constant 16 : i32
        %mul3A_3412 = arith.muli %squeeze3A_3404, %mul3A_3411 : i32
        %add3A_3413 = arith.addi %mul3A_3410, %mul3A_3412 : i32
        %get3A_3414 = arith.index_cast %add3A_3413 : i32 to index
        %get3A_3415 = tpu.vector_load %arg23[%get3A_3414] {strides = array<i32>} : memref<960xf32, #tpu.memory_space<vmem>>, vector<16xf32>,
        %mul3A_3416 = vector.broadcast %squeeze3A_3406 : f32 to vector<16xf32>
        %mul3A_3417 = arith.mulf %mul3A_3416, %get3A_3415 : vector<16xf32>
        %mul3A_3418 = arith.constant 128 : i32
        %mul3A_3419 = arith.muli %squeeze3A_3404, %mul3A_3418 : i32
        %mul3A_3420 = arith.constant 32 : i32
        %mul3A_3421 = arith.muli %scan3A_307, %mul3A_3420 : i32
        %add3A_3422 = arith.addi %mul3A_292, %mul3A_3421 : i32
        %add3A_3423 = arith.constant 30 : i32
        %add3A_3424 = arith.addi %add3A_3422, %add3A_3423 : i32
        %get3A_3425 = arith.index_cast %add3A_3424 : i32 to index
        %get3A_3426 = arith.constant 0 : index
        %get3A_3427 = tpu.vector_load %arg22[%get3A_3425, %get3A_3426] {strides = array<i32>} : memref<256x128xf32, #tpu.memory_space<vmem>>, vector<16xf32>,
        %add3A_3428 = arith.constant 0 : i32
        %add3A_3429 = arith.addi %mul3A_3419, %add3A_3428 : i32
        %get3A_3430 = arith.index_cast %add3A_3429 : i32 to index
        %get3A_3431 = tpu.vector_load %arg19[%get3A_3430] {strides = array<i32>} : memref<1920xf32, #tpu.memory_space<vmem>>, vector<16xf32>,
        %mul3A_3432 = arith.mulf %get3A_3431, %mul3A_3417 : vector<16xf32>
        %mul3A_3433 = arith.mulf %get3A_3427, %mul3A_3432 : vector<16xf32>
        %add3A_3434 = arith.addf %add3A_3332, %mul3A_3433 : vector<16xf32>
        %get3A_3435 = arith.index_cast %add3A_3424 : i32 to index
        %get3A_3436 = arith.constant 16 : index
        %get3A_3437 = tpu.vector_load %arg22[%get3A_3435, %get3A_3436] {strides = array<i32>} : memref<256x128xf32, #tpu.memory_space<vmem>>, vector<16xf32>,
        %add3A_3438 = arith.constant 16 : i32
        %add3A_3439 = arith.addi %mul3A_3419, %add3A_3438 : i32
        %get3A_3440 = arith.index_cast %add3A_3439 : i32 to index
        %get3A_3441 = tpu.vector_load %arg19[%get3A_3440] {strides = array<i32>} : memref<1920xf32, #tpu.memory_space<vmem>>, vector<16xf32>,
        %mul3A_3442 = arith.mulf %get3A_3441, %mul3A_3417 : vector<16xf32>
        %mul3A_3443 = arith.mulf %get3A_3437, %mul3A_3442 : vector<16xf32>
        %add3A_3444 = arith.addf %add3A_3342, %mul3A_3443 : vector<16xf32>
        %get3A_3445 = arith.index_cast %add3A_3424 : i32 to index
        %get3A_3446 = arith.constant 32 : index
        %get3A_3447 = tpu.vector_load %arg22[%get3A_3445, %get3A_3446] {strides = array<i32>} : memref<256x128xf32, #tpu.memory_space<vmem>>, vector<16xf32>,
        %add3A_3448 = arith.constant 32 : i32
        %add3A_3449 = arith.addi %mul3A_3419, %add3A_3448 : i32
        %get3A_3450 = arith.index_cast %add3A_3449 : i32 to index
        %get3A_3451 = tpu.vector_load %arg19[%get3A_3450] {strides = array<i32>} : memref<1920xf32, #tpu.memory_space<vmem>>, vector<16xf32>,
        %mul3A_3452 = arith.mulf %get3A_3451, %mul3A_3417 : vector<16xf32>
        %mul3A_3453 = arith.mulf %get3A_3447, %mul3A_3452 : vector<16xf32>
        %add3A_3454 = arith.addf %add3A_3352, %mul3A_3453 : vector<16xf32>
        %get3A_3455 = arith.index_cast %add3A_3424 : i32 to index
        %get3A_3456 = arith.constant 48 : index
        %get3A_3457 = tpu.vector_load %arg22[%get3A_3455, %get3A_3456] {strides = array<i32>} : memref<256x128xf32, #tpu.memory_space<vmem>>, vector<16xf32>,
        %add3A_3458 = arith.constant 48 : i32
        %add3A_3459 = arith.addi %mul3A_3419, %add3A_3458 : i32
        %get3A_3460 = arith.index_cast %add3A_3459 : i32 to index
        %get3A_3461 = tpu.vector_load %arg19[%get3A_3460] {strides = array<i32>} : memref<1920xf32, #tpu.memory_space<vmem>>, vector<16xf32>,
        %mul3A_3462 = arith.mulf %get3A_3461, %mul3A_3417 : vector<16xf32>
        %mul3A_3463 = arith.mulf %get3A_3457, %mul3A_3462 : vector<16xf32>
        %add3A_3464 = arith.addf %add3A_3362, %mul3A_3463 : vector<16xf32>
        %get3A_3465 = arith.index_cast %add3A_3424 : i32 to index
        %get3A_3466 = arith.constant 64 : index
        %get3A_3467 = tpu.vector_load %arg22[%get3A_3465, %get3A_3466] {strides = array<i32>} : memref<256x128xf32, #tpu.memory_space<vmem>>, vector<16xf32>,
        %add3A_3468 = arith.constant 64 : i32
        %add3A_3469 = arith.addi %mul3A_3419, %add3A_3468 : i32
        %get3A_3470 = arith.index_cast %add3A_3469 : i32 to index
        %get3A_3471 = tpu.vector_load %arg19[%get3A_3470] {strides = array<i32>} : memref<1920xf32, #tpu.memory_space<vmem>>, vector<16xf32>,
        %mul3A_3472 = arith.mulf %get3A_3471, %mul3A_3417 : vector<16xf32>
        %mul3A_3473 = arith.mulf %get3A_3467, %mul3A_3472 : vector<16xf32>
        %add3A_3474 = arith.addf %add3A_3372, %mul3A_3473 : vector<16xf32>
        %get3A_3475 = arith.index_cast %add3A_3424 : i32 to index
        %get3A_3476 = arith.constant 80 : index
        %get3A_3477 = tpu.vector_load %arg22[%get3A_3475, %get3A_3476] {strides = array<i32>} : memref<256x128xf32, #tpu.memory_space<vmem>>, vector<16xf32>,
        %add3A_3478 = arith.constant 80 : i32
        %add3A_3479 = arith.addi %mul3A_3419, %add3A_3478 : i32
        %get3A_3480 = arith.index_cast %add3A_3479 : i32 to index
        %get3A_3481 = tpu.vector_load %arg19[%get3A_3480] {strides = array<i32>} : memref<1920xf32, #tpu.memory_space<vmem>>, vector<16xf32>,
        %mul3A_3482 = arith.mulf %get3A_3481, %mul3A_3417 : vector<16xf32>
        %mul3A_3483 = arith.mulf %get3A_3477, %mul3A_3482 : vector<16xf32>
        %add3A_3484 = arith.addf %add3A_3382, %mul3A_3483 : vector<16xf32>
        %get3A_3485 = arith.index_cast %add3A_3424 : i32 to index
        %get3A_3486 = arith.constant 96 : index
        %get3A_3487 = tpu.vector_load %arg22[%get3A_3485, %get3A_3486] {strides = array<i32>} : memref<256x128xf32, #tpu.memory_space<vmem>>, vector<16xf32>,
        %add3A_3488 = arith.constant 96 : i32
        %add3A_3489 = arith.addi %mul3A_3419, %add3A_3488 : i32
        %get3A_3490 = arith.index_cast %add3A_3489 : i32 to index
        %get3A_3491 = tpu.vector_load %arg19[%get3A_3490] {strides = array<i32>} : memref<1920xf32, #tpu.memory_space<vmem>>, vector<16xf32>,
        %mul3A_3492 = arith.mulf %get3A_3491, %mul3A_3417 : vector<16xf32>
        %mul3A_3493 = arith.mulf %get3A_3487, %mul3A_3492 : vector<16xf32>
        %add3A_3494 = arith.addf %add3A_3392, %mul3A_3493 : vector<16xf32>
        %get3A_3495 = arith.index_cast %add3A_3424 : i32 to index
        %get3A_3496 = arith.constant 112 : index
        %get3A_3497 = tpu.vector_load %arg22[%get3A_3495, %get3A_3496] {strides = array<i32>} : memref<256x128xf32, #tpu.memory_space<vmem>>, vector<16xf32>,
        %add3A_3498 = arith.constant 112 : i32
        %add3A_3499 = arith.addi %mul3A_3419, %add3A_3498 : i32
        %get3A_3500 = arith.index_cast %add3A_3499 : i32 to index
        %get3A_3501 = tpu.vector_load %arg19[%get3A_3500] {strides = array<i32>} : memref<1920xf32, #tpu.memory_space<vmem>>, vector<16xf32>,
        %mul3A_3502 = arith.mulf %get3A_3501, %mul3A_3417 : vector<16xf32>
        %mul3A_3503 = arith.mulf %get3A_3497, %mul3A_3502 : vector<16xf32>
        %add3A_3504 = arith.addf %add3A_3402, %mul3A_3503 : vector<16xf32>
        %slice3A_3505 = vector.extract_strided_slice %get3A_317 {offsets = [15], sizes = [1], strides = [1]} : vector<16xi32> to vector<1xi32>
        %squeeze3A_3506 = vector.extract %slice3A_3505[0] : i32 from vector<1xi32>
        %slice3A_3507 = vector.extract_strided_slice %get3A_327 {offsets = [15], sizes = [1], strides = [1]} : vector<16xf32> to vector<1xf32>
        %squeeze3A_3508 = vector.extract %slice3A_3507[0] : f32 from vector<1xf32>
        %mul3A_3509 = arith.constant 15 : i32
        %mul3A_3510 = arith.muli %scan3A_307, %mul3A_3509 : i32
        %mul3A_3511 = arith.constant 16 : i32
        %mul3A_3512 = arith.muli %mul3A_3510, %mul3A_3511 : i32
        %mul3A_3513 = arith.constant 16 : i32
        %mul3A_3514 = arith.muli %squeeze3A_3506, %mul3A_3513 : i32
        %add3A_3515 = arith.addi %mul3A_3512, %mul3A_3514 : i32
        %get3A_3516 = arith.index_cast %add3A_3515 : i32 to index
        %get3A_3517 = tpu.vector_load %arg23[%get3A_3516] {strides = array<i32>} : memref<960xf32, #tpu.memory_space<vmem>>, vector<16xf32>,
        %mul3A_3518 = vector.broadcast %squeeze3A_3508 : f32 to vector<16xf32>
        %mul3A_3519 = arith.mulf %mul3A_3518, %get3A_3517 : vector<16xf32>
        %mul3A_3520 = arith.constant 128 : i32
        %mul3A_3521 = arith.muli %squeeze3A_3506, %mul3A_3520 : i32
        %mul3A_3522 = arith.constant 32 : i32
        %mul3A_3523 = arith.muli %scan3A_307, %mul3A_3522 : i32
        %add3A_3524 = arith.addi %mul3A_292, %mul3A_3523 : i32
        %add3A_3525 = arith.constant 31 : i32
        %add3A_3526 = arith.addi %add3A_3524, %add3A_3525 : i32
        %get3A_3527 = arith.index_cast %add3A_3526 : i32 to index
        %get3A_3528 = arith.constant 0 : index
        %get3A_3529 = tpu.vector_load %arg22[%get3A_3527, %get3A_3528] {strides = array<i32>} : memref<256x128xf32, #tpu.memory_space<vmem>>, vector<16xf32>,
        %add3A_3530 = arith.constant 0 : i32
        %add3A_3531 = arith.addi %mul3A_3521, %add3A_3530 : i32
        %get3A_3532 = arith.index_cast %add3A_3531 : i32 to index
        %get3A_3533 = tpu.vector_load %arg19[%get3A_3532] {strides = array<i32>} : memref<1920xf32, #tpu.memory_space<vmem>>, vector<16xf32>,
        %mul3A_3534 = arith.mulf %get3A_3533, %mul3A_3519 : vector<16xf32>
        %mul3A_3535 = arith.mulf %get3A_3529, %mul3A_3534 : vector<16xf32>
        %add3A_3536 = arith.addf %add3A_3434, %mul3A_3535 : vector<16xf32>
        %get3A_3537 = arith.index_cast %add3A_3526 : i32 to index
        %get3A_3538 = arith.constant 16 : index
        %get3A_3539 = tpu.vector_load %arg22[%get3A_3537, %get3A_3538] {strides = array<i32>} : memref<256x128xf32, #tpu.memory_space<vmem>>, vector<16xf32>,
        %add3A_3540 = arith.constant 16 : i32
        %add3A_3541 = arith.addi %mul3A_3521, %add3A_3540 : i32
        %get3A_3542 = arith.index_cast %add3A_3541 : i32 to index
        %get3A_3543 = tpu.vector_load %arg19[%get3A_3542] {strides = array<i32>} : memref<1920xf32, #tpu.memory_space<vmem>>, vector<16xf32>,
        %mul3A_3544 = arith.mulf %get3A_3543, %mul3A_3519 : vector<16xf32>
        %mul3A_3545 = arith.mulf %get3A_3539, %mul3A_3544 : vector<16xf32>
        %add3A_3546 = arith.addf %add3A_3444, %mul3A_3545 : vector<16xf32>
        %get3A_3547 = arith.index_cast %add3A_3526 : i32 to index
        %get3A_3548 = arith.constant 32 : index
        %get3A_3549 = tpu.vector_load %arg22[%get3A_3547, %get3A_3548] {strides = array<i32>} : memref<256x128xf32, #tpu.memory_space<vmem>>, vector<16xf32>,
        %add3A_3550 = arith.constant 32 : i32
        %add3A_3551 = arith.addi %mul3A_3521, %add3A_3550 : i32
        %get3A_3552 = arith.index_cast %add3A_3551 : i32 to index
        %get3A_3553 = tpu.vector_load %arg19[%get3A_3552] {strides = array<i32>} : memref<1920xf32, #tpu.memory_space<vmem>>, vector<16xf32>,
        %mul3A_3554 = arith.mulf %get3A_3553, %mul3A_3519 : vector<16xf32>
        %mul3A_3555 = arith.mulf %get3A_3549, %mul3A_3554 : vector<16xf32>
        %add3A_3556 = arith.addf %add3A_3454, %mul3A_3555 : vector<16xf32>
        %get3A_3557 = arith.index_cast %add3A_3526 : i32 to index
        %get3A_3558 = arith.constant 48 : index
        %get3A_3559 = tpu.vector_load %arg22[%get3A_3557, %get3A_3558] {strides = array<i32>} : memref<256x128xf32, #tpu.memory_space<vmem>>, vector<16xf32>,
        %add3A_3560 = arith.constant 48 : i32
        %add3A_3561 = arith.addi %mul3A_3521, %add3A_3560 : i32
        %get3A_3562 = arith.index_cast %add3A_3561 : i32 to index
        %get3A_3563 = tpu.vector_load %arg19[%get3A_3562] {strides = array<i32>} : memref<1920xf32, #tpu.memory_space<vmem>>, vector<16xf32>,
        %mul3A_3564 = arith.mulf %get3A_3563, %mul3A_3519 : vector<16xf32>
        %mul3A_3565 = arith.mulf %get3A_3559, %mul3A_3564 : vector<16xf32>
        %add3A_3566 = arith.addf %add3A_3464, %mul3A_3565 : vector<16xf32>
        %get3A_3567 = arith.index_cast %add3A_3526 : i32 to index
        %get3A_3568 = arith.constant 64 : index
        %get3A_3569 = tpu.vector_load %arg22[%get3A_3567, %get3A_3568] {strides = array<i32>} : memref<256x128xf32, #tpu.memory_space<vmem>>, vector<16xf32>,
        %add3A_3570 = arith.constant 64 : i32
        %add3A_3571 = arith.addi %mul3A_3521, %add3A_3570 : i32
        %get3A_3572 = arith.index_cast %add3A_3571 : i32 to index
        %get3A_3573 = tpu.vector_load %arg19[%get3A_3572] {strides = array<i32>} : memref<1920xf32, #tpu.memory_space<vmem>>, vector<16xf32>,
        %mul3A_3574 = arith.mulf %get3A_3573, %mul3A_3519 : vector<16xf32>
        %mul3A_3575 = arith.mulf %get3A_3569, %mul3A_3574 : vector<16xf32>
        %add3A_3576 = arith.addf %add3A_3474, %mul3A_3575 : vector<16xf32>
        %get3A_3577 = arith.index_cast %add3A_3526 : i32 to index
        %get3A_3578 = arith.constant 80 : index
        %get3A_3579 = tpu.vector_load %arg22[%get3A_3577, %get3A_3578] {strides = array<i32>} : memref<256x128xf32, #tpu.memory_space<vmem>>, vector<16xf32>,
        %add3A_3580 = arith.constant 80 : i32
        %add3A_3581 = arith.addi %mul3A_3521, %add3A_3580 : i32
        %get3A_3582 = arith.index_cast %add3A_3581 : i32 to index
        %get3A_3583 = tpu.vector_load %arg19[%get3A_3582] {strides = array<i32>} : memref<1920xf32, #tpu.memory_space<vmem>>, vector<16xf32>,
        %mul3A_3584 = arith.mulf %get3A_3583, %mul3A_3519 : vector<16xf32>
        %mul3A_3585 = arith.mulf %get3A_3579, %mul3A_3584 : vector<16xf32>
        %add3A_3586 = arith.addf %add3A_3484, %mul3A_3585 : vector<16xf32>
        %get3A_3587 = arith.index_cast %add3A_3526 : i32 to index
        %get3A_3588 = arith.constant 96 : index
        %get3A_3589 = tpu.vector_load %arg22[%get3A_3587, %get3A_3588] {strides = array<i32>} : memref<256x128xf32, #tpu.memory_space<vmem>>, vector<16xf32>,
        %add3A_3590 = arith.constant 96 : i32
        %add3A_3591 = arith.addi %mul3A_3521, %add3A_3590 : i32
        %get3A_3592 = arith.index_cast %add3A_3591 : i32 to index
        %get3A_3593 = tpu.vector_load %arg19[%get3A_3592] {strides = array<i32>} : memref<1920xf32, #tpu.memory_space<vmem>>, vector<16xf32>,
        %mul3A_3594 = arith.mulf %get3A_3593, %mul3A_3519 : vector<16xf32>
        %mul3A_3595 = arith.mulf %get3A_3589, %mul3A_3594 : vector<16xf32>
        %add3A_3596 = arith.addf %add3A_3494, %mul3A_3595 : vector<16xf32>
        %get3A_3597 = arith.index_cast %add3A_3526 : i32 to index
        %get3A_3598 = arith.constant 112 : index
        %get3A_3599 = tpu.vector_load %arg22[%get3A_3597, %get3A_3598] {strides = array<i32>} : memref<256x128xf32, #tpu.memory_space<vmem>>, vector<16xf32>,
        %add3A_3600 = arith.constant 112 : i32
        %add3A_3601 = arith.addi %mul3A_3521, %add3A_3600 : i32
        %get3A_3602 = arith.index_cast %add3A_3601 : i32 to index
        %get3A_3603 = tpu.vector_load %arg19[%get3A_3602] {strides = array<i32>} : memref<1920xf32, #tpu.memory_space<vmem>>, vector<16xf32>,
        %mul3A_3604 = arith.mulf %get3A_3603, %mul3A_3519 : vector<16xf32>
        %mul3A_3605 = arith.mulf %get3A_3599, %mul3A_3604 : vector<16xf32>
        %add3A_3606 = arith.addf %add3A_3504, %mul3A_3605 : vector<16xf32>
        %mul3A_3607 = arith.constant 128 : i32
        %mul3A_3608 = arith.muli %scan3A_307, %mul3A_3607 : i32
        %add3A_3609 = arith.addi %mul3A_272, %mul3A_3608 : i32
        %add3A_3610 = vector.broadcast %add3A_3609 : i32 to vector<16xi32>
        %add3A_3611 = arith.addi %add3A_131, %add3A_3610 : vector<16xi32>
        tpu.vector_store_idx %arg24[%add3A_3611], %add3A_3536 : memref<1024xf32, #tpu.memory_space<vmem>>[vector<16xi32>], vector<16xf32>,
        %mul3A_3612 = arith.constant 128 : i32
        %mul3A_3613 = arith.muli %scan3A_307, %mul3A_3612 : i32
        %add3A_3614 = arith.addi %mul3A_272, %mul3A_3613 : i32
        %add3A_3615 = vector.broadcast %add3A_3614 : i32 to vector<16xi32>
        %add3A_3616 = arith.addi %add3A_137, %add3A_3615 : vector<16xi32>
        tpu.vector_store_idx %arg24[%add3A_3616], %add3A_3546 : memref<1024xf32, #tpu.memory_space<vmem>>[vector<16xi32>], vector<16xf32>,
        %mul3A_3617 = arith.constant 128 : i32
        %mul3A_3618 = arith.muli %scan3A_307, %mul3A_3617 : i32
        %add3A_3619 = arith.addi %mul3A_272, %mul3A_3618 : i32
        %add3A_3620 = vector.broadcast %add3A_3619 : i32 to vector<16xi32>
        %add3A_3621 = arith.addi %add3A_143, %add3A_3620 : vector<16xi32>
        tpu.vector_store_idx %arg24[%add3A_3621], %add3A_3556 : memref<1024xf32, #tpu.memory_space<vmem>>[vector<16xi32>], vector<16xf32>,
        %mul3A_3622 = arith.constant 128 : i32
        %mul3A_3623 = arith.muli %scan3A_307, %mul3A_3622 : i32
        %add3A_3624 = arith.addi %mul3A_272, %mul3A_3623 : i32
        %add3A_3625 = vector.broadcast %add3A_3624 : i32 to vector<16xi32>
        %add3A_3626 = arith.addi %add3A_149, %add3A_3625 : vector<16xi32>
        tpu.vector_store_idx %arg24[%add3A_3626], %add3A_3566 : memref<1024xf32, #tpu.memory_space<vmem>>[vector<16xi32>], vector<16xf32>,
        %mul3A_3627 = arith.constant 128 : i32
        %mul3A_3628 = arith.muli %scan3A_307, %mul3A_3627 : i32
        %add3A_3629 = arith.addi %mul3A_272, %mul3A_3628 : i32
        %add3A_3630 = vector.broadcast %add3A_3629 : i32 to vector<16xi32>
        %add3A_3631 = arith.addi %add3A_155, %add3A_3630 : vector<16xi32>
        tpu.vector_store_idx %arg24[%add3A_3631], %add3A_3576 : memref<1024xf32, #tpu.memory_space<vmem>>[vector<16xi32>], vector<16xf32>,
        %mul3A_3632 = arith.constant 128 : i32
        %mul3A_3633 = arith.muli %scan3A_307, %mul3A_3632 : i32
        %add3A_3634 = arith.addi %mul3A_272, %mul3A_3633 : i32
        %add3A_3635 = vector.broadcast %add3A_3634 : i32 to vector<16xi32>
        %add3A_3636 = arith.addi %add3A_161, %add3A_3635 : vector<16xi32>
        tpu.vector_store_idx %arg24[%add3A_3636], %add3A_3586 : memref<1024xf32, #tpu.memory_space<vmem>>[vector<16xi32>], vector<16xf32>,
        %mul3A_3637 = arith.constant 128 : i32
        %mul3A_3638 = arith.muli %scan3A_307, %mul3A_3637 : i32
        %add3A_3639 = arith.addi %mul3A_272, %mul3A_3638 : i32
        %add3A_3640 = vector.broadcast %add3A_3639 : i32 to vector<16xi32>
        %add3A_3641 = arith.addi %add3A_167, %add3A_3640 : vector<16xi32>
        tpu.vector_store_idx %arg24[%add3A_3641], %add3A_3596 : memref<1024xf32, #tpu.memory_space<vmem>>[vector<16xi32>], vector<16xf32>,
        %mul3A_3642 = arith.constant 128 : i32
        %mul3A_3643 = arith.muli %scan3A_307, %mul3A_3642 : i32
        %add3A_3644 = arith.addi %mul3A_272, %mul3A_3643 : i32
        %add3A_3645 = vector.broadcast %add3A_3644 : i32 to vector<16xi32>
        %add3A_3646 = arith.addi %add3A_173, %add3A_3645 : vector<16xi32>
        tpu.vector_store_idx %arg24[%add3A_3646], %add3A_3606 : memref<1024xf32, #tpu.memory_space<vmem>>[vector<16xi32>], vector<16xf32>,
      }
      %scan3A_297 = arith.constant 4 : i32
      %mul3A_298 = arith.constant 4 : i32
      %mul3A_299 = arith.muli %scan3A_200, %mul3A_298 : i32
      %add3A_300 = arith.addi %mul3A_2, %mul3A_299 : i32
      %mul3A_301 = arith.constant 128 : i32
      %mul3A_302 = arith.muli %add3A_300, %mul3A_301 : i32
      %dma_start3A_303 = tpu.memref_slice %arg24[%mul3A_272] : memref<1024xf32, #tpu.memory_space<vmem>> -> memref<512xf32, #tpu.memory_space<vmem>>
      %dma_start3A_304 = tpu.memref_slice %arg11[%mul3A_302] : memref<1294336xf32, #tpu.memory_space<hbm>> -> memref<512xf32, #tpu.memory_space<hbm>>
      %dma_start3A_305 = tpu.memref_slice %arg11[%mul3A_302] : memref<1294336xf32, #tpu.memory_space<hbm>> -> memref<512xf32, #tpu.memory_space<hbm>>
      %dma_start3A_306 = tpu.memref_slice %arg24[%mul3A_272] : memref<1024xf32, #tpu.memory_space<vmem>> -> memref<512xf32, #tpu.memory_space<vmem>>
      tpu.enqueue_dma source(%dma_start3A_306 : memref<512xf32, #tpu.memory_space<vmem>>) target(%dma_start3A_305 : memref<512xf32, #tpu.memory_space<hbm>>) target_semaphore(%arg29 : memref<!tpu.dma_semaphore, #tpu.memory_space<semaphore_mem>>)
    }
    %scan3A_184 = arith.constant 79 : i32
    %dma_wait3A = arith.constant 0 : i32
    %dma_wait3A_185 = tpu.memref_slice %arg24[%dma_wait3A] : memref<1024xf32, #tpu.memory_space<vmem>> -> memref<512xf32, #tpu.memory_space<vmem>>
    %dma_wait3A_186 = arith.constant 0 : i32
    %dma_wait3A_187 = tpu.memref_slice %arg11[%dma_wait3A_186] : memref<1294336xf32, #tpu.memory_space<hbm>> -> memref<512xf32, #tpu.memory_space<hbm>>
    %dma_wait3A_188 = arith.constant 0 : i32
    %dma_wait3A_189 = tpu.memref_slice %arg11[%dma_wait3A_188] : memref<1294336xf32, #tpu.memory_space<hbm>> -> memref<512xf32, #tpu.memory_space<hbm>>
    %dma_wait3A_190 = arith.constant 0 : i32
    %dma_wait3A_191 = tpu.memref_slice %arg24[%dma_wait3A_190] : memref<1024xf32, #tpu.memory_space<vmem>> -> memref<512xf32, #tpu.memory_space<vmem>>
    tpu.wait_dma2 semaphore(%arg29 : memref<!tpu.dma_semaphore, #tpu.memory_space<semaphore_mem>>) src(%dma_wait3A_191 : memref<512xf32, #tpu.memory_space<vmem>>) dst(%dma_wait3A_189 : memref<512xf32, #tpu.memory_space<hbm>>)
    %dma_wait3A_192 = arith.constant 0 : i32
    %dma_wait3A_193 = tpu.memref_slice %arg24[%dma_wait3A_192] : memref<1024xf32, #tpu.memory_space<vmem>> -> memref<512xf32, #tpu.memory_space<vmem>>
    %dma_wait3A_194 = arith.constant 0 : i32
    %dma_wait3A_195 = tpu.memref_slice %arg11[%dma_wait3A_194] : memref<1294336xf32, #tpu.memory_space<hbm>> -> memref<512xf32, #tpu.memory_space<hbm>>
    %dma_wait3A_196 = arith.constant 0 : i32
    %dma_wait3A_197 = tpu.memref_slice %arg11[%dma_wait3A_196] : memref<1294336xf32, #tpu.memory_space<hbm>> -> memref<512xf32, #tpu.memory_space<hbm>>
    %dma_wait3A_198 = arith.constant 0 : i32
    %dma_wait3A_199 = tpu.memref_slice %arg24[%dma_wait3A_198] : memref<1024xf32, #tpu.memory_space<vmem>> -> memref<512xf32, #tpu.memory_space<vmem>>
    tpu.wait_dma2 semaphore(%arg29 : memref<!tpu.dma_semaphore, #tpu.memory_space<semaphore_mem>>) src(%dma_wait3A_199 : memref<512xf32, #tpu.memory_space<vmem>>) dst(%dma_wait3A_197 : memref<512xf32, #tpu.memory_space<hbm>>)
    return
  }
}

module attributes {stable_mosaic.version = 14 : i64} {
  func.func @_mlp_body(%arg0: i32, %arg1: memref<128x128xf32, #tpu.memory_space<vmem>>, %arg2: memref<128x128xf32, #tpu.memory_space<vmem>>, %arg3: memref<1x128xf32, #tpu.memory_space<vmem>>, %arg4: memref<128x240xf32, #tpu.memory_space<vmem>>, %arg5: memref<128x240xf32, #tpu.memory_space<vmem>>) attributes {dimension_semantics = [#tpu.dimension_semantics<arbitrary>], iteration_bounds = array<i64: 79>, scalar_prefetch = 0 : i64, scratch_operands = 0 : i64, tpu.core_type = #tpu.core_type<tc>, window_params = [{transform_indices = @transform_0, window_bounds = array<i64: 128, 128>}, {pipeline_mode = #tpu.pipeline_mode<synchronous>, transform_indices = @transform_1, window_bounds = array<i64: 128, 128>}, {pipeline_mode = #tpu.pipeline_mode<synchronous>, transform_indices = @transform_2, window_bounds = array<i64: 1, 128>}, {pipeline_mode = #tpu.pipeline_mode<synchronous>, transform_indices = @transform_3, window_bounds = array<i64: 128, 240>}, {transform_indices = @transform_4, window_bounds = array<i64: 128, 240>}]} {
    %get3A = arith.constant 0 : index
    %get3A_0 = arith.constant 0 : index
    %get3A_1 = vector.load %arg1[%get3A, %get3A_0] : memref<128x128xf32, #tpu.memory_space<vmem>>, vector<128x128xf32>
    %get3A_2 = arith.constant 0 : index
    %get3A_3 = arith.constant 0 : index
    %get3A_4 = vector.load %arg2[%get3A_2, %get3A_3] : memref<128x128xf32, #tpu.memory_space<vmem>>, vector<128x128xf32>
    %dot_general3A = arith.constant dense<0.000000e+00> : vector<128x128xf32>
    %dot_general3A_5 = tpu.matmul %get3A_1, %get3A_4, %dot_general3A {dimension_numbers = #tpu.dot_dimension_numbers<[1], [0], [0], [1], [0, 0, 1, 1], [], []>, transpose_lhs_hint = false} : vector<128x128xf32>, vector<128x128xf32>, vector<128x128xf32> -> vector<128x128xf32>
    %get3A_6 = arith.constant 0 : index
    %get3A_7 = arith.constant 0 : index
    %get3A_8 = vector.load %arg3[%get3A_6, %get3A_7] : memref<1x128xf32, #tpu.memory_space<vmem>>, vector<1x128xf32>
    %add3A = vector.broadcast %get3A_8 : vector<1x128xf32> to vector<128x128xf32>
    %add3A_9 = arith.addf %dot_general3A_5, %add3A : vector<128x128xf32>
    %gt3A = arith.constant 0.000000e+00 : f32
    %gt3A_10 = vector.broadcast %gt3A : f32 to vector<128x128xf32>
    %gt3A_11 = arith.cmpf ogt, %add3A_9, %gt3A_10 : vector<128x128xf32>
    %mul3A = arith.constant 1.000000e-01 : f32
    %mul3A_12 = vector.broadcast %mul3A : f32 to vector<128x128xf32>
    %mul3A_13 = arith.mulf %mul3A_12, %add3A_9 : vector<128x128xf32>
    %select_n3A = arith.select %gt3A_11, %add3A_9, %mul3A_13 : vector<128x128xi1>, vector<128x128xf32>
    %get3A_14 = arith.constant 0 : index
    %get3A_15 = arith.constant 0 : index
    %get3A_16 = vector.load %arg4[%get3A_14, %get3A_15] : memref<128x240xf32, #tpu.memory_space<vmem>>, vector<128x240xf32>
    %dot_general3A_17 = arith.constant dense<0.000000e+00> : vector<128x240xf32>
    %dot_general3A_18 = tpu.matmul %select_n3A, %get3A_16, %dot_general3A_17 {dimension_numbers = #tpu.dot_dimension_numbers<[1], [0], [0], [1], [0, 0, 1, 1], [], []>, transpose_lhs_hint = false} : vector<128x128xf32>, vector<128x240xf32>, vector<128x240xf32> -> vector<128x240xf32>
    %neg3A = arith.constant 0.000000e+00 : f32
    %neg3A_19 = vector.broadcast %neg3A : f32 to vector<128x240xf32>
    %neg3A_20 = arith.subf %neg3A_19, %dot_general3A_18 : vector<128x240xf32>
    %exp3A = math.exp %neg3A_20 : vector<128x240xf32>
    %add3A_21 = arith.constant 1.000000e+00 : f32
    %add3A_22 = vector.broadcast %add3A_21 : f32 to vector<128x240xf32>
    %add3A_23 = arith.addf %add3A_22, %exp3A : vector<128x240xf32>
    %div3A = arith.constant 1.000000e+00 : f32
    %div3A_24 = vector.broadcast %div3A : f32 to vector<128x240xf32>
    %div3A_25 = arith.divf %div3A_24, %add3A_23 : vector<128x240xf32>
    %swap3A = arith.constant 0 : index
    %swap3A_26 = arith.constant 0 : index
    %swap3A_27 = vector.load %arg5[%swap3A, %swap3A_26] : memref<128x240xf32, #tpu.memory_space<vmem>>, vector<128x240xf32>
    tpu.vector_store %arg5[%swap3A, %swap3A_26], %div3A_25 {strides = array<i32>} : memref<128x240xf32, #tpu.memory_space<vmem>>, vector<128x240xf32>,
    return
  }
  func.func @transform_0(%arg0: i32) -> (i32, i32) {
    %c0_i32 = arith.constant 0 : i32
    %c0_i32_0 = arith.constant 0 : i32
    return %arg0, %c0_i32 : i32, i32
  }
  func.func @transform_1(%arg0: i32) -> (i32, i32) {
    %c0_i32 = arith.constant 0 : i32
    %c0_i32_0 = arith.constant 0 : i32
    %c0_i32_1 = arith.constant 0 : i32
    return %c0_i32, %c0_i32_0 : i32, i32
  }
  func.func @transform_2(%arg0: i32) -> (i32, i32) {
    %c0_i32 = arith.constant 0 : i32
    %c0_i32_0 = arith.constant 0 : i32
    %c0_i32_1 = arith.constant 0 : i32
    return %c0_i32, %c0_i32_0 : i32, i32
  }
  func.func @transform_3(%arg0: i32) -> (i32, i32) {
    %c0_i32 = arith.constant 0 : i32
    %c0_i32_0 = arith.constant 0 : i32
    %c0_i32_1 = arith.constant 0 : i32
    return %c0_i32, %c0_i32_0 : i32, i32
  }
  func.func @transform_4(%arg0: i32) -> (i32, i32) {
    %c0_i32 = arith.constant 0 : i32
    %c0_i32_0 = arith.constant 0 : i32
    return %arg0, %c0_i32 : i32, i32
  }
}

</mosaic_0001>

<sc_bundles>
// kernel: kernel.4.cloned.1.call-start
scs
__scs_entry_jumppad:
0x0: {  	(pc) =	sbr.rel $0x88, $3  }
0x1: {  	(tag) =	ssettag $0x0;
	lr =	simm.s32 $0x1  }
0x2: {  	[smem:$0x3F98] =	sst lr;
	_ =	strace $0xD0000000  }
0x3: {  	_ = 	snop  }
0x4: {  	_ = 	snop  }
0x5: {  	_ = 	snop  }
0x6: {  	_ = 	snop  }
0x7: {  	_ = 	snop  }
__scs_overlays_trampoline_lowered:
0x8: {  	[smem:$0x3FA7] =	sst s0  }
0x9: {  	[smem:$0x3FA8] =	sst s1  }
0xa: {  	[smem:$0x3FA9] =	sst s2  }
0xb: {  	[smem:$0x3FAA] =	sst s3  }
0xc: {  	[smem:$0x3FAB] =	sst s4  }
0xd: {  	[smem:$0x3FAC] =	sst s5  }
0xe: {  	[smem:$0x3FAD] =	sst s6  }
0xf: {  	[smem:$0x3FAE] =	sst s7  }
0x10: {  	[smem:$0x3FAF] =	sst s8  }
0x11: {  	[smem:$0x3FB0] =	sst s9;
	s0 =	simm.s32 @!p0 $0x0  }
0x12: {  	s1 =	sld [smem:$0x3F96];
	s0 =	simm.s32 @p0 $0x1  }
0x13: {  	[smem:$0x3FB1] =	sst s0;
	s0 =	simm.s32 @!p1 $0x0  }
0x14: {  	s2 =	sld [smem:$0x3F95];
	s0 =	simm.s32 @p1 $0x1  }
0x15: {  	[smem:$0x3FB2] =	sst s0;
	s0 =	simm.s32 @!p2 $0x0  }
0x16: {  	s3 =	sld [smem:$0x3FDB];
	s0 =	simm.s32 @p2 $0x1  }
0x17: {  	s4 =	simm.s32 $0x1BF5;
	[smem:$0x3FB4] =	sst s0  }
0x18: {  	s0 =	sld [smem:$0x3F97];
	_ =	swait.ge [sflag:s4], $0x0  }
0x19: {  	s7 =	sld [smem:$0x3F98]  }
0x1a: {  	s8 =	sadd.s32 $0xFFFFE003, lr  }
0x1b: {  	s9 =	sadd.s32 $0xFFFFFEF7, lr;
	s5 =	simm.s32 $0xFFFFFFFF;
	p2 =	slt.u32 s8, $0xFFFFF086  }
0x1c: {  	p1 =	slt.u32 s9, $0xF7A;
	s5 =	simm.s32 @!p2 $0x0  }
0x1d: {  	s5 =	simm.s32 @p1 $0x1;
	p0 =	seq.s32 s7, s2  }
0x1e: {  	s7 =	smul.u32 @!p0 $0xF7A, s2;
	p2 =	seq.s32 @!p0 s5, $0x0  }
0x1f: {  	s9 =	smul.u32 $0xF7A, s1;
	s8 =	simm.s32 @!p0 $0x1BF5;
	p2 =	por !p2, p0  }
0x20: {  	[sflag:s8] =	ssyncset.s32 @!p0 $0xFFFFF086;
	s6 =	sadd.s32 @!p0 s3, s7;
	s7 =	simm.s32 @!p0 $0x108  }
0x21: {  	s3 =	sadd.s32 s3, s9;
	s6 =	sadd.s32 @!p0 $0x88, s6;
	s7 =	simm.s32 @p2 $0x1082  }
0x22: {  	[simem:s7], [sflag:s8] =	dma.local @!p0 [hbm:s6], $0xF7A  }
0x23: {  	s9 =	sor.u32 $0xD0000000, s2;
	s6 =	simm.s32 $0x108;
	_ =	swait.ge @!p0 [sflag:s8], $0x0  }
0x24: {  	s3 =	sadd.s32 $0x88, s3;
	s6 =	simm.s32 @!p1 $0x1082;
	[sflag:s4] =	ssyncset.s32 $0xFFFFF086  }
0x25: {  	[simem:s6], [sflag:s4] =	dma.local [hbm:s3], $0xF7A  }
0x26: {  	[smem:$0x3F98] =	sst s1;
	(tag) =	ssettag s2;
	_ =	strace s9  }
0x27: {  	s1 =	sld [smem:$0x3FA8]  }
0x28: {  	s2 =	sld [smem:$0x3FA9]  }
0x29: {  	s4 =	sld [smem:$0x3FAB]  }
0x2a: {  	p0 =	seq.s32 s5, $0x0;
	s5 =	sld [smem:$0x3FAC]  }
0x2b: {  	s6 =	sld [smem:$0x3FAD]  }
0x2c: {  	s7 =	sld [smem:$0x3FAE]  }
0x2d: {  	s3 =	simm.s32 $0x108;
	s8 =	sld [smem:$0x3FAF]  }
0x2e: {  	s3 =	simm.s32 @!p0 $0x1082;
	s9 =	sld [smem:$0x3FB0]  }
0x2f: {  	lr =	sadd.s32 s0, s3;
	s0 =	sld [smem:$0x3FA7]  }
0x30: {  	s3 =	sld [smem:$0x3FAA]  }
0x31: {  	[smem:$0x3FB3] =	sst s10  }
0x32: {  	s10 =	sld [smem:$0x3FB1];
	_ =	sdelay $0x3  }
0x33: {  	p0 =	seq.s32 s10, $0x1;
	s10 =	sld [smem:$0x3FB3];
	_ =	sdelay $0x3  }
0x34: {  	[smem:$0x3FB3] =	sst s10  }
0x35: {  	s10 =	sld [smem:$0x3FB2];
	_ =	sdelay $0x3  }
0x36: {  	p1 =	seq.s32 s10, $0x1;
	s10 =	sld [smem:$0x3FB3];
	_ =	sdelay $0x3  }
0x37: {  	[smem:$0x3FB3] =	sst s10  }
0x38: {  	s10 =	sld [smem:$0x3FB4]  }
0x39: {  	_ = 	snop;
	(pc) =	sbr.ind lr, $3  }
0x3a: {  	_ = 	snop  }
0x3b: {  	_ = 	snop  }
0x3c: {  	p2 =	seq.s32 s10, $0x1;
	s10 =	sld [smem:$0x3FB3]  }
0x3d: {  	_ =	shalt  }
0x3e: {  	_ =	shalt  }
0x3f: {  	_ =	shalt  }
0x40: {  	_ =	shalt  }
0x41: {  	_ =	shalt  }
0x42: {  	_ =	shalt  }
0x43: {  	_ =	shalt  }
0x44: {  	_ =	shalt  }
0x45: {  	_ =	shalt  }
0x46: {  	_ =	shalt  }
0x47: {  	_ =	shalt  }
0x48: {  	_ =	shalt  }
0x49: {  	_ =	shalt  }
0x4a: {  	_ =	shalt  }
0x4b: {  	_ =	shalt  }
0x4c: {  	_ =	shalt  }
0x4d: {  	_ =	shalt  }
0x4e: {  	_ =	shalt  }
0x4f: {  	_ =	shalt  }
0x50: {  	_ =	shalt  }
0x51: {  	_ =	shalt  }
0x52: {  	_ =	shalt  }
0x53: {  	_ =	shalt  }
0x54: {  	_ =	shalt  }
0x55: {  	_ =	shalt  }
0x56: {  	_ =	shalt  }
0x57: {  	_ =	shalt  }
0x58: {  	_ =	shalt  }
0x59: {  	_ =	shalt  }
0x5a: {  	_ =	shalt  }
0x5b: {  	_ =	shalt  }
0x5c: {  	_ =	shalt  }
0x5d: {  	_ =	shalt  }
0x5e: {  	_ =	shalt  }
0x5f: {  	_ =	shalt  }
0x60: {  	_ =	shalt  }
0x61: {  	_ =	shalt  }
0x62: {  	_ =	shalt  }
0x63: {  	_ =	shalt  }
0x64: {  	_ =	shalt  }
0x65: {  	_ =	shalt  }
0x66: {  	_ =	shalt  }
0x67: {  	_ =	shalt  }
0x68: {  	_ =	shalt  }
0x69: {  	_ =	shalt  }
0x6a: {  	_ =	shalt  }
0x6b: {  	_ =	shalt  }
0x6c: {  	_ =	shalt  }
0x6d: {  	_ =	shalt  }
0x6e: {  	_ =	shalt  }
0x6f: {  	_ =	shalt  }
0x70: {  	_ =	shalt  }
0x71: {  	_ =	shalt  }
0x72: {  	_ =	shalt  }
0x73: {  	_ =	shalt  }
0x74: {  	_ =	shalt  }
0x75: {  	_ =	shalt  }
0x76: {  	_ =	shalt  }
0x77: {  	_ =	shalt  }
0x78: {  	_ =	shalt  }
0x79: {  	_ =	shalt  }
0x7a: {  	_ =	shalt  }
0x7b: {  	_ =	shalt  }
0x7c: {  	_ =	shalt  }
0x7d: {  	_ =	shalt  }
0x7e: {  	_ =	shalt  }
0x7f: {  	_ =	shalt  }
0x80: {  	_ =	shalt  }
0x81: {  	_ =	shalt  }
0x82: {  	_ =	shalt  }
0x83: {  	_ =	shalt  }
0x84: {  	_ =	shalt  }
0x85: {  	_ =	shalt  }
0x86: {  	_ =	shalt  }
0x87: {  	_ =	shalt  }
.Lfunc_end0:
.L_simem_size_0:
called_computation_lowered:
.L_overlay_start_0:
0x88: {  	s2 =	sld [smem:$0x3FD9]  }
0x89: {  	s3 =	sld [smem:$0x3FFE];
	_ =	sdelay $0x1  }
0x8a: {  	s1 =	srdreg.scid  }
0x8b: {  	s0 =	sand.u32 $0x1, s1  }
0x8c: {  	s17 =	sshll.u32 s0, $0xA;
	s2 =	sadd.s32 s3, s2  }
0x8d: {  	s2 =	sadd.s32 s2, s17  }
0x8e: {  	[smem:$0x3FBF] =	sst s2  }
0x8f: {  	_ = 	snop  }
0x90: {  	s2 =	sld [smem:$0x3FD0];
	(tm) =	ssettm $0x1  }
0x91: {  	s18 =	sld [smem:$0x3FFB];
	_ =	sdelay $0x3  }
0x92: {  	_ =	strace s18  }
0x93: {  	s3 =	sld [smem:$0x3FFC];
	_ =	sdelay $0x3  }
0x94: {  	_ =	strace s3  }
0x95: {  	s3 =	sld [smem:$0x3FFD];
	_ =	sdelay $0x3  }
0x96: {  	_ =	strace s3  }
0x97: {  	_ =	strace $0x8FFFFFFF  }
0x98: {  	s19 =	sld [smem:$0x3FDB];
	_ =	sdelay $0x1  }
0x99: {  	s4 =	simm.s32 $_scs_section_size  }
0x9a: {  	s5 =	simm.s32 $_size__tile_overlayer_lowered;
	s6 =	simm.s32 $_tile_overlayer_lowered  }
0x9b: {  	s22 =	simm.s32 $0x1BFF;
	s21 =	sshll.u32 s6, $0x1;
	s3 =	sadd.s32 s4, s19  }
0x9c: {  	s7 =	simm.s32 $0x0;
	s20 =	sshll.u32 s5, $0x1;
	s5 =	sadd.s32 s21, s3  }
0x9d: {  	[timem:s7], [sflag:s22] =	dma.local [hbm:s5], s20  }
0x9e: {  	_ =	swait.ge [sflag:s22], s20  }
0x9f: {  	s4 =	ssub.s32 $0x0, s20;
	[sflag:s22] =	ssyncset.done $0x0  }
0xa0: {  	[sflag:s22] =	ssyncadd.s32 s4;
	_ =	sdelay $0x1  }
0xa1: {  	s23 =	simm.s32 $0x1B8B  }
0xa2: {  	_ =	swait.ge [sflag:s23], $0x1  }
0xa3: {  	[sflag:s23] =	ssyncset.done $0x0  }
0xa4: {  	s25 =	simm.s32 $0x1B8E;
	s24 =	sld [smem:$0x3FFE];
	[sflag:s23] =	ssyncadd.s32 $0xFFFFFFFF  }
0xa5: {  	s26 =	simm.s32 $execute0_lowered;
	[smem:$0x3FD2] =	sst s25  }
0xa6: {  	s5 =	sshll.u32 s26, $0x1;
	_ =	strace $0x80000046;
	[dreg:$0x1] =	wrdreg $0xFFFFFFFF  }
0xa7: {  	s28 =	simm.s32 $_size_execute0_lowered;
	s3 =	sadd.s32 s3, s5;
	[dreg:$0x0] =	wrdreg $0x0  }
0xa8: {  	s5 =	sshll.u32 s28, $0x1;
	[dreg:$0x2] =	wrdreg s3  }
0xa9: {  	[dreg:$0x3] =	wrdreg s5  }
0xaa: {  	[dreg:$0x4] =	wrdreg $0xC0  }
0xab: {  	_ =	task [dreg:s7], $0x5FFFF  }
0xac: {  	[dreg:$0x1] =	wrdreg $0xFFFFFFFF  }
0xad: {  	[dreg:$0x0] =	wrdreg $0x60  }
0xae: {  	[dreg:$0x2] =	wrdreg s2  }
0xaf: {  	[dreg:$0x3] =	wrdreg s24  }
0xb0: {  	[dreg:$0x4] =	wrdreg $0x76800  }
0xb1: {  	[dreg:$0x5] =	wrdreg $0x78F80  }
0xb2: {  	[dreg:$0x6] =	wrdreg $0x7B700  }
0xb3: {  	[dreg:$0x7] =	wrdreg $0x9  }
0xb4: {  	_ =	task.clear_ibuf [dreg:s7], $0x8FFFF;
	_ =	strace $0x90000046  }
0xb5: {  	s29 =	simm.s32 $0x9;
	_ =	strace $0x80000048  }
0xb6: {  	_ =	swait.ge [sflag:s29], $0x1  }
0xb7: {  	[sflag:s29] =	ssyncadd.s32 $0xFFFFFFFF  }
0xb8: {  	_ =	strace $0x90000048  }
0xb9: {  	_ =	sfence  }
0xba: {  	s30 =	sld [smem:$0x0];
	_ =	sdelay $0x2  }
0xbb: {  	s31 =	sshll.u32 s1, $0xD;
	s1 =	sshrl.u32 s1, $0x2  }
0xbc: {  	s3 =	sand.u32 $0x4000, s31;
	s1 =	sadd.s32 s1, s30  }
0xbd: {  	s0 =	sor.u32 s3, s0;
	s1 =	sshll.u32 s1, $0x11  }
0xbe: {  	s0 =	sor.u32 s1, s0  }
0xbf: {  	s0 =	sadd.s32 $0x8F2B, s0  }
0xc0: {  	[sflag:s0] =	ssyncadd.remote.s32 $0x1  }
0xc1: {  	_ =	sfence.sel $0xFFFF  }
0xc2: {  	[dreg:$0x0] =	wrdreg $0xFFFFFFFF;
	(pc) =	sbr.abs _section_cstart, $3  }
0xc3: {  	[dreg:$0x1] =	wrdreg $0xFFFFFFFF  }
0xc4: {  	_ =	task.clear_ibuf [dreg:s7], $0x2FFFF;
	_ =	strace $0x9FFFFFFF  }
0xc5: {  	(tm) =	ssettm $0x7FFFFFFF  }
tec
execute0_lowered:
.L_overlay_start_1:
0x0: {  	(tag) =	ssettag $0x1  }
0x1: {  	s0 =	rddreg [dreg:$0x0]  }
0x2: {  	s1 =	rddreg [dreg:$0x1]  }
0x3: {  	s10 =	rddreg [dreg:$0x2];
	s2 =	srdreg.scid  }
0x4: {  	s3 =	stileid.u32;
	s11 =	rddreg [dreg:$0x3]  }
0x5: {  	s14 =	rddreg [dreg:$0x4];
	s5 =	simm.s32 $0x0;
	s30 =	simm.s32 $0x13268  }
0x6: {  	s31 =	simm.s32 $0x13A68;
	s28 =	simm.s32 $0x13668;
	s29 =	simm.s32 $0x3  }
0x7: {  	s2 =	sand.u32 $0x1, s2;
	[smem:$0x7FF] =	sst s5;
	s9 =	sadd.s32 $0x2000, s1  }
0x8: {  	s19 =	sadd.s32 $0x1A00, s1;
	_ =	strace $0x80000047;
	[dreg:$0x6] =	wrdreg s9  }
0x9: {  	s4 =	sshll.u32 s3, $0x1;
	s20 =	sadd.s32 $0x1400, s1;
	[dreg:$0x7] =	wrdreg s19  }
0xa: {  	s21 =	sadd.s32 $0x1000, s1;
	s22 =	sadd.s32 $0x1200, s1;
	[dreg:$0x8] =	wrdreg s20  }
0xb: {  	s12 =	sadd.s32 $0x57A00, s1;
	p0 =	sne.s32 s3, $0x0;
	[dreg:$0x9] =	wrdreg s21  }
0xc: {  	s4 =	sor.u32 s2, s4;
	s2 =	ssub.s32 $0x2, s2;
	[dreg:$0xa] =	wrdreg s22  }
0xd: {  	s17 =	sshrl.u32 @!p0 s10, $0x3;
	s18 =	sshrl.u32 @!p0 s11, $0x3;
	s19 =	sshrl.u32 @!p0 s14, $0x3  }
0xe: {  	s20 =	simm.s32 $0x4;
	s21 =	simm.s32 $0x2780;
	s6 =	smul.u32 $0x4F0, s4  }
0xf: {  	s22 =	simm.s32 $0x4F00;
	s7 =	smul.u32 $0x9E, s4;
	s23 =	sshrl.u32 s2, $0x1  }
0x10: {  	s13 =	smul.u32 $0x13C, s4;
	s24 =	ssub.s32 s2, s23;
	s2 =	simm.s32 $0x13AE8  }
0x11: {  	s23 =	simm.s32 $0x2;
	s8 =	sadd.s32 s6, s1;
	s7 =	sadd.s32 s7, s1  }
0x12: {  	s6 =	sadd.s32 $0xD800, s1;
	s16 =	smax.u32 s24, $0x1;
	s25 =	sadd.s32 $0x2600, s7  }
0x13: {  	s24 =	simm.s32 $0x1;
	s26 =	sadd.s32 $0x3A00, s8;
	[dreg:$0xb] =	wrdreg s25  }
0x14: {  	v17 =	vimm.s32 $0x0;
	v22 =	vlaneseq.u32;
	s1 =	simm.s32 $0x0;
	[dreg:$0xc] =	wrdreg s26;
	s25 =	simm.s32 $0x85E8  }
.LBB2_1:
0x15: {  	s3 =	simm.s32 @!p0 $0x1C04;
	s4 =	rddreg [dreg:$0x6]  }
0x16: {  	[spmem:s17], [sflag:s3] =	dma.local @!p0 [hbm:s4], $0x4F0  }
0x17: {  	s4 =	simm.s32 @!p0 $0x4  }
0x18: {  	_ =	swait.ge @!p0 [sflag:s4], $0x4F0  }
0x19: {  	[sflag:s4] =	ssyncset.done @!p0 $0x0  }
0x1a: {  	s7 =	rddreg [dreg:$0x7];
	[sflag:s4] =	ssyncadd.s32 @!p0 $0xFFFFFB10  }
0x1b: {  	[spmem:s18], [sflag:s3] =	dma.local @!p0 [hbm:s7], $0x4F0  }
0x1c: {  	_ =	swait.ge @!p0 [sflag:s4], $0x4F0  }
0x1d: {  	[sflag:s4] =	ssyncset.done @!p0 $0x0  }
0x1e: {  	s7 =	rddreg [dreg:$0x8];
	[sflag:s4] =	ssyncadd.s32 @!p0 $0xFFFFFB10  }
0x1f: {  	[spmem:s19], [sflag:s3] =	dma.local @!p0 [hbm:s7], $0x4F0  }
0x20: {  	_ =	swait.ge @!p0 [sflag:s4], $0x4F0  }
0x21: {  	[sflag:s4] =	ssyncset.done @!p0 $0x0  }
0x22: {  	[sflag:s4] =	ssyncadd.s32 @!p0 $0xFFFFFB10  }
0x23: {  	[bflag:$0x0] =	sbarrier.arrive $0xFFFF  }
0x24: {  	s14 =	rddreg [dreg:$0x2]  }
0x25: {  	[tilespmem:s5], [sflag:$0x4] =	stream.linear.gather [spmem:s14], $0x2780, $0x38;
	[tilespmem:$0x13B68] =	vst v63  }
0x26: {  	_ =	swait.ge [sflag:s20], $0x2780  }
0x27: {  	[sflag:s20] =	ssyncset.done $0x0  }
0x28: {  	[sflag:s20] =	ssyncadd.s32 $0xFFFFD880  }
0x29: {  	s15 =	rddreg [dreg:$0x3]  }
0x2a: {  	[tilespmem:s21], [sflag:$0x4] =	stream.linear.gather [spmem:s15], $0x2780, $0x38;
	[tilespmem:$0x13B68] =	vst v63  }
0x2b: {  	_ =	swait.ge [sflag:s20], $0x2780  }
0x2c: {  	[sflag:s20] =	ssyncset.done $0x0  }
0x2d: {  	[sflag:s20] =	ssyncadd.s32 $0xFFFFD880  }
0x2e: {  	s26 =	rddreg [dreg:$0x4]  }
0x2f: {  	[tilespmem:s22], [sflag:$0x4] =	stream.linear.gather [spmem:s26], $0x2780, $0x38;
	[tilespmem:$0x13B68] =	vst v63  }
0x30: {  	_ =	swait.ge [sflag:s20], $0x2780  }
0x31: {  	[sflag:s20] =	ssyncset.done $0x0  }
0x32: {  	s7 =	simm.s32 $0x7DE8;
	s4 =	rddreg [dreg:$0x9];
	[sflag:s20] =	ssyncadd.s32 $0xFFFFD880  }
0x33: {  	[tilespmem:s7], [sflag:$0x4] =	stream.linear.gather [hbm4b:s4+s5], $0x80, $0x38;
	[tilespmem:$0x13B68] =	vst v63  }
0x34: {  	_ =	swait.ge [sflag:s20], $0x80  }
0x35: {  	[sflag:s20] =	ssyncset.done $0x0  }
0x36: {  	s9 =	simm.s32 $0x7E68;
	s8 =	rddreg [dreg:$0xa];
	[sflag:s20] =	ssyncadd.s32 $0xFFFFFF80  }
0x37: {  	[tilespmem:s9], [sflag:$0x4] =	stream.linear.gather [hbm4b:s8+s5], $0x780, $0x38;
	[tilespmem:$0x13B68] =	vst v63  }
0x38: {  	_ =	swait.ge [sflag:s20], $0x780  }
0x39: {  	[sflag:s20] =	ssyncset.done $0x0  }
0x3a: {  	s10 =	rddreg [dreg:$0xb];
	[sflag:s20] =	ssyncadd.s32 $0xFFFFF880  }
0x3b: {  	[tilespmem:s25], [sflag:$0x4] =	stream.linear.gather [hbm4b:s10+s5], $0x4F0, $0x38;
	[tilespmem:$0x13B68] =	vst v63  }
0x3c: {  	_ =	swait.ge [sflag:s20], $0x4F0  }
0x3d: {  	[sflag:s20] =	ssyncset.done $0x0  }
0x3e: {  	s14 =	simm.s32 $0x8AE8;
	s11 =	rddreg [dreg:$0xc];
	[sflag:s20] =	ssyncadd.s32 $0xFFFFFB10  }
0x3f: {  	[tilespmem:s14], [sflag:$0x4] =	stream.linear.gather [hbm4b:s11+s5], $0x2780, $0x38;
	[tilespmem:$0x13B68] =	vst v63  }
0x40: {  	_ =	swait.ge [sflag:s20], $0x2780  }
0x41: {  	[sflag:s20] =	ssyncset.done $0x0  }
0x42: {  	[sflag:s20] =	ssyncadd.s32 $0xFFFFD880  }
0x43: {  	v0 =	vld [tilespmem:$0x7DE8]  }
0x44: {  	v1 =	vld [tilespmem:$0x7DF8]  }
0x45: {  	v2 =	vld [tilespmem:$0x7E08];
	_ =	sdelay $0x2  }
0x46: {  	s15 =	simm.s32 $0x80;
	s26 =	simm.s32 $0xB268;
	v18 =	vbroadcast v0, $0x0  }
0x47: {  	[tilespmem:s26], [sflag:$0x1] =	stream.indirect.gather [hbm4b:s0+s15], $0x80, s14, s15, $0xb8;
	v19 =	vbroadcast v1, $0x0;
	[tilespmem:$0x13B68] =	vst v63  }
0x48: {  	v20 =	vbroadcast v2, $0x0;
	[tilespmem:$0x1FD30] =	vst v18  }
0x49: {  	v21 =	vbroadcast v0, $0x1;
	[tilespmem:$0x1FD40] =	vst v19  }
0x4a: {  	v23 =	vbroadcast v1, $0x1;
	[tilespmem:$0x1FD50] =	vst v20  }
0x4b: {  	v24 =	vbroadcast v2, $0x1;
	[tilespmem:$0x1FD60] =	vst v21  }
0x4c: {  	v25 =	vbroadcast v0, $0x2;
	[tilespmem:$0x1FD70] =	vst v23  }
0x4d: {  	v26 =	vbroadcast v1, $0x2;
	[tilespmem:$0x1FD80] =	vst v24  }
0x4e: {  	v27 =	vbroadcast v2, $0x2;
	[tilespmem:$0x1FD90] =	vst v25  }
0x4f: {  	v28 =	vbroadcast v0, $0x3;
	[tilespmem:$0x1FDA0] =	vst v26  }
0x50: {  	v29 =	vbroadcast v1, $0x3;
	[tilespmem:$0x1FDB0] =	vst v27  }
0x51: {  	v30 =	vbroadcast v2, $0x3;
	[tilespmem:$0x1FDC0] =	vst v28  }
0x52: {  	v31 =	vbroadcast v0, $0x4;
	[tilespmem:$0x1FDD0] =	vst v29  }
0x53: {  	v32 =	vbroadcast v1, $0x4;
	[tilespmem:$0x1FDE0] =	vst v30  }
0x54: {  	v33 =	vbroadcast v2, $0x4;
	[tilespmem:$0x1FDF0] =	vst v31  }
0x55: {  	v34 =	vbroadcast v0, $0x5;
	[tilespmem:$0x1FE00] =	vst v32  }
0x56: {  	v35 =	vbroadcast v1, $0x5;
	[tilespmem:$0x1FE10] =	vst v33  }
0x57: {  	v36 =	vbroadcast v2, $0x5;
	[tilespmem:$0x1FE20] =	vst v34  }
0x58: {  	v37 =	vbroadcast v0, $0x6;
	[tilespmem:$0x1FE30] =	vst v35  }
0x59: {  	v38 =	vbroadcast v1, $0x6;
	[tilespmem:$0x1FE40] =	vst v36  }
0x5a: {  	v39 =	vbroadcast v2, $0x6;
	[tilespmem:$0x1FE50] =	vst v37  }
0x5b: {  	v40 =	vbroadcast v0, $0x7;
	[tilespmem:$0x1FE60] =	vst v38  }
0x5c: {  	v41 =	vbroadcast v1, $0x7;
	[tilespmem:$0x1FE70] =	vst v39  }
0x5d: {  	v42 =	vbroadcast v2, $0x7;
	[tilespmem:$0x1FE80] =	vst v40  }
0x5e: {  	v43 =	vbroadcast v0, $0x8;
	[tilespmem:$0x1FE90] =	vst v41  }
0x5f: {  	v44 =	vbroadcast v1, $0x8;
	[tilespmem:$0x1FEA0] =	vst v42  }
0x60: {  	v45 =	vbroadcast v2, $0x8;
	[tilespmem:$0x1FEB0] =	vst v43  }
0x61: {  	v46 =	vbroadcast v0, $0x9;
	[tilespmem:$0x1FEC0] =	vst v44  }
0x62: {  	v47 =	vbroadcast v1, $0x9;
	[tilespmem:$0x1FED0] =	vst v45  }
0x63: {  	v48 =	vbroadcast v2, $0x9;
	[tilespmem:$0x1FEE0] =	vst v46  }
0x64: {  	v49 =	vbroadcast v0, $0xA;
	[tilespmem:$0x1FEF0] =	vst v47  }
0x65: {  	v50 =	vbroadcast v1, $0xA;
	[tilespmem:$0x1FF00] =	vst v48  }
0x66: {  	v51 =	vbroadcast v2, $0xA;
	[tilespmem:$0x1FF10] =	vst v49  }
0x67: {  	v52 =	vbroadcast v0, $0xB;
	[tilespmem:$0x1FF20] =	vst v50  }
0x68: {  	v53 =	vbroadcast v1, $0xB;
	[tilespmem:$0x1FF30] =	vst v51  }
0x69: {  	v54 =	vbroadcast v2, $0xB;
	[tilespmem:$0x1FF40] =	vst v52  }
0x6a: {  	v55 =	vbroadcast v0, $0xC;
	[tilespmem:$0x1FF50] =	vst v53  }
0x6b: {  	v56 =	vbroadcast v1, $0xC;
	[tilespmem:$0x1FF60] =	vst v54  }
0x6c: {  	v57 =	vbroadcast v2, $0xC;
	[tilespmem:$0x1FF70] =	vst v55  }
0x6d: {  	v58 =	vbroadcast v0, $0xD;
	[tilespmem:$0x1FF80] =	vst v56  }
0x6e: {  	v59 =	vbroadcast v1, $0xD;
	[tilespmem:$0x1FF90] =	vst v57  }
0x6f: {  	v60 =	vbroadcast v2, $0xD;
	[tilespmem:$0x1FFA0] =	vst v58  }
0x70: {  	v61 =	vbroadcast v0, $0xE;
	[tilespmem:$0x1FFB0] =	vst v59  }
0x71: {  	v62 =	vbroadcast v1, $0xE;
	[tilespmem:$0x1FFC0] =	vst v60  }
0x72: {  	v63 =	vbroadcast v2, $0xE;
	[tilespmem:$0x1FFD0] =	vst v61  }
0x73: {  	[tilespmem:$0x1FFE0] =	vst v62  }
0x74: {  	s3 =	simm.s32 $0x8AF8;
	s4 =	simm.s32 $0x2;
	s8 =	simm.s32 $0x0;
	[tilespmem:$0x1FFF0] =	vst v63  }
.LBB2_2:
0x75: {  	s26 =	sadd.s32 $0x1, s8;
	p1 =	seq.s32 s8, $0x4E  }
0x76: {  	s7 =	sshll.u32 @!p1 s26, $0xE  }
0x77: {  	s10 =	sshll.u32 s8, $0x2;
	s9 =	sshll.u32 @!p1 s26, $0x7;
	s7 =	sand.u32 @!p1 $0x4000, s7  }
0x78: {  	s9 =	sand.u32 @!p1 $0x3FFFFF80, s9;
	s11 =	sor.u32 @!p1 $0xB268, s7;
	s7 =	sadd.s32 s13, s10  }
0x79: {  	s9 =	sadd.s32 @!p1 $0x8AE8, s9;
	s10 =	simm.s32 @!p1 $0x80;
	s14 =	smul.u32 $0x1E, s7  }
0x7a: {  	[tilespmem:s11], [sflag:$0x1] =	stream.indirect.gather @!p1 [hbm4b:s0+s10], $0x80, s9, s10, $0xb8;
	[tilespmem:$0x13B68] =	vst v63  }
0x7b: {  	s9 =	simm.s32 $0x0  }
0x7c: {  	s10 =	smov.u32 s3;
	s11 =	smov.u32 s4;
	s15 =	sadd.s32 s6, s14  }
0x7d: {  	[tilespmem:s30], [sflag:$0x2] =	stream.linear.gather [hbm4b:s15+s9], $0x3C0, $0x38;
	[tilespmem:$0x13B68] =	vst v63  }
.LBB2_3:
0x7e: {  	v2 =	vmov s11  }
0x7f: {  	v3 =	vld [tilespmem:s10+$0xFFFFFFF0];
	v2 =	vand.u32 $0xFFFFFFFE, v2  }
0x80: {  	v2 =	vbroadcast v2, $0x0;
	_ =	sdelay $0x1  }
0x81: {  	v4 =	vld [tilespmem:s10+$0x0]  }
0x82: {  	s14 =	sadd.s32 $0xFFFFFFFE, s11  }
0x83: {  	s15 =	sadd.s32 $0xFFFFFFFF, s11;
	v0 =	vmov s14  }
0x84: {  	v1 =	vmov s15;
	v0 =	vand.u32 $0xFFFFFFFC, v0  }
0x85: {  	v1 =	vand.u32 $0xFFFFFFFD, v1;
	v0 =	vbroadcast v0, $0x0;
	v7 =	vld.idx.msk [tilespmem:v2+s25+$0x0], $0xffff  }
0x86: {  	v1 =	vbroadcast v1, $0x0;
	v13 =	vld.idx.msk [tilespmem:v3+s5+$0x0], $0xffff  }
0x87: {  	v14 =	vld.idx.msk [tilespmem:v3+s21+$0x0], $0xffff  }
0x88: {  	v3 =	vld.idx.msk [tilespmem:v3+s22+$0x0], $0xffff  }
0x89: {  	v8 =	vld.idx.msk [tilespmem:v4+s5+$0x0], $0xffff  }
0x8a: {  	v9 =	vld.idx.msk [tilespmem:v4+s21+$0x0], $0xffff  }
0x8b: {  	v0 =	vld.idx.msk [tilespmem:v0+s25+$0x0], $0xffff  }
0x8c: {  	v6 =	vld.idx.msk [tilespmem:v1+s25+$0x0], $0xffff  }
0x8d: {  	v10 =	vld.idx.msk [tilespmem:v4+s22+$0x0], $0xffff;
	_ =	sdelay $0x2  }
0x8e: {  	v3 =	vsub.f32 v3, v7;
	v4 =	vsub.f32 v13, v0  }
0x8f: {  	v5 =	vsub.f32 v14, v6;
	v1 =	vsub.f32 v8, v0  }
0x90: {  	v2 =	vsub.f32 v9, v6;
	v0 =	vsub.f32 v10, v7  }
0x91: {  	v12 =	vsub.f32 v4, v18;
	v13 =	vsub.f32 v5, v19  }
0x92: {  	v8 =	vsub.f32 v1, v18;
	v9 =	vsub.f32 v2, v19  }
0x93: {  	v14 =	vsub.f32 v3, v20;
	v6 =	vmul.f32 v12, v12;
	v7 =	vmul.f32 v13, v13  }
0x94: {  	v11 =	vsub.f32 v0, v20;
	v8 =	vmul.f32 v8, v8;
	v9 =	vmul.f32 v9, v9  }
0x95: {  	v13 =	vsub.f32 v4, v21;
	v6 =	vadd.f32 v7, v6;
	v7 =	vmul.f32 v14, v14  }
0x96: {  	v12 =	vmul.f32 v11, v11;
	v8 =	vadd.f32 v9, v8;
	v14 =	vsub.f32 v5, v23  }
0x97: {  	v15 =	vsub.f32 v2, v26;
	v13 =	vmul.f32 v13, v13;
	v6 =	vadd.f32 v7, v6  }
0x98: {  	v7 =	vadd.f32 v12, v8;
	v12 =	vsub.f32 v3, v24;
	v14 =	vmul.f32 v14, v14  }
0x99: {  	v16 =	vimm.s32 $0x0;
	v15 =	vmul.f32 v15, v15  }
0x9a: {  	vm0 =	vlt.f32 v6, $1.000000020e+30;
	v9 =	vadd.f32 v14, v13;
	v8 =	vmul.f32 v12, v12  }
0x9b: {  	vm1 =	vlt.f32 v7, $1.000000020e+30;
	v12 =	vsub.f32 v1, v21;
	v13 =	vsub.f32 v2, v23  }
0x9c: {  	v14 =	vsub.f32 v1, v25;
	v6 =	vnsel vm0, $0x7149F2CA, v6;
	v8 =	vadd.f32 v8, v9  }
0x9d: {  	v9 =	vsub.f32 v0, v24;
	v10 =	vmul.f32 v12, v12;
	v11 =	vmul.f32 v13, v13  }
0x9e: {  	v7 =	vnsel vm1, $0x7149F2CA, v7;
	v12 =	vsub.f32 v4, v25;
	v13 =	vsub.f32 v5, v26  }
0x9f: {  	v14 =	vmul.f32 v14, v14;
	v9 =	vmul.f32 v9, v9;
	v10 =	vadd.f32 v11, v10  }
0xa0: {  	v11 =	vmul.f32 v12, v12;
	v12 =	vmul.f32 v13, v13;
	vm0 =	vlt.f32 v8, v6  }
0xa1: {  	v13 =	vsub.f32 v3, v27;
	v16 =	vsel vm0, $0xFFFFFFFF, v16;
	v6 =	vsel vm0, v8, v6  }
0xa2: {  	v8 =	vimm.s32 $0x0;
	v9 =	vadd.f32 v9, v10;
	v10 =	vsub.f32 v0, v27  }
0xa3: {  	v11 =	vadd.f32 v12, v11;
	v12 =	vmul.f32 v13, v13;
	v13 =	vadd.f32 v15, v14  }
0xa4: {  	v14 =	vsub.f32 v4, v28;
	v15 =	vsub.f32 v5, v29;
	vm5 =	vlt.f32 v9, v7  }
0xa5: {  	[tilespmem:$0x1FC60] =	vst v16;
	v16 =	vsub.f32 v5, v32;
	v10 =	vmul.f32 v10, v10;
	v8 =	vsel vm5, $0xFFFFFFFF, v8  }
0xa6: {  	v7 =	vsel vm5, v9, v7;
	v9 =	vsub.f32 v1, v28;
	[tilespmem:$0x1FC70] =	vst v8;
	v8 =	vadd.f32 v12, v11  }
0xa7: {  	v10 =	vadd.f32 v10, v13;
	v11 =	vmul.f32 v14, v14;
	v12 =	vmul.f32 v15, v15  }
0xa8: {  	v13 =	vsub.f32 v2, v29;
	v14 =	vimm.s32 $0x0;
	v15 =	vimm.s32 $0x0  }
0xa9: {  	v9 =	vmul.f32 v9, v9;
	vm6 =	vlt.f32 v8, v6;
	v11 =	vadd.f32 v12, v11  }
0xaa: {  	v12 =	vsub.f32 v0, v30;
	vm7 =	vlt.f32 v10, v7;
	v14 =	vsel vm6, $0xFFFFFFFF, v14  }
0xab: {  	v13 =	vmul.f32 v13, v13;
	v15 =	vsel vm7, $0xFFFFFFFF, v15;
	[tilespmem:$0x1FC80] =	vst v14;
	v14 =	vsub.f32 v3, v30  }
0xac: {  	v16 =	vmul.f32 v16, v16;
	[tilespmem:$0x1FC90] =	vst v15;
	v15 =	vsub.f32 v4, v31  }
0xad: {  	v9 =	vadd.f32 v13, v9;
	v12 =	vmul.f32 v12, v12;
	v14 =	vmul.f32 v14, v14  }
0xae: {  	v6 =	vsel vm6, v8, v6;
	v13 =	vsub.f32 v3, v33;
	v15 =	vmul.f32 v15, v15  }
0xaf: {  	v7 =	vsel vm7, v10, v7;
	v9 =	vadd.f32 v12, v9;
	v8 =	vadd.f32 v14, v11  }
0xb0: {  	v12 =	vimm.s32 $0x0;
	v10 =	vadd.f32 v16, v15;
	v11 =	vmul.f32 v13, v13  }
0xb1: {  	v13 =	vsub.f32 v2, v32;
	vm8 =	vlt.f32 v9, v7;
	vm0 =	vlt.f32 v8, v6  }
0xb2: {  	v14 =	vimm.s32 $0x0;
	v7 =	vsel vm8, v9, v7;
	v12 =	vsel vm0, $0xFFFFFFFF, v12  }
0xb3: {  	v9 =	vsub.f32 v4, v34;
	v6 =	vsel vm0, v8, v6;
	v8 =	vsel vm8, $0xFFFFFFFF, v14;
	[tilespmem:$0x1FCA0] =	vst v12  }
0xb4: {  	v12 =	vsub.f32 v1, v31;
	[tilespmem:$0x1FCB0] =	vst v8;
	v8 =	vadd.f32 v11, v10  }
0xb5: {  	v14 =	vimm.s32 $0x0;
	v9 =	vmul.f32 v9, v9;
	v10 =	vsub.f32 v0, v33  }
0xb6: {  	v11 =	vmul.f32 v12, v12;
	v12 =	vmul.f32 v13, v13;
	vm9 =	vlt.f32 v8, v6  }
0xb7: {  	v13 =	vsub.f32 v5, v35;
	v10 =	vmul.f32 v10, v10;
	v14 =	vsel vm9, $0xFFFFFFFF, v14  }
0xb8: {  	v6 =	vsel vm9, v8, v6;
	v8 =	vsub.f32 v4, v37;
	v11 =	vadd.f32 v12, v11  }
0xb9: {  	[tilespmem:$0x1FCC0] =	vst v14;
	v12 =	vsub.f32 v3, v36;
	v13 =	vmul.f32 v13, v13;
	v14 =	vsub.f32 v5, v38  }
0xba: {  	v15 =	vsub.f32 v5, v41;
	v8 =	vmul.f32 v8, v8;
	v10 =	vadd.f32 v10, v11  }
0xbb: {  	v9 =	vadd.f32 v13, v9;
	v11 =	vmul.f32 v12, v12;
	v13 =	vmul.f32 v14, v14  }
0xbc: {  	v16 =	vimm.s32 $0x0;
	v12 =	vsub.f32 v3, v39;
	v14 =	vimm.s32 $0x0  }
0xbd: {  	vm10 =	vlt.f32 v10, v7;
	v9 =	vadd.f32 v11, v9;
	v8 =	vadd.f32 v13, v8  }
0xbe: {  	v11 =	vmul.f32 v12, v12;
	v12 =	vsub.f32 v3, v42;
	v14 =	vsel vm10, $0xFFFFFFFF, v14  }
0xbf: {  	v7 =	vsel vm10, v10, v7;
	v10 =	vimm.s32 $0x0;
	[tilespmem:$0x1FCD0] =	vst v14;
	v14 =	vsub.f32 v4, v40  }
0xc0: {  	vm11 =	vlt.f32 v9, v6;
	v8 =	vadd.f32 v11, v8;
	v11 =	vmul.f32 v12, v12  }
0xc1: {  	v12 =	vsub.f32 v5, v44;
	v10 =	vsel vm11, $0xFFFFFFFF, v10;
	v6 =	vsel vm11, v9, v6  }
0xc2: {  	v9 =	vsub.f32 v4, v43;
	v13 =	vmul.f32 v14, v14;
	v14 =	vmul.f32 v15, v15  }
0xc3: {  	vm0 =	vlt.f32 v8, v6;
	v12 =	vmul.f32 v12, v12;
	v15 =	vsub.f32 v2, v35  }
0xc4: {  	[tilespmem:$0x1FCE0] =	vst v10;
	v9 =	vmul.f32 v9, v9;
	v6 =	vsel vm0, v8, v6;
	v10 =	vadd.f32 v14, v13  }
0xc5: {  	v8 =	vsub.f32 v4, v46;
	v13 =	vsub.f32 v1, v34;
	v14 =	vimm.s32 $0x0  }
0xc6: {  	v14 =	vsel vm0, $0xFFFFFFFF, v14;
	v9 =	vadd.f32 v12, v9;
	v10 =	vadd.f32 v11, v10  }
0xc7: {  	v15 =	vmul.f32 v15, v15;
	[tilespmem:$0x1FCF0] =	vst v14;
	v11 =	vsub.f32 v3, v45;
	v14 =	vsub.f32 v5, v47  }
0xc8: {  	v12 =	vsub.f32 v3, v48;
	v8 =	vmul.f32 v8, v8;
	v13 =	vmul.f32 v13, v13  }
0xc9: {  	v11 =	vmul.f32 v11, v11;
	v14 =	vmul.f32 v14, v14;
	vm0 =	vlt.f32 v10, v6  }
0xca: {  	v13 =	vadd.f32 v15, v13;
	v15 =	vimm.s32 $0x0;
	v16 =	vsel vm0, $0xFFFFFFFF, v16  }
0xcb: {  	v6 =	vsel vm0, v10, v6;
	v10 =	vsub.f32 v4, v49;
	v9 =	vadd.f32 v11, v9  }
0xcc: {  	v8 =	vadd.f32 v14, v8;
	v11 =	vmul.f32 v12, v12;
	v12 =	vsub.f32 v5, v50  }
0xcd: {  	v14 =	vimm.s32 $0x0;
	v10 =	vmul.f32 v10, v10;
	vm0 =	vlt.f32 v9, v6  }
0xce: {  	v8 =	vadd.f32 v11, v8;
	v11 =	vsub.f32 v3, v51;
	v12 =	vmul.f32 v12, v12  }
0xcf: {  	v14 =	vsel vm0, $0xFFFFFFFF, v14;
	v6 =	vsel vm0, v9, v6;
	v9 =	vsub.f32 v4, v52  }
0xd0: {  	[tilespmem:$0x1FD10] =	vst v14;
	v14 =	vsub.f32 v5, v53;
	vm0 =	vlt.f32 v8, v6;
	v10 =	vadd.f32 v12, v10  }
0xd1: {  	v11 =	vmul.f32 v11, v11;
	v12 =	vsub.f32 v3, v54;
	v15 =	vsel vm0, $0xFFFFFFFF, v15  }
0xd2: {  	v9 =	vmul.f32 v9, v9;
	v6 =	vsel vm0, v8, v6;
	v8 =	vsub.f32 v4, v55  }
0xd3: {  	[tilespmem:$0x1FD20] =	vst v15;
	v14 =	vmul.f32 v14, v14;
	v15 =	vsub.f32 v5, v56;
	v10 =	vadd.f32 v11, v10  }
0xd4: {  	v11 =	vmul.f32 v12, v12;
	v12 =	vsub.f32 v3, v57;
	v8 =	vmul.f32 v8, v8  }
0xd5: {  	v9 =	vadd.f32 v14, v9;
	v14 =	vmul.f32 v15, v15;
	vm14 =	vlt.f32 v10, v6  }
0xd6: {  	v6 =	vsel vm14, v10, v6;
	v10 =	vmul.f32 v12, v12;
	v12 =	vsub.f32 v4, v58  }
0xd7: {  	v4 =	vsub.f32 v4, v61;
	v9 =	vadd.f32 v11, v9  }
0xd8: {  	v11 =	vsub.f32 v0, v36;
	v8 =	vadd.f32 v14, v8  }
0xd9: {  	v14 =	vsub.f32 v5, v59;
	v5 =	vsub.f32 v5, v62  }
0xda: {  	v12 =	vmul.f32 v12, v12;
	v4 =	vmul.f32 v4, v4;
	vm13 =	vlt.f32 v9, v6  }
0xdb: {  	v8 =	vadd.f32 v10, v8;
	v10 =	vsub.f32 v3, v60;
	v14 =	vmul.f32 v14, v14  }
0xdc: {  	v11 =	vmul.f32 v11, v11;
	v3 =	vsub.f32 v3, v63;
	v5 =	vmul.f32 v5, v5  }
0xdd: {  	v6 =	vsel vm13, v9, v6;
	v9 =	vsub.f32 v1, v37;
	v12 =	vadd.f32 v14, v12  }
0xde: {  	v14 =	vsub.f32 v2, v38;
	v10 =	vmul.f32 v10, v10;
	vm15 =	vlt.f32 v8, v6  }
0xdf: {  	v4 =	vadd.f32 v5, v4;
	v3 =	vmul.f32 v3, v3;
	v9 =	vmul.f32 v9, v9  }
0xe0: {  	v6 =	vsel vm15, v8, v6;
	v8 =	vsub.f32 v2, v41;
	v10 =	vadd.f32 v10, v12  }
0xe1: {  	v12 =	vsub.f32 v0, v39;
	v5 =	vmul.f32 v14, v14;
	v14 =	vsub.f32 v1, v40  }
0xe2: {  	v3 =	vadd.f32 v3, v4;
	v8 =	vmul.f32 v8, v8;
	vm11 =	vlt.f32 v10, v6  }
0xe3: {  	v4 =	vadd.f32 v5, v9;
	v12 =	vmul.f32 v12, v12;
	v6 =	vsel vm11, v10, v6  }
0xe4: {  	v14 =	vmul.f32 v14, v14;
	v9 =	vsub.f32 v1, v43;
	vm10 =	vlt.f32 v3, v6  }
0xe5: {  	v10 =	vadd.f32 v11, v13;
	v11 =	vsub.f32 v2, v44;
	v3 =	vsel vm10, v3, v6  }
0xe6: {  	v4 =	vadd.f32 v12, v4;
	v12 =	vsub.f32 v0, v42;
	v13 =	vshrl.u32 v3, $0x1  }
0xe7: {  	v9 =	vmul.f32 v9, v9;
	v6 =	vadd.f32 v8, v14;
	v8 =	vadd.s32 $0x1FBD1DF6, v13  }
0xe8: {  	v11 =	vmul.f32 v11, v11;
	(erf) = vrcp.f32 v8  }
0xe9: {  	vm9 =	vlt.f32 v10, v7;
	v5 =	vmul.f32 v12, v12;
	v12 =	vsub.f32 v0, v45  }
0xea: {  	v7 =	vsel vm9, v10, v7  }
0xeb: {  	v5 =	vadd.f32 v5, v6;
	v6 =	vadd.f32 v11, v9;
	v14 =	vmul.f32 v12, v12  }
0xec: {  	vm8 =	vlt.f32 v4, v7;
	v13 =	vsub.f32 v2, v47;
	v12 =	vsub.f32 v1, v46  }
0xed: {  	v4 =	vsel vm8, v4, v7;
	v7 =	vsub.f32 v0, v51;
	v6 =	vadd.f32 v14, v6  }
0xee: {  	vm7 =	vlt.f32 v5, v4;
	v14 =	vmul.f32 v13, v13;
	v13 =	vsub.f32 v2, v50  }
0xef: {  	v4 =	vsel vm7, v5, v4;
	v5 =	vmul.f32 v12, v12;
	v12 =	vsub.f32 v1, v49  }
0xf0: {  	vm6 =	vlt.f32 v6, v4;
	v10 =	vmul.f32 v13, v13;
	v13 =	vsub.f32 v2, v53  }
0xf1: {  	v4 =	vsel vm6, v6, v4;
	v9 =	vmul.f32 v12, v12;
	v12 =	vsub.f32 v1, v52;
	v11 =	vpop (erf)  }
0xf2: {  	v6 =	vsub.f32 v0, v48;
	v5 =	vadd.f32 v14, v5;
	v11 =	vmul.f32 v11, v3  }
0xf3: {  	v13 =	vmul.f32 v13, v13;
	v9 =	vadd.f32 v10, v9;
	v12 =	vmul.f32 v12, v12  }
0xf4: {  	v7 =	vmul.f32 v7, v7;
	v10 =	vsub.f32 v0, v54;
	v8 =	vadd.f32 v8, v11  }
0xf5: {  	v14 =	vsub.f32 v2, v56;
	v6 =	vmul.f32 v6, v6;
	v12 =	vadd.f32 v13, v12  }
0xf6: {  	v10 =	vmul.f32 v10, v10;
	v13 =	vsub.f32 v0, v57;
	v8 =	vmul.f32 $5.000000000e-01, v8  }
0xf7: {  	v14 =	vmul.f32 v14, v14;
	v5 =	vadd.f32 v6, v5;
	v11 =	vsub.f32 v1, v55  }
0xf8: {  	v6 =	vadd.f32 v7, v9;
	v7 =	vadd.f32 v10, v12;
	(erf) = vrcp.f32 v8  }
0xf9: {  	v10 =	vmul.f32 v13, v13;
	vm5 =	vlt.f32 v5, v4;
	v11 =	vmul.f32 v11, v11  }
0xfa: {  	v12 =	vsub.f32 v2, v59;
	v2 =	vsub.f32 v2, v62;
	v4 =	vsel vm5, v5, v4  }
0xfb: {  	vm4 =	vlt.f32 v6, v4;
	v9 =	vadd.f32 v14, v11;
	v11 =	vsub.f32 v1, v58  }
0xfc: {  	v12 =	vmul.f32 v12, v12;
	v4 =	vsel vm4, v6, v4;
	v1 =	vsub.f32 v1, v61  }
0xfd: {  	v5 =	vadd.f32 v10, v9;
	v9 =	vsub.f32 v0, v60;
	v14 =	vmul.f32 v11, v11  }
0xfe: {  	v2 =	vmul.f32 v2, v2;
	vm3 =	vlt.f32 v7, v4;
	v1 =	vmul.f32 v1, v1  }
0xff: {  	v0 =	vsub.f32 v0, v63;
	v13 =	vadd.f32 v12, v14;
	v9 =	vmul.f32 v9, v9  }
0x100: {  	v4 =	vsel vm3, v7, v4;
	v1 =	vadd.f32 v2, v1  }
0x101: {  	v0 =	vmul.f32 v0, v0;
	vm2 =	vlt.f32 v5, v4;
	v6 =	vadd.f32 v9, v13;
	v14 =	vpop (erf)  }
0x102: {  	v4 =	vsel vm2, v5, v4;
	v2 =	vmul.f32 v14, v3  }
0x103: {  	v0 =	vadd.f32 v0, v1;
	vm0 =	vlt.f32 v6, v4  }
0x104: {  	v9 =	vsel vm0, v6, v4;
	v2 =	vadd.f32 v2, v8  }
0x105: {  	vm1 =	vlt.f32 v0, v9  }
0x106: {  	v0 =	vsel vm1, v0, v9;
	v1 =	vmul.f32 $5.000000000e-01, v2  }
0x107: {  	v10 =	vshrl.u32 v0, $0x1  }
0x108: {  	v2 =	vadd.s32 $0x1FBD1DF6, v10;
	(erf) = vrcp.f32 v1  }
0x109: {  	(erf) = vrcp.f32 v2;
	_ =	sdelay $0x7  }
0x10a: {  	v4 =	vpop (erf)  }
0x10b: {  	v11 =	vpop (erf)  }
0x10c: {  	v5 =	vmul.f32 v11, v0;
	_ =	sdelay $0x1  }
0x10d: {  	v2 =	vadd.f32 v2, v5;
	_ =	sdelay $0x1  }
0x10e: {  	v2 =	vmul.f32 $5.000000000e-01, v2;
	_ =	sdelay $0x1  }
0x10f: {  	(erf) = vrcp.f32 v2;
	_ =	sdelay $0x8  }
0x110: {  	v13 =	vld [tilespmem:$0x1FC60];
	v12 =	vpop (erf)  }
0x111: {  	v14 =	vld [tilespmem:$0x1FC70];
	v5 =	vmul.f32 v12, v0  }
0x112: {  	v9 =	vld [tilespmem:$0x1FC80]  }
0x113: {  	v10 =	vld [tilespmem:$0x1FC90];
	v2 =	vadd.f32 v5, v2  }
0x114: {  	v11 =	vld [tilespmem:$0x1FCA0]  }
0x115: {  	vm12 =	vnez.u8 v13;
	v12 =	vld [tilespmem:$0x1FCB0];
	v2 =	vmul.f32 $5.000000000e-01, v2  }
0x116: {  	v13 =	vld [tilespmem:$0x1FCC0];
	v5 =	vsel vm12, $0x1, v17;
	vm12 =	vnez.u8 v14  }
0x117: {  	v14 =	vld [tilespmem:$0x1FCD0];
	v6 =	vsel vm12, $0x1, v17;
	vm12 =	vnez.u8 v9;
	(erf) = vrcp.f32 v2  }
0x118: {  	v9 =	vld [tilespmem:$0x1FCE0];
	v5 =	vsel vm12, $0x2, v5;
	vm12 =	vnez.u8 v10  }
0x119: {  	[tilespmem:$0x1FD00] =	vst v16;
	v10 =	vld [tilespmem:$0x1FCF0];
	v6 =	vsel vm12, $0x2, v6;
	vm12 =	vnez.u8 v11  }
0x11a: {  	v11 =	vld [tilespmem:$0x1FD00];
	v5 =	vsel vm12, $0x3, v5;
	vm12 =	vnez.u8 v12  }
0x11b: {  	v6 =	vsel vm12, $0x3, v6;
	vm12 =	vnez.u8 v13  }
0x11c: {  	v3 =	vmul.f32 v4, v3;
	v13 =	vld [tilespmem:$0x1FD10];
	v5 =	vsel vm12, $0x4, v5;
	vm12 =	vnez.u8 v14  }
0x11d: {  	v6 =	vsel vm12, $0x4, v6;
	vm12 =	vnez.u8 v9;
	v9 =	vld [tilespmem:$0x1FD20]  }
0x11e: {  	v1 =	vadd.f32 v3, v1;
	v5 =	vsel vm12, $0x5, v5;
	vm12 =	vnez.u8 v10  }
0x11f: {  	v6 =	vsel vm9, $0x5, v6;
	v5 =	vsel vm12, $0x6, v5;
	vm12 =	vnez.u8 v11  }
0x120: {  	v1 =	vmul.f32 $5.000000000e-01, v1;
	v6 =	vsel vm8, $0x6, v6;
	v5 =	vsel vm12, $0x7, v5;
	v12 =	vpop (erf)  }
0x121: {  	v6 =	vsel vm7, $0x7, v6;
	vm9 =	vnez.u8 v13;
	v0 =	vmul.f32 v12, v0  }
0x122: {  	v13 =	vor.u32 s9, v22;
	v5 =	vsel vm9, $0x8, v5;
	vm12 =	vnez.u8 v9  }
0x123: {  	s15 =	sadd.s32 $0x10, s9;
	v14 =	vsel vm6, $0x8, v6;
	v5 =	vsel vm12, $0x9, v5;
	v0 =	vadd.f32 v0, v2  }
0x124: {  	v10 =	vsel vm5, $0x9, v14;
	v14 =	vor.u32 s15, v22;
	v11 =	vsel vm14, $0xA, v5  }
0x125: {  	v12 =	vsel vm4, $0xA, v10;
	v4 =	vsel vm13, $0xB, v11;
	v0 =	vmul.f32 $5.000000000e-01, v0  }
0x126: {  	v1 =	vmul.f32 $1.666666630e+00, v1;
	v2 =	vsel vm3, $0xB, v12;
	v4 =	vsel vm15, $0xC, v4  }
0x127: {  	p1 =	sne.s32 s9, $0x60;
	v2 =	vsel vm2, $0xC, v2;
	v4 =	vsel vm11, $0xD, v4;
	v0 =	vmul.f32 $1.666666630e+00, v0  }
.Ltmp0:
0x128: {  	v1 =	vsub.f32 $1.000000000e+00, v1;
	v2 =	vsel vm0, $0xD, v2;
	v4 =	vsel vm10, $0xE, v4;
	(pc) =	sbr.rel @p1 .LBB2_3-.Ltmp0, $4  }
0x129: {  	v2 =	vsel vm1, $0xE, v2;
	[tilespmem:v13+s31+$0x0] =	vst.idx.msk $0xffff, v4;
	v0 =	vsub.f32 $1.000000000e+00, v0  }
0x12a: {  	v1 =	vmax.f32 v1, $0.0e+00;
	[tilespmem:v14+s31+$0x0] =	vst.idx.msk $0xffff, v2  }
0x12b: {  	[tilespmem:v13+s2+$0x0] =	vst.idx.msk $0xffff, v1;
	v0 =	vmax.f32 v0, $0.0e+00  }
0x12c: {  	s11 =	sadd.s32 $0x4, s11;
	s10 =	sadd.s32 $0x20, s10;
	s9 =	sadd.s32 $0x20, s9;
	[tilespmem:v14+s2+$0x0] =	vst.idx.msk $0xffff, v0  }
0x12d: {  	p1 =	slt.u32 s8, $0x2  }
0x12e: {  	s9 =	simm.s32 @!p1 $0x3  }
0x12f: {  	_ =	swait.ge @!p1 [sflag:s9], $0x200  }
0x130: {  	[sflag:s9] =	ssyncset.done @!p1 $0x0  }
0x131: {  	[sflag:s9] =	ssyncadd.s32 @!p1 $0xFFFFFE00  }
0x132: {  	_ =	swait.ge [sflag:s23], $0x3C0  }
0x133: {  	[sflag:s23] =	ssyncset.done $0x0  }
0x134: {  	s14 =	sand.u32 $0x1, s8;
	[sflag:s23] =	ssyncadd.s32 $0xFFFFFC40  }
0x135: {  	s15 =	sshll.u32 s14, $0xE;
	_ =	swait.ge [sflag:s24], $0x4000  }
0x136: {  	s10 =	sor.u32 $0xB268, s15;
	[sflag:s24] =	ssyncset.done $0x0  }
0x137: {  	s8 =	sshll.u32 s14, $0x9;
	v47 =	vmov s10;
	s9 =	simm.s32 $0x0;
	[sflag:s24] =	ssyncadd.s32 $0xFFFFC000  }
.LBB2_5:
0x138: {  	s10 =	sshll.u32 s9, $0x5  }
0x139: {  	v0 =	vld [tilespmem:s10+$0x13A68];
	_ =	sdelay $0x4  }
0x13a: {  	(v2sf) =	vpush v0, $0x0;
	_ =	sdelay $0xe  }
0x13b: {  	s14 =	spop (v2sf);
	(v2sf) =	vpush v0, $0x1;
	_ =	sdelay $0x9  }
0x13c: {  	s11 =	smul.u32 $0x3C0, s9;
	_ =	sdelay $0x1  }
0x13d: {  	v49 =	vld [tilespmem:s10+$0x13A78];
	s11 =	sshra.s32 s11, $0x2;
	s15 =	sshll.u32 s14, $0x6  }
0x13e: {  	v50 =	vld [tilespmem:s10+$0x13AE8];
	s11 =	sadd.s32 $0x13268, s11;
	s15 =	sshra.s32 s15, $0x2  }
0x13f: {  	v48 =	vld [tilespmem:s10+$0x13AF8];
	s10 =	sadd.s32 s15, s11;
	s15 =	sshll.u32 s9, $0xC  }
0x140: {  	s14 =	sshll.u32 s14, $0x9;
	v3 =	vld [tilespmem:s10+$0x0];
	s10 =	sand.u32 $0x3FFFF000, s15;
	s15 =	spop (v2sf);
	(v2sf) =	vpush v0, $0x2  }
0x141: {  	s14 =	sshra.s32 s14, $0x2  }
0x142: {  	v1 =	vld [tilespmem:s14+$0x7E68]  }
0x143: {  	v4 =	vld [tilespmem:s14+$0x7E78]  }
0x144: {  	v5 =	vld [tilespmem:s14+$0x7E88]  }
0x145: {  	v6 =	vld [tilespmem:s14+$0x7E98]  }
0x146: {  	v8 =	vld [tilespmem:s14+$0x7EA8]  }
0x147: {  	v17 =	vld [tilespmem:s14+$0x7EB8]  }
0x148: {  	v21 =	vld [tilespmem:s14+$0x7EC8]  }
0x149: {  	v23 =	vld [tilespmem:s14+$0x7ED8];
	s14 =	sshll.u32 s15, $0x6  }
0x14a: {  	s14 =	sshra.s32 s14, $0x2  }
0x14b: {  	s15 =	sshll.u32 s15, $0x9;
	s14 =	sadd.s32 s14, s11  }
0x14c: {  	v2 =	vld [tilespmem:s14+$0x0];
	s14 =	sshra.s32 s15, $0x2  }
0x14d: {  	v7 =	vld [tilespmem:s14+$0x7E68]  }
0x14e: {  	v9 =	vld [tilespmem:s14+$0x7E78]  }
0x14f: {  	v10 =	vld [tilespmem:s14+$0x7E88];
	s15 =	spop (v2sf);
	(v2sf) =	vpush v0, $0x3  }
0x150: {  	v11 =	vld [tilespmem:s14+$0x7E98]  }
0x151: {  	v14 =	vld [tilespmem:s14+$0x7EA8]  }
0x152: {  	v32 =	vld [tilespmem:s14+$0x7EB8]  }
0x153: {  	v37 =	vld [tilespmem:s14+$0x7EC8]  }
0x154: {  	v39 =	vld [tilespmem:s14+$0x7ED8];
	s14 =	sshll.u32 s15, $0x6  }
0x155: {  	s14 =	sshra.s32 s14, $0x2  }
0x156: {  	v63 =	vld.idx.msk [tilespmem:v47+s10+$0x1C0 ss:$0x1], $0xffff;
	s15 =	sshll.u32 s15, $0x9;
	s14 =	sadd.s32 s14, s11  }
0x157: {  	v15 =	vld [tilespmem:s14+$0x0];
	s14 =	sshra.s32 s15, $0x2  }
0x158: {  	v27 =	vld [tilespmem:s14+$0x7E68]  }
0x159: {  	v29 =	vld [tilespmem:s14+$0x7E78]  }
0x15a: {  	v31 =	vld [tilespmem:s14+$0x7E88]  }
0x15b: {  	v34 =	vld [tilespmem:s14+$0x7E98]  }
0x15c: {  	v35 =	vld [tilespmem:s14+$0x7EA8]  }
0x15d: {  	v46 =	vld [tilespmem:s14+$0x7EB8]  }
0x15e: {  	v55 =	vld [tilespmem:s14+$0x7EC8];
	s15 =	spop (v2sf)  }
0x15f: {  	v56 =	vld [tilespmem:s14+$0x7ED8];
	s14 =	sshll.u32 s15, $0x6  }
0x160: {  	s14 =	sshra.s32 s14, $0x2  }
0x161: {  	s15 =	sshll.u32 s15, $0x9;
	s14 =	sadd.s32 s14, s11  }
0x162: {  	v33 =	vld [tilespmem:s14+$0x0];
	s14 =	sshra.s32 s15, $0x2  }
0x163: {  	[tilespmem:$0x1E730] =	vst v63;
	v63 =	vld [tilespmem:s14+$0x7EA8];
	_ =	sdelay $0x4  }
0x164: {  	[tilespmem:$0x1E710] =	vst v63;
	v63 =	vld [tilespmem:s14+$0x7EB8];
	_ =	sdelay $0x4  }
0x165: {  	[tilespmem:$0x1E720] =	vst v63;
	v63 =	vld [tilespmem:s14+$0x7EC8];
	_ =	sdelay $0x4  }
0x166: {  	[tilespmem:$0x1E740] =	vst v63;
	v63 =	vld [tilespmem:s14+$0x7ED8]  }
0x167: {  	(v2sf) =	vpush v0, $0x4;
	_ =	sdelay $0x3  }
0x168: {  	[tilespmem:$0x1E780] =	vst v63;
	v63 =	vld.idx.msk [tilespmem:v47+s10+$0x1D0 ss:$0x1], $0xffff;
	_ =	sdelay $0x4  }
0x169: {  	[tilespmem:$0x1E750] =	vst v63;
	v63 =	vld.idx.msk [tilespmem:v47+s10+$0x1E0 ss:$0x1], $0xffff  }
0x16a: {  	v54 =	vld.idx.msk [tilespmem:v47+s10+$0x1A0 ss:$0x1], $0xffff  }
0x16b: {  	v57 =	vld.idx.msk [tilespmem:v47+s10+$0x1B0 ss:$0x1], $0xffff  }
0x16c: {  	v43 =	vld [tilespmem:s14+$0x7E68]  }
0x16d: {  	v51 =	vld [tilespmem:s14+$0x7E78]  }
0x16e: {  	[tilespmem:$0x1E770] =	vst v63;
	v63 =	vld.idx.msk [tilespmem:v47+s10+$0x1F0 ss:$0x1], $0xffff  }
0x16f: {  	[tilespmem:$0x1E6F0] =	vst v54;
	v54 =	vld [tilespmem:s14+$0x7E88];
	s15 =	spop (v2sf)  }
0x170: {  	[tilespmem:$0x1E700] =	vst v57;
	v57 =	vld [tilespmem:s14+$0x7E98];
	s14 =	sshll.u32 s15, $0x6  }
0x171: {  	s14 =	sshra.s32 s14, $0x2  }
0x172: {  	s14 =	sadd.s32 s14, s11  }
0x173: {  	[tilespmem:$0x1E7B0] =	vst v63;
	v63 =	vld [tilespmem:s14+$0x0];
	_ =	sdelay $0x4  }
0x174: {  	[tilespmem:$0x1E760] =	vst v63;
	v63 =	vld.idx.msk [tilespmem:v47+s10+$0x200 ss:$0x1], $0xffff;
	_ =	sdelay $0x2  }
0x175: {  	s15 =	sshll.u32 s15, $0x9  }
0x176: {  	s14 =	sshra.s32 s15, $0x2  }
0x177: {  	[tilespmem:$0x1E7D0] =	vst v63;
	v63 =	vld [tilespmem:s14+$0x7E68];
	_ =	sdelay $0x4  }
0x178: {  	[tilespmem:$0x1E790] =	vst v63;
	v63 =	vld.idx.msk [tilespmem:v47+s10+$0x210 ss:$0x1], $0xffff;
	_ =	sdelay $0x4  }
0x179: {  	[tilespmem:$0x1E7E0] =	vst v63;
	v63 =	vld [tilespmem:s14+$0x7E78];
	_ =	sdelay $0x4  }
0x17a: {  	[tilespmem:$0x1E7A0] =	vst v63;
	v63 =	vld.idx.msk [tilespmem:v47+s10+$0x220 ss:$0x1], $0xffff;
	_ =	sdelay $0x4  }
0x17b: {  	[tilespmem:$0x1E7F0] =	vst v63;
	v63 =	vld [tilespmem:s14+$0x7E88];
	_ =	sdelay $0x4  }
0x17c: {  	[tilespmem:$0x1E7C0] =	vst v63;
	v63 =	vld.idx.msk [tilespmem:v47+s10+$0x230 ss:$0x1], $0xffff;
	_ =	sdelay $0x4  }
0x17d: {  	[tilespmem:$0x1E820] =	vst v63;
	v63 =	vld [tilespmem:s14+$0x7E98];
	_ =	sdelay $0x4  }
0x17e: {  	[tilespmem:$0x1E800] =	vst v63;
	v63 =	vld.idx.msk [tilespmem:v47+s10+$0x240 ss:$0x1], $0xffff;
	_ =	sdelay $0x4  }
0x17f: {  	[tilespmem:$0x1E840] =	vst v63;
	v63 =	vld [tilespmem:s14+$0x7EA8];
	_ =	sdelay $0x4  }
0x180: {  	[tilespmem:$0x1E810] =	vst v63;
	v63 =	vld [tilespmem:s14+$0x7EB8];
	_ =	sdelay $0x4  }
0x181: {  	[tilespmem:$0x1E830] =	vst v63;
	v63 =	vld [tilespmem:s14+$0x7EC8];
	_ =	sdelay $0x4  }
0x182: {  	[tilespmem:$0x1E870] =	vst v63;
	v63 =	vld [tilespmem:s14+$0x7ED8]  }
0x183: {  	(v2sf) =	vpush v0, $0x5;
	_ =	sdelay $0x3  }
0x184: {  	[tilespmem:$0x1E880] =	vst v63;
	v63 =	vld.idx.msk [tilespmem:v47+s10+$0x250 ss:$0x1], $0xffff;
	_ =	sdelay $0x4  }
0x185: {  	[tilespmem:$0x1E860] =	vst v63;
	v63 =	vld.idx.msk [tilespmem:v47+s10+$0x260 ss:$0x1], $0xffff;
	_ =	sdelay $0x4  }
0x186: {  	[tilespmem:$0x1E8A0] =	vst v63;
	v63 =	vld.idx.msk [tilespmem:v47+s10+$0x270 ss:$0x1], $0xffff  }
0x187: {  	s15 =	spop (v2sf)  }
0x188: {  	s14 =	sshll.u32 s15, $0x6  }
0x189: {  	s14 =	sshra.s32 s14, $0x2  }
0x18a: {  	s14 =	sadd.s32 s14, s11  }
0x18b: {  	[tilespmem:$0x1E8C0] =	vst v63;
	v63 =	vld [tilespmem:s14+$0x0];
	_ =	sdelay $0x4  }
0x18c: {  	[tilespmem:$0x1E850] =	vst v63;
	v63 =	vld.idx.msk [tilespmem:v47+s10+$0x280 ss:$0x1], $0xffff;
	_ =	sdelay $0x2  }
0x18d: {  	s15 =	sshll.u32 s15, $0x9  }
0x18e: {  	s14 =	sshra.s32 s15, $0x2  }
0x18f: {  	[tilespmem:$0x1E8D0] =	vst v63;
	v63 =	vld [tilespmem:s14+$0x7E68];
	_ =	sdelay $0x4  }
0x190: {  	[tilespmem:$0x1E890] =	vst v63;
	v63 =	vld.idx.msk [tilespmem:v47+s10+$0x290 ss:$0x1], $0xffff;
	_ =	sdelay $0x4  }
0x191: {  	[tilespmem:$0x1E8E0] =	vst v63;
	v63 =	vld [tilespmem:s14+$0x7E78];
	_ =	sdelay $0x4  }
0x192: {  	[tilespmem:$0x1E8B0] =	vst v63;
	v63 =	vld.idx.msk [tilespmem:v47+s10+$0x2A0 ss:$0x1], $0xffff;
	_ =	sdelay $0x4  }
0x193: {  	[tilespmem:$0x1E920] =	vst v63;
	v63 =	vld [tilespmem:s14+$0x7E88];
	_ =	sdelay $0x4  }
0x194: {  	[tilespmem:$0x1E8F0] =	vst v63;
	v63 =	vld.idx.msk [tilespmem:v47+s10+$0x2B0 ss:$0x1], $0xffff;
	_ =	sdelay $0x4  }
0x195: {  	[tilespmem:$0x1E930] =	vst v63;
	v63 =	vld [tilespmem:s14+$0x7E98];
	_ =	sdelay $0x4  }
0x196: {  	[tilespmem:$0x1E900] =	vst v63;
	v63 =	vld.idx.msk [tilespmem:v47+s10+$0x2C0 ss:$0x1], $0xffff;
	_ =	sdelay $0x4  }
0x197: {  	[tilespmem:$0x1E940] =	vst v63;
	v63 =	vld [tilespmem:s14+$0x7EA8];
	_ =	sdelay $0x4  }
0x198: {  	[tilespmem:$0x1E910] =	vst v63;
	v63 =	vld [tilespmem:s14+$0x7EB8];
	_ =	sdelay $0x4  }
0x199: {  	[tilespmem:$0x1E960] =	vst v63;
	v63 =	vld [tilespmem:s14+$0x7EC8];
	_ =	sdelay $0x4  }
0x19a: {  	[tilespmem:$0x1E970] =	vst v63;
	v63 =	vld [tilespmem:s14+$0x7ED8]  }
0x19b: {  	(v2sf) =	vpush v0, $0x6;
	_ =	sdelay $0x3  }
0x19c: {  	[tilespmem:$0x1E980] =	vst v63;
	v63 =	vld.idx.msk [tilespmem:v47+s10+$0x2D0 ss:$0x1], $0xffff;
	_ =	sdelay $0x4  }
0x19d: {  	[tilespmem:$0x1E990] =	vst v63;
	v63 =	vld.idx.msk [tilespmem:v47+s10+$0x2E0 ss:$0x1], $0xffff;
	_ =	sdelay $0x4  }
0x19e: {  	[tilespmem:$0x1E9B0] =	vst v63;
	v63 =	vld.idx.msk [tilespmem:v47+s10+$0x2F0 ss:$0x1], $0xffff  }
0x19f: {  	s15 =	spop (v2sf)  }
0x1a0: {  	s14 =	sshll.u32 s15, $0x6  }
0x1a1: {  	s14 =	sshra.s32 s14, $0x2  }
0x1a2: {  	s14 =	sadd.s32 s14, s11  }
0x1a3: {  	[tilespmem:$0x1E9C0] =	vst v63;
	v63 =	vld [tilespmem:s14+$0x0];
	_ =	sdelay $0x4  }
0x1a4: {  	[tilespmem:$0x1E950] =	vst v63;
	v63 =	vld.idx.msk [tilespmem:v47+s10+$0x300 ss:$0x1], $0xffff;
	_ =	sdelay $0x2  }
0x1a5: {  	s15 =	sshll.u32 s15, $0x9  }
0x1a6: {  	s14 =	sshra.s32 s15, $0x2  }
0x1a7: {  	[tilespmem:$0x1E9D0] =	vst v63;
	v63 =	vld [tilespmem:s14+$0x7E68];
	_ =	sdelay $0x4  }
0x1a8: {  	[tilespmem:$0x1E9A0] =	vst v63;
	v63 =	vld.idx.msk [tilespmem:v47+s10+$0x310 ss:$0x1], $0xffff;
	_ =	sdelay $0x4  }
0x1a9: {  	[tilespmem:$0x1EA10] =	vst v63;
	v63 =	vld [tilespmem:s14+$0x7E78];
	_ =	sdelay $0x4  }
0x1aa: {  	[tilespmem:$0x1E9E0] =	vst v63;
	v63 =	vld.idx.msk [tilespmem:v47+s10+$0x320 ss:$0x1], $0xffff;
	_ =	sdelay $0x4  }
0x1ab: {  	[tilespmem:$0x1EA30] =	vst v63;
	v63 =	vld [tilespmem:s14+$0x7E88];
	_ =	sdelay $0x4  }
0x1ac: {  	[tilespmem:$0x1E9F0] =	vst v63;
	v63 =	vld.idx.msk [tilespmem:v47+s10+$0x330 ss:$0x1], $0xffff;
	_ =	sdelay $0x4  }
0x1ad: {  	[tilespmem:$0x1EA40] =	vst v63;
	v63 =	vld [tilespmem:s14+$0x7E98];
	_ =	sdelay $0x4  }
0x1ae: {  	[tilespmem:$0x1EA00] =	vst v63;
	v63 =	vld.idx.msk [tilespmem:v47+s10+$0x340 ss:$0x1], $0xffff;
	_ =	sdelay $0x4  }
0x1af: {  	[tilespmem:$0x1EA50] =	vst v63;
	v63 =	vld [tilespmem:s14+$0x7EA8];
	_ =	sdelay $0x4  }
0x1b0: {  	[tilespmem:$0x1EA20] =	vst v63;
	v63 =	vld [tilespmem:s14+$0x7EB8];
	_ =	sdelay $0x4  }
0x1b1: {  	[tilespmem:$0x1EA60] =	vst v63;
	v63 =	vld [tilespmem:s14+$0x7EC8];
	_ =	sdelay $0x4  }
0x1b2: {  	[tilespmem:$0x1EA70] =	vst v63;
	v63 =	vld [tilespmem:s14+$0x7ED8]  }
0x1b3: {  	(v2sf) =	vpush v0, $0x7;
	_ =	sdelay $0x3  }
0x1b4: {  	[tilespmem:$0x1EA80] =	vst v63;
	v63 =	vld.idx.msk [tilespmem:v47+s10+$0x350 ss:$0x1], $0xffff;
	_ =	sdelay $0x4  }
0x1b5: {  	[tilespmem:$0x1EAA0] =	vst v63;
	v63 =	vld.idx.msk [tilespmem:v47+s10+$0x360 ss:$0x1], $0xffff;
	_ =	sdelay $0x4  }
0x1b6: {  	[tilespmem:$0x1EAB0] =	vst v63;
	v63 =	vld.idx.msk [tilespmem:v47+s10+$0x370 ss:$0x1], $0xffff  }
0x1b7: {  	s15 =	spop (v2sf)  }
0x1b8: {  	s14 =	sshll.u32 s15, $0x6  }
0x1b9: {  	s14 =	sshra.s32 s14, $0x2  }
0x1ba: {  	s14 =	sadd.s32 s14, s11  }
0x1bb: {  	[tilespmem:$0x1EAC0] =	vst v63;
	v63 =	vld [tilespmem:s14+$0x0];
	_ =	sdelay $0x4  }
0x1bc: {  	[tilespmem:$0x1EA90] =	vst v63;
	v63 =	vld.idx.msk [tilespmem:v47+s10+$0x380 ss:$0x1], $0xffff;
	_ =	sdelay $0x2  }
0x1bd: {  	s15 =	sshll.u32 s15, $0x9  }
0x1be: {  	s14 =	sshra.s32 s15, $0x2  }
0x1bf: {  	[tilespmem:$0x1EB00] =	vst v63;
	v63 =	vld [tilespmem:s14+$0x7E68];
	_ =	sdelay $0x4  }
0x1c0: {  	[tilespmem:$0x1EAD0] =	vst v63;
	v63 =	vld.idx.msk [tilespmem:v47+s10+$0x390 ss:$0x1], $0xffff;
	_ =	sdelay $0x4  }
0x1c1: {  	[tilespmem:$0x1EB20] =	vst v63;
	v63 =	vld [tilespmem:s14+$0x7E78];
	_ =	sdelay $0x4  }
0x1c2: {  	[tilespmem:$0x1EAE0] =	vst v63;
	v63 =	vld.idx.msk [tilespmem:v47+s10+$0x3A0 ss:$0x1], $0xffff;
	_ =	sdelay $0x4  }
0x1c3: {  	[tilespmem:$0x1EB30] =	vst v63;
	v63 =	vld [tilespmem:s14+$0x7E88];
	_ =	sdelay $0x4  }
0x1c4: {  	[tilespmem:$0x1EAF0] =	vst v63;
	v63 =	vld.idx.msk [tilespmem:v47+s10+$0x3B0 ss:$0x1], $0xffff;
	_ =	sdelay $0x4  }
0x1c5: {  	[tilespmem:$0x1EB40] =	vst v63;
	v63 =	vld [tilespmem:s14+$0x7E98];
	_ =	sdelay $0x4  }
0x1c6: {  	[tilespmem:$0x1EB10] =	vst v63;
	v63 =	vld.idx.msk [tilespmem:v47+s10+$0x3C0 ss:$0x1], $0xffff;
	_ =	sdelay $0x4  }
0x1c7: {  	[tilespmem:$0x1EB70] =	vst v63;
	v63 =	vld [tilespmem:s14+$0x7EA8];
	_ =	sdelay $0x4  }
0x1c8: {  	[tilespmem:$0x1EB50] =	vst v63;
	v63 =	vld [tilespmem:s14+$0x7EB8];
	_ =	sdelay $0x4  }
0x1c9: {  	[tilespmem:$0x1EB60] =	vst v63;
	v63 =	vld [tilespmem:s14+$0x7EC8];
	_ =	sdelay $0x4  }
0x1ca: {  	[tilespmem:$0x1EB80] =	vst v63;
	v63 =	vld [tilespmem:s14+$0x7ED8]  }
0x1cb: {  	(v2sf) =	vpush v0, $0x8;
	_ =	sdelay $0x3  }
0x1cc: {  	[tilespmem:$0x1EBC0] =	vst v63;
	v63 =	vld.idx.msk [tilespmem:v47+s10+$0x3D0 ss:$0x1], $0xffff;
	_ =	sdelay $0x4  }
0x1cd: {  	[tilespmem:$0x1EB90] =	vst v63;
	v63 =	vld.idx.msk [tilespmem:v47+s10+$0x3E0 ss:$0x1], $0xffff;
	_ =	sdelay $0x4  }
0x1ce: {  	[tilespmem:$0x1EBB0] =	vst v63;
	v63 =	vld.idx.msk [tilespmem:v47+s10+$0x3F0 ss:$0x1], $0xffff  }
0x1cf: {  	s15 =	spop (v2sf)  }
0x1d0: {  	s14 =	sshll.u32 s15, $0x6  }
0x1d1: {  	s14 =	sshra.s32 s14, $0x2  }
0x1d2: {  	s14 =	sadd.s32 s14, s11  }
0x1d3: {  	[tilespmem:$0x1EBF0] =	vst v63;
	v63 =	vld [tilespmem:s14+$0x0];
	_ =	sdelay $0x4  }
0x1d4: {  	[tilespmem:$0x1EBA0] =	vst v63;
	v63 =	vld.idx.msk [tilespmem:v47+s10+$0x400 ss:$0x1], $0xffff;
	_ =	sdelay $0x2  }
0x1d5: {  	s15 =	sshll.u32 s15, $0x9  }
0x1d6: {  	s14 =	sshra.s32 s15, $0x2  }
0x1d7: {  	[tilespmem:$0x1EC10] =	vst v63;
	v63 =	vld [tilespmem:s14+$0x7E68];
	_ =	sdelay $0x4  }
0x1d8: {  	[tilespmem:$0x1EBD0] =	vst v63;
	v63 =	vld.idx.msk [tilespmem:v47+s10+$0x410 ss:$0x1], $0xffff;
	_ =	sdelay $0x4  }
0x1d9: {  	[tilespmem:$0x1EC20] =	vst v63;
	v63 =	vld [tilespmem:s14+$0x7E78];
	_ =	sdelay $0x4  }
0x1da: {  	[tilespmem:$0x1EBE0] =	vst v63;
	v63 =	vld.idx.msk [tilespmem:v47+s10+$0x420 ss:$0x1], $0xffff;
	_ =	sdelay $0x4  }
0x1db: {  	[tilespmem:$0x1EC30] =	vst v63;
	v63 =	vld [tilespmem:s14+$0x7E88];
	_ =	sdelay $0x4  }
0x1dc: {  	[tilespmem:$0x1EC00] =	vst v63;
	v63 =	vld.idx.msk [tilespmem:v47+s10+$0x430 ss:$0x1], $0xffff;
	_ =	sdelay $0x4  }
0x1dd: {  	[tilespmem:$0x1EC60] =	vst v63;
	v63 =	vld [tilespmem:s14+$0x7E98];
	_ =	sdelay $0x4  }
0x1de: {  	[tilespmem:$0x1EC40] =	vst v63;
	v63 =	vld.idx.msk [tilespmem:v47+s10+$0x440 ss:$0x1], $0xffff;
	_ =	sdelay $0x4  }
0x1df: {  	[tilespmem:$0x1EC80] =	vst v63;
	v63 =	vld [tilespmem:s14+$0x7EA8];
	_ =	sdelay $0x4  }
0x1e0: {  	[tilespmem:$0x1EC50] =	vst v63;
	v63 =	vld [tilespmem:s14+$0x7EB8];
	_ =	sdelay $0x4  }
0x1e1: {  	[tilespmem:$0x1EC70] =	vst v63;
	v63 =	vld [tilespmem:s14+$0x7EC8];
	_ =	sdelay $0x4  }
0x1e2: {  	[tilespmem:$0x1ECB0] =	vst v63;
	v63 =	vld [tilespmem:s14+$0x7ED8]  }
0x1e3: {  	(v2sf) =	vpush v0, $0x9;
	_ =	sdelay $0x3  }
0x1e4: {  	[tilespmem:$0x1ECC0] =	vst v63;
	v63 =	vld.idx.msk [tilespmem:v47+s10+$0x450 ss:$0x1], $0xffff;
	_ =	sdelay $0x4  }
0x1e5: {  	[tilespmem:$0x1ECA0] =	vst v63;
	v63 =	vld.idx.msk [tilespmem:v47+s10+$0x460 ss:$0x1], $0xffff;
	_ =	sdelay $0x4  }
0x1e6: {  	[tilespmem:$0x1ECE0] =	vst v63;
	v63 =	vld.idx.msk [tilespmem:v47+s10+$0x470 ss:$0x1], $0xffff  }
0x1e7: {  	s15 =	spop (v2sf)  }
0x1e8: {  	s14 =	sshll.u32 s15, $0x6  }
0x1e9: {  	s14 =	sshra.s32 s14, $0x2  }
0x1ea: {  	s14 =	sadd.s32 s14, s11  }
0x1eb: {  	[tilespmem:$0x1ED00] =	vst v63;
	v63 =	vld [tilespmem:s14+$0x0];
	_ =	sdelay $0x4  }
0x1ec: {  	[tilespmem:$0x1EC90] =	vst v63;
	v63 =	vld.idx.msk [tilespmem:v47+s10+$0x480 ss:$0x1], $0xffff;
	_ =	sdelay $0x2  }
0x1ed: {  	s15 =	sshll.u32 s15, $0x9  }
0x1ee: {  	s14 =	sshra.s32 s15, $0x2  }
0x1ef: {  	[tilespmem:$0x1ED10] =	vst v63;
	v63 =	vld [tilespmem:s14+$0x7E68];
	_ =	sdelay $0x4  }
0x1f0: {  	[tilespmem:$0x1ECD0] =	vst v63;
	v63 =	vld.idx.msk [tilespmem:v47+s10+$0x490 ss:$0x1], $0xffff;
	_ =	sdelay $0x4  }
0x1f1: {  	[tilespmem:$0x1ED20] =	vst v63;
	v63 =	vld [tilespmem:s14+$0x7E78];
	_ =	sdelay $0x4  }
0x1f2: {  	[tilespmem:$0x1ECF0] =	vst v63;
	v63 =	vld.idx.msk [tilespmem:v47+s10+$0x4A0 ss:$0x1], $0xffff;
	_ =	sdelay $0x4  }
0x1f3: {  	[tilespmem:$0x1ED60] =	vst v63;
	v63 =	vld [tilespmem:s14+$0x7E88];
	_ =	sdelay $0x4  }
0x1f4: {  	[tilespmem:$0x1ED30] =	vst v63;
	v63 =	vld.idx.msk [tilespmem:v47+s10+$0x4B0 ss:$0x1], $0xffff;
	_ =	sdelay $0x4  }
0x1f5: {  	[tilespmem:$0x1ED70] =	vst v63;
	v63 =	vld [tilespmem:s14+$0x7E98];
	_ =	sdelay $0x4  }
0x1f6: {  	[tilespmem:$0x1ED40] =	vst v63;
	v63 =	vld.idx.msk [tilespmem:v47+s10+$0x4C0 ss:$0x1], $0xffff;
	_ =	sdelay $0x3  }
0x1f7: {  	v12 =	vld.idx.msk [tilespmem:v47+s10+$0x0 ss:$0x1], $0xffff  }
0x1f8: {  	[tilespmem:$0x1ED80] =	vst v63;
	v63 =	vld [tilespmem:s14+$0x7EA8]  }
0x1f9: {  	v13 =	vld.idx.msk [tilespmem:v47+s10+$0x10 ss:$0x1], $0xffff  }
0x1fa: {  	v16 =	vld.idx.msk [tilespmem:v47+s10+$0x20 ss:$0x1], $0xffff  }
0x1fb: {  	v18 =	vld.idx.msk [tilespmem:v47+s10+$0x30 ss:$0x1], $0xffff  }
0x1fc: {  	v20 =	vld.idx.msk [tilespmem:v47+s10+$0x40 ss:$0x1], $0xffff  }
0x1fd: {  	[tilespmem:$0x1ED50] =	vst v63;
	v63 =	vld [tilespmem:s14+$0x7EB8]  }
0x1fe: {  	v30 =	vld.idx.msk [tilespmem:v47+s10+$0x50 ss:$0x1], $0xffff  }
0x1ff: {  	v24 =	vld.idx.msk [tilespmem:v47+s10+$0x60 ss:$0x1], $0xffff  }
0x200: {  	v25 =	vld.idx.msk [tilespmem:v47+s10+$0x70 ss:$0x1], $0xffff  }
0x201: {  	v22 =	vld.idx.msk [tilespmem:v47+s10+$0x80 ss:$0x1], $0xffff  }
0x202: {  	[tilespmem:$0x1EDA0] =	vst v63;
	v63 =	vld [tilespmem:s14+$0x7EC8]  }
0x203: {  	v19 =	vld.idx.msk [tilespmem:v47+s10+$0x90 ss:$0x1], $0xffff  }
0x204: {  	v26 =	vld.idx.msk [tilespmem:v47+s10+$0xA0 ss:$0x1], $0xffff  }
0x205: {  	v28 =	vld.idx.msk [tilespmem:v47+s10+$0xB0 ss:$0x1], $0xffff  }
0x206: {  	v36 =	vld.idx.msk [tilespmem:v47+s10+$0xC0 ss:$0x1], $0xffff  }
0x207: {  	(v2sf) =	vpush v0, $0xA;
	[tilespmem:$0x1EDB0] =	vst v63;
	v63 =	vld [tilespmem:s14+$0x7ED8]  }
0x208: {  	v52 =	vld.idx.msk [tilespmem:v47+s10+$0xD0 ss:$0x1], $0xffff  }
0x209: {  	v44 =	vld.idx.msk [tilespmem:v47+s10+$0xE0 ss:$0x1], $0xffff  }
0x20a: {  	v41 =	vld.idx.msk [tilespmem:v47+s10+$0xF0 ss:$0x1], $0xffff  }
0x20b: {  	v40 =	vld.idx.msk [tilespmem:v47+s10+$0x100 ss:$0x1], $0xffff  }
0x20c: {  	[tilespmem:$0x1EDC0] =	vst v63;
	v63 =	vld.idx.msk [tilespmem:v47+s10+$0x4D0 ss:$0x1], $0xffff  }
0x20d: {  	v38 =	vld.idx.msk [tilespmem:v47+s10+$0x110 ss:$0x1], $0xffff  }
0x20e: {  	v42 =	vld.idx.msk [tilespmem:v47+s10+$0x120 ss:$0x1], $0xffff  }
0x20f: {  	v45 =	vld.idx.msk [tilespmem:v47+s10+$0x130 ss:$0x1], $0xffff  }
0x210: {  	v53 =	vld.idx.msk [tilespmem:v47+s10+$0x140 ss:$0x1], $0xffff  }
0x211: {  	[tilespmem:$0x1EDD0] =	vst v63;
	v63 =	vld.idx.msk [tilespmem:v47+s10+$0x4E0 ss:$0x1], $0xffff  }
0x212: {  	v61 =	vld.idx.msk [tilespmem:v47+s10+$0x150 ss:$0x1], $0xffff  }
0x213: {  	v58 =	vld.idx.msk [tilespmem:v47+s10+$0x160 ss:$0x1], $0xffff  }
0x214: {  	v59 =	vld.idx.msk [tilespmem:v47+s10+$0x170 ss:$0x1], $0xffff  }
0x215: {  	v60 =	vld.idx.msk [tilespmem:v47+s10+$0x180 ss:$0x1], $0xffff  }
0x216: {  	v62 =	vld.idx.msk [tilespmem:v47+s10+$0x190 ss:$0x1], $0xffff;
	s15 =	spop (v2sf);
	(v2sf) =	vpush v0, $0xB;
	[tilespmem:$0x1EDF0] =	vst v63  }
0x217: {  	v63 =	vld.idx.msk [tilespmem:v47+s10+$0x4F0 ss:$0x1], $0xffff;
	_ =	sdelay $0x1  }
0x218: {  	s14 =	sshll.u32 s15, $0x6  }
0x219: {  	s14 =	sshra.s32 s14, $0x2  }
0x21a: {  	s14 =	sadd.s32 s14, s11  }
0x21b: {  	[tilespmem:$0x1EE00] =	vst v63;
	v63 =	vld [tilespmem:s14+$0x0];
	_ =	sdelay $0x4  }
0x21c: {  	[tilespmem:$0x1ED90] =	vst v63;
	v63 =	vld.idx.msk [tilespmem:v47+s10+$0x500 ss:$0x1], $0xffff;
	_ =	sdelay $0x2  }
0x21d: {  	s15 =	sshll.u32 s15, $0x9  }
0x21e: {  	s14 =	sshra.s32 s15, $0x2  }
0x21f: {  	[tilespmem:$0x1EE10] =	vst v63;
	v63 =	vld [tilespmem:s14+$0x7E68];
	_ =	sdelay $0x4  }
0x220: {  	[tilespmem:$0x1EDE0] =	vst v63;
	v63 =	vld.idx.msk [tilespmem:v47+s10+$0x510 ss:$0x1], $0xffff;
	_ =	sdelay $0x4  }
0x221: {  	[tilespmem:$0x1EE50] =	vst v63;
	v63 =	vld [tilespmem:s14+$0x7E78];
	_ =	sdelay $0x4  }
0x222: {  	[tilespmem:$0x1EE20] =	vst v63;
	v63 =	vld.idx.msk [tilespmem:v47+s10+$0x520 ss:$0x1], $0xffff;
	_ =	sdelay $0x4  }
0x223: {  	[tilespmem:$0x1EE70] =	vst v63;
	v63 =	vld [tilespmem:s14+$0x7E88];
	_ =	sdelay $0x4  }
0x224: {  	[tilespmem:$0x1EE30] =	vst v63;
	v63 =	vld.idx.msk [tilespmem:v47+s10+$0x530 ss:$0x1], $0xffff;
	_ =	sdelay $0x4  }
0x225: {  	[tilespmem:$0x1EE80] =	vst v63;
	v63 =	vld [tilespmem:s14+$0x7E98];
	_ =	sdelay $0x4  }
0x226: {  	[tilespmem:$0x1EE40] =	vst v63;
	v63 =	vld.idx.msk [tilespmem:v47+s10+$0x540 ss:$0x1], $0xffff;
	_ =	sdelay $0x4  }
0x227: {  	[tilespmem:$0x1EE90] =	vst v63;
	v63 =	vld [tilespmem:s14+$0x7EA8];
	_ =	sdelay $0x4  }
0x228: {  	[tilespmem:$0x1EE60] =	vst v63;
	v63 =	vld [tilespmem:s14+$0x7EB8];
	_ =	sdelay $0x4  }
0x229: {  	[tilespmem:$0x1EEA0] =	vst v63;
	v63 =	vld [tilespmem:s14+$0x7EC8];
	_ =	sdelay $0x4  }
0x22a: {  	[tilespmem:$0x1EEB0] =	vst v63;
	v63 =	vld [tilespmem:s14+$0x7ED8];
	_ =	sdelay $0x4  }
0x22b: {  	[tilespmem:$0x1EEC0] =	vst v63;
	v63 =	vld.idx.msk [tilespmem:v47+s10+$0x550 ss:$0x1], $0xffff;
	_ =	sdelay $0x4  }
0x22c: {  	[tilespmem:$0x1EEE0] =	vst v63;
	v63 =	vld.idx.msk [tilespmem:v47+s10+$0x560 ss:$0x1], $0xffff;
	_ =	sdelay $0x4  }
0x22d: {  	[tilespmem:$0x1EEF0] =	vst v63;
	v63 =	vld.idx.msk [tilespmem:v47+s10+$0x570 ss:$0x1], $0xffff  }
0x22e: {  	s15 =	spop (v2sf)  }
0x22f: {  	s14 =	sshll.u32 s15, $0x6  }
0x230: {  	s14 =	sshra.s32 s14, $0x2  }
0x231: {  	s14 =	sadd.s32 s14, s11  }
0x232: {  	[tilespmem:$0x1EF00] =	vst v63;
	v63 =	vld [tilespmem:s14+$0x0];
	_ =	sdelay $0x4  }
0x233: {  	[tilespmem:$0x1EED0] =	vst v63;
	v63 =	vld.idx.msk [tilespmem:v47+s10+$0x580 ss:$0x1], $0xffff;
	_ =	sdelay $0x2  }
0x234: {  	s15 =	sshll.u32 s15, $0x9  }
0x235: {  	s14 =	sshra.s32 s15, $0x2  }
0x236: {  	[tilespmem:$0x1EF40] =	vst v63;
	v63 =	vld [tilespmem:s14+$0x7E68];
	_ =	sdelay $0x4  }
0x237: {  	[tilespmem:$0x1EF10] =	vst v63;
	v63 =	vld.idx.msk [tilespmem:v47+s10+$0x590 ss:$0x1], $0xffff;
	_ =	sdelay $0x4  }
0x238: {  	[tilespmem:$0x1EF60] =	vst v63;
	v63 =	vld [tilespmem:s14+$0x7E78];
	_ =	sdelay $0x4  }
0x239: {  	[tilespmem:$0x1EF20] =	vst v63;
	v63 =	vld.idx.msk [tilespmem:v47+s10+$0x5A0 ss:$0x1], $0xffff;
	_ =	sdelay $0x4  }
0x23a: {  	[tilespmem:$0x1EF70] =	vst v63;
	v63 =	vld [tilespmem:s14+$0x7E88];
	_ =	sdelay $0x4  }
0x23b: {  	[tilespmem:$0x1EF30] =	vst v63;
	v63 =	vld.idx.msk [tilespmem:v47+s10+$0x5B0 ss:$0x1], $0xffff;
	_ =	sdelay $0x4  }
0x23c: {  	[tilespmem:$0x1EF80] =	vst v63;
	v63 =	vld [tilespmem:s14+$0x7E98];
	_ =	sdelay $0x4  }
0x23d: {  	[tilespmem:$0x1EF50] =	vst v63;
	v63 =	vld.idx.msk [tilespmem:v47+s10+$0x5C0 ss:$0x1], $0xffff;
	_ =	sdelay $0x4  }
0x23e: {  	[tilespmem:$0x1EFB0] =	vst v63;
	v63 =	vld [tilespmem:s14+$0x7EA8];
	_ =	sdelay $0x4  }
0x23f: {  	[tilespmem:$0x1EF90] =	vst v63;
	v63 =	vld [tilespmem:s14+$0x7EB8];
	_ =	sdelay $0x4  }
0x240: {  	[tilespmem:$0x1EFA0] =	vst v63;
	v63 =	vld [tilespmem:s14+$0x7EC8];
	_ =	sdelay $0x4  }
0x241: {  	[tilespmem:$0x1EFC0] =	vst v63;
	v63 =	vld [tilespmem:s14+$0x7ED8]  }
0x242: {  	(v2sf) =	vpush v0, $0xC;
	_ =	sdelay $0x3  }
0x243: {  	[tilespmem:$0x1F000] =	vst v63;
	v63 =	vld.idx.msk [tilespmem:v47+s10+$0x5D0 ss:$0x1], $0xffff;
	_ =	sdelay $0x4  }
0x244: {  	[tilespmem:$0x1EFD0] =	vst v63;
	v63 =	vld.idx.msk [tilespmem:v47+s10+$0x5E0 ss:$0x1], $0xffff;
	_ =	sdelay $0x4  }
0x245: {  	[tilespmem:$0x1EFF0] =	vst v63;
	v63 =	vld.idx.msk [tilespmem:v47+s10+$0x5F0 ss:$0x1], $0xffff  }
0x246: {  	s15 =	spop (v2sf)  }
0x247: {  	s14 =	sshll.u32 s15, $0x6  }
0x248: {  	s14 =	sshra.s32 s14, $0x2  }
0x249: {  	s14 =	sadd.s32 s14, s11  }
0x24a: {  	[tilespmem:$0x1F030] =	vst v63;
	v63 =	vld [tilespmem:s14+$0x0];
	_ =	sdelay $0x4  }
0x24b: {  	[tilespmem:$0x1EFE0] =	vst v63;
	v63 =	vld.idx.msk [tilespmem:v47+s10+$0x600 ss:$0x1], $0xffff;
	_ =	sdelay $0x2  }
0x24c: {  	s15 =	sshll.u32 s15, $0x9  }
0x24d: {  	s14 =	sshra.s32 s15, $0x2  }
0x24e: {  	[tilespmem:$0x1F050] =	vst v63;
	v63 =	vld [tilespmem:s14+$0x7E68];
	_ =	sdelay $0x4  }
0x24f: {  	[tilespmem:$0x1F010] =	vst v63;
	v63 =	vld.idx.msk [tilespmem:v47+s10+$0x610 ss:$0x1], $0xffff;
	_ =	sdelay $0x4  }
0x250: {  	[tilespmem:$0x1F060] =	vst v63;
	v63 =	vld [tilespmem:s14+$0x7E78];
	_ =	sdelay $0x4  }
0x251: {  	[tilespmem:$0x1F020] =	vst v63;
	v63 =	vld.idx.msk [tilespmem:v47+s10+$0x620 ss:$0x1], $0xffff;
	_ =	sdelay $0x4  }
0x252: {  	[tilespmem:$0x1F070] =	vst v63;
	v63 =	vld [tilespmem:s14+$0x7E88];
	_ =	sdelay $0x4  }
0x253: {  	[tilespmem:$0x1F040] =	vst v63;
	v63 =	vld.idx.msk [tilespmem:v47+s10+$0x630 ss:$0x1], $0xffff;
	_ =	sdelay $0x4  }
0x254: {  	[tilespmem:$0x1F0A0] =	vst v63;
	v63 =	vld [tilespmem:s14+$0x7E98];
	_ =	sdelay $0x4  }
0x255: {  	[tilespmem:$0x1F080] =	vst v63;
	v63 =	vld.idx.msk [tilespmem:v47+s10+$0x640 ss:$0x1], $0xffff;
	_ =	sdelay $0x4  }
0x256: {  	[tilespmem:$0x1F0C0] =	vst v63;
	v63 =	vld [tilespmem:s14+$0x7EA8];
	_ =	sdelay $0x4  }
0x257: {  	[tilespmem:$0x1F090] =	vst v63;
	v63 =	vld [tilespmem:s14+$0x7EB8];
	_ =	sdelay $0x4  }
0x258: {  	[tilespmem:$0x1F0B0] =	vst v63;
	v63 =	vld [tilespmem:s14+$0x7EC8];
	_ =	sdelay $0x4  }
0x259: {  	[tilespmem:$0x1F0F0] =	vst v63;
	v63 =	vld [tilespmem:s14+$0x7ED8]  }
0x25a: {  	(v2sf) =	vpush v0, $0xD;
	_ =	sdelay $0x3  }
0x25b: {  	[tilespmem:$0x1F100] =	vst v63;
	v63 =	vld.idx.msk [tilespmem:v47+s10+$0x650 ss:$0x1], $0xffff;
	_ =	sdelay $0x4  }
0x25c: {  	[tilespmem:$0x1F0E0] =	vst v63;
	v63 =	vld.idx.msk [tilespmem:v47+s10+$0x660 ss:$0x1], $0xffff;
	_ =	sdelay $0x4  }
0x25d: {  	[tilespmem:$0x1F120] =	vst v63;
	v63 =	vld.idx.msk [tilespmem:v47+s10+$0x670 ss:$0x1], $0xffff  }
0x25e: {  	s15 =	spop (v2sf)  }
0x25f: {  	s14 =	sshll.u32 s15, $0x6  }
0x260: {  	s14 =	sshra.s32 s14, $0x2  }
0x261: {  	s14 =	sadd.s32 s14, s11  }
0x262: {  	[tilespmem:$0x1F140] =	vst v63;
	v63 =	vld [tilespmem:s14+$0x0];
	_ =	sdelay $0x4  }
0x263: {  	[tilespmem:$0x1F0D0] =	vst v63;
	v63 =	vld.idx.msk [tilespmem:v47+s10+$0x680 ss:$0x1], $0xffff;
	_ =	sdelay $0x2  }
0x264: {  	s15 =	sshll.u32 s15, $0x9  }
0x265: {  	s14 =	sshra.s32 s15, $0x2  }
0x266: {  	[tilespmem:$0x1F150] =	vst v63;
	v63 =	vld [tilespmem:s14+$0x7E68];
	_ =	sdelay $0x4  }
0x267: {  	[tilespmem:$0x1F110] =	vst v63;
	v63 =	vld.idx.msk [tilespmem:v47+s10+$0x690 ss:$0x1], $0xffff;
	_ =	sdelay $0x4  }
0x268: {  	[tilespmem:$0x1F160] =	vst v63;
	v63 =	vld [tilespmem:s14+$0x7E78];
	_ =	sdelay $0x4  }
0x269: {  	[tilespmem:$0x1F130] =	vst v63;
	v63 =	vld.idx.msk [tilespmem:v47+s10+$0x6A0 ss:$0x1], $0xffff;
	_ =	sdelay $0x4  }
0x26a: {  	[tilespmem:$0x1F1A0] =	vst v63;
	v63 =	vld [tilespmem:s14+$0x7E88];
	_ =	sdelay $0x4  }
0x26b: {  	[tilespmem:$0x1F170] =	vst v63;
	v63 =	vld.idx.msk [tilespmem:v47+s10+$0x6B0 ss:$0x1], $0xffff;
	_ =	sdelay $0x4  }
0x26c: {  	[tilespmem:$0x1F1B0] =	vst v63;
	v63 =	vld [tilespmem:s14+$0x7E98];
	_ =	sdelay $0x4  }
0x26d: {  	[tilespmem:$0x1F180] =	vst v63;
	v63 =	vld.idx.msk [tilespmem:v47+s10+$0x6C0 ss:$0x1], $0xffff;
	_ =	sdelay $0x4  }
0x26e: {  	[tilespmem:$0x1F1C0] =	vst v63;
	v63 =	vld [tilespmem:s14+$0x7EA8];
	_ =	sdelay $0x4  }
0x26f: {  	[tilespmem:$0x1F190] =	vst v63;
	v63 =	vld [tilespmem:s14+$0x7EB8];
	_ =	sdelay $0x4  }
0x270: {  	[tilespmem:$0x1F1E0] =	vst v63;
	v63 =	vld [tilespmem:s14+$0x7EC8];
	_ =	sdelay $0x4  }
0x271: {  	[tilespmem:$0x1F1F0] =	vst v63;
	v63 =	vld [tilespmem:s14+$0x7ED8]  }
0x272: {  	(v2sf) =	vpush v0, $0xE;
	_ =	sdelay $0x3  }
0x273: {  	[tilespmem:$0x1F200] =	vst v63;
	v63 =	vld.idx.msk [tilespmem:v47+s10+$0x6D0 ss:$0x1], $0xffff;
	_ =	sdelay $0x4  }
0x274: {  	[tilespmem:$0x1F210] =	vst v63;
	v63 =	vld.idx.msk [tilespmem:v47+s10+$0x6E0 ss:$0x1], $0xffff;
	_ =	sdelay $0x4  }
0x275: {  	[tilespmem:$0x1F230] =	vst v63;
	v63 =	vld.idx.msk [tilespmem:v47+s10+$0x6F0 ss:$0x1], $0xffff  }
0x276: {  	s15 =	spop (v2sf)  }
0x277: {  	s14 =	sshll.u32 s15, $0x6  }
0x278: {  	s14 =	sshra.s32 s14, $0x2  }
0x279: {  	s14 =	sadd.s32 s14, s11  }
0x27a: {  	[tilespmem:$0x1F240] =	vst v63;
	v63 =	vld [tilespmem:s14+$0x0];
	_ =	sdelay $0x4  }
0x27b: {  	[tilespmem:$0x1F1D0] =	vst v63;
	v63 =	vld.idx.msk [tilespmem:v47+s10+$0x700 ss:$0x1], $0xffff;
	_ =	sdelay $0x2  }
0x27c: {  	s15 =	sshll.u32 s15, $0x9  }
0x27d: {  	s14 =	sshra.s32 s15, $0x2  }
0x27e: {  	[tilespmem:$0x1F250] =	vst v63;
	v63 =	vld [tilespmem:s14+$0x7E68];
	_ =	sdelay $0x4  }
0x27f: {  	[tilespmem:$0x1F220] =	vst v63;
	v63 =	vld.idx.msk [tilespmem:v47+s10+$0x710 ss:$0x1], $0xffff;
	_ =	sdelay $0x4  }
0x280: {  	[tilespmem:$0x1F290] =	vst v63;
	v63 =	vld [tilespmem:s14+$0x7E78];
	_ =	sdelay $0x4  }
0x281: {  	[tilespmem:$0x1F260] =	vst v63;
	v63 =	vld.idx.msk [tilespmem:v47+s10+$0x720 ss:$0x1], $0xffff;
	_ =	sdelay $0x4  }
0x282: {  	[tilespmem:$0x1F2B0] =	vst v63;
	v63 =	vld [tilespmem:s14+$0x7E88];
	_ =	sdelay $0x4  }
0x283: {  	[tilespmem:$0x1F270] =	vst v63;
	v63 =	vld.idx.msk [tilespmem:v47+s10+$0x730 ss:$0x1], $0xffff;
	_ =	sdelay $0x4  }
0x284: {  	[tilespmem:$0x1F2C0] =	vst v63;
	v63 =	vld [tilespmem:s14+$0x7E98];
	_ =	sdelay $0x4  }
0x285: {  	[tilespmem:$0x1F280] =	vst v63;
	v63 =	vld.idx.msk [tilespmem:v47+s10+$0x740 ss:$0x1], $0xffff;
	_ =	sdelay $0x3  }
0x286: {  	(v2sf) =	vpush v0, $0xF  }
0x287: {  	[tilespmem:$0x1F2D0] =	vst v63;
	v63 =	vld [tilespmem:s14+$0x7EA8];
	_ =	sdelay $0x4  }
0x288: {  	[tilespmem:$0x1F2A0] =	vst v63;
	v63 =	vld [tilespmem:s14+$0x7EB8];
	_ =	sdelay $0x4  }
0x289: {  	[tilespmem:$0x1F2E0] =	vst v63;
	v63 =	vld [tilespmem:s14+$0x7EC8];
	_ =	sdelay $0x2  }
0x28a: {  	v0 =	vbroadcast v50, $0x0  }
0x28b: {  	s15 =	spop (v2sf)  }
0x28c: {  	v0 =	vmul.f32 v3, v0;
	[tilespmem:$0x1F2F0] =	vst v63;
	v63 =	vld [tilespmem:s14+$0x7ED8];
	s14 =	sshll.u32 s15, $0x6  }
0x28d: {  	s14 =	sshra.s32 s14, $0x2  }
0x28e: {  	v1 =	vmul.f32 v1, v0;
	s14 =	sadd.s32 s14, s11  }
0x28f: {  	v3 =	vld [tilespmem:s14+$0x0]  }
0x290: {  	v1 =	vmul.f32 v1, v12;
	v12 =	vld.idx.msk [tilespmem:v47+s10+$0x790 ss:$0x1], $0xffff;
	_ =	sdelay $0x3  }
0x291: {  	[tilespmem:$0x1F310] =	vst v3;
	v3 =	vld.idx.msk [tilespmem:v47+s10+$0x780 ss:$0x1], $0xffff  }
0x292: {  	[tilespmem:$0x1F390] =	vst v12;
	v12 =	vmul.f32 v6, v0  }
0x293: {  	v6 =	vmul.f32 v8, v0;
	v8 =	vbroadcast v50, $0x1  }
0x294: {  	s15 =	sshll.u32 s15, $0x9  }
0x295: {  	v2 =	vmul.f32 v2, v8;
	s14 =	sshra.s32 s15, $0x2  }
0x296: {  	v6 =	vmul.f32 v6, v20;
	[tilespmem:$0x1F370] =	vst v3;
	v3 =	vmul.f32 v4, v0;
	v4 =	vld [tilespmem:s14+$0x7E68]  }
0x297: {  	v7 =	vmul.f32 v7, v2;
	v9 =	vmul.f32 v9, v2  }
0x298: {  	v10 =	vmul.f32 v10, v2;
	v11 =	vmul.f32 v11, v2  }
0x299: {  	v7 =	vmul.f32 v7, v22;
	v9 =	vmul.f32 v9, v19  }
0x29a: {  	v10 =	vmul.f32 v10, v26;
	v11 =	vmul.f32 v11, v28  }
0x29b: {  	v26 =	vbroadcast v50, $0x2;
	(v2sf) =	vpush v49, $0x0;
	[tilespmem:$0x1F340] =	vst v4;
	v4 =	vmul.f32 v5, v0  }
0x29c: {  	v22 =	vbroadcast v50, $0x3;
	v3 =	vmul.f32 v3, v13;
	v13 =	vld [tilespmem:s14+$0x7E78]  }
0x29d: {  	v1 =	vadd.f32 $0.0e+00, v1;
	v5 =	vmul.f32 v12, v18;
	v4 =	vmul.f32 v4, v16;
	v16 =	vld.idx.msk [tilespmem:v47+s10+$0x7A0 ss:$0x1], $0xffff  }
0x29e: {  	v19 =	vld [tilespmem:s14+$0x7ED8];
	v12 =	vmul.f32 v17, v0;
	v17 =	vmul.f32 v21, v0  }
0x29f: {  	v1 =	vadd.f32 v7, v1;
	v7 =	vmul.f32 v33, v22;
	v18 =	vld [tilespmem:s14+$0x7E88];
	v0 =	vmul.f32 v23, v0  }
0x2a0: {  	v8 =	vmul.f32 v17, v24;
	v17 =	vld [tilespmem:s14+$0x7EB8];
	v24 =	vmul.f32 v14, v2  }
0x2a1: {  	[tilespmem:$0x1F350] =	vst v13;
	v0 =	vmul.f32 v0, v25;
	v25 =	vld.idx.msk [tilespmem:v47+s10+$0x7D0 ss:$0x1], $0xffff;
	v14 =	vmul.f32 v15, v26  }
0x2a2: {  	v3 =	vadd.f32 $0.0e+00, v3;
	v13 =	vmul.f32 v24, v36;
	v24 =	vmul.f32 v32, v2;
	[tilespmem:$0x1F3A0] =	vst v16;
	v16 =	vld.idx.msk [tilespmem:v47+s10+$0x7B0 ss:$0x1], $0xffff  }
0x2a3: {  	v6 =	vadd.f32 $0.0e+00, v6;
	v22 =	vmul.f32 v55, v14;
	v55 =	vmul.f32 v57, v7;
	v57 =	vld [tilespmem:$0x1E700]  }
0x2a4: {  	v3 =	vadd.f32 v9, v3;
	v20 =	vmul.f32 v34, v14;
	v23 =	vmul.f32 v46, v14;
	[tilespmem:$0x1F360] =	vst v18;
	v18 =	vld [tilespmem:s14+$0x7E98]  }
0x2a5: {  	v5 =	vadd.f32 $0.0e+00, v5;
	v21 =	vmul.f32 v35, v14;
	v22 =	vmul.f32 v22, v58;
	v58 =	vld [tilespmem:$0x1E710]  }
0x2a6: {  	v4 =	vadd.f32 $0.0e+00, v4;
	v9 =	vmul.f32 v23, v61;
	v23 =	vmul.f32 v43, v7;
	v61 =	vld [tilespmem:$0x1E740]  }
0x2a7: {  	v5 =	vadd.f32 v11, v5;
	v21 =	vmul.f32 v21, v53;
	v53 =	vmul.f32 v51, v7;
	[tilespmem:$0x1F3B0] =	vst v16;
	v16 =	vld [tilespmem:s14+$0x7EA8]  }
0x2a8: {  	v20 =	vmul.f32 v20, v45;
	v4 =	vadd.f32 v10, v4;
	v10 =	vmul.f32 v23, v60;
	v60 =	vld [tilespmem:$0x1E730]  }
0x2a9: {  	[tilespmem:$0x1F3F0] =	vst v25;
	v25 =	vmul.f32 v37, v2;
	v11 =	vmul.f32 v53, v62;
	v62 =	vld [tilespmem:$0x1E750]  }
0x2aa: {  	s15 =	spop (v2sf);
	v26 =	vmul.f32 v27, v14;
	v6 =	vadd.f32 v13, v6;
	v5 =	vadd.f32 v20, v5;
	v20 =	vld [tilespmem:$0x1E820]  }
0x2ab: {  	v15 =	vmul.f32 v25, v44;
	v44 =	vmul.f32 v29, v14;
	[tilespmem:$0x1F380] =	vst v18;
	v18 =	vld [tilespmem:s14+$0x7EC8];
	s14 =	sshll.u32 s15, $0x6  }
0x2ac: {  	v6 =	vadd.f32 v21, v6;
	v21 =	vld [tilespmem:$0x1E840];
	v25 =	vmul.f32 v58, v7;
	s14 =	sshra.s32 s14, $0x2;
	[tilespmem:$0x1F3C0] =	vst v16;
	v16 =	vmul.f32 v24, v52  }
0x2ad: {  	v58 =	vld [tilespmem:$0x1E7A0];
	s14 =	sadd.s32 s14, s11;
	v52 =	vmul.f32 v31, v14;
	v14 =	vmul.f32 v56, v14  }
0x2ae: {  	s15 =	sshll.u32 s15, $0x9;
	v36 =	vld [tilespmem:s14+$0x0]  }
0x2af: {  	v12 =	vmul.f32 v12, v30;
	s14 =	sshra.s32 s15, $0x2;
	v14 =	vmul.f32 v14, v59;
	v59 =	vld [tilespmem:$0x1E720]  }
0x2b0: {  	v37 =	vld [tilespmem:s14+$0x7E68]  }
0x2b1: {  	v12 =	vadd.f32 $0.0e+00, v12;
	v24 =	vmul.f32 v55, v57;
	v55 =	vld [tilespmem:$0x1E780]  }
0x2b2: {  	(v2sf) =	vpush v49, $0x1;
	[tilespmem:$0x1F410] =	vst v19;
	v19 =	vmul.f32 v52, v42;
	v52 =	vld [tilespmem:$0x1E760]  }
0x2b3: {  	v2 =	vmul.f32 v39, v2;
	v12 =	vadd.f32 v16, v12;
	v16 =	vmul.f32 v25, v60;
	v60 =	vld [tilespmem:$0x1E7C0]  }
0x2b4: {  	[tilespmem:$0x1F3D0] =	vst v17;
	v17 =	vmul.f32 v26, v40;
	v13 =	vmul.f32 v59, v7;
	v59 =	vld [tilespmem:$0x1E7B0]  }
0x2b5: {  	v26 =	vbroadcast v50, $0x4;
	v23 =	vmul.f32 v54, v7;
	v39 =	vld [tilespmem:s14+$0x7E78]  }
0x2b6: {  	v2 =	vmul.f32 v2, v41;
	v40 =	vld [tilespmem:s14+$0x7E88];
	v25 =	vmul.f32 v61, v7  }
0x2b7: {  	v0 =	vadd.f32 $0.0e+00, v0;
	v57 =	vld [tilespmem:$0x1E790];
	v26 =	vmul.f32 v52, v26;
	v7 =	vmul.f32 v55, v7  }
0x2b8: {  	v41 =	vld [tilespmem:s14+$0x7E98]  }
0x2b9: {  	v0 =	vadd.f32 v2, v0;
	v2 =	vmul.f32 v7, v59;
	v7 =	vmul.f32 v60, v26;
	v60 =	vld [tilespmem:$0x1E810]  }
0x2ba: {  	v8 =	vadd.f32 $0.0e+00, v8;
	v45 =	vld [tilespmem:s14+$0x7EA8]  }
0x2bb: {  	v43 =	vld [tilespmem:s14+$0x7EB8]  }
0x2bc: {  	v8 =	vadd.f32 v15, v8;
	v15 =	vmul.f32 v57, v26;
	v57 =	vld [tilespmem:$0x1E800]  }
0x2bd: {  	v13 =	vmul.f32 v13, v62;
	v62 =	vld [tilespmem:$0x1E7E0]  }
0x2be: {  	v35 =	vld [tilespmem:s14+$0x7EC8];
	v4 =	vadd.f32 v19, v4;
	v19 =	vmul.f32 v60, v26  }
0x2bf: {  	[tilespmem:$0x1F3E0] =	vst v18;
	v18 =	vmul.f32 v44, v38;
	v38 =	vld [tilespmem:s14+$0x7ED8]  }
0x2c0: {  	v27 =	vmul.f32 v58, v26;
	v19 =	vmul.f32 v19, v21;
	v21 =	vld [tilespmem:$0x1E850]  }
0x2c1: {  	v56 =	vld [tilespmem:$0x1E6F0];
	v3 =	vadd.f32 v18, v3;
	v18 =	vmul.f32 v57, v26  }
0x2c2: {  	v1 =	vadd.f32 v17, v1;
	s15 =	spop (v2sf);
	v61 =	vld [tilespmem:$0x1E7D0];
	v17 =	vmul.f32 v27, v62  }
0x2c3: {  	s14 =	sshll.u32 s15, $0x6;
	v27 =	vbroadcast v50, $0x5;
	v18 =	vmul.f32 v18, v20;
	v20 =	vld [tilespmem:$0x1E830]  }
0x2c4: {  	s14 =	sshra.s32 s14, $0x2  }
0x2c5: {  	s15 =	sshll.u32 s15, $0x9;
	s14 =	sadd.s32 s14, s11;
	v21 =	vmul.f32 v21, v27;
	v27 =	vld [tilespmem:$0x1E860]  }
0x2c6: {  	v23 =	vmul.f32 v23, v56;
	v56 =	vld [tilespmem:s14+$0x0];
	s14 =	sshra.s32 s15, $0x2  }
0x2c7: {  	v15 =	vmul.f32 v15, v61;
	v61 =	vld [tilespmem:s14+$0x7E98]  }
0x2c8: {  	v8 =	vadd.f32 v22, v8;
	v22 =	vld [tilespmem:$0x1E880];
	v20 =	vmul.f32 v20, v26  }
0x2c9: {  	v57 =	vld [tilespmem:$0x1E890]  }
0x2ca: {  	v9 =	vadd.f32 v9, v12;
	v12 =	vmul.f32 v20, v27;
	v20 =	vld [tilespmem:$0x1E870];
	_ =	sdelay $0x1  }
0x2cb: {  	[tilespmem:$0x1F420] =	vst v61;
	v61 =	vld [tilespmem:s14+$0x7EC8];
	_ =	sdelay $0x1  }
0x2cc: {  	v22 =	vmul.f32 v22, v26  }
0x2cd: {  	v20 =	vmul.f32 v20, v26;
	v26 =	vmul.f32 v57, v21;
	v57 =	vld [tilespmem:$0x1E8A0];
	_ =	sdelay $0x1  }
0x2ce: {  	[tilespmem:$0x1F450] =	vst v61;
	v61 =	vld [tilespmem:s14+$0x7ED8]  }
0x2cf: {  	(v2sf) =	vpush v49, $0x2;
	_ =	sdelay $0x1  }
0x2d0: {  	v0 =	vadd.f32 v14, v0;
	v14 =	vmul.f32 v20, v57;
	v20 =	vld [tilespmem:$0x1E8B0];
	_ =	sdelay $0x1  }
0x2d1: {  	[tilespmem:$0x1F460] =	vst v61;
	v61 =	vld [tilespmem:$0x1E8E0];
	_ =	sdelay $0x2  }
0x2d2: {  	v54 =	vld [tilespmem:s14+$0x7E68];
	v20 =	vmul.f32 v20, v21  }
0x2d3: {  	v58 =	vld [tilespmem:s14+$0x7E78]  }
0x2d4: {  	v20 =	vmul.f32 v20, v61;
	v61 =	vld.idx.msk [tilespmem:v47+s10+$0x8E0 ss:$0x1], $0xffff  }
0x2d5: {  	v62 =	vld [tilespmem:s14+$0x7EA8]  }
0x2d6: {  	v27 =	vld [tilespmem:$0x1E8C0]  }
0x2d7: {  	v57 =	vld.idx.msk [tilespmem:v47+s10+$0x8D0 ss:$0x1], $0xffff  }
0x2d8: {  	v59 =	vld [tilespmem:s14+$0x7E88]  }
0x2d9: {  	[tilespmem:$0x1F490] =	vst v61;
	v61 =	vld.idx.msk [tilespmem:v47+s10+$0x8F0 ss:$0x1], $0xffff  }
0x2da: {  	s15 =	spop (v2sf);
	[tilespmem:$0x1F430] =	vst v62;
	v62 =	vld [tilespmem:s14+$0x7EB8]  }
0x2db: {  	v1 =	vadd.f32 v10, v1;
	s14 =	sshll.u32 s15, $0x6;
	v10 =	vmul.f32 v22, v27;
	v22 =	vld [tilespmem:$0x1E8D0]  }
0x2dc: {  	s14 =	sshra.s32 s14, $0x2;
	[tilespmem:$0x1F470] =	vst v57;
	v57 =	vld [tilespmem:$0x1E8F0]  }
0x2dd: {  	s14 =	sadd.s32 s14, s11  }
0x2de: {  	[tilespmem:$0x1F4A0] =	vst v61;
	v61 =	vld [tilespmem:s14+$0x0];
	_ =	sdelay $0x1  }
0x2df: {  	v27 =	vld [tilespmem:$0x1E900]  }
0x2e0: {  	v22 =	vmul.f32 v26, v22;
	v26 =	vmul.f32 v57, v21;
	v57 =	vld [tilespmem:$0x1E910];
	_ =	sdelay $0x1  }
0x2e1: {  	[tilespmem:$0x1F440] =	vst v61;
	v61 =	vld [tilespmem:$0x1E930];
	_ =	sdelay $0x2  }
0x2e2: {  	v3 =	vadd.f32 v11, v3;
	v11 =	vmul.f32 v27, v21;
	v27 =	vmul.f32 v57, v21;
	v57 =	vld [tilespmem:$0x1E940];
	_ =	sdelay $0x1  }
0x2e3: {  	v11 =	vmul.f32 v11, v61;
	v61 =	vld.idx.msk [tilespmem:v47+s10+$0x900 ss:$0x1], $0xffff  }
0x2e4: {  	v4 =	vadd.f32 v23, v4;
	v23 =	vld [tilespmem:$0x1E920];
	_ =	sdelay $0x1  }
0x2e5: {  	v5 =	vadd.f32 v24, v5;
	s15 =	sshll.u32 s15, $0x9;
	v24 =	vmul.f32 v27, v57;
	v27 =	vld [tilespmem:$0x1E950]  }
0x2e6: {  	s14 =	sshra.s32 s15, $0x2;
	v57 =	vld [tilespmem:$0x1E960]  }
0x2e7: {  	[tilespmem:$0x1F4B0] =	vst v61;
	v61 =	vld [tilespmem:s14+$0x7E68]  }
0x2e8: {  	v23 =	vmul.f32 v26, v23;
	v26 =	vbroadcast v50, $0x6  }
0x2e9: {  	v53 =	vld [tilespmem:$0x1E770]  }
0x2ea: {  	v6 =	vadd.f32 v16, v6;
	v16 =	vmul.f32 v27, v26;
	v27 =	vld [tilespmem:$0x1E970]  }
0x2eb: {  	v26 =	vmul.f32 v57, v21;
	v57 =	vld [tilespmem:$0x1E980]  }
0x2ec: {  	[tilespmem:$0x1F480] =	vst v61;
	v61 =	vld [tilespmem:$0x1E990];
	_ =	sdelay $0x2  }
0x2ed: {  	v25 =	vmul.f32 v25, v53  }
0x2ee: {  	v9 =	vadd.f32 v13, v9;
	v13 =	vmul.f32 v27, v21;
	v21 =	vmul.f32 v57, v21;
	v57 =	vld [tilespmem:$0x1E9A0]  }
0x2ef: {  	v8 =	vadd.f32 v25, v8;
	v25 =	vmul.f32 v26, v61;
	v61 =	vld [tilespmem:s14+$0x7E78];
	_ =	sdelay $0x3  }
0x2f0: {  	v26 =	vmul.f32 v57, v16;
	v57 =	vld [tilespmem:$0x1E9B0]  }
0x2f1: {  	[tilespmem:$0x1F4C0] =	vst v61;
	v61 =	vld [tilespmem:$0x1E9C0];
	_ =	sdelay $0x4  }
0x2f2: {  	v0 =	vadd.f32 v2, v0;
	v2 =	vmul.f32 v13, v57;
	v13 =	vmul.f32 v21, v61;
	v61 =	vld [tilespmem:s14+$0x7E88];
	_ =	sdelay $0x2  }
0x2f3: {  	v57 =	vld [tilespmem:$0x1E9D0];
	_ =	sdelay $0x1  }
0x2f4: {  	[tilespmem:$0x1F4D0] =	vst v61;
	v61 =	vld.idx.msk [tilespmem:v47+s10+$0x930 ss:$0x1], $0xffff;
	_ =	sdelay $0x1  }
0x2f5: {  	v21 =	vld.idx.msk [tilespmem:v47+s10+$0x920 ss:$0x1], $0xffff  }
0x2f6: {  	v1 =	vadd.f32 v15, v1;
	v15 =	vmul.f32 v26, v57;
	v26 =	vld [tilespmem:$0x1E9F0]  }
0x2f7: {  	v57 =	vld [tilespmem:$0x1EA00]  }
0x2f8: {  	[tilespmem:$0x1F510] =	vst v61;
	v61 =	vld [tilespmem:s14+$0x7E98]  }
0x2f9: {  	v55 =	vld [tilespmem:$0x1E7F0]  }
0x2fa: {  	[tilespmem:$0x1F500] =	vst v21;
	v21 =	vld [tilespmem:$0x1E9E0];
	_ =	sdelay $0x1  }
0x2fb: {  	v3 =	vadd.f32 v17, v3;
	v17 =	vmul.f32 v26, v16;
	v26 =	vmul.f32 v57, v16;
	v57 =	vld [tilespmem:$0x1EA10]  }
0x2fc: {  	[tilespmem:$0x1F4E0] =	vst v61;
	v61 =	vld [tilespmem:$0x1EA30];
	_ =	sdelay $0x1  }
0x2fd: {  	v7 =	vmul.f32 v7, v55;
	v21 =	vmul.f32 v21, v16;
	_ =	sdelay $0x1  }
0x2fe: {  	v4 =	vadd.f32 v7, v4;
	v7 =	vmul.f32 v21, v57;
	v57 =	vld [tilespmem:$0x1EA40]  }
0x2ff: {  	v17 =	vmul.f32 v17, v61;
	v61 =	vld.idx.msk [tilespmem:v47+s10+$0x940 ss:$0x1], $0xffff;
	_ =	sdelay $0x1  }
0x300: {  	v21 =	vld [tilespmem:$0x1EA20];
	_ =	sdelay $0x1  }
0x301: {  	v5 =	vadd.f32 v18, v5;
	v18 =	vmul.f32 v26, v57;
	v57 =	vld [tilespmem:$0x1EA50]  }
0x302: {  	[tilespmem:$0x1F520] =	vst v61;
	v61 =	vld [tilespmem:s14+$0x7EA8];
	_ =	sdelay $0x1  }
0x303: {  	v21 =	vmul.f32 v21, v16  }
0x304: {  	v26 =	vld [tilespmem:$0x1EA60]  }
0x305: {  	v6 =	vadd.f32 v19, v6;
	v19 =	vmul.f32 v21, v57;
	v57 =	vld [tilespmem:$0x1EA70]  }
0x306: {  	[tilespmem:$0x1F4F0] =	vst v61;
	v61 =	vld [tilespmem:s14+$0x7EB8];
	_ =	sdelay $0x3  }
0x307: {  	v9 =	vadd.f32 v12, v9;
	v12 =	vmul.f32 v26, v16;
	v26 =	vmul.f32 v57, v16;
	v57 =	vld [tilespmem:$0x1EA80]  }
0x308: {  	[tilespmem:$0x1F530] =	vst v61;
	v61 =	vld [tilespmem:$0x1EA90];
	_ =	sdelay $0x1  }
0x309: {  	(v2sf) =	vpush v49, $0x3  }
0x30a: {  	v21 =	vbroadcast v50, $0x7  }
0x30b: {  	v8 =	vadd.f32 v14, v8;
	v14 =	vmul.f32 v57, v16;
	v57 =	vld [tilespmem:$0x1EAA0]  }
0x30c: {  	v16 =	vmul.f32 v61, v21;
	v21 =	vld [tilespmem:s14+$0x7EC8]  }
0x30d: {  	v61 =	vld [tilespmem:$0x1EAB0];
	_ =	sdelay $0x3  }
0x30e: {  	[tilespmem:$0x1F540] =	vst v21;
	v21 =	vld [tilespmem:s14+$0x7ED8]  }
0x30f: {  	v0 =	vadd.f32 v10, v0;
	v10 =	vmul.f32 v12, v57;
	v12 =	vmul.f32 v26, v61;
	v61 =	vld.idx.msk [tilespmem:v47+s10+$0x960 ss:$0x1], $0xffff;
	_ =	sdelay $0x3  }
0x310: {  	[tilespmem:$0x1F550] =	vst v21;
	v21 =	vld [tilespmem:$0x1EAC0]  }
0x311: {  	[tilespmem:$0x1F580] =	vst v61;
	v61 =	vld.idx.msk [tilespmem:v47+s10+$0x970 ss:$0x1], $0xffff  }
0x312: {  	s15 =	spop (v2sf)  }
0x313: {  	s14 =	sshll.u32 s15, $0x6  }
0x314: {  	s14 =	sshra.s32 s14, $0x2  }
0x315: {  	s14 =	sadd.s32 s14, s11;
	v14 =	vmul.f32 v14, v21;
	v21 =	vld [tilespmem:$0x1EAD0]  }
0x316: {  	[tilespmem:$0x1F590] =	vst v61;
	v61 =	vld [tilespmem:s14+$0x0]  }
0x317: {  	v3 =	vadd.f32 v20, v3;
	v20 =	vld [tilespmem:$0x1EB00];
	_ =	sdelay $0x1  }
0x318: {  	v57 =	vld [tilespmem:$0x1EAF0]  }
0x319: {  	v21 =	vmul.f32 v21, v16  }
0x31a: {  	[tilespmem:$0x1F560] =	vst v61;
	v61 =	vld.idx.msk [tilespmem:v47+s10+$0x980 ss:$0x1], $0xffff  }
0x31b: {  	v20 =	vmul.f32 v21, v20;
	v21 =	vld [tilespmem:$0x1EB10];
	_ =	sdelay $0x1  }
0x31c: {  	v26 =	vmul.f32 v57, v16;
	s15 =	sshll.u32 s15, $0x9;
	v57 =	vld [tilespmem:$0x1EB40]  }
0x31d: {  	s14 =	sshra.s32 s15, $0x2  }
0x31e: {  	[tilespmem:$0x1F5D0] =	vst v61;
	v61 =	vld [tilespmem:s14+$0x7E68]  }
0x31f: {  	v21 =	vmul.f32 v21, v16;
	_ =	sdelay $0x1  }
0x320: {  	v5 =	vadd.f32 v11, v5;
	v11 =	vmul.f32 v21, v57;
	v21 =	vld [tilespmem:$0x1EB50];
	_ =	sdelay $0x1  }
0x321: {  	[tilespmem:$0x1F5A0] =	vst v61;
	v61 =	vld [tilespmem:$0x1EB70];
	_ =	sdelay $0x2  }
0x322: {  	v21 =	vmul.f32 v21, v16;
	_ =	sdelay $0x1  }
0x323: {  	v21 =	vmul.f32 v21, v61;
	v61 =	vld.idx.msk [tilespmem:v47+s10+$0x990 ss:$0x1], $0xffff;
	_ =	sdelay $0x2  }
0x324: {  	v57 =	vld [tilespmem:$0x1EB60];
	_ =	sdelay $0x1  }
0x325: {  	[tilespmem:$0x1F5F0] =	vst v61;
	v61 =	vld [tilespmem:$0x1EB90];
	_ =	sdelay $0x2  }
0x326: {  	v1 =	vadd.f32 v22, v1;
	v22 =	vld.idx.msk [tilespmem:v47+s10+$0x950 ss:$0x1], $0xffff;
	v6 =	vadd.f32 v24, v6;
	v24 =	vmul.f32 v57, v16;
	_ =	sdelay $0x1  }
0x327: {  	v2 =	vadd.f32 v2, v8;
	v8 =	vmul.f32 v24, v61;
	v61 =	vld [tilespmem:s14+$0x7E78];
	_ =	sdelay $0x2  }
0x328: {  	[tilespmem:$0x1F570] =	vst v22;
	v22 =	vld [tilespmem:$0x1EAE0]  }
0x329: {  	v57 =	vld [tilespmem:$0x1EB80]  }
0x32a: {  	[tilespmem:$0x1F5B0] =	vst v61;
	v61 =	vld [tilespmem:$0x1EBC0]  }
0x32b: {  	v4 =	vadd.f32 v23, v4;
	v23 =	vld [tilespmem:$0x1EB20];
	_ =	sdelay $0x2  }
0x32c: {  	v22 =	vmul.f32 v22, v16  }
0x32d: {  	v9 =	vadd.f32 v25, v9;
	v25 =	vmul.f32 v57, v16;
	v16 =	vmul.f32 v61, v16;
	v61 =	vld [tilespmem:s14+$0x7E88]  }
0x32e: {  	v22 =	vmul.f32 v22, v23;
	v23 =	vld [tilespmem:$0x1EB30];
	_ =	sdelay $0x1  }
0x32f: {  	v57 =	vld [tilespmem:$0x1EBA0];
	_ =	sdelay $0x1  }
0x330: {  	[tilespmem:$0x1F5C0] =	vst v61;
	v61 =	vld [tilespmem:$0x1EBF0]  }
0x331: {  	v23 =	vmul.f32 v26, v23;
	v26 =	vbroadcast v50, $0x8;
	_ =	sdelay $0x1  }
0x332: {  	v24 =	vmul.f32 v57, v26;
	v57 =	vld [tilespmem:$0x1EBB0];
	_ =	sdelay $0x1  }
0x333: {  	v3 =	vadd.f32 v7, v3;
	v7 =	vmul.f32 v16, v61;
	v61 =	vld.idx.msk [tilespmem:v47+s10+$0x9B0 ss:$0x1], $0xffff;
	_ =	sdelay $0x2  }
0x334: {  	v0 =	vadd.f32 v13, v0;
	v13 =	vmul.f32 v25, v57;
	v25 =	vld [tilespmem:$0x1EBD0]  }
0x335: {  	v57 =	vld [tilespmem:$0x1EBE0]  }
0x336: {  	[tilespmem:$0x1F600] =	vst v61;
	v61 =	vld [tilespmem:$0x1EC10];
	_ =	sdelay $0x2  }
0x337: {  	v1 =	vadd.f32 v15, v1;
	v15 =	vmul.f32 v25, v24  }
0x338: {  	v25 =	vmul.f32 v57, v24;
	v57 =	vld [tilespmem:$0x1EC00]  }
0x339: {  	v15 =	vmul.f32 v15, v61;
	v61 =	vld [tilespmem:s14+$0x7E98];
	_ =	sdelay $0x3  }
0x33a: {  	v16 =	vmul.f32 v57, v24;
	v57 =	vld [tilespmem:$0x1EC20]  }
0x33b: {  	[tilespmem:$0x1F5E0] =	vst v61;
	v61 =	vld.idx.msk [tilespmem:v47+s10+$0x9C0 ss:$0x1], $0xffff;
	_ =	sdelay $0x3  }
0x33c: {  	v4 =	vadd.f32 v17, v4;
	v17 =	vmul.f32 v25, v57;
	v57 =	vld [tilespmem:$0x1EC40]  }
0x33d: {  	[tilespmem:$0x1F630] =	vst v61;
	v61 =	vld [tilespmem:s14+$0x7EA8];
	_ =	sdelay $0x3  }
0x33e: {  	v5 =	vadd.f32 v18, v5;
	v18 =	vmul.f32 v57, v24;
	v57 =	vld [tilespmem:$0x1EC50]  }
0x33f: {  	[tilespmem:$0x1F610] =	vst v61;
	v61 =	vld [tilespmem:$0x1EC60];
	_ =	sdelay $0x3  }
0x340: {  	v6 =	vadd.f32 v19, v6;
	v19 =	vmul.f32 v57, v24;
	v57 =	vld [tilespmem:$0x1EC70]  }
0x341: {  	v9 =	vadd.f32 v10, v9;
	v10 =	vmul.f32 v18, v61;
	v61 =	vld [tilespmem:s14+$0x7EB8];
	_ =	sdelay $0x2  }
0x342: {  	v25 =	vld [tilespmem:$0x1EC30]  }
0x343: {  	v18 =	vmul.f32 v57, v24;
	v57 =	vld [tilespmem:$0x1EC80]  }
0x344: {  	[tilespmem:$0x1F620] =	vst v61;
	v61 =	vld [tilespmem:$0x1EC90];
	_ =	sdelay $0x2  }
0x345: {  	v16 =	vmul.f32 v16, v25;
	v25 =	vbroadcast v50, $0x9;
	_ =	sdelay $0x1  }
0x346: {  	v2 =	vadd.f32 v12, v2;
	v12 =	vmul.f32 v19, v57;
	v19 =	vmul.f32 v61, v25;
	v61 =	vld [tilespmem:$0x1ECA0];
	_ =	sdelay $0x2  }
0x347: {  	v1 =	vadd.f32 v20, v1;
	v20 =	vld [tilespmem:$0x1ECC0]  }
0x348: {  	v25 =	vld [tilespmem:$0x1ECB0]  }
0x349: {  	v0 =	vadd.f32 v14, v0;
	v14 =	vmul.f32 v18, v61;
	v61 =	vld [tilespmem:$0x1ECD0]  }
0x34a: {  	(v2sf) =	vpush v49, $0x4;
	_ =	sdelay $0x2  }
0x34b: {  	v20 =	vmul.f32 v20, v24  }
0x34c: {  	v18 =	vmul.f32 v25, v24;
	v24 =	vmul.f32 v61, v19;
	v61 =	vld [tilespmem:$0x1ECE0];
	_ =	sdelay $0x4  }
0x34d: {  	v18 =	vmul.f32 v18, v61;
	v61 =	vld.idx.msk [tilespmem:v47+s10+$0x9E0 ss:$0x1], $0xffff  }
0x34e: {  	v57 =	vld [tilespmem:s14+$0x7EC8];
	_ =	sdelay $0x3  }
0x34f: {  	[tilespmem:$0x1F670] =	vst v61;
	v61 =	vld.idx.msk [tilespmem:v47+s10+$0x9F0 ss:$0x1], $0xffff  }
0x350: {  	s15 =	spop (v2sf);
	[tilespmem:$0x1F640] =	vst v57;
	v57 =	vld [tilespmem:s14+$0x7ED8]  }
0x351: {  	s14 =	sshll.u32 s15, $0x6  }
0x352: {  	s14 =	sshra.s32 s14, $0x2  }
0x353: {  	s14 =	sadd.s32 s14, s11  }
0x354: {  	[tilespmem:$0x1F6B0] =	vst v61;
	v61 =	vld [tilespmem:s14+$0x0]  }
0x355: {  	[tilespmem:$0x1F680] =	vst v57;
	v57 =	vld.idx.msk [tilespmem:v47+s10+$0x9D0 ss:$0x1], $0xffff;
	_ =	sdelay $0x2  }
0x356: {  	v3 =	vadd.f32 v22, v3;
	v22 =	vld [tilespmem:$0x1ED00]  }
0x357: {  	[tilespmem:$0x1F660] =	vst v61;
	v61 =	vld.idx.msk [tilespmem:v47+s10+$0xA00 ss:$0x1], $0xffff  }
0x358: {  	[tilespmem:$0x1F650] =	vst v57;
	v57 =	vld [tilespmem:$0x1ECF0];
	_ =	sdelay $0x1  }
0x359: {  	v4 =	vadd.f32 v23, v4;
	v23 =	vld [tilespmem:$0x1ED20];
	s15 =	sshll.u32 s15, $0x9  }
0x35a: {  	s14 =	sshra.s32 s15, $0x2  }
0x35b: {  	[tilespmem:$0x1F6D0] =	vst v61;
	v61 =	vld [tilespmem:s14+$0x7E68]  }
0x35c: {  	v20 =	vmul.f32 v20, v22;
	v22 =	vld [tilespmem:$0x1ED10];
	v25 =	vmul.f32 v57, v19  }
0x35d: {  	v57 =	vld [tilespmem:$0x1ED30]  }
0x35e: {  	v23 =	vmul.f32 v25, v23;
	v25 =	vld [tilespmem:$0x1ED40];
	_ =	sdelay $0x1  }
0x35f: {  	[tilespmem:$0x1F690] =	vst v61;
	v61 =	vld [tilespmem:$0x1ED70];
	_ =	sdelay $0x1  }
0x360: {  	v22 =	vmul.f32 v24, v22;
	v24 =	vmul.f32 v57, v19;
	v57 =	vld [tilespmem:$0x1ED50]  }
0x361: {  	v5 =	vadd.f32 v11, v5;
	v11 =	vmul.f32 v25, v19;
	_ =	sdelay $0x1  }
0x362: {  	v8 =	vadd.f32 v8, v9;
	v9 =	vmul.f32 v11, v61;
	v61 =	vld.idx.msk [tilespmem:v47+s10+$0xA10 ss:$0x1], $0xffff;
	_ =	sdelay $0x1  }
0x363: {  	v25 =	vmul.f32 v57, v19;
	v57 =	vld [tilespmem:$0x1ED80];
	_ =	sdelay $0x1  }
0x364: {  	v6 =	vadd.f32 v21, v6;
	v21 =	vld [tilespmem:$0x1ED60]  }
0x365: {  	[tilespmem:$0x1F6E0] =	vst v61;
	v61 =	vld [tilespmem:s14+$0x7E78];
	_ =	sdelay $0x1  }
0x366: {  	v11 =	vmul.f32 v25, v57;
	v25 =	vld [tilespmem:$0x1ED90]  }
0x367: {  	v57 =	vld [tilespmem:$0x1EDA0];
	_ =	sdelay $0x1  }
0x368: {  	v21 =	vmul.f32 v24, v21;
	v24 =	vbroadcast v50, $0xA;
	[tilespmem:$0x1F6A0] =	vst v61;
	v61 =	vld.idx.msk [tilespmem:v47+s10+$0xA20 ss:$0x1], $0xffff;
	_ =	sdelay $0x1  }
0x369: {  	v2 =	vadd.f32 v13, v2;
	v13 =	vmul.f32 v25, v24;
	v25 =	vld [tilespmem:$0x1EDB0]  }
0x36a: {  	v24 =	vmul.f32 v57, v19;
	v57 =	vld [tilespmem:$0x1EDC0];
	_ =	sdelay $0x1  }
0x36b: {  	[tilespmem:$0x1F6F0] =	vst v61;
	v61 =	vld [tilespmem:s14+$0x7E88];
	_ =	sdelay $0x1  }
0x36c: {  	v0 =	vadd.f32 v7, v0;
	v7 =	vmul.f32 v25, v19;
	v25 =	vld [tilespmem:$0x1EDD0]  }
0x36d: {  	v19 =	vmul.f32 v57, v19;
	v57 =	vld [tilespmem:$0x1EDE0];
	_ =	sdelay $0x1  }
0x36e: {  	[tilespmem:$0x1F6C0] =	vst v61;
	v61 =	vld [tilespmem:$0x1EE10];
	_ =	sdelay $0x2  }
0x36f: {  	v1 =	vadd.f32 v15, v1;
	v15 =	vmul.f32 v24, v25;
	v24 =	vmul.f32 v57, v13  }
0x370: {  	v57 =	vld [tilespmem:$0x1EE00]  }
0x371: {  	v4 =	vadd.f32 v16, v4;
	v16 =	vmul.f32 v24, v61;
	v61 =	vld [tilespmem:s14+$0x7E98]  }
0x372: {  	[tilespmem:$0x1F300] =	vst v63;
	v63 =	vld.idx.msk [tilespmem:v47+s10+$0x750 ss:$0x1], $0xffff  }
0x373: {  	v28 =	vld.idx.msk [tilespmem:v47+s10+$0x7E0 ss:$0x1], $0xffff  }
0x374: {  	v33 =	vld.idx.msk [tilespmem:v47+s10+$0x840 ss:$0x1], $0xffff  }
0x375: {  	v3 =	vadd.f32 v17, v3;
	v17 =	vmul.f32 v19, v57;
	v57 =	vld [tilespmem:$0x1EE20]  }
0x376: {  	[tilespmem:$0x1F700] =	vst v61;
	v61 =	vld.idx.msk [tilespmem:v47+s10+$0xA40 ss:$0x1], $0xffff  }
0x377: {  	[tilespmem:$0x1F320] =	vst v63;
	v63 =	vld.idx.msk [tilespmem:v47+s10+$0x760 ss:$0x1], $0xffff  }
0x378: {  	[tilespmem:$0x1F400] =	vst v28;
	v28 =	vld.idx.msk [tilespmem:v47+s10+$0x7F0 ss:$0x1], $0xffff  }
0x379: {  	v24 =	vld [tilespmem:$0x1EE30]  }
0x37a: {  	v19 =	vmul.f32 v57, v13;
	v57 =	vld [tilespmem:$0x1EE40]  }
0x37b: {  	[tilespmem:$0x1F730] =	vst v61;
	v61 =	vld [tilespmem:$0x1EE50]  }
0x37c: {  	[tilespmem:$0x1F330] =	vst v63;
	v63 =	vld.idx.msk [tilespmem:v47+s10+$0x770 ss:$0x1], $0xffff  }
0x37d: {  	v30 =	vld.idx.msk [tilespmem:v47+s10+$0x7C0 ss:$0x1], $0xffff  }
0x37e: {  	v32 =	vld.idx.msk [tilespmem:v47+s10+$0x800 ss:$0x1], $0xffff  }
0x37f: {  	v5 =	vadd.f32 v10, v5;
	v10 =	vmul.f32 v24, v13;
	v24 =	vmul.f32 v57, v13;
	v57 =	vld [tilespmem:$0x1EE60]  }
0x380: {  	v6 =	vadd.f32 v12, v6;
	v12 =	vmul.f32 v19, v61;
	v61 =	vld [tilespmem:s14+$0x7EA8]  }
0x381: {  	v34 =	vld.idx.msk [tilespmem:v47+s10+$0x820 ss:$0x1], $0xffff  }
0x382: {  	v46 =	vld.idx.msk [tilespmem:v47+s10+$0x850 ss:$0x1], $0xffff  }
0x383: {  	v51 =	vld.idx.msk [tilespmem:v47+s10+$0x880 ss:$0x1], $0xffff  }
0x384: {  	v19 =	vmul.f32 v57, v13;
	v57 =	vld [tilespmem:$0x1EE80]  }
0x385: {  	[tilespmem:$0x1F710] =	vst v61;
	v61 =	vld [tilespmem:$0x1EE70]  }
0x386: {  	v29 =	vld.idx.msk [tilespmem:v47+s10+$0x810 ss:$0x1], $0xffff  }
0x387: {  	v44 =	vld.idx.msk [tilespmem:v47+s10+$0x870 ss:$0x1], $0xffff  }
0x388: {  	v31 =	vld.idx.msk [tilespmem:v47+s10+$0x830 ss:$0x1], $0xffff  }
0x389: {  	v8 =	vadd.f32 v14, v8;
	v14 =	vmul.f32 v24, v57;
	v57 =	vld [tilespmem:$0x1EE90]  }
0x38a: {  	v10 =	vmul.f32 v10, v61;
	v61 =	vld [tilespmem:s14+$0x7EB8]  }
0x38b: {  	v42 =	vld.idx.msk [tilespmem:v47+s10+$0x860 ss:$0x1], $0xffff;
	(v2sf) =	vpush v49, $0x5  }
0x38c: {  	v0 =	vadd.f32 v20, v0;
	v20 =	vld [tilespmem:$0x1EEA0]  }
0x38d: {  	v1 =	vadd.f32 v22, v1;
	v22 =	vld [tilespmem:$0x1EEC0]  }
0x38e: {  	v2 =	vadd.f32 v18, v2;
	v18 =	vmul.f32 v19, v57;
	v57 =	vld [tilespmem:$0x1EEB0]  }
0x38f: {  	[tilespmem:$0x1F720] =	vst v61;
	v61 =	vld [tilespmem:s14+$0x7EC8]  }
0x390: {  	v53 =	vld.idx.msk [tilespmem:v47+s10+$0x8A0 ss:$0x1], $0xffff  }
0x391: {  	v52 =	vld.idx.msk [tilespmem:v47+s10+$0x890 ss:$0x1], $0xffff  }
0x392: {  	v55 =	vld.idx.msk [tilespmem:v47+s10+$0x8B0 ss:$0x1], $0xffff;
	v20 =	vmul.f32 v20, v13  }
0x393: {  	v24 =	vmul.f32 v57, v13;
	v13 =	vmul.f32 v22, v13;
	v22 =	vld [tilespmem:$0x1EED0]  }
0x394: {  	[tilespmem:$0x1F760] =	vst v61;
	v61 =	vld [tilespmem:s14+$0x7ED8]  }
0x395: {  	v60 =	vld.idx.msk [tilespmem:v47+s10+$0x8C0 ss:$0x1], $0xffff  }
0x396: {  	v27 =	vld.idx.msk [tilespmem:v47+s10+$0x910 ss:$0x1], $0xffff;
	v19 =	vbroadcast v50, $0xB  }
0x397: {  	v26 =	vld.idx.msk [tilespmem:v47+s10+$0x9A0 ss:$0x1], $0xffff  }
0x398: {  	v19 =	vmul.f32 v22, v19;
	v22 =	vld.idx.msk [tilespmem:v47+s10+$0xA50 ss:$0x1], $0xffff  }
0x399: {  	[tilespmem:$0x1F770] =	vst v61;
	v61 =	vld.idx.msk [tilespmem:v47+s10+$0xA70 ss:$0x1], $0xffff  }
0x39a: {  	v3 =	vadd.f32 v23, v3;
	v23 =	vld [tilespmem:$0x1EF00];
	s15 =	spop (v2sf)  }
0x39b: {  	v25 =	vld [tilespmem:$0x1EDF0];
	s14 =	sshll.u32 s15, $0x6  }
0x39c: {  	v57 =	vld.idx.msk [tilespmem:v47+s10+$0xA60 ss:$0x1], $0xffff;
	s14 =	sshra.s32 s14, $0x2  }
0x39d: {  	s14 =	sadd.s32 s14, s11;
	[tilespmem:$0x1F750] =	vst v22;
	v22 =	vld [tilespmem:$0x1EEE0]  }
0x39e: {  	[tilespmem:$0x1F7B0] =	vst v61;
	v61 =	vld [tilespmem:s14+$0x0]  }
0x39f: {  	v4 =	vadd.f32 v21, v4;
	v21 =	vld [tilespmem:$0x1EF20]  }
0x3a0: {  	v13 =	vmul.f32 v13, v23;
	v23 =	vld [tilespmem:$0x1EF10]  }
0x3a1: {  	[tilespmem:$0x1F790] =	vst v57;
	v57 =	vld [tilespmem:$0x1EF30]  }
0x3a2: {  	v20 =	vmul.f32 v20, v22;
	v22 =	vld [tilespmem:$0x1EEF0]  }
0x3a3: {  	(v2sf) =	vpush v49, $0x6;
	v7 =	vmul.f32 v7, v25;
	v25 =	vld.idx.msk [tilespmem:v47+s10+$0xA30 ss:$0x1], $0xffff;
	[tilespmem:$0x1F740] =	vst v61  }
0x3a4: {  	v61 =	vld [tilespmem:$0x1EF40];
	_ =	sdelay $0x1  }
0x3a5: {  	v23 =	vmul.f32 v23, v19  }
0x3a6: {  	s15 =	sshll.u32 s15, $0x9;
	v22 =	vmul.f32 v24, v22;
	v24 =	vmul.f32 v57, v19;
	v57 =	vld.idx.msk [tilespmem:v47+s10+$0xA80 ss:$0x1], $0xffff  }
0x3a7: {  	s14 =	sshra.s32 s15, $0x2  }
0x3a8: {  	v5 =	vadd.f32 v9, v5;
	v9 =	vmul.f32 v23, v61;
	v61 =	vld [tilespmem:s14+$0x7E68];
	_ =	sdelay $0x2  }
0x3a9: {  	[tilespmem:$0x1F7C0] =	vst v57;
	v57 =	vld [tilespmem:$0x1EF60];
	_ =	sdelay $0x1  }
0x3aa: {  	[tilespmem:$0x1F780] =	vst v61;
	v61 =	vld.idx.msk [tilespmem:v47+s10+$0xA90 ss:$0x1], $0xffff  }
0x3ab: {  	v21 =	vmul.f32 v21, v19;
	v23 =	vld [tilespmem:$0x1EF50];
	_ =	sdelay $0x1  }
0x3ac: {  	v6 =	vadd.f32 v11, v6;
	v11 =	vmul.f32 v21, v57;
	v57 =	vld [tilespmem:$0x1EF80];
	_ =	sdelay $0x1  }
0x3ad: {  	[tilespmem:$0x1F7D0] =	vst v61;
	v61 =	vld [tilespmem:s14+$0x7E78]  }
0x3ae: {  	v23 =	vmul.f32 v23, v19;
	_ =	sdelay $0x1  }
0x3af: {  	v8 =	vadd.f32 v15, v8;
	v15 =	vmul.f32 v23, v57;
	v57 =	vld [tilespmem:$0x1EFA0];
	_ =	sdelay $0x1  }
0x3b0: {  	[tilespmem:$0x1F7A0] =	vst v61;
	v61 =	vld.idx.msk [tilespmem:v47+s10+$0xAA0 ss:$0x1], $0xffff  }
0x3b1: {  	v23 =	vld [tilespmem:$0x1EF90];
	_ =	sdelay $0x1  }
0x3b2: {  	v2 =	vadd.f32 v7, v2;
	v7 =	vmul.f32 v57, v19;
	v57 =	vld [tilespmem:$0x1EFB0];
	_ =	sdelay $0x1  }
0x3b3: {  	[tilespmem:$0x1F810] =	vst v61;
	v61 =	vld [tilespmem:$0x1EFD0]  }
0x3b4: {  	v21 =	vld [tilespmem:$0x1EF70];
	v23 =	vmul.f32 v23, v19;
	_ =	sdelay $0x1  }
0x3b5: {  	v0 =	vadd.f32 v17, v0;
	v17 =	vmul.f32 v23, v57;
	v57 =	vld [tilespmem:$0x1EFE0];
	_ =	sdelay $0x1  }
0x3b6: {  	v7 =	vmul.f32 v7, v61;
	v61 =	vld [tilespmem:s14+$0x7E88]  }
0x3b7: {  	v21 =	vmul.f32 v24, v21;
	v24 =	vbroadcast v50, $0xC;
	v23 =	vld [tilespmem:$0x1EFC0];
	_ =	sdelay $0x1  }
0x3b8: {  	v1 =	vadd.f32 v16, v1;
	v16 =	vmul.f32 v57, v24;
	v24 =	vld [tilespmem:$0x1EFF0];
	_ =	sdelay $0x1  }
0x3b9: {  	[tilespmem:$0x1F7E0] =	vst v61;
	v61 =	vld [tilespmem:s14+$0x7E98]  }
0x3ba: {  	v23 =	vmul.f32 v23, v19;
	_ =	sdelay $0x1  }
0x3bb: {  	v3 =	vadd.f32 v12, v3;
	v12 =	vmul.f32 v23, v24;
	v23 =	vld [tilespmem:$0x1F000];
	_ =	sdelay $0x1  }
0x3bc: {  	[tilespmem:$0x1F7F0] =	vst v61;
	v61 =	vld [tilespmem:$0x1F030]  }
0x3bd: {  	v57 =	vld [tilespmem:$0x1F010];
	_ =	sdelay $0x1  }
0x3be: {  	v19 =	vmul.f32 v23, v19;
	_ =	sdelay $0x1  }
0x3bf: {  	v5 =	vadd.f32 v14, v5;
	v14 =	vmul.f32 v19, v61;
	v61 =	vld.idx.msk [tilespmem:v47+s10+$0xAC0 ss:$0x1], $0xffff  }
0x3c0: {  	v4 =	vadd.f32 v10, v4;
	v10 =	vmul.f32 v57, v16;
	v57 =	vld [tilespmem:$0x1F040];
	_ =	sdelay $0x1  }
0x3c1: {  	v8 =	vadd.f32 v20, v8;
	v20 =	vld [tilespmem:$0x1F070]  }
0x3c2: {  	v23 =	vld [tilespmem:$0x1F020]  }
0x3c3: {  	[tilespmem:$0x1F820] =	vst v61;
	v61 =	vld [tilespmem:$0x1F050]  }
0x3c4: {  	v19 =	vmul.f32 v57, v16;
	v57 =	vld [tilespmem:$0x1F060];
	_ =	sdelay $0x2  }
0x3c5: {  	v23 =	vmul.f32 v23, v16;
	v19 =	vmul.f32 v19, v20;
	v20 =	vld [tilespmem:$0x1F080]  }
0x3c6: {  	v10 =	vmul.f32 v10, v61;
	v61 =	vld [tilespmem:s14+$0x7EC8]  }
0x3c7: {  	v6 =	vadd.f32 v18, v6;
	v18 =	vmul.f32 v23, v57;
	v57 =	vld [tilespmem:$0x1F0A0];
	_ =	sdelay $0x1  }
0x3c8: {  	v2 =	vadd.f32 v22, v2;
	v22 =	vld [tilespmem:$0x1F090]  }
0x3c9: {  	v23 =	vld [tilespmem:s14+$0x7EA8];
	v20 =	vmul.f32 v20, v16  }
0x3ca: {  	[tilespmem:$0x1F850] =	vst v61;
	v61 =	vld [tilespmem:s14+$0x7ED8]  }
0x3cb: {  	v0 =	vadd.f32 v13, v0;
	v13 =	vmul.f32 v20, v57;
	v57 =	vld [tilespmem:$0x1F0C0];
	_ =	sdelay $0x2  }
0x3cc: {  	v22 =	vmul.f32 v22, v16;
	[tilespmem:$0x1F800] =	vst v23;
	v23 =	vld [tilespmem:s14+$0x7EB8]  }
0x3cd: {  	[tilespmem:$0x1F860] =	vst v61;
	v61 =	vld.idx.msk [tilespmem:v47+s10+$0xAE0 ss:$0x1], $0xffff  }
0x3ce: {  	v1 =	vadd.f32 v9, v1;
	v9 =	vmul.f32 v22, v57;
	v22 =	vld [tilespmem:$0x1F0D0];
	_ =	sdelay $0x2  }
0x3cf: {  	[tilespmem:$0x1F840] =	vst v23;
	v23 =	vbroadcast v50, $0xD  }
0x3d0: {  	[tilespmem:$0x1F890] =	vst v61;
	v61 =	vld [tilespmem:$0x1F100]  }
0x3d1: {  	v22 =	vmul.f32 v22, v23;
	v23 =	vld.idx.msk [tilespmem:v47+s10+$0xAD0 ss:$0x1], $0xffff;
	_ =	sdelay $0x2  }
0x3d2: {  	v20 =	vld [tilespmem:$0x1F0B0]  }
0x3d3: {  	v3 =	vadd.f32 v11, v3;
	v11 =	vmul.f32 v61, v16;
	v61 =	vld.idx.msk [tilespmem:v47+s10+$0xAF0 ss:$0x1], $0xffff  }
0x3d4: {  	s15 =	spop (v2sf);
	[tilespmem:$0x1F870] =	vst v23;
	v23 =	vld [tilespmem:$0x1F0E0]  }
0x3d5: {  	s14 =	sshll.u32 s15, $0x6  }
0x3d6: {  	s14 =	sshra.s32 s14, $0x2  }
0x3d7: {  	v20 =	vmul.f32 v20, v16;
	v57 =	vld [tilespmem:$0x1F110];
	s14 =	sadd.s32 s14, s11  }
0x3d8: {  	[tilespmem:$0x1F8A0] =	vst v61;
	v61 =	vld [tilespmem:s14+$0x0]  }
0x3d9: {  	v20 =	vmul.f32 v20, v23;
	v23 =	vld [tilespmem:$0x1F0F0];
	_ =	sdelay $0x2  }
0x3da: {  	v4 =	vadd.f32 v21, v4;
	v21 =	vld [tilespmem:$0x1F120]  }
0x3db: {  	[tilespmem:$0x1F830] =	vst v61;
	v61 =	vld [tilespmem:$0x1F140]  }
0x3dc: {  	v23 =	vmul.f32 v23, v16;
	v16 =	vmul.f32 v57, v22;
	v57 =	vld [tilespmem:$0x1F150];
	_ =	sdelay $0x2  }
0x3dd: {  	v21 =	vmul.f32 v23, v21;
	v23 =	vld [tilespmem:$0x1F130]  }
0x3de: {  	v11 =	vmul.f32 v11, v61;
	v61 =	vld.idx.msk [tilespmem:v47+s10+$0xB00 ss:$0x1], $0xffff  }
0x3df: {  	v5 =	vadd.f32 v15, v5;
	v15 =	vmul.f32 v16, v57;
	v57 =	vld [tilespmem:$0x1F160];
	_ =	sdelay $0x2  }
0x3e0: {  	v23 =	vmul.f32 v23, v22  }
0x3e1: {  	[tilespmem:$0x1F8B0] =	vst v61;
	v61 =	vld [tilespmem:$0x1F170]  }
0x3e2: {  	v16 =	vmul.f32 v23, v57;
	v57 =	vld [tilespmem:$0x1F180];
	_ =	sdelay $0x3  }
0x3e3: {  	v6 =	vadd.f32 v17, v6;
	v17 =	vmul.f32 v61, v22;
	v61 =	vld.idx.msk [tilespmem:v47+s10+$0xB10 ss:$0x1], $0xffff  }
0x3e4: {  	v7 =	vadd.f32 v7, v8;
	s15 =	sshll.u32 s15, $0x9;
	v8 =	vmul.f32 v57, v22;
	v57 =	vld [tilespmem:$0x1F1A0]  }
0x3e5: {  	s14 =	sshra.s32 s15, $0x2  }
0x3e6: {  	v23 =	vld [tilespmem:s14+$0x7E68];
	_ =	sdelay $0x1  }
0x3e7: {  	[tilespmem:$0x1F8F0] =	vst v61;
	v61 =	vld [tilespmem:s14+$0x7E78]  }
0x3e8: {  	v2 =	vadd.f32 v12, v2;
	v12 =	vmul.f32 v17, v57;
	v57 =	vld [tilespmem:$0x1F1B0];
	_ =	sdelay $0x1  }
0x3e9: {  	[tilespmem:$0x1F880] =	vst v23;
	v23 =	vld [tilespmem:$0x1F190];
	_ =	sdelay $0x1  }
0x3ea: {  	[tilespmem:$0x1F8C0] =	vst v61;
	v61 =	vld [tilespmem:$0x1F1C0]  }
0x3eb: {  	v8 =	vmul.f32 v8, v57;
	v57 =	vld [tilespmem:$0x1F1D0];
	_ =	sdelay $0x1  }
0x3ec: {  	v23 =	vmul.f32 v23, v22  }
0x3ed: {  	v17 =	vbroadcast v50, $0xE  }
0x3ee: {  	v0 =	vadd.f32 v14, v0;
	v14 =	vmul.f32 v23, v61;
	v23 =	vld.idx.msk [tilespmem:v47+s10+$0xB20 ss:$0x1], $0xffff  }
0x3ef: {  	v1 =	vadd.f32 v10, v1;
	v10 =	vmul.f32 v57, v17;
	v57 =	vld [tilespmem:$0x1F1F0]  }
0x3f0: {  	v61 =	vld [tilespmem:$0x1F1E0];
	_ =	sdelay $0x2  }
0x3f1: {  	[tilespmem:$0x1F910] =	vst v23;
	v23 =	vld [tilespmem:s14+$0x7E88]  }
0x3f2: {  	v3 =	vadd.f32 v18, v3;
	v18 =	vmul.f32 v57, v22;
	v57 =	vld [tilespmem:$0x1F220]  }
0x3f3: {  	v17 =	vmul.f32 v61, v22;
	v61 =	vld [tilespmem:$0x1F210];
	_ =	sdelay $0x2  }
0x3f4: {  	[tilespmem:$0x1F8D0] =	vst v23;
	v23 =	vld [tilespmem:$0x1F200]  }
0x3f5: {  	v4 =	vadd.f32 v19, v4;
	v19 =	vmul.f32 v57, v10;
	v57 =	vld [tilespmem:$0x1F240]  }
0x3f6: {  	v17 =	vmul.f32 v17, v61;
	v61 =	vld [tilespmem:$0x1F230];
	_ =	sdelay $0x2  }
0x3f7: {  	v22 =	vmul.f32 v23, v22;
	_ =	sdelay $0x1  }
0x3f8: {  	v5 =	vadd.f32 v13, v5;
	v13 =	vmul.f32 v18, v61;
	v18 =	vmul.f32 v22, v57;
	v22 =	vld.idx.msk [tilespmem:v47+s10+$0xB40 ss:$0x1], $0xffff;
	_ =	sdelay $0x1  }
0x3f9: {  	v61 =	vld [tilespmem:$0x1F250];
	_ =	sdelay $0x1  }
0x3fa: {  	v7 =	vadd.f32 v20, v7;
	v20 =	vld [tilespmem:$0x1F270]  }
0x3fb: {  	[tilespmem:$0x1F930] =	vst v22;
	v22 =	vld [tilespmem:s14+$0x7EA8];
	_ =	sdelay $0x1  }
0x3fc: {  	v6 =	vadd.f32 v9, v6;
	v9 =	vmul.f32 v19, v61;
	v61 =	vld [tilespmem:$0x1F2B0]  }
0x3fd: {  	v23 =	vld.idx.msk [tilespmem:v47+s10+$0xB30 ss:$0x1], $0xffff  }
0x3fe: {  	v57 =	vld [tilespmem:$0x1F260]  }
0x3ff: {  	v20 =	vmul.f32 v20, v10;
	[tilespmem:$0x1F900] =	vst v22;
	v22 =	vld [tilespmem:$0x1F280]  }
0x400: {  	v2 =	vadd.f32 v21, v2;
	v21 =	vld [tilespmem:$0x1F290]  }
0x401: {  	v0 =	vadd.f32 v11, v0;
	v11 =	vmul.f32 v20, v61;
	v20 =	vld [tilespmem:$0x1F2C0]  }
0x402: {  	[tilespmem:$0x1F920] =	vst v23;
	v23 =	vld [tilespmem:s14+$0x7E98]  }
0x403: {  	v19 =	vmul.f32 v57, v10  }
0x404: {  	(v2sf) =	vpush v49, $0x7;
	v22 =	vmul.f32 v22, v10  }
0x405: {  	v19 =	vmul.f32 v19, v21;
	v21 =	vld [tilespmem:$0x1F2A0]  }
0x406: {  	v20 =	vmul.f32 v22, v20;
	v22 =	vld [tilespmem:s14+$0x7ED8]  }
0x407: {  	[tilespmem:$0x1F8E0] =	vst v23;
	v23 =	vld [tilespmem:s14+$0x7EB8];
	_ =	sdelay $0x1  }
0x408: {  	v57 =	vld [tilespmem:$0x1F2D0];
	_ =	sdelay $0x1  }
0x409: {  	[tilespmem:$0x1F960] =	vst v22;
	v22 =	vld.idx.msk [tilespmem:v47+s10+$0xB50 ss:$0x1], $0xffff  }
0x40a: {  	v21 =	vmul.f32 v21, v10;
	[tilespmem:$0x1F940] =	vst v23;
	v23 =	vld [tilespmem:s14+$0x7EC8]  }
0x40b: {  	v61 =	vld.idx.msk [tilespmem:v47+s10+$0xB60 ss:$0x1], $0xffff  }
0x40c: {  	v1 =	vadd.f32 v15, v1;
	v15 =	vmul.f32 v21, v57;
	v21 =	vbroadcast v50, $0xF;
	v50 =	vld [tilespmem:$0x1F300]  }
0x40d: {  	v57 =	vld [tilespmem:$0x1F310]  }
0x40e: {  	[tilespmem:$0x1F980] =	vst v22;
	v22 =	vld [tilespmem:$0x1F2E0]  }
0x40f: {  	[tilespmem:$0x1F950] =	vst v23;
	v23 =	vld [tilespmem:$0x1F2F0]  }
0x410: {  	[tilespmem:$0x1F990] =	vst v61;
	v61 =	vld [tilespmem:$0x1F320]  }
0x411: {  	s15 =	spop (v2sf)  }
0x412: {  	v3 =	vadd.f32 v16, v3;
	s14 =	sshll.u32 s15, $0x6;
	v16 =	vmul.f32 v57, v21;
	v21 =	vld.idx.msk [tilespmem:v47+s10+$0xB70 ss:$0x1], $0xffff  }
0x413: {  	s14 =	sshra.s32 s14, $0x2;
	v57 =	vld [tilespmem:$0x1F350];
	v22 =	vmul.f32 v22, v10  }
0x414: {  	s14 =	sadd.s32 s14, s11;
	v23 =	vmul.f32 v23, v10;
	v10 =	vmul.f32 v50, v10;
	v50 =	vld [tilespmem:$0x1F340]  }
0x415: {  	v4 =	vadd.f32 v12, v4;
	s15 =	sshll.u32 s15, $0x9;
	v12 =	vmul.f32 v22, v61;
	v22 =	vld [tilespmem:s14+$0x0]  }
0x416: {  	v5 =	vadd.f32 v8, v5;
	v8 =	vmul.f32 v10, v63;
	s14 =	sshra.s32 s15, $0x2;
	v63 =	vld [tilespmem:$0x1F370]  }
0x417: {  	v61 =	vld [tilespmem:s14+$0x7E68]  }
0x418: {  	[tilespmem:$0x1F9A0] =	vst v21;
	v21 =	vld [tilespmem:$0x1F330]  }
0x419: {  	v10 =	vmul.f32 v50, v16;
	v50 =	vld [tilespmem:$0x1F380]  }
0x41a: {  	[tilespmem:$0x1F970] =	vst v22;
	v22 =	vld [tilespmem:$0x1F360]  }
0x41b: {  	v10 =	vmul.f32 v10, v63;
	v63 =	vld [tilespmem:$0x1F3A0]  }
0x41c: {  	[tilespmem:$0x1F9B0] =	vst v61;
	v61 =	vld [tilespmem:$0x1F390];
	_ =	sdelay $0x1  }
0x41d: {  	v7 =	vadd.f32 v17, v7;
	v17 =	vmul.f32 v50, v16;
	v50 =	vld [tilespmem:$0x1F3B0]  }
0x41e: {  	v6 =	vadd.f32 v14, v6;
	v14 =	vmul.f32 v57, v16;
	v22 =	vmul.f32 v22, v16  }
0x41f: {  	v2 =	vadd.f32 v13, v2;
	v57 =	vld.idx.msk [tilespmem:v47+s10+$0xB90 ss:$0x1], $0xffff;
	v21 =	vmul.f32 v23, v21  }
0x420: {  	v13 =	vmul.f32 v14, v61;
	v14 =	vmul.f32 v22, v63;
	v22 =	vld [tilespmem:s14+$0x7E78]  }
0x421: {  	v2 =	vadd.f32 v21, v2;
	v21 =	vld [tilespmem:s14+$0x7EC8]  }
0x422: {  	v17 =	vmul.f32 v17, v50;
	v50 =	vld [tilespmem:$0x1F3E0]  }
0x423: {  	v5 =	vadd.f32 v20, v5;
	v20 =	vld [tilespmem:$0x1F400]  }
0x424: {  	[tilespmem:$0x1F9F0] =	vst v57;
	v57 =	vld [tilespmem:$0x1F3C0]  }
0x425: {  	[tilespmem:$0x1F9C0] =	vst v22;
	v22 =	vld.idx.msk [tilespmem:v47+s10+$0xBA0 ss:$0x1], $0xffff  }
0x426: {  	[tilespmem:$0x1FA40] =	vst v21;
	v21 =	vld [tilespmem:s14+$0x7ED8]  }
0x427: {  	v3 =	vadd.f32 v19, v3;
	v61 =	vld [tilespmem:$0x1F3D0];
	v19 =	vmul.f32 v50, v16  }
0x428: {  	v63 =	vld [tilespmem:s14+$0x7E88]  }
0x429: {  	v19 =	vmul.f32 v19, v20;
	v20 =	vld [tilespmem:$0x1F410]  }
0x42a: {  	v24 =	vld.idx.msk [tilespmem:v47+s10+$0xAB0 ss:$0x1], $0xffff;
	[tilespmem:$0x1FA00] =	vst v22;
	v22 =	vbroadcast v48, $0x0  }
0x42b: {  	v0 =	vadd.f32 v18, v0;
	v23 =	vld.idx.msk [tilespmem:v47+s10+$0xB80 ss:$0x1], $0xffff;
	v18 =	vmul.f32 v57, v16  }
0x42c: {  	v1 =	vadd.f32 v9, v1;
	v57 =	vld [tilespmem:$0x1F3F0];
	v9 =	vmul.f32 v61, v16;
	v61 =	vmul.f32 v36, v22  }
0x42d: {  	v18 =	vmul.f32 v18, v30;
	v30 =	vld.idx.msk [tilespmem:v47+s10+$0xBB0 ss:$0x1], $0xffff;
	[tilespmem:$0x1FA70] =	vst v21;
	v21 =	vbroadcast v48, $0x1  }
0x42e: {  	[tilespmem:$0x1F9D0] =	vst v63;
	v22 =	vld [tilespmem:s14+$0x7E98];
	v16 =	vmul.f32 v20, v16;
	v63 =	vmul.f32 v37, v61  }
0x42f: {  	v20 =	vld.idx.msk [tilespmem:v47+s10+$0xBC0 ss:$0x1], $0xffff;
	v37 =	vmul.f32 v40, v61;
	v40 =	vmul.f32 v41, v61  }
0x430: {  	v41 =	vmul.f32 v45, v61;
	v45 =	vmul.f32 v56, v21;
	v21 =	vld.idx.msk [tilespmem:v47+s10+$0xBF0 ss:$0x1], $0xffff  }
0x431: {  	v4 =	vadd.f32 v11, v4;
	v11 =	vmul.f32 v38, v61;
	v38 =	vld [tilespmem:$0x1F440]  }
0x432: {  	v6 =	vadd.f32 v15, v6;
	v15 =	vmul.f32 v63, v32;
	v32 =	vld.idx.msk [tilespmem:v47+s10+$0xC10 ss:$0x1], $0xffff  }
0x433: {  	v36 =	vmul.f32 v16, v28;
	v16 =	vmul.f32 v40, v31;
	v40 =	vld [tilespmem:$0x1F450]  }
0x434: {  	v1 =	vadd.f32 v10, v1;
	v10 =	vmul.f32 v41, v33;
	v56 =	vmul.f32 v54, v45;
	v41 =	vld [tilespmem:$0x1F470]  }
0x435: {  	(v2sf) =	vpush v49, $0x8;
	[tilespmem:$0x1F9E0] =	vst v22;
	v22 =	vld [tilespmem:s14+$0x7EA8]  }
0x436: {  	v0 =	vadd.f32 v8, v0;
	[tilespmem:$0x1FA30] =	vst v20;
	v20 =	vmul.f32 v39, v61;
	v31 =	vmul.f32 v56, v51;
	v51 =	vld [tilespmem:$0x1F4D0]  }
0x437: {  	v4 =	vadd.f32 v14, v4;
	v39 =	vmul.f32 v37, v34;
	[tilespmem:$0x1FA80] =	vst v21;
	v21 =	vmul.f32 v35, v61;
	v35 =	vld [tilespmem:$0x1F420]  }
0x438: {  	v1 =	vadd.f32 v15, v1;
	v20 =	vmul.f32 v20, v29;
	v29 =	vmul.f32 v11, v44;
	v44 =	vld [tilespmem:$0x1F4A0]  }
0x439: {  	v34 =	vmul.f32 v59, v45;
	v4 =	vadd.f32 v39, v4;
	v39 =	vmul.f32 v62, v45;
	v62 =	vld [tilespmem:$0x1F520]  }
0x43a: {  	v37 =	vbroadcast v48, $0x2;
	v1 =	vadd.f32 v31, v1;
	v31 =	vld.idx.msk [tilespmem:v47+s10+$0xC80 ss:$0x1], $0xffff  }
0x43b: {  	v0 =	vadd.f32 v36, v0;
	v36 =	vmul.f32 v34, v53;
	v34 =	vld [tilespmem:$0x1F590]  }
0x43c: {  	v8 =	vmul.f32 v38, v37;
	v37 =	vld [tilespmem:$0x1F5D0]  }
0x43d: {  	v38 =	vld [tilespmem:$0x1F5E0]  }
0x43e: {  	v28 =	vmul.f32 v21, v42;
	v42 =	vld [tilespmem:$0x1F480]  }
0x43f: {  	[tilespmem:$0x1FAA0] =	vst v32;
	v32 =	vld [tilespmem:$0x1F570]  }
0x440: {  	[tilespmem:$0x1FA10] =	vst v22;
	v22 =	vld [tilespmem:s14+$0x7EB8]  }
0x441: {  	v6 =	vadd.f32 v18, v6;
	v0 =	vadd.f32 v29, v0;
	v29 =	vld [tilespmem:$0x1F560]  }
0x442: {  	v21 =	vmul.f32 v58, v45;
	v4 =	vadd.f32 v36, v4;
	v36 =	vld [tilespmem:$0x1F5B0]  }
0x443: {  	v6 =	vadd.f32 v10, v6;
	v10 =	vmul.f32 v39, v41;
	v39 =	vld [tilespmem:$0x1F5F0]  }
0x444: {  	v2 =	vadd.f32 v19, v2;
	v33 =	vmul.f32 v21, v52;
	v21 =	vld [tilespmem:$0x1F430]  }
0x445: {  	s15 =	spop (v2sf);
	v7 =	vadd.f32 v12, v7;
	v9 =	vmul.f32 v9, v57;
	v52 =	vld [tilespmem:$0x1F4E0]  }
0x446: {  	v3 =	vadd.f32 v13, v3;
	s14 =	sshll.u32 s15, $0x6;
	v2 =	vadd.f32 v28, v2;
	v28 =	vld [tilespmem:$0x1F550]  }
0x447: {  	v7 =	vadd.f32 v9, v7;
	s14 =	sshra.s32 s14, $0x2;
	v9 =	vmul.f32 v51, v8;
	v51 =	vld [tilespmem:$0x1F650]  }
0x448: {  	v3 =	vadd.f32 v20, v3;
	s14 =	sadd.s32 s14, s11;
	v12 =	vmul.f32 v35, v45;
	v35 =	vld [tilespmem:$0x1F5A0]  }
0x449: {  	v57 =	vld [tilespmem:s14+$0x0]  }
0x44a: {  	s15 =	sshll.u32 s15, $0x9;
	v3 =	vadd.f32 v33, v3;
	v33 =	vld [tilespmem:$0x1F580]  }
0x44b: {  	s14 =	sshra.s32 s15, $0x2;
	[tilespmem:$0x1FB40] =	vst v31;
	v31 =	vld [tilespmem:$0x1F6E0]  }
0x44c: {  	v59 =	vld [tilespmem:s14+$0x7E78]  }
0x44d: {  	v54 =	vld [tilespmem:s14+$0x7E88]  }
0x44e: {  	v5 =	vadd.f32 v17, v5;
	v58 =	vld [tilespmem:s14+$0x7E98]  }
0x44f: {  	v53 =	vld [tilespmem:s14+$0x7EA8]  }
0x450: {  	v63 =	vbroadcast v48, $0x3;
	v5 =	vadd.f32 v16, v5;
	v12 =	vmul.f32 v12, v55;
	v55 =	vld [tilespmem:s14+$0x7EB8]  }
0x451: {  	[tilespmem:$0x1FA20] =	vst v22;
	v22 =	vld.idx.msk [tilespmem:v47+s10+$0xBD0 ss:$0x1], $0xffff  }
0x452: {  	v21 =	vmul.f32 v21, v45;
	v5 =	vadd.f32 v12, v5;
	v12 =	vmul.f32 v29, v63;
	v63 =	vld [tilespmem:$0x1F690]  }
0x453: {  	v29 =	vld [tilespmem:$0x1F6D0]  }
0x454: {  	v20 =	vmul.f32 v21, v60;
	v21 =	vld.idx.msk [tilespmem:v47+s10+$0xC30 ss:$0x1], $0xffff  }
0x455: {  	v60 =	vld [tilespmem:$0x1F4F0]  }
0x456: {  	[tilespmem:$0x1FA50] =	vst v22;
	v22 =	vmul.f32 v43, v61;
	v43 =	vld.idx.msk [tilespmem:v47+s10+$0xBE0 ss:$0x1], $0xffff  }
0x457: {  	v61 =	vld [tilespmem:s14+$0x7E68]  }
0x458: {  	v6 =	vadd.f32 v20, v6;
	v20 =	vld.idx.msk [tilespmem:v47+s10+$0xC90 ss:$0x1], $0xffff  }
0x459: {  	v50 =	vmul.f32 v22, v46;
	v22 =	vld.idx.msk [tilespmem:v47+s10+$0xC00 ss:$0x1], $0xffff  }
0x45a: {  	v46 =	vld [tilespmem:$0x1F4C0]  }
0x45b: {  	[tilespmem:$0x1FAC0] =	vst v21;
	v21 =	vld [tilespmem:$0x1F460]  }
0x45c: {  	v7 =	vadd.f32 v50, v7;
	v50 =	vld [tilespmem:s14+$0x7EC8]  }
0x45d: {  	(v2sf) =	vpush v49, $0x9;
	[tilespmem:$0x1FA60] =	vst v43;
	v43 =	vld [tilespmem:$0x1F490]  }
0x45e: {  	[tilespmem:$0x1FB50] =	vst v20;
	v20 =	vld [tilespmem:$0x1F5C0]  }
0x45f: {  	v7 =	vadd.f32 v10, v7;
	v10 =	vmul.f32 v35, v12;
	v35 =	vld [tilespmem:$0x1F710]  }
0x460: {  	[tilespmem:$0x1FA90] =	vst v22;
	v22 =	vld.idx.msk [tilespmem:v47+s10+$0xC20 ss:$0x1], $0xffff  }
0x461: {  	v18 =	vmul.f32 v46, v8;
	v46 =	vld [tilespmem:$0x1F630]  }
0x462: {  	v13 =	vmul.f32 v21, v45;
	v21 =	vld.idx.msk [tilespmem:v47+s10+$0xC40 ss:$0x1], $0xffff  }
0x463: {  	v16 =	vmul.f32 v40, v45;
	v45 =	vld [tilespmem:$0x1F4B0]  }
0x464: {  	v10 =	vmul.f32 v10, v37;
	v37 =	vld [tilespmem:$0x1F720]  }
0x465: {  	v56 =	vmul.f32 v18, v27;
	v27 =	vld [tilespmem:$0x1F530]  }
0x466: {  	[tilespmem:$0x1FAF0] =	vst v50;
	v50 =	vld [tilespmem:$0x1F640]  }
0x467: {  	v18 =	vmul.f32 v60, v8;
	v60 =	vld [tilespmem:$0x1F680]  }
0x468: {  	v14 =	vmul.f32 v16, v43;
	v43 =	vld [tilespmem:$0x1F600]  }
0x469: {  	v13 =	vmul.f32 v13, v44;
	v20 =	vmul.f32 v20, v12;
	v44 =	vld [tilespmem:$0x1F610]  }
0x46a: {  	v3 =	vadd.f32 v56, v3;
	v56 =	vld [tilespmem:$0x1F670]  }
0x46b: {  	v40 =	vmul.f32 v20, v26;
	v26 =	vld [tilespmem:$0x1F6A0]  }
0x46c: {  	s15 =	spop (v2sf);
	v19 =	vmul.f32 v42, v8;
	[tilespmem:$0x1FAD0] =	vst v21;
	v21 =	vld [tilespmem:s14+$0x7ED8]  }
0x46d: {  	v0 =	vadd.f32 v13, v0;
	v13 =	vmul.f32 v38, v12;
	v38 =	vld [tilespmem:$0x1F730];
	s14 =	sshll.u32 s15, $0x6  }
0x46e: {  	v16 =	vmul.f32 v19, v45;
	v45 =	vld [tilespmem:$0x1F620];
	s14 =	sshra.s32 s14, $0x2  }
0x46f: {  	v19 =	vmul.f32 v52, v8;
	v52 =	vld [tilespmem:$0x1F660];
	s14 =	sadd.s32 s14, s11  }
0x470: {  	s15 =	sshll.u32 s15, $0x9;
	v42 =	vld [tilespmem:s14+$0x0]  }
0x471: {  	s14 =	sshra.s32 s15, $0x2;
	[tilespmem:$0x1FB00] =	vst v21;
	v21 =	vld.idx.msk [tilespmem:v47+s10+$0xC50 ss:$0x1], $0xffff  }
0x472: {  	v2 =	vadd.f32 v14, v2;
	v14 =	vmul.f32 v36, v12;
	v20 =	vld [tilespmem:s14+$0x7E88]  }
0x473: {  	v15 =	vmul.f32 v27, v8;
	v27 =	vld [tilespmem:$0x1F6B0]  }
0x474: {  	v14 =	vmul.f32 v14, v39;
	v39 =	vld [tilespmem:$0x1F740]  }
0x475: {  	v11 =	vmul.f32 v13, v43;
	v43 =	vld [tilespmem:$0x1F760]  }
0x476: {  	[tilespmem:$0x1FAE0] =	vst v21;
	v21 =	vld [tilespmem:$0x1F500]  }
0x477: {  	[tilespmem:$0x1FB60] =	vst v20;
	v20 =	vld.idx.msk [tilespmem:v47+s10+$0xCB0 ss:$0x1], $0xffff  }
0x478: {  	v15 =	vmul.f32 v15, v32;
	v32 =	vld.idx.msk [tilespmem:v47+s10+$0xCD0 ss:$0x1], $0xffff  }
0x479: {  	v13 =	vmul.f32 v44, v12;
	v44 =	vld [tilespmem:$0x1F770]  }
0x47a: {  	v17 =	vmul.f32 v18, v62;
	v62 =	vld [tilespmem:s14+$0x7EB8]  }
0x47b: {  	v9 =	vmul.f32 v9, v21;
	v21 =	vld [tilespmem:$0x1F510]  }
0x47c: {  	v41 =	vld [tilespmem:s14+$0x7E68];
	[tilespmem:$0x1FBA0] =	vst v20;
	v20 =	vbroadcast v48, $0x4  }
0x47d: {  	[tilespmem:$0x1FBF0] =	vst v32;
	v32 =	vld.idx.msk [tilespmem:v47+s10+$0xD30 ss:$0x1], $0xffff  }
0x47e: {  	v6 =	vadd.f32 v17, v6;
	v17 =	vmul.f32 v52, v20;
	v20 =	vld [tilespmem:s14+$0x7EA8]  }
0x47f: {  	[tilespmem:$0x1FBC0] =	vst v62;
	v62 =	vld.idx.msk [tilespmem:v47+s10+$0xD20 ss:$0x1], $0xffff  }
0x480: {  	v19 =	vmul.f32 v19, v21;
	v21 =	vld.idx.msk [tilespmem:v47+s10+$0xC60 ss:$0x1], $0xffff  }
0x481: {  	v13 =	vmul.f32 v13, v46;
	v46 =	vld [tilespmem:$0x1F790]  }
0x482: {  	[tilespmem:$0x1FC50] =	vst v32;
	v32 =	vld [tilespmem:$0x1F910]  }
0x483: {  	[tilespmem:$0x1FB80] =	vst v20;
	v20 =	vld [tilespmem:s14+$0x7EC8]  }
0x484: {  	[tilespmem:$0x1FC40] =	vst v62;
	v62 =	vld.idx.msk [tilespmem:v47+s10+$0xD40 ss:$0x1], $0xffff  }
0x485: {  	[tilespmem:$0x1FB10] =	vst v21;
	v21 =	vld.idx.msk [tilespmem:v47+s10+$0xC70 ss:$0x1], $0xffff  }
0x486: {  	v52 =	vld [tilespmem:$0x1F7B0]  }
0x487: {  	v4 =	vadd.f32 v9, v4;
	v9 =	vmul.f32 v45, v12;
	v45 =	vld [tilespmem:$0x1F780]  }
0x488: {  	[tilespmem:$0x1FBD0] =	vst v20;
	v20 =	vld [tilespmem:s14+$0x7ED8]  }
0x489: {  	v4 =	vadd.f32 v40, v4;
	v40 =	vld [tilespmem:$0x1F750]  }
0x48a: {  	v5 =	vadd.f32 v19, v5;
	v19 =	vmul.f32 v50, v12;
	[tilespmem:$0x1FB30] =	vst v21;
	v21 =	vld [tilespmem:$0x1F540]  }
0x48b: {  	v50 =	vld [tilespmem:$0x1F7A0]  }
0x48c: {  	v7 =	vadd.f32 v15, v7;
	v15 =	vmul.f32 v19, v56;
	v56 =	vld [tilespmem:$0x1F7C0]  }
0x48d: {  	v3 =	vadd.f32 v14, v3;
	v14 =	vmul.f32 v35, v17;
	[tilespmem:$0x1FBE0] =	vst v20;
	v20 =	vld.idx.msk [tilespmem:v47+s10+$0xCE0 ss:$0x1], $0xffff  }
0x48e: {  	v19 =	vmul.f32 v26, v17;
	v26 =	vld [tilespmem:$0x1F7E0]  }
0x48f: {  	v5 =	vadd.f32 v11, v5;
	v11 =	vmul.f32 v14, v38;
	v38 =	vld [tilespmem:$0x1F840];
	v21 =	vmul.f32 v21, v8  }
0x490: {  	v8 =	vmul.f32 v28, v8;
	v28 =	vld [tilespmem:$0x1F6C0]  }
0x491: {  	v18 =	vmul.f32 v21, v33;
	v21 =	vld [tilespmem:s14+$0x7E78]  }
0x492: {  	[tilespmem:$0x1FC00] =	vst v20;
	v20 =	vbroadcast v48, $0x5;
	v33 =	vld [tilespmem:$0x1F6F0]  }
0x493: {  	v12 =	vmul.f32 v60, v12;
	v8 =	vmul.f32 v8, v34;
	v34 =	vld [tilespmem:$0x1F700]  }
0x494: {  	v1 =	vadd.f32 v16, v1;
	v14 =	vmul.f32 v39, v20;
	v20 =	vld.idx.msk [tilespmem:v47+s10+$0xD00 ss:$0x1], $0xffff  }
0x495: {  	v0 =	vadd.f32 v8, v0;
	v8 =	vmul.f32 v12, v27;
	v12 =	vmul.f32 v28, v17;
	v28 =	vld [tilespmem:$0x1F7F0]  }
0x496: {  	v2 =	vadd.f32 v18, v2;
	v18 =	vmul.f32 v63, v17;
	v27 =	vmul.f32 v26, v14;
	v26 =	vld [tilespmem:$0x1F8E0]  }
0x497: {  	v39 =	vmul.f32 v38, v14;
	v38 =	vld.idx.msk [tilespmem:v47+s10+$0xD70 ss:$0x1], $0xffff  }
0x498: {  	v1 =	vadd.f32 v10, v1;
	v10 =	vmul.f32 v18, v29;
	v18 =	vmul.f32 v19, v31;
	v31 =	vld [tilespmem:$0x1F800]  }
0x499: {  	v2 =	vadd.f32 v15, v2;
	v15 =	vmul.f32 v50, v14;
	v50 =	vld [tilespmem:$0x1F870]  }
0x49a: {  	(v2sf) =	vpush v49, $0xA;
	[tilespmem:$0x1FB20] =	vst v21;
	v21 =	vld.idx.msk [tilespmem:v47+s10+$0xCA0 ss:$0x1], $0xffff  }
0x49b: {  	v12 =	vmul.f32 v12, v33;
	v19 =	vmul.f32 v34, v17;
	v33 =	vld [tilespmem:$0x1F810]  }
0x49c: {  	[tilespmem:$0x1FC20] =	vst v20;
	v20 =	vld.idx.msk [tilespmem:v47+s10+$0xD10 ss:$0x1], $0xffff  }
0x49d: {  	v36 =	vmul.f32 v19, v25;
	v25 =	vld [tilespmem:$0x1F7D0]  }
0x49e: {  	v19 =	vmul.f32 v37, v17;
	v37 =	vld [tilespmem:$0x1F830]  }
0x49f: {  	v1 =	vadd.f32 v10, v1;
	v10 =	vadd.f32 v12, v4;
	v4 =	vld [tilespmem:$0x1F880]  }
0x4a0: {  	v12 =	vld [tilespmem:$0x1F9C0]  }
0x4a1: {  	v6 =	vadd.f32 v13, v6;
	v9 =	vmul.f32 v9, v51;
	v29 =	vmul.f32 v28, v14;
	v28 =	vld [tilespmem:$0x1F8F0]  }
0x4a2: {  	v3 =	vadd.f32 v18, v3;
	v18 =	vadd.f32 v36, v5;
	v36 =	vld [tilespmem:$0x1F820]  }
0x4a3: {  	v7 =	vadd.f32 v9, v7;
	v9 =	vmul.f32 v44, v17;
	v13 =	vmul.f32 v19, v40;
	v40 =	vld [tilespmem:$0x1F850]  }
0x4a4: {  	v19 =	vmul.f32 v43, v17;
	v17 =	vmul.f32 v45, v14;
	v45 =	vld [tilespmem:$0x1F860]  }
0x4a5: {  	[tilespmem:$0x1FB90] =	vst v21;
	v21 =	vld [tilespmem:s14+$0x7E98]  }
0x4a6: {  	v16 =	vmul.f32 v29, v24;
	v24 =	vld [tilespmem:$0x1F8D0]  }
0x4a7: {  	v29 =	vld [tilespmem:$0x1F900]  }
0x4a8: {  	v34 =	vmul.f32 v27, v33;
	v33 =	vld [tilespmem:$0x1F920]  }
0x4a9: {  	[tilespmem:$0x1FAB0] =	vst v22;
	s15 =	spop (v2sf);
	v22 =	vadd.f32 v13, v7;
	v7 =	vld [tilespmem:$0x1F890]  }
0x4aa: {  	v0 =	vadd.f32 v8, v0;
	v8 =	vmul.f32 v9, v52;
	s14 =	sshll.u32 s15, $0x6;
	v9 =	vmul.f32 v17, v56;
	v17 =	vld [tilespmem:$0x1F8C0]  }
0x4ab: {  	s14 =	sshra.s32 s14, $0x2;
	v10 =	vadd.f32 v34, v10;
	v34 =	vld [tilespmem:$0x1F930]  }
0x4ac: {  	s15 =	sshll.u32 s15, $0x9;
	s14 =	sadd.s32 s14, s11;
	v18 =	vadd.f32 v16, v18;
	v16 =	vld [tilespmem:$0x1F9E0]  }
0x4ad: {  	(v2sf) =	vpush v49, $0xB;
	v51 =	vld [tilespmem:s14+$0x0];
	s14 =	sshra.s32 s15, $0x2  }
0x4ae: {  	v60 =	vld [tilespmem:s14+$0x7E68]  }
0x4af: {  	v63 =	vld [tilespmem:s14+$0x7E78]  }
0x4b0: {  	v56 =	vld [tilespmem:s14+$0x7E88]  }
0x4b1: {  	v19 =	vmul.f32 v19, v46;
	v46 =	vld [tilespmem:s14+$0x7E98]  }
0x4b2: {  	[tilespmem:$0x1FC30] =	vst v20;
	v20 =	vmul.f32 v31, v14;
	v43 =	vld [tilespmem:s14+$0x7EA8]  }
0x4b3: {  	v52 =	vld [tilespmem:s14+$0x7EB8]  }
0x4b4: {  	v27 =	vmul.f32 v20, v36;
	v20 =	vadd.f32 v11, v6;
	v6 =	vmul.f32 v39, v50;
	v50 =	vld [tilespmem:s14+$0x7EC8]  }
0x4b5: {  	v39 =	vadd.f32 v8, v0;
	v8 =	vld [tilespmem:$0x1F8A0]  }
0x4b6: {  	v44 =	vmul.f32 v40, v14;
	v14 =	vmul.f32 v45, v14;
	v45 =	vld [tilespmem:s14+$0x7ED8]  }
0x4b7: {  	v35 =	vbroadcast v48, $0x6;
	v40 =	vld.idx.msk [tilespmem:v47+s10+$0xD60 ss:$0x1], $0xffff  }
0x4b8: {  	[tilespmem:$0x1FB70] =	vst v21;
	v21 =	vld.idx.msk [tilespmem:v47+s10+$0xCC0 ss:$0x1], $0xffff  }
0x4b9: {  	v11 =	vmul.f32 v37, v35;
	v37 =	vld.idx.msk [tilespmem:v47+s10+$0xD80 ss:$0x1], $0xffff  }
0x4ba: {  	v36 =	vld [tilespmem:$0x1F940]  }
0x4bb: {  	v13 =	vmul.f32 v44, v7;
	v44 =	vld.idx.msk [tilespmem:v47+s10+$0xD50 ss:$0x1], $0xffff  }
0x4bc: {  	s15 =	spop (v2sf);
	v5 =	vmul.f32 v4, v11;
	v4 =	vld [tilespmem:$0x1F950]  }
0x4bd: {  	s14 =	sshll.u32 s15, $0x6;
	[tilespmem:$0x1FBB0] =	vst v21;
	v21 =	vld.idx.msk [tilespmem:v47+s10+$0xCF0 ss:$0x1], $0xffff  }
0x4be: {  	s14 =	sshra.s32 s14, $0x2;
	v22 =	vadd.f32 v6, v22;
	v6 =	vld [tilespmem:$0x1F960]  }
0x4bf: {  	v31 =	vadd.f32 v9, v1;
	v1 =	vmul.f32 v26, v11;
	s14 =	sadd.s32 s14, s11;
	v26 =	vld [tilespmem:$0x1FA00]  }
0x4c0: {  	v35 =	vld [tilespmem:s14+$0x0]  }
0x4c1: {  	s15 =	sshll.u32 s15, $0x9;
	v20 =	vadd.f32 v27, v20;
	v27 =	vmul.f32 v36, v11;
	v36 =	vld.idx.msk [tilespmem:v47+s10+$0xD90 ss:$0x1], $0xffff  }
0x4c2: {  	s14 =	sshra.s32 s15, $0x2;
	[tilespmem:$0x1FC10] =	vst v21;
	v21 =	vmul.f32 v15, v25;
	v15 =	vadd.f32 v19, v2;
	v19 =	vmul.f32 v14, v8;
	v14 =	vld [tilespmem:$0x1F8B0]  }
0x4c3: {  	v25 =	vmul.f32 v24, v11;
	v2 =	vmul.f32 v1, v33;
	v33 =	vld [tilespmem:s14+$0x7E68]  }
0x4c4: {  	v24 =	vld [tilespmem:s14+$0x7E98]  }
0x4c5: {  	v9 =	vmul.f32 v25, v32;
	v32 =	vld [tilespmem:$0x1F980]  }
0x4c6: {  	v0 =	vmul.f32 v17, v11;
	v19 =	vadd.f32 v19, v39;
	v39 =	vld [tilespmem:$0x1F9A0]  }
0x4c7: {  	v15 =	vadd.f32 v13, v15;
	v13 =	vld [tilespmem:$0x1F9D0];
	v7 =	vmul.f32 v5, v14  }
0x4c8: {  	v25 =	vld [tilespmem:$0x1F9F0];
	v5 =	vadd.f32 v21, v3;
	v3 =	vmul.f32 v0, v28;
	v0 =	vmul.f32 v29, v11  }
0x4c9: {  	v29 =	vld [tilespmem:$0x1F970]  }
0x4ca: {  	v28 =	vld [tilespmem:s14+$0x7E88];
	v8 =	vmul.f32 v0, v34  }
0x4cb: {  	v0 =	vmul.f32 v4, v11;
	v11 =	vmul.f32 v6, v11;
	v34 =	vld [tilespmem:$0x1F990]  }
0x4cc: {  	v27 =	vmul.f32 v27, v32;
	v32 =	vld.idx.msk [tilespmem:v47+s10+$0xDB0 ss:$0x1], $0xffff  }
0x4cd: {  	v21 =	vbroadcast v48, $0x7;
	v6 =	vmul.f32 v11, v39;
	v11 =	vld [tilespmem:$0x1F9B0]  }
0x4ce: {  	v20 =	vadd.f32 v8, v20;
	v8 =	vld [tilespmem:$0x1FA70]  }
0x4cf: {  	v21 =	vmul.f32 v29, v21;
	v29 =	vld [tilespmem:s14+$0x7E78]  }
0x4d0: {  	v4 =	vmul.f32 v0, v34;
	v34 =	vld.idx.msk [tilespmem:v47+s10+$0xDA0 ss:$0x1], $0xffff  }
0x4d1: {  	(v2sf) =	vpush v49, $0xC;
	v14 =	vmul.f32 v13, v21;
	v13 =	vld [tilespmem:$0x1FA20]  }
0x4d2: {  	v1 =	vmul.f32 v12, v21;
	v17 =	vmul.f32 v16, v21;
	v12 =	vadd.f32 v2, v18;
	v18 =	vld [tilespmem:$0x1FA40]  }
0x4d3: {  	v0 =	vmul.f32 v11, v21;
	v11 =	vadd.f32 v3, v5;
	v5 =	vld [tilespmem:$0x1FA10]  }
0x4d4: {  	v10 =	vadd.f32 v9, v10;
	v9 =	vmul.f32 v17, v30;
	v30 =	vld.idx.msk [tilespmem:v47+s10+$0xDC0 ss:$0x1], $0xffff  }
0x4d5: {  	v39 =	vmul.f32 v14, v26;
	v26 =	vld [tilespmem:s14+$0x7EA8]  }
0x4d6: {  	v16 =	vbroadcast v48, $0x8;
	v17 =	vld [tilespmem:$0x1FA30]  }
0x4d7: {  	v31 =	vadd.f32 v7, v31;
	v7 =	vmul.f32 v1, v25;
	v25 =	vld [tilespmem:$0x1FA50]  }
0x4d8: {  	v4 =	vadd.f32 v4, v15;
	v15 =	vmul.f32 v57, v16;
	v57 =	vld [tilespmem:s14+$0x7ED8]  }
0x4d9: {  	v16 =	vld [tilespmem:$0x1FA80]  }
0x4da: {  	v3 =	vmul.f32 v0, v23;
	v23 =	vld [tilespmem:s14+$0x7EB8]  }
0x4db: {  	v9 =	vadd.f32 v9, v12;
	v12 =	vmul.f32 v53, v15;
	v53 =	vld.idx.msk [tilespmem:v47+s10+$0xE00 ss:$0x1], $0xffff;
	v14 =	vmul.f32 v13, v21  }
0x4dc: {  	v0 =	vmul.f32 v18, v21;
	v18 =	vld [tilespmem:$0x1FAA0]  }
0x4dd: {  	v2 =	vmul.f32 v14, v25;
	v25 =	vld [tilespmem:s14+$0x7EC8]  }
0x4de: {  	v13 =	vmul.f32 v8, v21;
	v14 =	vmul.f32 v59, v15;
	v59 =	vld.idx.msk [tilespmem:v47+s10+$0xDD0 ss:$0x1], $0xffff  }
0x4df: {  	v5 =	vmul.f32 v5, v21;
	v21 =	vmul.f32 v61, v15;
	v61 =	vld.idx.msk [tilespmem:v47+s10+$0xDE0 ss:$0x1], $0xffff  }
0x4e0: {  	s15 =	spop (v2sf);
	v6 =	vadd.f32 v6, v19;
	v19 =	vmul.f32 v13, v16;
	v13 =	vld [tilespmem:$0x1FB00]  }
0x4e1: {  	v22 =	vadd.f32 v27, v22;
	s14 =	sshll.u32 s15, $0x6;
	v27 =	vmul.f32 v5, v17;
	v5 =	vld [tilespmem:$0x1FA60]  }
0x4e2: {  	s14 =	sshra.s32 s14, $0x2;
	v17 =	vld [tilespmem:$0x1FA90]  }
0x4e3: {  	v8 =	vadd.f32 v3, v31;
	s14 =	sadd.s32 s14, s11;
	v31 =	vmul.f32 v14, v18;
	v18 =	vld.idx.msk [tilespmem:v47+s10+$0xDF0 ss:$0x1], $0xffff  }
0x4e4: {  	v11 =	vadd.f32 v7, v11;
	v7 =	vmul.f32 v58, v15;
	s15 =	sshll.u32 s15, $0x9;
	v58 =	vld [tilespmem:s14+$0x0]  }
0x4e5: {  	s14 =	sshra.s32 s15, $0x2;
	v14 =	vld [tilespmem:$0x1FAC0]  }
0x4e6: {  	v16 =	vmul.f32 v55, v15;
	v55 =	vld [tilespmem:s14+$0x7E68]  }
0x4e7: {  	v10 =	vadd.f32 v39, v10;
	v39 =	vld [tilespmem:s14+$0x7E88]  }
0x4e8: {  	v11 =	vadd.f32 v31, v11;
	v31 =	vld [tilespmem:$0x1FB30]  }
0x4e9: {  	v1 =	vmul.f32 v0, v5;
	v5 =	vld [tilespmem:$0x1FAB0]  }
0x4ea: {  	v21 =	vmul.f32 v21, v17;
	v17 =	vld [tilespmem:$0x1FAD0]  }
0x4eb: {  	v20 =	vadd.f32 v27, v20;
	v0 =	vbroadcast v48, $0x9;
	v27 =	vmul.f32 v7, v14;
	v7 =	vld [tilespmem:$0x1FAF0]  }
0x4ec: {  	v14 =	vld [tilespmem:$0x1FB10]  }
0x4ed: {  	v0 =	vmul.f32 v42, v0;
	v42 =	vld.idx.msk [tilespmem:v47+s10+$0xE10 ss:$0x1], $0xffff  }
0x4ee: {  	v3 =	vadd.f32 v1, v4;
	v4 =	vld [tilespmem:$0x1FAE0]  }
0x4ef: {  	v27 =	vadd.f32 v27, v9;
	v9 =	vld [tilespmem:$0x1FB90]  }
0x4f0: {  	v54 =	vmul.f32 v54, v15;
	v6 =	vadd.f32 v19, v6;
	v19 =	vmul.f32 v41, v0;
	v41 =	vld.idx.msk [tilespmem:v47+s10+$0xE20 ss:$0x1], $0xffff  }
0x4f1: {  	v12 =	vmul.f32 v12, v17;
	v17 =	vld [tilespmem:$0x1FB20]  }
0x4f2: {  	v54 =	vmul.f32 v54, v5;
	v5 =	vadd.f32 v2, v22;
	v22 =	vmul.f32 v7, v15;
	v7 =	vld [tilespmem:$0x1FB40]  }
0x4f3: {  	v15 =	vmul.f32 v13, v15;
	v13 =	vld [tilespmem:$0x1FB50]  }
0x4f4: {  	v4 =	vmul.f32 v16, v4;
	v16 =	vld [tilespmem:s14+$0x7E78]  }
0x4f5: {  	v8 =	vadd.f32 v21, v8;
	v21 =	vmul.f32 v22, v14;
	v14 =	vld [tilespmem:$0x1FB60]  }
0x4f6: {  	v15 =	vmul.f32 v15, v31;
	v4 =	vadd.f32 v4, v5;
	v5 =	vld [tilespmem:$0x1FC00]  }
0x4f7: {  	v22 =	vmul.f32 v17, v0;
	v17 =	vld [tilespmem:$0x1FB70]  }
0x4f8: {  	v6 =	vadd.f32 v15, v6;
	v15 =	vld [tilespmem:$0x1FBD0]  }
0x4f9: {  	v31 =	vmul.f32 v19, v7;
	v19 =	vld.idx.msk [tilespmem:v47+s10+$0xE30 ss:$0x1], $0xffff  }
0x4fa: {  	v7 =	vld [tilespmem:$0x1FB80]  }
0x4fb: {  	v22 =	vmul.f32 v22, v13;
	v13 =	vld [tilespmem:$0x1FBA0]  }
0x4fc: {  	v10 =	vadd.f32 v54, v10;
	v54 =	vmul.f32 v14, v0;
	v14 =	vld [tilespmem:s14+$0x7E98]  }
0x4fd: {  	v8 =	vadd.f32 v31, v8;
	v31 =	vld [tilespmem:$0x1FBF0]  }
0x4fe: {  	v11 =	vadd.f32 v22, v11;
	v22 =	vld [tilespmem:$0x1FC20]  }
0x4ff: {  	(v2sf) =	vpush v49, $0xD;
	v1 =	vmul.f32 v17, v0;
	v17 =	vld.idx.msk [tilespmem:v47+s10+$0xE40 ss:$0x1], $0xffff  }
0x500: {  	v12 =	vadd.f32 v12, v20;
	v20 =	vmul.f32 v54, v9;
	v9 =	vld [tilespmem:$0x1FBB0]  }
0x501: {  	v54 =	vbroadcast v48, $0xA;
	v1 =	vmul.f32 v1, v13;
	v13 =	vld [tilespmem:$0x1FBC0]  }
0x502: {  	v15 =	vmul.f32 v15, v0;
	v2 =	vmul.f32 v7, v0;
	v7 =	vld [tilespmem:s14+$0x7EA8]  }
0x503: {  	v3 =	vadd.f32 v21, v3;
	v21 =	vmul.f32 v51, v54;
	v54 =	vld [tilespmem:s14+$0x7EC8]  }
0x504: {  	v15 =	vmul.f32 v15, v5;
	v5 =	vld [tilespmem:$0x1FC10]  }
0x505: {  	v1 =	vadd.f32 v1, v27;
	v27 =	vld [tilespmem:$0x1FC30]  }
0x506: {  	v2 =	vmul.f32 v2, v9;
	v9 =	vld [tilespmem:s14+$0x7EB8];
	v51 =	vmul.f32 v13, v0  }
0x507: {  	v10 =	vadd.f32 v20, v10;
	v20 =	vmul.f32 v56, v21;
	v13 =	vld [tilespmem:$0x1FBE0]  }
0x508: {  	v2 =	vadd.f32 v2, v12;
	v12 =	vld [tilespmem:$0x1FC40];
	v31 =	vmul.f32 v51, v31;
	v51 =	vmul.f32 v60, v21  }
0x509: {  	v46 =	vmul.f32 v46, v21;
	v43 =	vmul.f32 v43, v21;
	v60 =	vld.idx.msk [tilespmem:v47+s10+$0xE50 ss:$0x1], $0xffff  }
0x50a: {  	v3 =	vadd.f32 v15, v3;
	v22 =	vmul.f32 v51, v22;
	v51 =	vmul.f32 v63, v21;
	v63 =	vld.idx.msk [tilespmem:v47+s10+$0xE70 ss:$0x1], $0xffff  }
0x50b: {  	v15 =	vmul.f32 v52, v21;
	v4 =	vadd.f32 v31, v4;
	v31 =	vmul.f32 v43, v62;
	v62 =	vld.idx.msk [tilespmem:v47+s10+$0xE90 ss:$0x1], $0xffff  }
0x50c: {  	v50 =	vmul.f32 v50, v21;
	v0 =	vmul.f32 v13, v0;
	v13 =	vld [tilespmem:s14+$0x7ED8]  }
0x50d: {  	v43 =	vbroadcast v48, $0xB;
	v12 =	vmul.f32 v20, v12;
	v20 =	vld [tilespmem:$0x1FC50]  }
0x50e: {  	s15 =	spop (v2sf);
	v15 =	vmul.f32 v15, v44;
	v27 =	vmul.f32 v51, v27;
	v51 =	vld.idx.msk [tilespmem:v47+s10+$0xE80 ss:$0x1], $0xffff  }
0x50f: {  	(v2sf) =	vpush v49, $0xE;
	v45 =	vmul.f32 v45, v21;
	s14 =	sshll.u32 s15, $0x6;
	v21 =	vmul.f32 v35, v43;
	v35 =	vld.idx.msk [tilespmem:v47+s10+$0xEA0 ss:$0x1], $0xffff  }
0x510: {  	s14 =	sshra.s32 s14, $0x2;
	v4 =	vadd.f32 v15, v4;
	v15 =	vld.idx.msk [tilespmem:v47+s10+$0xF40 ss:$0x1], $0xffff  }
0x511: {  	v0 =	vmul.f32 v0, v5;
	v5 =	vld.idx.msk [tilespmem:v47+s10+$0xE60 ss:$0x1], $0xffff;
	s14 =	sadd.s32 s14, s11  }
0x512: {  	s15 =	sshll.u32 s15, $0x9;
	v56 =	vld [tilespmem:s14+$0x0]  }
0x513: {  	s14 =	sshra.s32 s15, $0x2;
	v11 =	vadd.f32 v27, v11;
	v27 =	vld.idx.msk [tilespmem:v47+s10+$0xEC0 ss:$0x1], $0xffff  }
0x514: {  	v8 =	vadd.f32 v22, v8;
	v22 =	vmul.f32 v50, v40;
	v50 =	vmul.f32 v29, v21;
	v52 =	vld [tilespmem:s14+$0x7E78]  }
0x515: {  	v28 =	vmul.f32 v28, v21;
	v24 =	vmul.f32 v24, v21;
	v40 =	vld [tilespmem:s14+$0x7E88]  }
0x516: {  	v0 =	vadd.f32 v0, v6;
	v6 =	vmul.f32 v45, v38;
	v45 =	vmul.f32 v33, v21;
	v33 =	vld.idx.msk [tilespmem:v47+s10+$0xEB0 ss:$0x1], $0xffff  }
0x517: {  	v3 =	vadd.f32 v22, v3;
	v22 =	vmul.f32 v23, v21;
	v23 =	vbroadcast v48, $0xC;
	v29 =	vld [tilespmem:s14+$0x7E98]  }
0x518: {  	v2 =	vadd.f32 v31, v2;
	v43 =	vmul.f32 v25, v21;
	v31 =	vld [tilespmem:s14+$0x7EA8];
	v20 =	vmul.f32 v46, v20  }
0x519: {  	v10 =	vadd.f32 v12, v10;
	v25 =	vld [tilespmem:s14+$0x7EC8];
	v12 =	vmul.f32 v50, v36;
	v28 =	vmul.f32 v28, v34  }
0x51a: {  	v46 =	vld [tilespmem:s14+$0x7E68];
	v36 =	vmul.f32 v24, v32;
	v24 =	vmul.f32 v43, v61  }
0x51b: {  	v32 =	vld [tilespmem:s14+$0x7EB8];
	v1 =	vadd.f32 v20, v1;
	v20 =	vmul.f32 v45, v37;
	v37 =	vmul.f32 v26, v21  }
0x51c: {  	v34 =	vld.idx.msk [tilespmem:v47+s10+$0xEF0 ss:$0x1], $0xffff;
	v21 =	vmul.f32 v57, v21;
	v3 =	vadd.f32 v24, v3;
	v24 =	vbroadcast v48, $0xF  }
0x51d: {  	v26 =	vld.idx.msk [tilespmem:v47+s10+$0xED0 ss:$0x1], $0xffff;
	v8 =	vadd.f32 v20, v8;
	v20 =	vmul.f32 v22, v59;
	v22 =	vmul.f32 v58, v23  }
0x51e: {  	s15 =	spop (v2sf);
	(v2sf) =	vpush v49, $0xF;
	v38 =	vmul.f32 v37, v30;
	v23 =	vld [tilespmem:s14+$0x7ED8];
	v18 =	vmul.f32 v21, v18  }
0x51f: {  	v0 =	vadd.f32 v6, v0;
	v30 =	vld.idx.msk [tilespmem:v47+s10+$0xEE0 ss:$0x1], $0xffff;
	v44 =	vmul.f32 v55, v22;
	v16 =	vmul.f32 v16, v22  }
0x520: {  	v1 =	vadd.f32 v36, v1;
	v36 =	vld.idx.msk [tilespmem:v47+s10+$0xF10 ss:$0x1], $0xffff;
	v21 =	vmul.f32 v39, v22;
	v14 =	vmul.f32 v14, v22  }
0x521: {  	s14 =	sshll.u32 s15, $0x6;
	v7 =	vmul.f32 v7, v22;
	v9 =	vmul.f32 v9, v22;
	v0 =	vadd.f32 v18, v0;
	v18 =	vld.idx.msk [tilespmem:v47+s10+$0xF20 ss:$0x1], $0xffff  }
0x522: {  	s14 =	sshra.s32 s14, $0x2;
	v55 =	vmul.f32 v54, v22;
	v13 =	vmul.f32 v13, v22;
	v22 =	vld.idx.msk [tilespmem:v47+s10+$0xF30 ss:$0x1], $0xffff  }
0x523: {  	s14 =	sadd.s32 s14, s11;
	v2 =	vadd.f32 v38, v2;
	v4 =	vadd.f32 v20, v4;
	v20 =	vbroadcast v48, $0xD;
	v38 =	vld.idx.msk [tilespmem:v47+s10+$0xF50 ss:$0x1], $0xffff  }
0x524: {  	v11 =	vadd.f32 v12, v11;
	s15 =	sshll.u32 s15, $0x9;
	v45 =	vld [tilespmem:s14+$0x0];
	v12 =	vmul.f32 v44, v53;
	v49 =	vmul.f32 v16, v42  }
0x525: {  	s14 =	sshra.s32 s15, $0x2;
	v16 =	vld.idx.msk [tilespmem:v47+s10+$0xF00 ss:$0x1], $0xffff;
	v50 =	vmul.f32 v21, v41;
	v14 =	vmul.f32 v14, v19  }
0x526: {  	v21 =	vld [tilespmem:s14+$0x7E68];
	v7 =	vmul.f32 v7, v17;
	v53 =	vmul.f32 v56, v20  }
0x527: {  	v19 =	vld [tilespmem:s14+$0x7E78];
	v9 =	vmul.f32 v9, v60;
	v5 =	vmul.f32 v55, v5  }
0x528: {  	v20 =	vld [tilespmem:s14+$0x7E88];
	v13 =	vmul.f32 v13, v63;
	v56 =	vmul.f32 v46, v53  }
0x529: {  	v10 =	vadd.f32 v28, v10;
	v58 =	vld [tilespmem:s14+$0x7E98];
	v57 =	vmul.f32 v52, v53;
	v61 =	vmul.f32 v40, v53  }
0x52a: {  	v41 =	vld [tilespmem:s14+$0x7EB8];
	v8 =	vadd.f32 v12, v8;
	v63 =	vmul.f32 v29, v53;
	v37 =	vmul.f32 v31, v53  }
0x52b: {  	v43 =	vld [tilespmem:s14+$0x7EC8];
	v11 =	vadd.f32 v49, v11;
	v40 =	vbroadcast v48, $0xE;
	v44 =	vmul.f32 v32, v53  }
0x52c: {  	v6 =	vadd.f32 v50, v10;
	v46 =	vmul.f32 v25, v53;
	v17 =	vmul.f32 v23, v53;
	v23 =	vld.idx.msk [tilespmem:v47+s10+$0xF60 ss:$0x1], $0xffff  }
0x52d: {  	v1 =	vadd.f32 v14, v1;
	v59 =	vmul.f32 v56, v51;
	v60 =	vmul.f32 v57, v62;
	v62 =	vld [tilespmem:s14+$0x7EA8]  }
0x52e: {  	v2 =	vadd.f32 v7, v2;
	v39 =	vmul.f32 v61, v35;
	v10 =	vmul.f32 v45, v40;
	v45 =	vld [tilespmem:s14+$0x7ED8];
	s15 =	spop (v2sf)  }
0x52f: {  	v4 =	vadd.f32 v9, v4;
	v9 =	vmul.f32 v63, v33;
	v42 =	vmul.f32 v37, v27;
	v56 =	vld.idx.msk [tilespmem:v47+s10+$0xF80 ss:$0x1], $0xffff;
	s14 =	sshll.u32 s15, $0x6  }
0x530: {  	v3 =	vadd.f32 v5, v3;
	v49 =	vmul.f32 v44, v26;
	v51 =	vmul.f32 v46, v30;
	v30 =	vld.idx.msk [tilespmem:v47+s10+$0xFA0 ss:$0x1], $0xffff;
	s14 =	sshra.s32 s14, $0x2  }
0x531: {  	v0 =	vadd.f32 v13, v0;
	v52 =	vmul.f32 v17, v34;
	v50 =	vmul.f32 v21, v10;
	v21 =	vld.idx.msk [tilespmem:v47+s10+$0xF70 ss:$0x1], $0xffff;
	s11 =	sadd.s32 s14, s11;
	s14 =	sshll.u32 s15, $0x9  }
0x532: {  	v8 =	vadd.f32 v59, v8;
	v7 =	vadd.f32 v60, v11;
	v55 =	vmul.f32 v19, v10;
	v53 =	vld [tilespmem:s11+$0x0];
	s11 =	sshra.s32 s14, $0x2  }
0x533: {  	v5 =	vadd.f32 v39, v6;
	v57 =	vmul.f32 v20, v10;
	v12 =	vmul.f32 v58, v10;
	v58 =	vld [tilespmem:s11+$0x7E68]  }
0x534: {  	v1 =	vadd.f32 v9, v1;
	v26 =	vmul.f32 v41, v10;
	v60 =	vmul.f32 v62, v10;
	v62 =	vld [tilespmem:s11+$0x7E78]  }
0x535: {  	v2 =	vadd.f32 v42, v2;
	v27 =	vmul.f32 v43, v10;
	v54 =	vmul.f32 v50, v16;
	v25 =	vld [tilespmem:s11+$0x7E88]  }
0x536: {  	v4 =	vadd.f32 v49, v4;
	v59 =	vmul.f32 v55, v36;
	v61 =	vmul.f32 v12, v22;
	v22 =	vld [tilespmem:s11+$0x7E98]  }
0x537: {  	v3 =	vadd.f32 v51, v3;
	v6 =	vmul.f32 v57, v18;
	v9 =	vmul.f32 v26, v38;
	v38 =	vld [tilespmem:s11+$0x7EA8]  }
0x538: {  	v0 =	vadd.f32 v52, v0;
	v31 =	vmul.f32 v27, v23;
	v28 =	vmul.f32 v45, v10;
	v41 =	vld [tilespmem:s11+$0x7EB8]  }
0x539: {  	v8 =	vadd.f32 v54, v8;
	v7 =	vadd.f32 v59, v7;
	v46 =	vld [tilespmem:s11+$0x7EC8];
	v29 =	vmul.f32 v53, v24  }
0x53a: {  	v5 =	vadd.f32 v6, v5;
	v1 =	vadd.f32 v61, v1;
	v50 =	vld [tilespmem:s11+$0x7ED8];
	v63 =	vmul.f32 v60, v15  }
0x53b: {  	v20 =	vld.idx.msk [tilespmem:v47+s10+$0xF90 ss:$0x1], $0xffff;
	v4 =	vadd.f32 v9, v4;
	v6 =	vmul.f32 v28, v21;
	v33 =	vmul.f32 v58, v29  }
0x53c: {  	v32 =	vld.idx.msk [tilespmem:v47+s10+$0xFB0 ss:$0x1], $0xffff;
	v3 =	vadd.f32 v31, v3;
	v34 =	vmul.f32 v62, v29;
	v35 =	vmul.f32 v25, v29  }
0x53d: {  	v43 =	vld.idx.msk [tilespmem:v47+s10+$0xFC0 ss:$0x1], $0xffff;
	v2 =	vadd.f32 v63, v2;
	v37 =	vmul.f32 v22, v29;
	v15 =	vmul.f32 v38, v29  }
0x53e: {  	v22 =	vlaneseq.u32;
	v12 =	vmul.f32 v41, v29;
	v55 =	vmul.f32 v46, v29  }
0x53f: {  	s15 =	sshll.u32 s9, $0x7;
	v58 =	vmul.f32 v50, v29;
	v44 =	vmul.u32 $0x8, v22;
	v36 =	vmul.f32 v33, v56  }
0x540: {  	s14 =	sadd.s32 s8, s15;
	v0 =	vadd.f32 v6, v0;
	v39 =	vmul.f32 v34, v20;
	v40 =	vmul.f32 v35, v30  }
0x541: {  	v42 =	vmul.f32 v37, v32;
	v48 =	vor.u32 s14, v44;
	v49 =	vor.u32 $0x1, v44  }
0x542: {  	v45 =	vld.idx.msk [tilespmem:v47+s10+$0xFD0 ss:$0x1], $0xffff;
	v13 =	vmul.f32 v15, v43;
	v51 =	vor.u32 $0x2, v44;
	v16 =	vor.u32 s14, v49  }
0x543: {  	v52 =	vld.idx.msk [tilespmem:v47+s10+$0xFE0 ss:$0x1], $0xffff;
	v20 =	vor.u32 $0x3, v44;
	v21 =	vor.u32 $0x4, v44;
	v18 =	vor.u32 s14, v51  }
0x544: {  	v53 =	vld.idx.msk [tilespmem:v47+s10+$0xFF0 ss:$0x1], $0xffff;
	v57 =	vor.u32 $0x6, v44;
	v8 =	vadd.f32 v36, v8;
	v20 =	vor.u32 s14, v20  }
0x545: {  	v6 =	vadd.f32 v39, v7;
	v54 =	vor.u32 s14, v21;
	v21 =	vor.u32 $0x5, v44  }
0x546: {  	v60 =	vor.u32 $0x7, v44;
	v5 =	vadd.f32 v40, v5;
	v56 =	vor.u32 s14, v21;
	[tilespmem:v48+s28+$0x0] =	vst.idx.msk $0xffff, v8  }
0x547: {  	v1 =	vadd.f32 v42, v1;
	v7 =	vmul.f32 v12, v45;
	v59 =	vor.u32 s14, v57;
	[tilespmem:v16+s28+$0x0] =	vst.idx.msk $0xffff, v6  }
0x548: {  	p1 =	sne.s32 s9, $0x3;
	v61 =	vmul.f32 v55, v52;
	v2 =	vadd.f32 v13, v2;
	v62 =	vor.u32 s14, v60;
	[tilespmem:v18+s28+$0x0] =	vst.idx.msk $0xffff, v5  }
.Ltmp1:
0x549: {  	v4 =	vadd.f32 v7, v4;
	v6 =	vmul.f32 v58, v53;
	[tilespmem:v20+s28+$0x0] =	vst.idx.msk $0xffff, v1;
	(pc) =	sbr.rel @p1 .LBB2_5-.Ltmp1, $4  }
0x54a: {  	v63 =	vadd.f32 v61, v3;
	[tilespmem:v54+s28+$0x0] =	vst.idx.msk $0xffff, v2  }
0x54b: {  	v0 =	vadd.f32 v6, v0;
	[tilespmem:v56+s28+$0x0] =	vst.idx.msk $0xffff, v4  }
0x54c: {  	[tilespmem:v59+s28+$0x0] =	vst.idx.msk $0xffff, v63  }
0x54d: {  	s9 =	sadd.s32 $0x1, s9;
	[tilespmem:v62+s28+$0x0] =	vst.idx.msk $0xffff, v0  }
0x54e: {  	v18 =	vld [tilespmem:$0x1FD30]  }
0x54f: {  	v19 =	vld [tilespmem:$0x1FD40]  }
0x550: {  	v20 =	vld [tilespmem:$0x1FD50]  }
0x551: {  	v21 =	vld [tilespmem:$0x1FD60]  }
0x552: {  	v23 =	vld [tilespmem:$0x1FD70]  }
0x553: {  	v24 =	vld [tilespmem:$0x1FD80]  }
0x554: {  	v25 =	vld [tilespmem:$0x1FD90]  }
0x555: {  	v26 =	vld [tilespmem:$0x1FDA0]  }
0x556: {  	v27 =	vld [tilespmem:$0x1FDB0]  }
0x557: {  	v28 =	vld [tilespmem:$0x1FDC0]  }
0x558: {  	v29 =	vld [tilespmem:$0x1FDD0]  }
0x559: {  	v30 =	vld [tilespmem:$0x1FDE0]  }
0x55a: {  	v31 =	vld [tilespmem:$0x1FDF0]  }
0x55b: {  	v32 =	vld [tilespmem:$0x1FE00]  }
0x55c: {  	v33 =	vld [tilespmem:$0x1FE10]  }
0x55d: {  	v34 =	vld [tilespmem:$0x1FE20]  }
0x55e: {  	v35 =	vld [tilespmem:$0x1FE30]  }
0x55f: {  	v36 =	vld [tilespmem:$0x1FE40]  }
0x560: {  	v37 =	vld [tilespmem:$0x1FE50]  }
0x561: {  	v38 =	vld [tilespmem:$0x1FE60]  }
0x562: {  	v39 =	vld [tilespmem:$0x1FE70]  }
0x563: {  	v40 =	vld [tilespmem:$0x1FE80]  }
0x564: {  	v41 =	vld [tilespmem:$0x1FE90]  }
0x565: {  	v42 =	vld [tilespmem:$0x1FEA0]  }
0x566: {  	v43 =	vld [tilespmem:$0x1FEB0]  }
0x567: {  	v44 =	vld [tilespmem:$0x1FEC0]  }
0x568: {  	v45 =	vld [tilespmem:$0x1FED0]  }
0x569: {  	v46 =	vld [tilespmem:$0x1FEE0]  }
0x56a: {  	v47 =	vld [tilespmem:$0x1FEF0]  }
0x56b: {  	v48 =	vld [tilespmem:$0x1FF00]  }
0x56c: {  	v49 =	vld [tilespmem:$0x1FF10]  }
0x56d: {  	v50 =	vld [tilespmem:$0x1FF20]  }
0x56e: {  	v51 =	vld [tilespmem:$0x1FF30]  }
0x56f: {  	v52 =	vld [tilespmem:$0x1FF40]  }
0x570: {  	v53 =	vld [tilespmem:$0x1FF50]  }
0x571: {  	v54 =	vld [tilespmem:$0x1FF60]  }
0x572: {  	v55 =	vld [tilespmem:$0x1FF70]  }
0x573: {  	v56 =	vld [tilespmem:$0x1FF80]  }
0x574: {  	v57 =	vld [tilespmem:$0x1FF90]  }
0x575: {  	p1 =	sne.s32 s26, $0x4F;
	v58 =	vld [tilespmem:$0x1FFA0]  }
.Ltmp2:
0x576: {  	v59 =	vld [tilespmem:$0x1FFB0];
	(pc) =	sbr.rel @p1 .LBB2_2-.Ltmp2, $4  }
0x577: {  	s7 =	sshll.u32 s7, $0x4;
	v60 =	vld [tilespmem:$0x1FFC0]  }
0x578: {  	s8 =	sadd.s32 $0x13668, s8;
	v61 =	vld [tilespmem:$0x1FFD0];
	s7 =	sadd.s32 s12, s7  }
0x579: {  	v62 =	vld [tilespmem:$0x1FFE0];
	[hbm4b:s7+s5] =	stream.linear.scatter [tilespmem:s8], [sflag:$0x3], $0x200, $0x38  }
0x57a: {  	s4 =	sadd.s32 $0x10, s4;
	s3 =	sadd.s32 $0x80, s3;
	v17 =	vimm.s32 $0x0;
	v63 =	vld [tilespmem:$0x1FFF0];
	s8 =	smov.u32 s26  }
0x57b: {  	s1 =	sadd.s32 $0x1, s1  }
0x57c: {  	_ =	swait.ge [sflag:s29], $0x200;
	p1 =	sne.s32 s1, s16  }
.Ltmp3:
0x57d: {  	[sflag:s29] =	ssyncset.done $0x0;
	(pc) =	sbr.rel @p1 .LBB2_1-.Ltmp3, $4  }
0x57e: {  	[sflag:s29] =	ssyncadd.s32 $0xFFFFFE00  }
0x57f: {  	_ =	swait.ge [sflag:s29], $0x200  }
0x580: {  	[sflag:s29] =	ssyncset.done $0x0  }
0x581: {  	[sflag:s29] =	ssyncadd.s32 $0xFFFFFE00  }
0x582: {  	_ =	sfence.sel $0x180000  }
0x583: {  	[bflag:$0x0] =	sbarrier.arrive $0xFFFF  }
0x584: {  	_ =	strace $0x90000047  }
0x585: {  	[bflag:$0x2] =	sbarrier.arrive $0xFFFF  }
0x586: {  	s0 =	rddreg [dreg:$0x5]  }
0x587: {  	s0 =	sadd.s32 @!p0 $0x100000, s0  }
0x588: {  	[sflag:s0] =	ssyncadd.tile.s32 @!p0 $0x1;
	_ =	shalt  }
.Lfunc_end2:
_tile_overlayer_lowered:
.L_overlay_start_2:
0x589: {  	(tag) =	ssettag $0x2  }
0x58a: {  	s0 =	rddreg [dreg:$0x0];
	s2 =	stileid.u32  }
0x58b: {  	s1 =	rddreg [dreg:$0x1];
	p0 =	sne.s32 s2, $0x0  }
0x58c: {  	s3 =	rddreg [dreg:$0x2];
	[bflag:$0x3] =	sbarrier.arrive $0xFFFF;
	s2 =	simm.s32 @!p0 $0x1C04  }
0x58d: {  	[timem:s3], [sflag:s2] =	dma.local @!p0 [hbm:s0], s1  }
0x58e: {  	s0 =	simm.s32 @!p0 $0x4  }
0x58f: {  	_ =	swait.ge @!p0 [sflag:s0], s1  }
0x590: {  	s1 =	ssub.s32 @!p0 $0x0, s1;
	[sflag:s0] =	ssyncset.done @!p0 $0x0  }
0x591: {  	[sflag:s0] =	ssyncadd.s32 @!p0 s1  }
0x592: {  	[bflag:$0x3] =	sbarrier.arrive $0xFFFF  }
0x593: {  	_ =	shalt  }

</sc_bundles>
